<compile_context>
chip_gen: v7x
topology: tpu7x:2x2x1
jax: 0.10.2.dev20260603
libtpu: 0.0.44.dev20260713+nightly
codegen_flags: <defaults>
</compile_context>

<pallas_src>
import functools

import jax
import jax.numpy as jnp
from jax import lax
from jax.experimental import pallas as pl
from jax.experimental.pallas import tpu as pltpu
from jax.experimental.pallas import tpu_sc as plsc


N = 10000
E = 320000
D = 128
H = 64
P = 32
G = 128

NP = 10240
BLK = 1024
NSTEPS = NP // BLK

NC = 2
NS = 16
NTILES = NC * NS
EPT = E // NTILES
K = 64
NB = 4
WAVE = NB // 2
C = 160
EPT_PAD = C * K
RPT = NP // NS



def _fill_rows(ref, nrows, ncols, value):
  vec = jnp.full((16,), value, jnp.float32)
  per_row = ncols // 16

  def body(j, carry):
    r = j // per_row
    col = (j % per_row) * 16
    ref[r, pl.ds(col, 16)] = vec
    return carry

  lax.fori_loop(0, nrows * per_row, body, 0)


def _sc_scatter_body(width, table_hbm, srci_hbm, dsti_hbm, out_hbm,
                     srci_v, dsti_v, rows, table_sh, acc_sh, sems_g, sems_s):
  c = lax.axis_index("c")
  s = lax.axis_index("s")
  t = c * NS + s

  pltpu.async_copy(srci_hbm.at[t], srci_v, sems_g.at[0])
  pltpu.async_copy(dsti_hbm.at[t], dsti_v, sems_g.at[1])
  pltpu.async_copy(table_hbm.at[pl.ds(s * RPT, RPT)],
                   table_sh.at[pl.ds(s * RPT, RPT)], sems_g.at[2])
  _fill_rows(rows.at[0], K, width, 0.0)
  for j in range(RPT // K):
    pltpu.sync_copy(rows.at[0], acc_sh.at[pl.ds(s * RPT + j * K, K)])
  pltpu.make_async_copy(srci_hbm.at[t], srci_v, sems_g.at[0]).wait()
  pltpu.make_async_copy(dsti_hbm.at[t], dsti_v, sems_g.at[1]).wait()
  pltpu.make_async_copy(table_hbm.at[pl.ds(s * RPT, RPT)],
                        table_sh.at[pl.ds(s * RPT, RPT)], sems_g.at[2]).wait()
  plsc.subcore_barrier()

  def gather(buf, j):
    pltpu.async_copy(table_sh.at[srci_v.at[j]], rows.at[buf], sems_g.at[buf])

  def wait_gather(buf, j):
    pltpu.make_async_copy(table_sh.at[srci_v.at[j]], rows.at[buf],
                          sems_g.at[buf]).wait()

  def scatter(buf, j):
    pltpu.async_copy(rows.at[buf], acc_sh.at[dsti_v.at[j]], sems_s.at[buf],
                     add=True)

  def wait_scatter(buf, j):
    pltpu.make_async_copy(rows.at[buf], acc_sh.at[dsti_v.at[j]],
                          sems_s.at[buf]).wait()

  for b in range(NB):
    gather(b, b)

  def round_(g, carry):
    for half in range(2):
      for b in range(WAVE):
        buf = half * WAVE + b
        j = (2 * g + half) * WAVE + b
        wait_gather(buf, j)
        scatter(buf, j)

      @pl.when(g + 1 < C // NB)
      def _():
        for b in range(WAVE):
          buf = half * WAVE + b
          j = (2 * g + half) * WAVE + b
          wait_scatter(buf, j)
          gather(buf, j + NB)
    return carry

  lax.fori_loop(0, C // NB, round_, 0)
  for buf in range(NB):
    wait_scatter(buf, C - NB + buf)
  plsc.subcore_barrier()

  pltpu.sync_copy(acc_sh.at[pl.ds(s * RPT, RPT)], out_hbm.at[c, pl.ds(s * RPT, RPT)])


def _make_sc_scatter(width):
  mesh = plsc.VectorSubcoreMesh(core_axis_name="c", subcore_axis_name="s")
  return pl.kernel(
      functools.partial(_sc_scatter_body, width),
      out_type=jax.ShapeDtypeStruct((NC, NP, width), jnp.float32),
      mesh=mesh,
      scratch_types=[
          pltpu.VMEM((C, K), jnp.int32),
          pltpu.VMEM((C, K), jnp.int32),
          pltpu.VMEM((NB, K, width), jnp.float32),
          pltpu.VMEM_SHARED((NP, width), jnp.float32),
          pltpu.VMEM_SHARED((NP, width), jnp.float32),
          pltpu.SemaphoreType.DMA((NB,)),
          pltpu.SemaphoreType.DMA((NB,)),
      ],
      compiler_params=pltpu.CompilerParams(use_tc_tiling_on_sc=False),
      name=f"sc_edge_scatter_{width}",
  )


DK = 128
DC = EPT_PAD // DK


def _sc_deg_body(dsti_hbm, out_hbm, dsti_v, ones_v, zbuf_v, acc_sh, sem):
  c = lax.axis_index("c")
  s = lax.axis_index("s")
  t = c * NS + s

  pltpu.async_copy(dsti_hbm.at[t], dsti_v, sem)
  _fill_rows(zbuf_v, DK, 16, 0.0)
  _fill_rows(ones_v, DK, 16, 1.0)
  for j in range(RPT // DK):
    pltpu.sync_copy(zbuf_v, acc_sh.at[pl.ds(s * RPT + j * DK, DK)])
  pltpu.make_async_copy(dsti_hbm.at[t], dsti_v, sem).wait()
  plsc.subcore_barrier()

  def chunk(j, carry):
    pltpu.sync_copy(ones_v, acc_sh.at[dsti_v.at[j]], add=True)
    return carry

  lax.fori_loop(0, DC, chunk, 0)
  plsc.subcore_barrier()
  pltpu.sync_copy(acc_sh.at[pl.ds(s * RPT, RPT)], out_hbm.at[c, pl.ds(s * RPT, RPT)])


def _make_sc_deg():
  mesh = plsc.VectorSubcoreMesh(core_axis_name="c", subcore_axis_name="s")
  return pl.kernel(
      _sc_deg_body,
      out_type=jax.ShapeDtypeStruct((NC, NP, 16), jnp.float32),
      mesh=mesh,
      scratch_types=[
          pltpu.VMEM((DC, DK), jnp.int32),
          pltpu.VMEM((DK, 16), jnp.float32),
          pltpu.VMEM((DK, 16), jnp.float32),
          pltpu.VMEM_SHARED((NP, 16), jnp.float32),
          pltpu.SemaphoreType.DMA,
      ],
      compiler_params=pltpu.CompilerParams(use_tc_tiling_on_sc=False),
      name="sc_degree",
  )



_PREC = lax.Precision.HIGHEST


def _bn(h, g, b, m, v):
  return g * (h - m) / jnp.sqrt(v + 1e-3) + b


def _mm(a, w):
  return jnp.dot(a.astype(jnp.bfloat16), w.astype(jnp.bfloat16),
                 preferred_element_type=jnp.float32)


def _tc1_body(x_ref, deg_ref, w_ref, g_ref, b_ref, m_ref, v_ref, y_ref, rs_ref):
  deg = deg_ref[0] + deg_ref[1] + 1.0
  rs = lax.rsqrt(deg)
  rs_ref[...] = rs
  h0 = _bn(x_ref[...], g_ref[...], b_ref[...], m_ref[...], v_ref[...])
  y_ref[...] = rs[:, 0:1] * _mm(h0, w_ref[...])


def _tc1(xp, degp, w1, g1, b1, m1, v1):
  return pl.pallas_call(
      _tc1_body,
      grid=(NSTEPS,),
      in_specs=[
          pl.BlockSpec((BLK, D), lambda b: (b, 0)),
          pl.BlockSpec((NC, BLK, 16), lambda b: (0, b, 0)),
          pl.BlockSpec((D, H), lambda b: (0, 0)),
          pl.BlockSpec((1, D), lambda b: (0, 0)),
          pl.BlockSpec((1, D), lambda b: (0, 0)),
          pl.BlockSpec((1, D), lambda b: (0, 0)),
          pl.BlockSpec((1, D), lambda b: (0, 0)),
      ],
      out_specs=[
          pl.BlockSpec((BLK, H), lambda b: (b, 0)),
          pl.BlockSpec((BLK, 16), lambda b: (b, 0)),
      ],
      out_shape=[
          jax.ShapeDtypeStruct((NP, H), jnp.float32),
          jax.ShapeDtypeStruct((NP, 16), jnp.float32),
      ],
  )(xp, degp, w1, g1, b1, m1, v1)


def _tc2_body(y1_ref, s_ref, rs_ref, w_ref, bc_ref, g_ref, b_ref, m_ref, v_ref,
              y2_ref):
  r = rs_ref[...][:, 0:1]
  a = r * (y1_ref[...] + s_ref[0] + s_ref[1]) + bc_ref[...]
  h = jnp.maximum(a, 0.0)
  hb = _bn(h, g_ref[...], b_ref[...], m_ref[...], v_ref[...])
  y2_ref[...] = r * _mm(hb, w_ref[...])


def _tc2(y1, sp, rs16, w2, bconv1, g2, b2, m2, v2):
  return pl.pallas_call(
      _tc2_body,
      grid=(NSTEPS,),
      in_specs=[
          pl.BlockSpec((BLK, H), lambda b: (b, 0)),
          pl.BlockSpec((NC, BLK, H), lambda b: (0, b, 0)),
          pl.BlockSpec((BLK, 16), lambda b: (b, 0)),
          pl.BlockSpec((H, H), lambda b: (0, 0)),
          pl.BlockSpec((1, H), lambda b: (0, 0)),
          pl.BlockSpec((1, H), lambda b: (0, 0)),
          pl.BlockSpec((1, H), lambda b: (0, 0)),
          pl.BlockSpec((1, H), lambda b: (0, 0)),
          pl.BlockSpec((1, H), lambda b: (0, 0)),
      ],
      out_specs=pl.BlockSpec((BLK, H), lambda b: (b, 0)),
      out_shape=jax.ShapeDtypeStruct((NP, H), jnp.float32),
  )(y1, sp, rs16, w2, bconv1, g2, b2, m2, v2)


def _tc3_body(y2_ref, s_ref, rs_ref, wfa_ref, cfa_ref, bc_ref, g_ref, b_ref,
              m_ref, v_ref, ip_ref,
              wd1_ref, bd1_ref, wd2_ref, bd2_ref, out_ref, pool_acc):
  step = pl.program_id(0)
  r = rs_ref[...][:, 0:1]
  a = r * (y2_ref[...] + s_ref[0] + s_ref[1]) + bc_ref[...]
  h = jnp.maximum(a, 0.0)
  hb = _bn(h, g_ref[...], b_ref[...], m_ref[...], v_ref[...])
  z = _mm(hb, wfa_ref[...]) + cfa_ref[...]
  p = z[:, :P] * jax.nn.sigmoid(z[:, P:])
  ids = ip_ref[...]
  onehot = (ids == lax.broadcasted_iota(jnp.int32, (G, BLK), 0)).astype(jnp.float32)
  part = jnp.dot(onehot, p, preferred_element_type=jnp.float32, precision=_PREC)

  @pl.when(step == 0)
  def _():
    pool_acc[...] = part

  @pl.when(step > 0)
  def _():
    pool_acc[...] += part

  @pl.when(step == pl.num_programs(0) - 1)
  def _():
    d1 = jnp.maximum(_mm(pool_acc[...], wd1_ref[...]) + bd1_ref[...], 0.0)
    out_ref[...] = _mm(d1, wd2_ref[...]) + bd2_ref[...]


def _tc3(y2, sp, rs16, wfa, cfa, bconv2, g3, b3, m3, v3, ip, wd1, bd1, wd2, bd2):
  return pl.pallas_call(
      _tc3_body,
      grid=(NSTEPS,),
      in_specs=[
          pl.BlockSpec((BLK, H), lambda b: (b, 0)),
          pl.BlockSpec((NC, BLK, H), lambda b: (0, b, 0)),
          pl.BlockSpec((BLK, 16), lambda b: (b, 0)),
          pl.BlockSpec((H, 2 * P), lambda b: (0, 0)),
          pl.BlockSpec((1, 2 * P), lambda b: (0, 0)),
          pl.BlockSpec((1, H), lambda b: (0, 0)),
          pl.BlockSpec((1, H), lambda b: (0, 0)),
          pl.BlockSpec((1, H), lambda b: (0, 0)),
          pl.BlockSpec((1, H), lambda b: (0, 0)),
          pl.BlockSpec((1, H), lambda b: (0, 0)),
          pl.BlockSpec((1, BLK), lambda b: (0, b)),
          pl.BlockSpec((P, H), lambda b: (0, 0)),
          pl.BlockSpec((1, H), lambda b: (0, 0)),
          pl.BlockSpec((H, 1), lambda b: (0, 0)),
          pl.BlockSpec((1, 1), lambda b: (0, 0)),
      ],
      out_specs=pl.BlockSpec((G, 1), lambda b: (0, 0)),
      out_shape=jax.ShapeDtypeStruct((G, 1), jnp.float32),
      scratch_shapes=[pltpu.VMEM((G, P), jnp.float32)],
  )(y2, sp, rs16, wfa, cfa, bconv2, g3, b3, m3, v3, ip, wd1, bd1, wd2, bd2)



def kernel(x, edge_index, i, gamma1, beta1, mean1, var1, W1, b1,
           gamma2, beta2, mean2, var2, W2, b2,
           gamma3, beta3, mean3, var3,
           Wf, bf, Wa, ba, Wd1, bd1, Wd2, bd2):
  f32 = jnp.float32
  wfa = jnp.concatenate([Wf, Wa], axis=1)
  cfa = jnp.concatenate([bf, ba])[None, :]

  src = edge_index[0].astype(jnp.int32).reshape(NTILES, EPT)
  dst = edge_index[1].astype(jnp.int32).reshape(NTILES, EPT)
  srci = jnp.pad(src, ((0, 0), (0, EPT_PAD - EPT))).reshape(NTILES, C, K)
  dsti = jnp.pad(dst, ((0, 0), (0, EPT_PAD - EPT)),
                 constant_values=N).reshape(NTILES, C, K)

  xp = jnp.pad(x.astype(f32), ((0, NP - N), (0, 0)))
  ip = jnp.pad(i.astype(jnp.int32), (0, NP - N), constant_values=G).reshape(1, NP)

  degp = _make_sc_deg()(dsti.reshape(NTILES, DC, DK))
  y1, rs16 = _tc1(xp, degp, W1, gamma1[None, :], beta1[None, :],
                  mean1[None, :], var1[None, :])
  s1p = _make_sc_scatter(H)(y1, srci, dsti)
  y2 = _tc2(y1, s1p, rs16, W2, b1[None, :], gamma2[None, :], beta2[None, :],
            mean2[None, :], var2[None, :])
  s2p = _make_sc_scatter(H)(y2, srci, dsti)
  return _tc3(y2, s2p, rs16, wfa, cfa, b2[None, :], gamma3[None, :],
              beta3[None, :], mean3[None, :], var3[None, :], ip,
              Wd1, bd1[None, :], Wd2, bd2[None, :])

# --- scband reference (transcript-rebuilt; emitter-appended) ---
"""Pipeline reference for scband-net-19911468384811 (READ-ONLY COPY).

The authoritative reference and input builder live on the scoring server;
editing this copy changes nothing except your own understanding.
"""

import jax, jax.numpy as jnp
import numpy as np
from jax.ops import segment_sum

N = 10000; E = 320000; D = 128; H = 64; P = 32; G = 128


def setup_inputs(seed: int = 0) -> dict:
    key = jax.random.key(seed)
    ks = jax.random.split(key, 16)
    rng = np.random.default_rng(0)
    inp = {}
    inp["x"] = jax.random.normal(ks[0], (N, D), dtype=jnp.float32)
    inp["edge_index"] = jnp.asarray(rng.integers(0, N, size=(2, E)))
    inp["i"] = jnp.sort(jnp.asarray(rng.integers(0, G, size=(N,))))
    # BatchNorm 1 (over d_feat=128)
    inp["gamma1"] = 1.0 + 0.1 * jax.random.normal(ks[1], (D,), dtype=jnp.float32)
    inp["beta1"] = 0.1 * jax.random.normal(ks[2], (D,), dtype=jnp.float32)
    inp["mean1"] = jnp.zeros((D,), jnp.float32)
    inp["var1"] = jnp.ones((D,), jnp.float32)
    # GCNConv 1: 128 -> 64
    inp["W1"] = 0.05 * jax.random.normal(ks[3], (D, H), dtype=jnp.float32)
    inp["b1"] = jnp.zeros((H,), jnp.float32)
    # BatchNorm 2
    inp["gamma2"] = 1.0 + 0.1 * jax.random.normal(ks[4], (H,), dtype=jnp.float32)
    inp["beta2"] = 0.1 * jax.random.normal(ks[5], (H,), dtype=jnp.float32)
    inp["mean2"] = jnp.zeros((H,), jnp.float32)
    inp["var2"] = jnp.ones((H,), jnp.float32)
    # GCNConv 2: 64 -> 64
    inp["W2"] = 0.05 * jax.random.normal(ks[6], (H, H), dtype=jnp.float32)
    inp["b2"] = jnp.zeros((H,), jnp.float32)
    # BatchNorm 3
    inp["gamma3"] = 1.0 + 0.1 * jax.random.normal(ks[7], (H,), dtype=jnp.float32)
    inp["beta3"] = 0.1 * jax.random.normal(ks[8], (H,), dtype=jnp.float32)
    inp["mean3"] = jnp.zeros((H,), jnp.float32)
    inp["var3"] = jnp.ones((H,), jnp.float32)
    # GlobalAttentionPool(32): features dense + sigmoid attention dense
    inp["Wf"] = 0.05 * jax.random.normal(ks[9], (H, P), dtype=jnp.float32)
    inp["bf"] = jnp.zeros((P,), jnp.float32)
    inp["Wa"] = 0.05 * jax.random.normal(ks[10], (H, P), dtype=jnp.float32)
    inp["ba"] = jnp.zeros((P,), jnp.float32)
    # Head
    inp["Wd1"] = 0.05 * jax.random.normal(ks[11], (P, H), dtype=jnp.float32)
    inp["bd1"] = jnp.zeros((H,), jnp.float32)
    inp["Wd2"] = 0.05 * jax.random.normal(ks[12], (H, 1), dtype=jnp.float32)
    inp["bd2"] = jnp.zeros((1,), jnp.float32)
    return inp


def reference(x, edge_index, i, gamma1, beta1, mean1, var1, W1, b1,
              gamma2, beta2, mean2, var2, W2, b2,
              gamma3, beta3, mean3, var3,
              Wf, bf, Wa, ba, Wd1, bd1, Wd2, bd2):
    def bn(h, g, b, m, v):
        # Keras BatchNormalization, inference mode, epsilon=1e-3
        return g * (h - m) / jnp.sqrt(v + 1e-3) + b

    loop = jnp.arange(N)
    src = jnp.concatenate([edge_index[0], loop])
    dst = jnp.concatenate([edge_index[1], loop])
    # GCN symmetric normalization on A_hat = A + I (GCNFilter preprocessing)
    deg = segment_sum(jnp.ones(src.shape[0], jnp.float32), dst, num_segments=N)
    norm = jax.lax.rsqrt(deg[src] * deg[dst])

    def gcn(h, W, b):
        hw = h @ W
        msg = hw[src] * norm[:, None]          # gather (SparseCore)
        agg = segment_sum(msg, dst, num_segments=N)  # scatter-add
        return jax.nn.relu(agg + b)

    h = bn(x, gamma1, beta1, mean1, var1)
    h = gcn(h, W1, b1)
    h = bn(h, gamma2, beta2, mean2, var2)
    h = gcn(h, W2, b2)
    h = bn(h, gamma3, beta3, mean3, var3)
    # GlobalAttentionPool(32)
    feat = h @ Wf + bf
    attn = jax.nn.sigmoid(h @ Wa + ba)
    pooled = segment_sum(feat * attn, i, num_segments=G)
    d1 = jax.nn.relu(pooled @ Wd1 + bd1)
    return d1 @ Wd2 + bd2

if __name__ == "__main__":
    import jax
    _d = setup_inputs()
    print(jax.jit(kernel)(*tuple(_d.values())))

</pallas_src>

<mosaic_0001>
#map = affine_map<(d0, d1) -> (0, 0, 0)>
module attributes {stable_mosaic.version = 14 : i64} {
  func.func @sc_degree(%arg0: i32, %arg1: i32, %arg2: memref<32x80x128xi32, #tpu.memory_space<hbm>>, %arg3: memref<2x10240x16xf32, #tpu.memory_space<hbm>>, %arg4: memref<80x128xi32, #tpu.memory_space<vmem>>, %arg5: memref<128x16xf32, #tpu.memory_space<vmem>>, %arg6: memref<128x16xf32, #tpu.memory_space<vmem>>, %arg7: memref<10240x16xf32, #tpu.memory_space<vmem_shared>>, %arg8: memref<!tpu.dma_semaphore, #tpu.memory_space<semaphore_mem>>) attributes {dimension_semantics = [#tpu.dimension_semantics<core_parallel>, #tpu.dimension_semantics<subcore_parallel>], iteration_bounds = array<i64: 2, 16>, scalar_prefetch = 0 : i64, scratch_operands = 5 : i64, tpu.core_type = #tpu.core_type<sc_vector_subcore>, window_params = [{transform_indices = #map}, {transform_indices = #map}]} {
    %mul3A = arith.constant 16 : i32
    %mul3A_0 = arith.muli %arg0, %mul3A : i32
    %add3A = arith.addi %mul3A_0, %arg1 : i32
    %dma_start3A = arith.constant 0 : i32
    %dma_start3A_1 = arith.constant 0 : i32
    %dma_start3A_2 = tpu.memref_slice %arg2[%add3A, %dma_start3A, %dma_start3A_1] : memref<32x80x128xi32, #tpu.memory_space<hbm>> -> memref<1x80x128xi32, #tpu.memory_space<hbm>>
    %dma_start3A_3 = tpu.memref_squeeze %dma_start3A_2 : memref<1x80x128xi32, #tpu.memory_space<hbm>> -> memref<80x128xi32, #tpu.memory_space<hbm>>
    %dma_start3A_4 = arith.constant 0 : i32
    %dma_start3A_5 = arith.constant 0 : i32
    %dma_start3A_6 = tpu.memref_slice %arg2[%add3A, %dma_start3A_4, %dma_start3A_5] : memref<32x80x128xi32, #tpu.memory_space<hbm>> -> memref<1x80x128xi32, #tpu.memory_space<hbm>>
    %dma_start3A_7 = tpu.memref_squeeze %dma_start3A_6 : memref<1x80x128xi32, #tpu.memory_space<hbm>> -> memref<80x128xi32, #tpu.memory_space<hbm>>
    tpu.enqueue_dma source(%dma_start3A_7 : memref<80x128xi32, #tpu.memory_space<hbm>>) target(%arg4 : memref<80x128xi32, #tpu.memory_space<vmem>>) target_semaphore(%arg8 : memref<!tpu.dma_semaphore, #tpu.memory_space<semaphore_mem>>)
    %broadcast_in_dim3A = arith.constant 0.000000e+00 : f32
    %broadcast_in_dim3A_8 = vector.broadcast %broadcast_in_dim3A : f32 to vector<16xf32>
    %scan3A = arith.constant 0 : i32
    %scan3A_9 = arith.constant 0 : i32
    %scan3A_10 = arith.constant 128 : i32
    %scan3A_11 = arith.addi %scan3A_9, %scan3A_10 : i32
    %scan3A_12 = arith.constant 1 : i32
    scf.for %scan3A_60 = %scan3A_9 to %scan3A_11 step %scan3A_12  : i32 {
      %jit3A = arith.constant 1 : i32
      %div3A = arith.divsi %scan3A_60, %jit3A : i32
      %sign3A = arith.constant 0 : i32
      %sign3A_61 = arith.cmpi sgt, %scan3A_60, %sign3A : i32
      %sign3A_62 = arith.extui %sign3A_61 : i1 to i32
      %sign3A_63 = arith.constant 0 : i32
      %sign3A_64 = arith.cmpi slt, %scan3A_60, %sign3A_63 : i32
      %sign3A_65 = arith.extui %sign3A_64 : i1 to i32
      %sign3A_66 = arith.subi %sign3A_62, %sign3A_65 : i32
      %sign3A_67 = arith.constant 0 : i32
      %sign3A_68 = arith.cmpi sgt, %jit3A, %sign3A_67 : i32
      %sign3A_69 = arith.extui %sign3A_68 : i1 to i32
      %sign3A_70 = arith.constant 0 : i32
      %sign3A_71 = arith.cmpi slt, %jit3A, %sign3A_70 : i32
      %sign3A_72 = arith.extui %sign3A_71 : i1 to i32
      %sign3A_73 = arith.subi %sign3A_69, %sign3A_72 : i32
      %ne3A = arith.cmpi ne, %sign3A_66, %sign3A_73 : i32
      %rem3A = arith.remsi %scan3A_60, %jit3A : i32
      %ne3A_74 = arith.constant 0 : i32
      %ne3A_75 = arith.cmpi ne, %rem3A, %ne3A_74 : i32
      %and3A = arith.andi %ne3A, %ne3A_75 : i1
      %sub3A = arith.constant 1 : i32
      %sub3A_76 = arith.subi %div3A, %sub3A : i32
      %select_n3A = arith.select %and3A, %sub3A_76, %div3A : i32
      %jit3A_77 = arith.constant 1 : i32
      %eq3A = arith.constant 0 : i32
      %eq3A_78 = arith.cmpi eq, %jit3A_77, %eq3A : i32
      %jit3A_79 = arith.constant 1 : i32
      %select_n3A_80 = arith.select %eq3A_78, %jit3A_79, %jit3A_77 : i32
      %rem3A_81 = arith.remsi %scan3A_60, %select_n3A_80 : i32
      %ne3A_82 = arith.constant 0 : i32
      %ne3A_83 = arith.cmpi ne, %rem3A_81, %ne3A_82 : i32
      %lt3A = arith.constant 0 : i32
      %lt3A_84 = arith.cmpi slt, %rem3A_81, %lt3A : i32
      %lt3A_85 = arith.constant 0 : i32
      %lt3A_86 = arith.cmpi slt, %select_n3A_80, %lt3A_85 : i32
      %ne3A_87 = arith.xori %lt3A_84, %lt3A_86 : i1
      %and3A_88 = arith.andi %ne3A_87, %ne3A_83 : i1
      %add3A_89 = arith.addi %rem3A_81, %select_n3A_80 : i32
      %select_n3A_90 = arith.select %and3A_88, %add3A_89, %rem3A_81 : i32
      %mul3A_91 = arith.constant 16 : i32
      %mul3A_92 = arith.muli %select_n3A_90, %mul3A_91 : i32
      %swap3A = arith.index_cast %select_n3A : i32 to index
      %swap3A_93 = arith.index_cast %mul3A_92 : i32 to index
      %swap3A_94 = tpu.vector_load %arg6[%swap3A, %swap3A_93] {strides = array<i32>} : memref<128x16xf32, #tpu.memory_space<vmem>>, vector<1x16xf32>,
      %swap3A_95 = vector.shape_cast %swap3A_94 : vector<1x16xf32> to vector<16xf32>
      %swap3A_96 = vector.shape_cast %broadcast_in_dim3A_8 : vector<16xf32> to vector<1x16xf32>
      tpu.vector_store %arg6[%swap3A, %swap3A_93], %swap3A_96 {strides = array<i32>} : memref<128x16xf32, #tpu.memory_space<vmem>>, vector<1x16xf32>,
    }
    %scan3A_13 = arith.constant 128 : i32
    %broadcast_in_dim3A_14 = arith.constant 1.000000e+00 : f32
    %broadcast_in_dim3A_15 = vector.broadcast %broadcast_in_dim3A_14 : f32 to vector<16xf32>
    %scan3A_16 = arith.constant 0 : i32
    %scan3A_17 = arith.constant 0 : i32
    %scan3A_18 = arith.constant 128 : i32
    %scan3A_19 = arith.addi %scan3A_17, %scan3A_18 : i32
    %scan3A_20 = arith.constant 1 : i32
    scf.for %scan3A_60 = %scan3A_17 to %scan3A_19 step %scan3A_20  : i32 {
      %jit3A = arith.constant 1 : i32
      %div3A = arith.divsi %scan3A_60, %jit3A : i32
      %sign3A = arith.constant 0 : i32
      %sign3A_61 = arith.cmpi sgt, %scan3A_60, %sign3A : i32
      %sign3A_62 = arith.extui %sign3A_61 : i1 to i32
      %sign3A_63 = arith.constant 0 : i32
      %sign3A_64 = arith.cmpi slt, %scan3A_60, %sign3A_63 : i32
      %sign3A_65 = arith.extui %sign3A_64 : i1 to i32
      %sign3A_66 = arith.subi %sign3A_62, %sign3A_65 : i32
      %sign3A_67 = arith.constant 0 : i32
      %sign3A_68 = arith.cmpi sgt, %jit3A, %sign3A_67 : i32
      %sign3A_69 = arith.extui %sign3A_68 : i1 to i32
      %sign3A_70 = arith.constant 0 : i32
      %sign3A_71 = arith.cmpi slt, %jit3A, %sign3A_70 : i32
      %sign3A_72 = arith.extui %sign3A_71 : i1 to i32
      %sign3A_73 = arith.subi %sign3A_69, %sign3A_72 : i32
      %ne3A = arith.cmpi ne, %sign3A_66, %sign3A_73 : i32
      %rem3A = arith.remsi %scan3A_60, %jit3A : i32
      %ne3A_74 = arith.constant 0 : i32
      %ne3A_75 = arith.cmpi ne, %rem3A, %ne3A_74 : i32
      %and3A = arith.andi %ne3A, %ne3A_75 : i1
      %sub3A = arith.constant 1 : i32
      %sub3A_76 = arith.subi %div3A, %sub3A : i32
      %select_n3A = arith.select %and3A, %sub3A_76, %div3A : i32
      %jit3A_77 = arith.constant 1 : i32
      %eq3A = arith.constant 0 : i32
      %eq3A_78 = arith.cmpi eq, %jit3A_77, %eq3A : i32
      %jit3A_79 = arith.constant 1 : i32
      %select_n3A_80 = arith.select %eq3A_78, %jit3A_79, %jit3A_77 : i32
      %rem3A_81 = arith.remsi %scan3A_60, %select_n3A_80 : i32
      %ne3A_82 = arith.constant 0 : i32
      %ne3A_83 = arith.cmpi ne, %rem3A_81, %ne3A_82 : i32
      %lt3A = arith.constant 0 : i32
      %lt3A_84 = arith.cmpi slt, %rem3A_81, %lt3A : i32
      %lt3A_85 = arith.constant 0 : i32
      %lt3A_86 = arith.cmpi slt, %select_n3A_80, %lt3A_85 : i32
      %ne3A_87 = arith.xori %lt3A_84, %lt3A_86 : i1
      %and3A_88 = arith.andi %ne3A_87, %ne3A_83 : i1
      %add3A_89 = arith.addi %rem3A_81, %select_n3A_80 : i32
      %select_n3A_90 = arith.select %and3A_88, %add3A_89, %rem3A_81 : i32
      %mul3A_91 = arith.constant 16 : i32
      %mul3A_92 = arith.muli %select_n3A_90, %mul3A_91 : i32
      %swap3A = arith.index_cast %select_n3A : i32 to index
      %swap3A_93 = arith.index_cast %mul3A_92 : i32 to index
      %swap3A_94 = tpu.vector_load %arg5[%swap3A, %swap3A_93] {strides = array<i32>} : memref<128x16xf32, #tpu.memory_space<vmem>>, vector<1x16xf32>,
      %swap3A_95 = vector.shape_cast %swap3A_94 : vector<1x16xf32> to vector<16xf32>
      %swap3A_96 = vector.shape_cast %broadcast_in_dim3A_15 : vector<16xf32> to vector<1x16xf32>
      tpu.vector_store %arg5[%swap3A, %swap3A_93], %swap3A_96 {strides = array<i32>} : memref<128x16xf32, #tpu.memory_space<vmem>>, vector<1x16xf32>,
    }
    %scan3A_21 = arith.constant 128 : i32
    %mul3A_22 = arith.constant 640 : i32
    %mul3A_23 = arith.muli %arg1, %mul3A_22 : i32
    %add3A_24 = arith.constant 0 : i32
    %add3A_25 = arith.addi %mul3A_23, %add3A_24 : i32
    "tpu.region"() ({
      %run_scoped3A = tpu.sem_alloc : memref<!tpu.dma_semaphore, #tpu.memory_space<semaphore_mem>>
      %dma_start3A_60 = arith.constant 0 : i32
      %dma_start3A_61 = tpu.memref_slice %arg7[%add3A_25, %dma_start3A_60] : memref<10240x16xf32, #tpu.memory_space<vmem_shared>> -> memref<128x16xf32, #tpu.memory_space<vmem_shared>>
      %dma_start3A_62 = arith.constant 0 : i32
      %dma_start3A_63 = tpu.memref_slice %arg7[%add3A_25, %dma_start3A_62] : memref<10240x16xf32, #tpu.memory_space<vmem_shared>> -> memref<128x16xf32, #tpu.memory_space<vmem_shared>>
      tpu.enqueue_dma source(%arg6 : memref<128x16xf32, #tpu.memory_space<vmem>>) target(%dma_start3A_63 : memref<128x16xf32, #tpu.memory_space<vmem_shared>>) target_semaphore(%run_scoped3A : memref<!tpu.dma_semaphore, #tpu.memory_space<semaphore_mem>>)
      %dma_wait3A_64 = arith.constant 0 : i32
      %dma_wait3A_65 = tpu.memref_slice %arg7[%add3A_25, %dma_wait3A_64] : memref<10240x16xf32, #tpu.memory_space<vmem_shared>> -> memref<128x16xf32, #tpu.memory_space<vmem_shared>>
      %dma_wait3A_66 = arith.constant 0 : i32
      %dma_wait3A_67 = tpu.memref_slice %arg7[%add3A_25, %dma_wait3A_66] : memref<10240x16xf32, #tpu.memory_space<vmem_shared>> -> memref<128x16xf32, #tpu.memory_space<vmem_shared>>
      tpu.wait_dma2 semaphore(%run_scoped3A : memref<!tpu.dma_semaphore, #tpu.memory_space<semaphore_mem>>) src(%arg6 : memref<128x16xf32, #tpu.memory_space<vmem>>) dst(%dma_wait3A_67 : memref<128x16xf32, #tpu.memory_space<vmem_shared>>)
      tpu.yield
    }) : () -> ()
    %mul3A_26 = arith.constant 640 : i32
    %mul3A_27 = arith.muli %arg1, %mul3A_26 : i32
    %add3A_28 = arith.constant 128 : i32
    %add3A_29 = arith.addi %mul3A_27, %add3A_28 : i32
    "tpu.region"() ({
      %run_scoped3A = tpu.sem_alloc : memref<!tpu.dma_semaphore, #tpu.memory_space<semaphore_mem>>
      %dma_start3A_60 = arith.constant 0 : i32
      %dma_start3A_61 = tpu.memref_slice %arg7[%add3A_29, %dma_start3A_60] : memref<10240x16xf32, #tpu.memory_space<vmem_shared>> -> memref<128x16xf32, #tpu.memory_space<vmem_shared>>
      %dma_start3A_62 = arith.constant 0 : i32
      %dma_start3A_63 = tpu.memref_slice %arg7[%add3A_29, %dma_start3A_62] : memref<10240x16xf32, #tpu.memory_space<vmem_shared>> -> memref<128x16xf32, #tpu.memory_space<vmem_shared>>
      tpu.enqueue_dma source(%arg6 : memref<128x16xf32, #tpu.memory_space<vmem>>) target(%dma_start3A_63 : memref<128x16xf32, #tpu.memory_space<vmem_shared>>) target_semaphore(%run_scoped3A : memref<!tpu.dma_semaphore, #tpu.memory_space<semaphore_mem>>)
      %dma_wait3A_64 = arith.constant 0 : i32
      %dma_wait3A_65 = tpu.memref_slice %arg7[%add3A_29, %dma_wait3A_64] : memref<10240x16xf32, #tpu.memory_space<vmem_shared>> -> memref<128x16xf32, #tpu.memory_space<vmem_shared>>
      %dma_wait3A_66 = arith.constant 0 : i32
      %dma_wait3A_67 = tpu.memref_slice %arg7[%add3A_29, %dma_wait3A_66] : memref<10240x16xf32, #tpu.memory_space<vmem_shared>> -> memref<128x16xf32, #tpu.memory_space<vmem_shared>>
      tpu.wait_dma2 semaphore(%run_scoped3A : memref<!tpu.dma_semaphore, #tpu.memory_space<semaphore_mem>>) src(%arg6 : memref<128x16xf32, #tpu.memory_space<vmem>>) dst(%dma_wait3A_67 : memref<128x16xf32, #tpu.memory_space<vmem_shared>>)
      tpu.yield
    }) : () -> ()
    %mul3A_30 = arith.constant 640 : i32
    %mul3A_31 = arith.muli %arg1, %mul3A_30 : i32
    %add3A_32 = arith.constant 256 : i32
    %add3A_33 = arith.addi %mul3A_31, %add3A_32 : i32
    "tpu.region"() ({
      %run_scoped3A = tpu.sem_alloc : memref<!tpu.dma_semaphore, #tpu.memory_space<semaphore_mem>>
      %dma_start3A_60 = arith.constant 0 : i32
      %dma_start3A_61 = tpu.memref_slice %arg7[%add3A_33, %dma_start3A_60] : memref<10240x16xf32, #tpu.memory_space<vmem_shared>> -> memref<128x16xf32, #tpu.memory_space<vmem_shared>>
      %dma_start3A_62 = arith.constant 0 : i32
      %dma_start3A_63 = tpu.memref_slice %arg7[%add3A_33, %dma_start3A_62] : memref<10240x16xf32, #tpu.memory_space<vmem_shared>> -> memref<128x16xf32, #tpu.memory_space<vmem_shared>>
      tpu.enqueue_dma source(%arg6 : memref<128x16xf32, #tpu.memory_space<vmem>>) target(%dma_start3A_63 : memref<128x16xf32, #tpu.memory_space<vmem_shared>>) target_semaphore(%run_scoped3A : memref<!tpu.dma_semaphore, #tpu.memory_space<semaphore_mem>>)
      %dma_wait3A_64 = arith.constant 0 : i32
      %dma_wait3A_65 = tpu.memref_slice %arg7[%add3A_33, %dma_wait3A_64] : memref<10240x16xf32, #tpu.memory_space<vmem_shared>> -> memref<128x16xf32, #tpu.memory_space<vmem_shared>>
      %dma_wait3A_66 = arith.constant 0 : i32
      %dma_wait3A_67 = tpu.memref_slice %arg7[%add3A_33, %dma_wait3A_66] : memref<10240x16xf32, #tpu.memory_space<vmem_shared>> -> memref<128x16xf32, #tpu.memory_space<vmem_shared>>
      tpu.wait_dma2 semaphore(%run_scoped3A : memref<!tpu.dma_semaphore, #tpu.memory_space<semaphore_mem>>) src(%arg6 : memref<128x16xf32, #tpu.memory_space<vmem>>) dst(%dma_wait3A_67 : memref<128x16xf32, #tpu.memory_space<vmem_shared>>)
      tpu.yield
    }) : () -> ()
    %mul3A_34 = arith.constant 640 : i32
    %mul3A_35 = arith.muli %arg1, %mul3A_34 : i32
    %add3A_36 = arith.constant 384 : i32
    %add3A_37 = arith.addi %mul3A_35, %add3A_36 : i32
    "tpu.region"() ({
      %run_scoped3A = tpu.sem_alloc : memref<!tpu.dma_semaphore, #tpu.memory_space<semaphore_mem>>
      %dma_start3A_60 = arith.constant 0 : i32
      %dma_start3A_61 = tpu.memref_slice %arg7[%add3A_37, %dma_start3A_60] : memref<10240x16xf32, #tpu.memory_space<vmem_shared>> -> memref<128x16xf32, #tpu.memory_space<vmem_shared>>
      %dma_start3A_62 = arith.constant 0 : i32
      %dma_start3A_63 = tpu.memref_slice %arg7[%add3A_37, %dma_start3A_62] : memref<10240x16xf32, #tpu.memory_space<vmem_shared>> -> memref<128x16xf32, #tpu.memory_space<vmem_shared>>
      tpu.enqueue_dma source(%arg6 : memref<128x16xf32, #tpu.memory_space<vmem>>) target(%dma_start3A_63 : memref<128x16xf32, #tpu.memory_space<vmem_shared>>) target_semaphore(%run_scoped3A : memref<!tpu.dma_semaphore, #tpu.memory_space<semaphore_mem>>)
      %dma_wait3A_64 = arith.constant 0 : i32
      %dma_wait3A_65 = tpu.memref_slice %arg7[%add3A_37, %dma_wait3A_64] : memref<10240x16xf32, #tpu.memory_space<vmem_shared>> -> memref<128x16xf32, #tpu.memory_space<vmem_shared>>
      %dma_wait3A_66 = arith.constant 0 : i32
      %dma_wait3A_67 = tpu.memref_slice %arg7[%add3A_37, %dma_wait3A_66] : memref<10240x16xf32, #tpu.memory_space<vmem_shared>> -> memref<128x16xf32, #tpu.memory_space<vmem_shared>>
      tpu.wait_dma2 semaphore(%run_scoped3A : memref<!tpu.dma_semaphore, #tpu.memory_space<semaphore_mem>>) src(%arg6 : memref<128x16xf32, #tpu.memory_space<vmem>>) dst(%dma_wait3A_67 : memref<128x16xf32, #tpu.memory_space<vmem_shared>>)
      tpu.yield
    }) : () -> ()
    %mul3A_38 = arith.constant 640 : i32
    %mul3A_39 = arith.muli %arg1, %mul3A_38 : i32
    %add3A_40 = arith.constant 512 : i32
    %add3A_41 = arith.addi %mul3A_39, %add3A_40 : i32
    "tpu.region"() ({
      %run_scoped3A = tpu.sem_alloc : memref<!tpu.dma_semaphore, #tpu.memory_space<semaphore_mem>>
      %dma_start3A_60 = arith.constant 0 : i32
      %dma_start3A_61 = tpu.memref_slice %arg7[%add3A_41, %dma_start3A_60] : memref<10240x16xf32, #tpu.memory_space<vmem_shared>> -> memref<128x16xf32, #tpu.memory_space<vmem_shared>>
      %dma_start3A_62 = arith.constant 0 : i32
      %dma_start3A_63 = tpu.memref_slice %arg7[%add3A_41, %dma_start3A_62] : memref<10240x16xf32, #tpu.memory_space<vmem_shared>> -> memref<128x16xf32, #tpu.memory_space<vmem_shared>>
      tpu.enqueue_dma source(%arg6 : memref<128x16xf32, #tpu.memory_space<vmem>>) target(%dma_start3A_63 : memref<128x16xf32, #tpu.memory_space<vmem_shared>>) target_semaphore(%run_scoped3A : memref<!tpu.dma_semaphore, #tpu.memory_space<semaphore_mem>>)
      %dma_wait3A_64 = arith.constant 0 : i32
      %dma_wait3A_65 = tpu.memref_slice %arg7[%add3A_41, %dma_wait3A_64] : memref<10240x16xf32, #tpu.memory_space<vmem_shared>> -> memref<128x16xf32, #tpu.memory_space<vmem_shared>>
      %dma_wait3A_66 = arith.constant 0 : i32
      %dma_wait3A_67 = tpu.memref_slice %arg7[%add3A_41, %dma_wait3A_66] : memref<10240x16xf32, #tpu.memory_space<vmem_shared>> -> memref<128x16xf32, #tpu.memory_space<vmem_shared>>
      tpu.wait_dma2 semaphore(%run_scoped3A : memref<!tpu.dma_semaphore, #tpu.memory_space<semaphore_mem>>) src(%arg6 : memref<128x16xf32, #tpu.memory_space<vmem>>) dst(%dma_wait3A_67 : memref<128x16xf32, #tpu.memory_space<vmem_shared>>)
      tpu.yield
    }) : () -> ()
    %dma_wait3A = arith.constant 0 : i32
    %dma_wait3A_42 = arith.constant 0 : i32
    %dma_wait3A_43 = tpu.memref_slice %arg2[%add3A, %dma_wait3A, %dma_wait3A_42] : memref<32x80x128xi32, #tpu.memory_space<hbm>> -> memref<1x80x128xi32, #tpu.memory_space<hbm>>
    %dma_wait3A_44 = tpu.memref_squeeze %dma_wait3A_43 : memref<1x80x128xi32, #tpu.memory_space<hbm>> -> memref<80x128xi32, #tpu.memory_space<hbm>>
    %dma_wait3A_45 = arith.constant 0 : i32
    %dma_wait3A_46 = arith.constant 0 : i32
    %dma_wait3A_47 = tpu.memref_slice %arg2[%add3A, %dma_wait3A_45, %dma_wait3A_46] : memref<32x80x128xi32, #tpu.memory_space<hbm>> -> memref<1x80x128xi32, #tpu.memory_space<hbm>>
    %dma_wait3A_48 = tpu.memref_squeeze %dma_wait3A_47 : memref<1x80x128xi32, #tpu.memory_space<hbm>> -> memref<80x128xi32, #tpu.memory_space<hbm>>
    tpu.wait_dma2 semaphore(%arg8 : memref<!tpu.dma_semaphore, #tpu.memory_space<semaphore_mem>>) src(%dma_wait3A_48 : memref<80x128xi32, #tpu.memory_space<hbm>>) dst(%arg4 : memref<80x128xi32, #tpu.memory_space<vmem>>)
    %barrier3A = arith.constant 0 : index
    tpu.barrier barrier_id(%barrier3A)
    %scan3A_49 = arith.constant 0 : i32
    %scan3A_50 = arith.constant 0 : i32
    %scan3A_51 = arith.constant 80 : i32
    %scan3A_52 = arith.addi %scan3A_50, %scan3A_51 : i32
    %scan3A_53 = arith.constant 1 : i32
    scf.for %scan3A_60 = %scan3A_50 to %scan3A_52 step %scan3A_53  : i32 {
      "tpu.region"() ({
        %run_scoped3A = tpu.sem_alloc : memref<!tpu.dma_semaphore, #tpu.memory_space<semaphore_mem>>
        %dma_start3A_61 = arith.constant 0 : i32
        %dma_start3A_62 = tpu.memref_slice %arg4[%scan3A_60, %dma_start3A_61] : memref<80x128xi32, #tpu.memory_space<vmem>> -> memref<1x128xi32, #tpu.memory_space<vmem>>
        %dma_start3A_63 = tpu.memref_squeeze %dma_start3A_62 : memref<1x128xi32, #tpu.memory_space<vmem>> -> memref<128xi32, #tpu.memory_space<vmem>>
        %dma_start3A_64 = arith.constant 0 : i32
        %dma_start3A_65 = arith.constant 0 : i32
        %dma_start3A_66 = tpu.memref_slice %arg7[%dma_start3A_64, %dma_start3A_65] : memref<10240x16xf32, #tpu.memory_space<vmem_shared>> -> memref<10240x16xf32, #tpu.memory_space<vmem_shared>>
        tpu.enqueue_indirect_dma source(%arg5 : memref<128x16xf32, #tpu.memory_space<vmem>>) target(%dma_start3A_66 : memref<10240x16xf32, #tpu.memory_space<vmem_shared>>) offsets(%dma_start3A_63 : memref<128xi32, #tpu.memory_space<vmem>>) semaphore(%run_scoped3A : memref<!tpu.dma_semaphore, #tpu.memory_space<semaphore_mem>>) {add = true}
        %dma_wait3A_67 = arith.constant 0 : i32
        %dma_wait3A_68 = tpu.memref_slice %arg4[%scan3A_60, %dma_wait3A_67] : memref<80x128xi32, #tpu.memory_space<vmem>> -> memref<1x128xi32, #tpu.memory_space<vmem>>
        %dma_wait3A_69 = tpu.memref_squeeze %dma_wait3A_68 : memref<1x128xi32, #tpu.memory_space<vmem>> -> memref<128xi32, #tpu.memory_space<vmem>>
        %dma_wait3A_70 = arith.constant 0 : i32
        %dma_wait3A_71 = arith.constant 0 : i32
        %dma_wait3A_72 = tpu.memref_slice %arg7[%dma_wait3A_70, %dma_wait3A_71] : memref<10240x16xf32, #tpu.memory_space<vmem_shared>> -> memref<10240x16xf32, #tpu.memory_space<vmem_shared>>
        tpu.wait_indirect_dma semaphore(%run_scoped3A : memref<!tpu.dma_semaphore, #tpu.memory_space<semaphore_mem>>) src(%arg5 : memref<128x16xf32, #tpu.memory_space<vmem>>) dst(%dma_wait3A_72 : memref<10240x16xf32, #tpu.memory_space<vmem_shared>>)
        tpu.yield
      }) : () -> ()
    }
    %scan3A_54 = arith.constant 80 : i32
    %barrier3A_55 = arith.constant 0 : index
    tpu.barrier barrier_id(%barrier3A_55)
    %mul3A_56 = arith.constant 640 : i32
    %mul3A_57 = arith.muli %arg1, %mul3A_56 : i32
    %mul3A_58 = arith.constant 640 : i32
    %mul3A_59 = arith.muli %arg1, %mul3A_58 : i32
    "tpu.region"() ({
      %run_scoped3A = tpu.sem_alloc : memref<!tpu.dma_semaphore, #tpu.memory_space<semaphore_mem>>
      %dma_start3A_60 = arith.constant 0 : i32
      %dma_start3A_61 = tpu.memref_slice %arg3[%arg0, %mul3A_59, %dma_start3A_60] : memref<2x10240x16xf32, #tpu.memory_space<hbm>> -> memref<1x640x16xf32, #tpu.memory_space<hbm>>
      %dma_start3A_62 = tpu.memref_squeeze %dma_start3A_61 : memref<1x640x16xf32, #tpu.memory_space<hbm>> -> memref<640x16xf32, #tpu.memory_space<hbm>>
      %dma_start3A_63 = arith.constant 0 : i32
      %dma_start3A_64 = tpu.memref_slice %arg7[%mul3A_57, %dma_start3A_63] : memref<10240x16xf32, #tpu.memory_space<vmem_shared>> -> memref<640x16xf32, #tpu.memory_space<vmem_shared>>
      tpu.enqueue_dma source(%dma_start3A_64 : memref<640x16xf32, #tpu.memory_space<vmem_shared>>) target(%dma_start3A_62 : memref<640x16xf32, #tpu.memory_space<hbm>>) target_semaphore(%run_scoped3A : memref<!tpu.dma_semaphore, #tpu.memory_space<semaphore_mem>>)
      %dma_wait3A_65 = arith.constant 0 : i32
      %dma_wait3A_66 = tpu.memref_slice %arg3[%arg0, %mul3A_59, %dma_wait3A_65] : memref<2x10240x16xf32, #tpu.memory_space<hbm>> -> memref<1x640x16xf32, #tpu.memory_space<hbm>>
      %dma_wait3A_67 = tpu.memref_squeeze %dma_wait3A_66 : memref<1x640x16xf32, #tpu.memory_space<hbm>> -> memref<640x16xf32, #tpu.memory_space<hbm>>
      %dma_wait3A_68 = arith.constant 0 : i32
      %dma_wait3A_69 = tpu.memref_slice %arg7[%mul3A_57, %dma_wait3A_68] : memref<10240x16xf32, #tpu.memory_space<vmem_shared>> -> memref<640x16xf32, #tpu.memory_space<vmem_shared>>
      tpu.wait_dma2 semaphore(%run_scoped3A : memref<!tpu.dma_semaphore, #tpu.memory_space<semaphore_mem>>) src(%dma_wait3A_69 : memref<640x16xf32, #tpu.memory_space<vmem_shared>>) dst(%dma_wait3A_67 : memref<640x16xf32, #tpu.memory_space<hbm>>)
      tpu.yield
    }) : () -> ()
    return
  }
}

#map = affine_map<(d0, d1) -> (0, 0)>
#map1 = affine_map<(d0, d1) -> (0, 0, 0)>
module attributes {stable_mosaic.version = 14 : i64} {
  func.func @sc_edge_scatter_64(%arg0: i32, %arg1: i32, %arg2: memref<10240x64xf32, #tpu.memory_space<hbm>>, %arg3: memref<32x160x64xi32, #tpu.memory_space<hbm>>, %arg4: memref<32x160x64xi32, #tpu.memory_space<hbm>>, %arg5: memref<2x10240x64xf32, #tpu.memory_space<hbm>>, %arg6: memref<160x64xi32, #tpu.memory_space<vmem>>, %arg7: memref<160x64xi32, #tpu.memory_space<vmem>>, %arg8: memref<4x64x64xf32, #tpu.memory_space<vmem>>, %arg9: memref<10240x64xf32, #tpu.memory_space<vmem_shared>>, %arg10: memref<10240x64xf32, #tpu.memory_space<vmem_shared>>, %arg11: memref<4x!tpu.dma_semaphore, #tpu.memory_space<semaphore_mem>>, %arg12: memref<4x!tpu.dma_semaphore, #tpu.memory_space<semaphore_mem>>) attributes {dimension_semantics = [#tpu.dimension_semantics<core_parallel>, #tpu.dimension_semantics<subcore_parallel>], iteration_bounds = array<i64: 2, 16>, scalar_prefetch = 0 : i64, scratch_operands = 7 : i64, tpu.core_type = #tpu.core_type<sc_vector_subcore>, window_params = [{transform_indices = #map}, {transform_indices = #map1}, {transform_indices = #map1}, {transform_indices = #map1}]} {
    %mul3A = arith.constant 16 : i32
    %mul3A_0 = arith.muli %arg0, %mul3A : i32
    %add3A = arith.addi %mul3A_0, %arg1 : i32
    %dma_start3A = arith.constant 0 : i32
    %dma_start3A_1 = arith.constant 0 : i32
    %dma_start3A_2 = arith.constant 0 : i32
    %dma_start3A_3 = tpu.memref_slice %arg3[%add3A, %dma_start3A_1, %dma_start3A_2] : memref<32x160x64xi32, #tpu.memory_space<hbm>> -> memref<1x160x64xi32, #tpu.memory_space<hbm>>
    %dma_start3A_4 = tpu.memref_squeeze %dma_start3A_3 : memref<1x160x64xi32, #tpu.memory_space<hbm>> -> memref<160x64xi32, #tpu.memory_space<hbm>>
    %dma_start3A_5 = tpu.memref_slice %arg11[%dma_start3A] : memref<4x!tpu.dma_semaphore, #tpu.memory_space<semaphore_mem>> -> memref<1x!tpu.dma_semaphore, #tpu.memory_space<semaphore_mem>>
    %dma_start3A_6 = tpu.memref_squeeze %dma_start3A_5 : memref<1x!tpu.dma_semaphore, #tpu.memory_space<semaphore_mem>> -> memref<!tpu.dma_semaphore, #tpu.memory_space<semaphore_mem>>
    %dma_start3A_7 = arith.constant 0 : i32
    %dma_start3A_8 = arith.constant 0 : i32
    %dma_start3A_9 = tpu.memref_slice %arg3[%add3A, %dma_start3A_7, %dma_start3A_8] : memref<32x160x64xi32, #tpu.memory_space<hbm>> -> memref<1x160x64xi32, #tpu.memory_space<hbm>>
    %dma_start3A_10 = tpu.memref_squeeze %dma_start3A_9 : memref<1x160x64xi32, #tpu.memory_space<hbm>> -> memref<160x64xi32, #tpu.memory_space<hbm>>
    tpu.enqueue_dma source(%dma_start3A_10 : memref<160x64xi32, #tpu.memory_space<hbm>>) target(%arg6 : memref<160x64xi32, #tpu.memory_space<vmem>>) target_semaphore(%dma_start3A_6 : memref<!tpu.dma_semaphore, #tpu.memory_space<semaphore_mem>>)
    %dma_start3A_11 = arith.constant 1 : i32
    %dma_start3A_12 = arith.constant 0 : i32
    %dma_start3A_13 = arith.constant 0 : i32
    %dma_start3A_14 = tpu.memref_slice %arg4[%add3A, %dma_start3A_12, %dma_start3A_13] : memref<32x160x64xi32, #tpu.memory_space<hbm>> -> memref<1x160x64xi32, #tpu.memory_space<hbm>>
    %dma_start3A_15 = tpu.memref_squeeze %dma_start3A_14 : memref<1x160x64xi32, #tpu.memory_space<hbm>> -> memref<160x64xi32, #tpu.memory_space<hbm>>
    %dma_start3A_16 = tpu.memref_slice %arg11[%dma_start3A_11] : memref<4x!tpu.dma_semaphore, #tpu.memory_space<semaphore_mem>> -> memref<1x!tpu.dma_semaphore, #tpu.memory_space<semaphore_mem>>
    %dma_start3A_17 = tpu.memref_squeeze %dma_start3A_16 : memref<1x!tpu.dma_semaphore, #tpu.memory_space<semaphore_mem>> -> memref<!tpu.dma_semaphore, #tpu.memory_space<semaphore_mem>>
    %dma_start3A_18 = arith.constant 0 : i32
    %dma_start3A_19 = arith.constant 0 : i32
    %dma_start3A_20 = tpu.memref_slice %arg4[%add3A, %dma_start3A_18, %dma_start3A_19] : memref<32x160x64xi32, #tpu.memory_space<hbm>> -> memref<1x160x64xi32, #tpu.memory_space<hbm>>
    %dma_start3A_21 = tpu.memref_squeeze %dma_start3A_20 : memref<1x160x64xi32, #tpu.memory_space<hbm>> -> memref<160x64xi32, #tpu.memory_space<hbm>>
    tpu.enqueue_dma source(%dma_start3A_21 : memref<160x64xi32, #tpu.memory_space<hbm>>) target(%arg7 : memref<160x64xi32, #tpu.memory_space<vmem>>) target_semaphore(%dma_start3A_17 : memref<!tpu.dma_semaphore, #tpu.memory_space<semaphore_mem>>)
    %mul3A_22 = arith.constant 640 : i32
    %mul3A_23 = arith.muli %arg1, %mul3A_22 : i32
    %mul3A_24 = arith.constant 640 : i32
    %mul3A_25 = arith.muli %arg1, %mul3A_24 : i32
    %dma_start3A_26 = arith.constant 2 : i32
    %dma_start3A_27 = tpu.memref_slice %arg11[%dma_start3A_26] : memref<4x!tpu.dma_semaphore, #tpu.memory_space<semaphore_mem>> -> memref<1x!tpu.dma_semaphore, #tpu.memory_space<semaphore_mem>>
    %dma_start3A_28 = tpu.memref_squeeze %dma_start3A_27 : memref<1x!tpu.dma_semaphore, #tpu.memory_space<semaphore_mem>> -> memref<!tpu.dma_semaphore, #tpu.memory_space<semaphore_mem>>
    %dma_start3A_29 = arith.constant 0 : i32
    %dma_start3A_30 = tpu.memref_slice %arg9[%mul3A_25, %dma_start3A_29] : memref<10240x64xf32, #tpu.memory_space<vmem_shared>> -> memref<640x64xf32, #tpu.memory_space<vmem_shared>>
    %dma_start3A_31 = arith.constant 0 : i32
    %dma_start3A_32 = tpu.memref_slice %arg2[%mul3A_23, %dma_start3A_31] : memref<10240x64xf32, #tpu.memory_space<hbm>> -> memref<640x64xf32, #tpu.memory_space<hbm>>
    tpu.enqueue_dma source(%dma_start3A_32 : memref<640x64xf32, #tpu.memory_space<hbm>>) target(%dma_start3A_30 : memref<640x64xf32, #tpu.memory_space<vmem_shared>>) target_semaphore(%dma_start3A_28 : memref<!tpu.dma_semaphore, #tpu.memory_space<semaphore_mem>>)
    %broadcast_in_dim3A = arith.constant 0.000000e+00 : f32
    %broadcast_in_dim3A_33 = vector.broadcast %broadcast_in_dim3A : f32 to vector<16xf32>
    %scan3A = arith.constant 0 : i32
    %scan3A_34 = arith.constant 0 : i32
    %scan3A_35 = arith.constant 0 : i32
    %scan3A_36 = arith.constant 256 : i32
    %scan3A_37 = arith.addi %scan3A_35, %scan3A_36 : i32
    %scan3A_38 = arith.constant 1 : i32
    scf.for %scan3A_252 = %scan3A_35 to %scan3A_37 step %scan3A_38  : i32 {
      %jit3A = arith.constant 4 : i32
      %div3A = arith.divsi %scan3A_252, %jit3A : i32
      %sign3A = arith.constant 0 : i32
      %sign3A_253 = arith.cmpi sgt, %scan3A_252, %sign3A : i32
      %sign3A_254 = arith.extui %sign3A_253 : i1 to i32
      %sign3A_255 = arith.constant 0 : i32
      %sign3A_256 = arith.cmpi slt, %scan3A_252, %sign3A_255 : i32
      %sign3A_257 = arith.extui %sign3A_256 : i1 to i32
      %sign3A_258 = arith.subi %sign3A_254, %sign3A_257 : i32
      %sign3A_259 = arith.constant 0 : i32
      %sign3A_260 = arith.cmpi sgt, %jit3A, %sign3A_259 : i32
      %sign3A_261 = arith.extui %sign3A_260 : i1 to i32
      %sign3A_262 = arith.constant 0 : i32
      %sign3A_263 = arith.cmpi slt, %jit3A, %sign3A_262 : i32
      %sign3A_264 = arith.extui %sign3A_263 : i1 to i32
      %sign3A_265 = arith.subi %sign3A_261, %sign3A_264 : i32
      %ne3A = arith.cmpi ne, %sign3A_258, %sign3A_265 : i32
      %rem3A = arith.remsi %scan3A_252, %jit3A : i32
      %ne3A_266 = arith.constant 0 : i32
      %ne3A_267 = arith.cmpi ne, %rem3A, %ne3A_266 : i32
      %and3A = arith.andi %ne3A, %ne3A_267 : i1
      %sub3A = arith.constant 1 : i32
      %sub3A_268 = arith.subi %div3A, %sub3A : i32
      %select_n3A = arith.select %and3A, %sub3A_268, %div3A : i32
      %jit3A_269 = arith.constant 4 : i32
      %eq3A = arith.constant 0 : i32
      %eq3A_270 = arith.cmpi eq, %jit3A_269, %eq3A : i32
      %jit3A_271 = arith.constant 1 : i32
      %select_n3A_272 = arith.select %eq3A_270, %jit3A_271, %jit3A_269 : i32
      %rem3A_273 = arith.remsi %scan3A_252, %select_n3A_272 : i32
      %ne3A_274 = arith.constant 0 : i32
      %ne3A_275 = arith.cmpi ne, %rem3A_273, %ne3A_274 : i32
      %lt3A = arith.constant 0 : i32
      %lt3A_276 = arith.cmpi slt, %rem3A_273, %lt3A : i32
      %lt3A_277 = arith.constant 0 : i32
      %lt3A_278 = arith.cmpi slt, %select_n3A_272, %lt3A_277 : i32
      %ne3A_279 = arith.xori %lt3A_276, %lt3A_278 : i1
      %and3A_280 = arith.andi %ne3A_279, %ne3A_275 : i1
      %add3A_281 = arith.addi %rem3A_273, %select_n3A_272 : i32
      %select_n3A_282 = arith.select %and3A_280, %add3A_281, %rem3A_273 : i32
      %mul3A_283 = arith.constant 16 : i32
      %mul3A_284 = arith.muli %select_n3A_282, %mul3A_283 : i32
      %swap3A = arith.constant 0 : i32
      %swap3A_285 = arith.constant 0 : i32
      %swap3A_286 = tpu.memref_slice %arg8[%scan3A_34, %swap3A, %swap3A_285] : memref<4x64x64xf32, #tpu.memory_space<vmem>> -> memref<1x64x64xf32, #tpu.memory_space<vmem>>
      %swap3A_287 = tpu.memref_squeeze %swap3A_286 : memref<1x64x64xf32, #tpu.memory_space<vmem>> -> memref<64x64xf32, #tpu.memory_space<vmem>>
      %swap3A_288 = arith.index_cast %select_n3A : i32 to index
      %swap3A_289 = arith.index_cast %mul3A_284 : i32 to index
      %swap3A_290 = tpu.vector_load %swap3A_287[%swap3A_288, %swap3A_289] {strides = array<i32>} : memref<64x64xf32, #tpu.memory_space<vmem>>, vector<1x16xf32>,
      %swap3A_291 = vector.shape_cast %swap3A_290 : vector<1x16xf32> to vector<16xf32>
      %swap3A_292 = vector.shape_cast %broadcast_in_dim3A_33 : vector<16xf32> to vector<1x16xf32>
      tpu.vector_store %swap3A_287[%swap3A_288, %swap3A_289], %swap3A_292 {strides = array<i32>} : memref<64x64xf32, #tpu.memory_space<vmem>>, vector<1x16xf32>,
    }
    %scan3A_39 = arith.constant 256 : i32
    %mul3A_40 = arith.constant 640 : i32
    %mul3A_41 = arith.muli %arg1, %mul3A_40 : i32
    %add3A_42 = arith.constant 0 : i32
    %add3A_43 = arith.addi %mul3A_41, %add3A_42 : i32
    %run_scoped3A = arith.constant 0 : i32
    "tpu.region"() ({
      %run_scoped3A_252 = tpu.sem_alloc : memref<!tpu.dma_semaphore, #tpu.memory_space<semaphore_mem>>
      %dma_start3A_253 = arith.constant 0 : i32
      %dma_start3A_254 = arith.constant 0 : i32
      %dma_start3A_255 = tpu.memref_slice %arg8[%run_scoped3A, %dma_start3A_253, %dma_start3A_254] : memref<4x64x64xf32, #tpu.memory_space<vmem>> -> memref<1x64x64xf32, #tpu.memory_space<vmem>>
      %dma_start3A_256 = tpu.memref_squeeze %dma_start3A_255 : memref<1x64x64xf32, #tpu.memory_space<vmem>> -> memref<64x64xf32, #tpu.memory_space<vmem>>
      %dma_start3A_257 = arith.constant 0 : i32
      %dma_start3A_258 = tpu.memref_slice %arg10[%add3A_43, %dma_start3A_257] : memref<10240x64xf32, #tpu.memory_space<vmem_shared>> -> memref<64x64xf32, #tpu.memory_space<vmem_shared>>
      %dma_start3A_259 = arith.constant 0 : i32
      %dma_start3A_260 = tpu.memref_slice %arg10[%add3A_43, %dma_start3A_259] : memref<10240x64xf32, #tpu.memory_space<vmem_shared>> -> memref<64x64xf32, #tpu.memory_space<vmem_shared>>
      %dma_start3A_261 = arith.constant 0 : i32
      %dma_start3A_262 = arith.constant 0 : i32
      %dma_start3A_263 = tpu.memref_slice %arg8[%run_scoped3A, %dma_start3A_261, %dma_start3A_262] : memref<4x64x64xf32, #tpu.memory_space<vmem>> -> memref<1x64x64xf32, #tpu.memory_space<vmem>>
      %dma_start3A_264 = tpu.memref_squeeze %dma_start3A_263 : memref<1x64x64xf32, #tpu.memory_space<vmem>> -> memref<64x64xf32, #tpu.memory_space<vmem>>
      tpu.enqueue_dma source(%dma_start3A_264 : memref<64x64xf32, #tpu.memory_space<vmem>>) target(%dma_start3A_260 : memref<64x64xf32, #tpu.memory_space<vmem_shared>>) target_semaphore(%run_scoped3A_252 : memref<!tpu.dma_semaphore, #tpu.memory_space<semaphore_mem>>)
      %dma_wait3A_265 = arith.constant 0 : i32
      %dma_wait3A_266 = arith.constant 0 : i32
      %dma_wait3A_267 = tpu.memref_slice %arg8[%run_scoped3A, %dma_wait3A_265, %dma_wait3A_266] : memref<4x64x64xf32, #tpu.memory_space<vmem>> -> memref<1x64x64xf32, #tpu.memory_space<vmem>>
      %dma_wait3A_268 = tpu.memref_squeeze %dma_wait3A_267 : memref<1x64x64xf32, #tpu.memory_space<vmem>> -> memref<64x64xf32, #tpu.memory_space<vmem>>
      %dma_wait3A_269 = arith.constant 0 : i32
      %dma_wait3A_270 = tpu.memref_slice %arg10[%add3A_43, %dma_wait3A_269] : memref<10240x64xf32, #tpu.memory_space<vmem_shared>> -> memref<64x64xf32, #tpu.memory_space<vmem_shared>>
      %dma_wait3A_271 = arith.constant 0 : i32
      %dma_wait3A_272 = tpu.memref_slice %arg10[%add3A_43, %dma_wait3A_271] : memref<10240x64xf32, #tpu.memory_space<vmem_shared>> -> memref<64x64xf32, #tpu.memory_space<vmem_shared>>
      %dma_wait3A_273 = arith.constant 0 : i32
      %dma_wait3A_274 = arith.constant 0 : i32
      %dma_wait3A_275 = tpu.memref_slice %arg8[%run_scoped3A, %dma_wait3A_273, %dma_wait3A_274] : memref<4x64x64xf32, #tpu.memory_space<vmem>> -> memref<1x64x64xf32, #tpu.memory_space<vmem>>
      %dma_wait3A_276 = tpu.memref_squeeze %dma_wait3A_275 : memref<1x64x64xf32, #tpu.memory_space<vmem>> -> memref<64x64xf32, #tpu.memory_space<vmem>>
      tpu.wait_dma2 semaphore(%run_scoped3A_252 : memref<!tpu.dma_semaphore, #tpu.memory_space<semaphore_mem>>) src(%dma_wait3A_276 : memref<64x64xf32, #tpu.memory_space<vmem>>) dst(%dma_wait3A_272 : memref<64x64xf32, #tpu.memory_space<vmem_shared>>)
      tpu.yield
    }) : () -> ()
    %mul3A_44 = arith.constant 640 : i32
    %mul3A_45 = arith.muli %arg1, %mul3A_44 : i32
    %add3A_46 = arith.constant 64 : i32
    %add3A_47 = arith.addi %mul3A_45, %add3A_46 : i32
    %run_scoped3A_48 = arith.constant 0 : i32
    "tpu.region"() ({
      %run_scoped3A_252 = tpu.sem_alloc : memref<!tpu.dma_semaphore, #tpu.memory_space<semaphore_mem>>
      %dma_start3A_253 = arith.constant 0 : i32
      %dma_start3A_254 = arith.constant 0 : i32
      %dma_start3A_255 = tpu.memref_slice %arg8[%run_scoped3A_48, %dma_start3A_253, %dma_start3A_254] : memref<4x64x64xf32, #tpu.memory_space<vmem>> -> memref<1x64x64xf32, #tpu.memory_space<vmem>>
      %dma_start3A_256 = tpu.memref_squeeze %dma_start3A_255 : memref<1x64x64xf32, #tpu.memory_space<vmem>> -> memref<64x64xf32, #tpu.memory_space<vmem>>
      %dma_start3A_257 = arith.constant 0 : i32
      %dma_start3A_258 = tpu.memref_slice %arg10[%add3A_47, %dma_start3A_257] : memref<10240x64xf32, #tpu.memory_space<vmem_shared>> -> memref<64x64xf32, #tpu.memory_space<vmem_shared>>
      %dma_start3A_259 = arith.constant 0 : i32
      %dma_start3A_260 = tpu.memref_slice %arg10[%add3A_47, %dma_start3A_259] : memref<10240x64xf32, #tpu.memory_space<vmem_shared>> -> memref<64x64xf32, #tpu.memory_space<vmem_shared>>
      %dma_start3A_261 = arith.constant 0 : i32
      %dma_start3A_262 = arith.constant 0 : i32
      %dma_start3A_263 = tpu.memref_slice %arg8[%run_scoped3A_48, %dma_start3A_261, %dma_start3A_262] : memref<4x64x64xf32, #tpu.memory_space<vmem>> -> memref<1x64x64xf32, #tpu.memory_space<vmem>>
      %dma_start3A_264 = tpu.memref_squeeze %dma_start3A_263 : memref<1x64x64xf32, #tpu.memory_space<vmem>> -> memref<64x64xf32, #tpu.memory_space<vmem>>
      tpu.enqueue_dma source(%dma_start3A_264 : memref<64x64xf32, #tpu.memory_space<vmem>>) target(%dma_start3A_260 : memref<64x64xf32, #tpu.memory_space<vmem_shared>>) target_semaphore(%run_scoped3A_252 : memref<!tpu.dma_semaphore, #tpu.memory_space<semaphore_mem>>)
      %dma_wait3A_265 = arith.constant 0 : i32
      %dma_wait3A_266 = arith.constant 0 : i32
      %dma_wait3A_267 = tpu.memref_slice %arg8[%run_scoped3A_48, %dma_wait3A_265, %dma_wait3A_266] : memref<4x64x64xf32, #tpu.memory_space<vmem>> -> memref<1x64x64xf32, #tpu.memory_space<vmem>>
      %dma_wait3A_268 = tpu.memref_squeeze %dma_wait3A_267 : memref<1x64x64xf32, #tpu.memory_space<vmem>> -> memref<64x64xf32, #tpu.memory_space<vmem>>
      %dma_wait3A_269 = arith.constant 0 : i32
      %dma_wait3A_270 = tpu.memref_slice %arg10[%add3A_47, %dma_wait3A_269] : memref<10240x64xf32, #tpu.memory_space<vmem_shared>> -> memref<64x64xf32, #tpu.memory_space<vmem_shared>>
      %dma_wait3A_271 = arith.constant 0 : i32
      %dma_wait3A_272 = tpu.memref_slice %arg10[%add3A_47, %dma_wait3A_271] : memref<10240x64xf32, #tpu.memory_space<vmem_shared>> -> memref<64x64xf32, #tpu.memory_space<vmem_shared>>
      %dma_wait3A_273 = arith.constant 0 : i32
      %dma_wait3A_274 = arith.constant 0 : i32
      %dma_wait3A_275 = tpu.memref_slice %arg8[%run_scoped3A_48, %dma_wait3A_273, %dma_wait3A_274] : memref<4x64x64xf32, #tpu.memory_space<vmem>> -> memref<1x64x64xf32, #tpu.memory_space<vmem>>
      %dma_wait3A_276 = tpu.memref_squeeze %dma_wait3A_275 : memref<1x64x64xf32, #tpu.memory_space<vmem>> -> memref<64x64xf32, #tpu.memory_space<vmem>>
      tpu.wait_dma2 semaphore(%run_scoped3A_252 : memref<!tpu.dma_semaphore, #tpu.memory_space<semaphore_mem>>) src(%dma_wait3A_276 : memref<64x64xf32, #tpu.memory_space<vmem>>) dst(%dma_wait3A_272 : memref<64x64xf32, #tpu.memory_space<vmem_shared>>)
      tpu.yield
    }) : () -> ()
    %mul3A_49 = arith.constant 640 : i32
    %mul3A_50 = arith.muli %arg1, %mul3A_49 : i32
    %add3A_51 = arith.constant 128 : i32
    %add3A_52 = arith.addi %mul3A_50, %add3A_51 : i32
    %run_scoped3A_53 = arith.constant 0 : i32
    "tpu.region"() ({
      %run_scoped3A_252 = tpu.sem_alloc : memref<!tpu.dma_semaphore, #tpu.memory_space<semaphore_mem>>
      %dma_start3A_253 = arith.constant 0 : i32
      %dma_start3A_254 = arith.constant 0 : i32
      %dma_start3A_255 = tpu.memref_slice %arg8[%run_scoped3A_53, %dma_start3A_253, %dma_start3A_254] : memref<4x64x64xf32, #tpu.memory_space<vmem>> -> memref<1x64x64xf32, #tpu.memory_space<vmem>>
      %dma_start3A_256 = tpu.memref_squeeze %dma_start3A_255 : memref<1x64x64xf32, #tpu.memory_space<vmem>> -> memref<64x64xf32, #tpu.memory_space<vmem>>
      %dma_start3A_257 = arith.constant 0 : i32
      %dma_start3A_258 = tpu.memref_slice %arg10[%add3A_52, %dma_start3A_257] : memref<10240x64xf32, #tpu.memory_space<vmem_shared>> -> memref<64x64xf32, #tpu.memory_space<vmem_shared>>
      %dma_start3A_259 = arith.constant 0 : i32
      %dma_start3A_260 = tpu.memref_slice %arg10[%add3A_52, %dma_start3A_259] : memref<10240x64xf32, #tpu.memory_space<vmem_shared>> -> memref<64x64xf32, #tpu.memory_space<vmem_shared>>
      %dma_start3A_261 = arith.constant 0 : i32
      %dma_start3A_262 = arith.constant 0 : i32
      %dma_start3A_263 = tpu.memref_slice %arg8[%run_scoped3A_53, %dma_start3A_261, %dma_start3A_262] : memref<4x64x64xf32, #tpu.memory_space<vmem>> -> memref<1x64x64xf32, #tpu.memory_space<vmem>>
      %dma_start3A_264 = tpu.memref_squeeze %dma_start3A_263 : memref<1x64x64xf32, #tpu.memory_space<vmem>> -> memref<64x64xf32, #tpu.memory_space<vmem>>
      tpu.enqueue_dma source(%dma_start3A_264 : memref<64x64xf32, #tpu.memory_space<vmem>>) target(%dma_start3A_260 : memref<64x64xf32, #tpu.memory_space<vmem_shared>>) target_semaphore(%run_scoped3A_252 : memref<!tpu.dma_semaphore, #tpu.memory_space<semaphore_mem>>)
      %dma_wait3A_265 = arith.constant 0 : i32
      %dma_wait3A_266 = arith.constant 0 : i32
      %dma_wait3A_267 = tpu.memref_slice %arg8[%run_scoped3A_53, %dma_wait3A_265, %dma_wait3A_266] : memref<4x64x64xf32, #tpu.memory_space<vmem>> -> memref<1x64x64xf32, #tpu.memory_space<vmem>>
      %dma_wait3A_268 = tpu.memref_squeeze %dma_wait3A_267 : memref<1x64x64xf32, #tpu.memory_space<vmem>> -> memref<64x64xf32, #tpu.memory_space<vmem>>
      %dma_wait3A_269 = arith.constant 0 : i32
      %dma_wait3A_270 = tpu.memref_slice %arg10[%add3A_52, %dma_wait3A_269] : memref<10240x64xf32, #tpu.memory_space<vmem_shared>> -> memref<64x64xf32, #tpu.memory_space<vmem_shared>>
      %dma_wait3A_271 = arith.constant 0 : i32
      %dma_wait3A_272 = tpu.memref_slice %arg10[%add3A_52, %dma_wait3A_271] : memref<10240x64xf32, #tpu.memory_space<vmem_shared>> -> memref<64x64xf32, #tpu.memory_space<vmem_shared>>
      %dma_wait3A_273 = arith.constant 0 : i32
      %dma_wait3A_274 = arith.constant 0 : i32
      %dma_wait3A_275 = tpu.memref_slice %arg8[%run_scoped3A_53, %dma_wait3A_273, %dma_wait3A_274] : memref<4x64x64xf32, #tpu.memory_space<vmem>> -> memref<1x64x64xf32, #tpu.memory_space<vmem>>
      %dma_wait3A_276 = tpu.memref_squeeze %dma_wait3A_275 : memref<1x64x64xf32, #tpu.memory_space<vmem>> -> memref<64x64xf32, #tpu.memory_space<vmem>>
      tpu.wait_dma2 semaphore(%run_scoped3A_252 : memref<!tpu.dma_semaphore, #tpu.memory_space<semaphore_mem>>) src(%dma_wait3A_276 : memref<64x64xf32, #tpu.memory_space<vmem>>) dst(%dma_wait3A_272 : memref<64x64xf32, #tpu.memory_space<vmem_shared>>)
      tpu.yield
    }) : () -> ()
    %mul3A_54 = arith.constant 640 : i32
    %mul3A_55 = arith.muli %arg1, %mul3A_54 : i32
    %add3A_56 = arith.constant 192 : i32
    %add3A_57 = arith.addi %mul3A_55, %add3A_56 : i32
    %run_scoped3A_58 = arith.constant 0 : i32
    "tpu.region"() ({
      %run_scoped3A_252 = tpu.sem_alloc : memref<!tpu.dma_semaphore, #tpu.memory_space<semaphore_mem>>
      %dma_start3A_253 = arith.constant 0 : i32
      %dma_start3A_254 = arith.constant 0 : i32
      %dma_start3A_255 = tpu.memref_slice %arg8[%run_scoped3A_58, %dma_start3A_253, %dma_start3A_254] : memref<4x64x64xf32, #tpu.memory_space<vmem>> -> memref<1x64x64xf32, #tpu.memory_space<vmem>>
      %dma_start3A_256 = tpu.memref_squeeze %dma_start3A_255 : memref<1x64x64xf32, #tpu.memory_space<vmem>> -> memref<64x64xf32, #tpu.memory_space<vmem>>
      %dma_start3A_257 = arith.constant 0 : i32
      %dma_start3A_258 = tpu.memref_slice %arg10[%add3A_57, %dma_start3A_257] : memref<10240x64xf32, #tpu.memory_space<vmem_shared>> -> memref<64x64xf32, #tpu.memory_space<vmem_shared>>
      %dma_start3A_259 = arith.constant 0 : i32
      %dma_start3A_260 = tpu.memref_slice %arg10[%add3A_57, %dma_start3A_259] : memref<10240x64xf32, #tpu.memory_space<vmem_shared>> -> memref<64x64xf32, #tpu.memory_space<vmem_shared>>
      %dma_start3A_261 = arith.constant 0 : i32
      %dma_start3A_262 = arith.constant 0 : i32
      %dma_start3A_263 = tpu.memref_slice %arg8[%run_scoped3A_58, %dma_start3A_261, %dma_start3A_262] : memref<4x64x64xf32, #tpu.memory_space<vmem>> -> memref<1x64x64xf32, #tpu.memory_space<vmem>>
      %dma_start3A_264 = tpu.memref_squeeze %dma_start3A_263 : memref<1x64x64xf32, #tpu.memory_space<vmem>> -> memref<64x64xf32, #tpu.memory_space<vmem>>
      tpu.enqueue_dma source(%dma_start3A_264 : memref<64x64xf32, #tpu.memory_space<vmem>>) target(%dma_start3A_260 : memref<64x64xf32, #tpu.memory_space<vmem_shared>>) target_semaphore(%run_scoped3A_252 : memref<!tpu.dma_semaphore, #tpu.memory_space<semaphore_mem>>)
      %dma_wait3A_265 = arith.constant 0 : i32
      %dma_wait3A_266 = arith.constant 0 : i32
      %dma_wait3A_267 = tpu.memref_slice %arg8[%run_scoped3A_58, %dma_wait3A_265, %dma_wait3A_266] : memref<4x64x64xf32, #tpu.memory_space<vmem>> -> memref<1x64x64xf32, #tpu.memory_space<vmem>>
      %dma_wait3A_268 = tpu.memref_squeeze %dma_wait3A_267 : memref<1x64x64xf32, #tpu.memory_space<vmem>> -> memref<64x64xf32, #tpu.memory_space<vmem>>
      %dma_wait3A_269 = arith.constant 0 : i32
      %dma_wait3A_270 = tpu.memref_slice %arg10[%add3A_57, %dma_wait3A_269] : memref<10240x64xf32, #tpu.memory_space<vmem_shared>> -> memref<64x64xf32, #tpu.memory_space<vmem_shared>>
      %dma_wait3A_271 = arith.constant 0 : i32
      %dma_wait3A_272 = tpu.memref_slice %arg10[%add3A_57, %dma_wait3A_271] : memref<10240x64xf32, #tpu.memory_space<vmem_shared>> -> memref<64x64xf32, #tpu.memory_space<vmem_shared>>
      %dma_wait3A_273 = arith.constant 0 : i32
      %dma_wait3A_274 = arith.constant 0 : i32
      %dma_wait3A_275 = tpu.memref_slice %arg8[%run_scoped3A_58, %dma_wait3A_273, %dma_wait3A_274] : memref<4x64x64xf32, #tpu.memory_space<vmem>> -> memref<1x64x64xf32, #tpu.memory_space<vmem>>
      %dma_wait3A_276 = tpu.memref_squeeze %dma_wait3A_275 : memref<1x64x64xf32, #tpu.memory_space<vmem>> -> memref<64x64xf32, #tpu.memory_space<vmem>>
      tpu.wait_dma2 semaphore(%run_scoped3A_252 : memref<!tpu.dma_semaphore, #tpu.memory_space<semaphore_mem>>) src(%dma_wait3A_276 : memref<64x64xf32, #tpu.memory_space<vmem>>) dst(%dma_wait3A_272 : memref<64x64xf32, #tpu.memory_space<vmem_shared>>)
      tpu.yield
    }) : () -> ()
    %mul3A_59 = arith.constant 640 : i32
    %mul3A_60 = arith.muli %arg1, %mul3A_59 : i32
    %add3A_61 = arith.constant 256 : i32
    %add3A_62 = arith.addi %mul3A_60, %add3A_61 : i32
    %run_scoped3A_63 = arith.constant 0 : i32
    "tpu.region"() ({
      %run_scoped3A_252 = tpu.sem_alloc : memref<!tpu.dma_semaphore, #tpu.memory_space<semaphore_mem>>
      %dma_start3A_253 = arith.constant 0 : i32
      %dma_start3A_254 = arith.constant 0 : i32
      %dma_start3A_255 = tpu.memref_slice %arg8[%run_scoped3A_63, %dma_start3A_253, %dma_start3A_254] : memref<4x64x64xf32, #tpu.memory_space<vmem>> -> memref<1x64x64xf32, #tpu.memory_space<vmem>>
      %dma_start3A_256 = tpu.memref_squeeze %dma_start3A_255 : memref<1x64x64xf32, #tpu.memory_space<vmem>> -> memref<64x64xf32, #tpu.memory_space<vmem>>
      %dma_start3A_257 = arith.constant 0 : i32
      %dma_start3A_258 = tpu.memref_slice %arg10[%add3A_62, %dma_start3A_257] : memref<10240x64xf32, #tpu.memory_space<vmem_shared>> -> memref<64x64xf32, #tpu.memory_space<vmem_shared>>
      %dma_start3A_259 = arith.constant 0 : i32
      %dma_start3A_260 = tpu.memref_slice %arg10[%add3A_62, %dma_start3A_259] : memref<10240x64xf32, #tpu.memory_space<vmem_shared>> -> memref<64x64xf32, #tpu.memory_space<vmem_shared>>
      %dma_start3A_261 = arith.constant 0 : i32
      %dma_start3A_262 = arith.constant 0 : i32
      %dma_start3A_263 = tpu.memref_slice %arg8[%run_scoped3A_63, %dma_start3A_261, %dma_start3A_262] : memref<4x64x64xf32, #tpu.memory_space<vmem>> -> memref<1x64x64xf32, #tpu.memory_space<vmem>>
      %dma_start3A_264 = tpu.memref_squeeze %dma_start3A_263 : memref<1x64x64xf32, #tpu.memory_space<vmem>> -> memref<64x64xf32, #tpu.memory_space<vmem>>
      tpu.enqueue_dma source(%dma_start3A_264 : memref<64x64xf32, #tpu.memory_space<vmem>>) target(%dma_start3A_260 : memref<64x64xf32, #tpu.memory_space<vmem_shared>>) target_semaphore(%run_scoped3A_252 : memref<!tpu.dma_semaphore, #tpu.memory_space<semaphore_mem>>)
      %dma_wait3A_265 = arith.constant 0 : i32
      %dma_wait3A_266 = arith.constant 0 : i32
      %dma_wait3A_267 = tpu.memref_slice %arg8[%run_scoped3A_63, %dma_wait3A_265, %dma_wait3A_266] : memref<4x64x64xf32, #tpu.memory_space<vmem>> -> memref<1x64x64xf32, #tpu.memory_space<vmem>>
      %dma_wait3A_268 = tpu.memref_squeeze %dma_wait3A_267 : memref<1x64x64xf32, #tpu.memory_space<vmem>> -> memref<64x64xf32, #tpu.memory_space<vmem>>
      %dma_wait3A_269 = arith.constant 0 : i32
      %dma_wait3A_270 = tpu.memref_slice %arg10[%add3A_62, %dma_wait3A_269] : memref<10240x64xf32, #tpu.memory_space<vmem_shared>> -> memref<64x64xf32, #tpu.memory_space<vmem_shared>>
      %dma_wait3A_271 = arith.constant 0 : i32
      %dma_wait3A_272 = tpu.memref_slice %arg10[%add3A_62, %dma_wait3A_271] : memref<10240x64xf32, #tpu.memory_space<vmem_shared>> -> memref<64x64xf32, #tpu.memory_space<vmem_shared>>
      %dma_wait3A_273 = arith.constant 0 : i32
      %dma_wait3A_274 = arith.constant 0 : i32
      %dma_wait3A_275 = tpu.memref_slice %arg8[%run_scoped3A_63, %dma_wait3A_273, %dma_wait3A_274] : memref<4x64x64xf32, #tpu.memory_space<vmem>> -> memref<1x64x64xf32, #tpu.memory_space<vmem>>
      %dma_wait3A_276 = tpu.memref_squeeze %dma_wait3A_275 : memref<1x64x64xf32, #tpu.memory_space<vmem>> -> memref<64x64xf32, #tpu.memory_space<vmem>>
      tpu.wait_dma2 semaphore(%run_scoped3A_252 : memref<!tpu.dma_semaphore, #tpu.memory_space<semaphore_mem>>) src(%dma_wait3A_276 : memref<64x64xf32, #tpu.memory_space<vmem>>) dst(%dma_wait3A_272 : memref<64x64xf32, #tpu.memory_space<vmem_shared>>)
      tpu.yield
    }) : () -> ()
    %mul3A_64 = arith.constant 640 : i32
    %mul3A_65 = arith.muli %arg1, %mul3A_64 : i32
    %add3A_66 = arith.constant 320 : i32
    %add3A_67 = arith.addi %mul3A_65, %add3A_66 : i32
    %run_scoped3A_68 = arith.constant 0 : i32
    "tpu.region"() ({
      %run_scoped3A_252 = tpu.sem_alloc : memref<!tpu.dma_semaphore, #tpu.memory_space<semaphore_mem>>
      %dma_start3A_253 = arith.constant 0 : i32
      %dma_start3A_254 = arith.constant 0 : i32
      %dma_start3A_255 = tpu.memref_slice %arg8[%run_scoped3A_68, %dma_start3A_253, %dma_start3A_254] : memref<4x64x64xf32, #tpu.memory_space<vmem>> -> memref<1x64x64xf32, #tpu.memory_space<vmem>>
      %dma_start3A_256 = tpu.memref_squeeze %dma_start3A_255 : memref<1x64x64xf32, #tpu.memory_space<vmem>> -> memref<64x64xf32, #tpu.memory_space<vmem>>
      %dma_start3A_257 = arith.constant 0 : i32
      %dma_start3A_258 = tpu.memref_slice %arg10[%add3A_67, %dma_start3A_257] : memref<10240x64xf32, #tpu.memory_space<vmem_shared>> -> memref<64x64xf32, #tpu.memory_space<vmem_shared>>
      %dma_start3A_259 = arith.constant 0 : i32
      %dma_start3A_260 = tpu.memref_slice %arg10[%add3A_67, %dma_start3A_259] : memref<10240x64xf32, #tpu.memory_space<vmem_shared>> -> memref<64x64xf32, #tpu.memory_space<vmem_shared>>
      %dma_start3A_261 = arith.constant 0 : i32
      %dma_start3A_262 = arith.constant 0 : i32
      %dma_start3A_263 = tpu.memref_slice %arg8[%run_scoped3A_68, %dma_start3A_261, %dma_start3A_262] : memref<4x64x64xf32, #tpu.memory_space<vmem>> -> memref<1x64x64xf32, #tpu.memory_space<vmem>>
      %dma_start3A_264 = tpu.memref_squeeze %dma_start3A_263 : memref<1x64x64xf32, #tpu.memory_space<vmem>> -> memref<64x64xf32, #tpu.memory_space<vmem>>
      tpu.enqueue_dma source(%dma_start3A_264 : memref<64x64xf32, #tpu.memory_space<vmem>>) target(%dma_start3A_260 : memref<64x64xf32, #tpu.memory_space<vmem_shared>>) target_semaphore(%run_scoped3A_252 : memref<!tpu.dma_semaphore, #tpu.memory_space<semaphore_mem>>)
      %dma_wait3A_265 = arith.constant 0 : i32
      %dma_wait3A_266 = arith.constant 0 : i32
      %dma_wait3A_267 = tpu.memref_slice %arg8[%run_scoped3A_68, %dma_wait3A_265, %dma_wait3A_266] : memref<4x64x64xf32, #tpu.memory_space<vmem>> -> memref<1x64x64xf32, #tpu.memory_space<vmem>>
      %dma_wait3A_268 = tpu.memref_squeeze %dma_wait3A_267 : memref<1x64x64xf32, #tpu.memory_space<vmem>> -> memref<64x64xf32, #tpu.memory_space<vmem>>
      %dma_wait3A_269 = arith.constant 0 : i32
      %dma_wait3A_270 = tpu.memref_slice %arg10[%add3A_67, %dma_wait3A_269] : memref<10240x64xf32, #tpu.memory_space<vmem_shared>> -> memref<64x64xf32, #tpu.memory_space<vmem_shared>>
      %dma_wait3A_271 = arith.constant 0 : i32
      %dma_wait3A_272 = tpu.memref_slice %arg10[%add3A_67, %dma_wait3A_271] : memref<10240x64xf32, #tpu.memory_space<vmem_shared>> -> memref<64x64xf32, #tpu.memory_space<vmem_shared>>
      %dma_wait3A_273 = arith.constant 0 : i32
      %dma_wait3A_274 = arith.constant 0 : i32
      %dma_wait3A_275 = tpu.memref_slice %arg8[%run_scoped3A_68, %dma_wait3A_273, %dma_wait3A_274] : memref<4x64x64xf32, #tpu.memory_space<vmem>> -> memref<1x64x64xf32, #tpu.memory_space<vmem>>
      %dma_wait3A_276 = tpu.memref_squeeze %dma_wait3A_275 : memref<1x64x64xf32, #tpu.memory_space<vmem>> -> memref<64x64xf32, #tpu.memory_space<vmem>>
      tpu.wait_dma2 semaphore(%run_scoped3A_252 : memref<!tpu.dma_semaphore, #tpu.memory_space<semaphore_mem>>) src(%dma_wait3A_276 : memref<64x64xf32, #tpu.memory_space<vmem>>) dst(%dma_wait3A_272 : memref<64x64xf32, #tpu.memory_space<vmem_shared>>)
      tpu.yield
    }) : () -> ()
    %mul3A_69 = arith.constant 640 : i32
    %mul3A_70 = arith.muli %arg1, %mul3A_69 : i32
    %add3A_71 = arith.constant 384 : i32
    %add3A_72 = arith.addi %mul3A_70, %add3A_71 : i32
    %run_scoped3A_73 = arith.constant 0 : i32
    "tpu.region"() ({
      %run_scoped3A_252 = tpu.sem_alloc : memref<!tpu.dma_semaphore, #tpu.memory_space<semaphore_mem>>
      %dma_start3A_253 = arith.constant 0 : i32
      %dma_start3A_254 = arith.constant 0 : i32
      %dma_start3A_255 = tpu.memref_slice %arg8[%run_scoped3A_73, %dma_start3A_253, %dma_start3A_254] : memref<4x64x64xf32, #tpu.memory_space<vmem>> -> memref<1x64x64xf32, #tpu.memory_space<vmem>>
      %dma_start3A_256 = tpu.memref_squeeze %dma_start3A_255 : memref<1x64x64xf32, #tpu.memory_space<vmem>> -> memref<64x64xf32, #tpu.memory_space<vmem>>
      %dma_start3A_257 = arith.constant 0 : i32
      %dma_start3A_258 = tpu.memref_slice %arg10[%add3A_72, %dma_start3A_257] : memref<10240x64xf32, #tpu.memory_space<vmem_shared>> -> memref<64x64xf32, #tpu.memory_space<vmem_shared>>
      %dma_start3A_259 = arith.constant 0 : i32
      %dma_start3A_260 = tpu.memref_slice %arg10[%add3A_72, %dma_start3A_259] : memref<10240x64xf32, #tpu.memory_space<vmem_shared>> -> memref<64x64xf32, #tpu.memory_space<vmem_shared>>
      %dma_start3A_261 = arith.constant 0 : i32
      %dma_start3A_262 = arith.constant 0 : i32
      %dma_start3A_263 = tpu.memref_slice %arg8[%run_scoped3A_73, %dma_start3A_261, %dma_start3A_262] : memref<4x64x64xf32, #tpu.memory_space<vmem>> -> memref<1x64x64xf32, #tpu.memory_space<vmem>>
      %dma_start3A_264 = tpu.memref_squeeze %dma_start3A_263 : memref<1x64x64xf32, #tpu.memory_space<vmem>> -> memref<64x64xf32, #tpu.memory_space<vmem>>
      tpu.enqueue_dma source(%dma_start3A_264 : memref<64x64xf32, #tpu.memory_space<vmem>>) target(%dma_start3A_260 : memref<64x64xf32, #tpu.memory_space<vmem_shared>>) target_semaphore(%run_scoped3A_252 : memref<!tpu.dma_semaphore, #tpu.memory_space<semaphore_mem>>)
      %dma_wait3A_265 = arith.constant 0 : i32
      %dma_wait3A_266 = arith.constant 0 : i32
      %dma_wait3A_267 = tpu.memref_slice %arg8[%run_scoped3A_73, %dma_wait3A_265, %dma_wait3A_266] : memref<4x64x64xf32, #tpu.memory_space<vmem>> -> memref<1x64x64xf32, #tpu.memory_space<vmem>>
      %dma_wait3A_268 = tpu.memref_squeeze %dma_wait3A_267 : memref<1x64x64xf32, #tpu.memory_space<vmem>> -> memref<64x64xf32, #tpu.memory_space<vmem>>
      %dma_wait3A_269 = arith.constant 0 : i32
      %dma_wait3A_270 = tpu.memref_slice %arg10[%add3A_72, %dma_wait3A_269] : memref<10240x64xf32, #tpu.memory_space<vmem_shared>> -> memref<64x64xf32, #tpu.memory_space<vmem_shared>>
      %dma_wait3A_271 = arith.constant 0 : i32
      %dma_wait3A_272 = tpu.memref_slice %arg10[%add3A_72, %dma_wait3A_271] : memref<10240x64xf32, #tpu.memory_space<vmem_shared>> -> memref<64x64xf32, #tpu.memory_space<vmem_shared>>
      %dma_wait3A_273 = arith.constant 0 : i32
      %dma_wait3A_274 = arith.constant 0 : i32
      %dma_wait3A_275 = tpu.memref_slice %arg8[%run_scoped3A_73, %dma_wait3A_273, %dma_wait3A_274] : memref<4x64x64xf32, #tpu.memory_space<vmem>> -> memref<1x64x64xf32, #tpu.memory_space<vmem>>
      %dma_wait3A_276 = tpu.memref_squeeze %dma_wait3A_275 : memref<1x64x64xf32, #tpu.memory_space<vmem>> -> memref<64x64xf32, #tpu.memory_space<vmem>>
      tpu.wait_dma2 semaphore(%run_scoped3A_252 : memref<!tpu.dma_semaphore, #tpu.memory_space<semaphore_mem>>) src(%dma_wait3A_276 : memref<64x64xf32, #tpu.memory_space<vmem>>) dst(%dma_wait3A_272 : memref<64x64xf32, #tpu.memory_space<vmem_shared>>)
      tpu.yield
    }) : () -> ()
    %mul3A_74 = arith.constant 640 : i32
    %mul3A_75 = arith.muli %arg1, %mul3A_74 : i32
    %add3A_76 = arith.constant 448 : i32
    %add3A_77 = arith.addi %mul3A_75, %add3A_76 : i32
    %run_scoped3A_78 = arith.constant 0 : i32
    "tpu.region"() ({
      %run_scoped3A_252 = tpu.sem_alloc : memref<!tpu.dma_semaphore, #tpu.memory_space<semaphore_mem>>
      %dma_start3A_253 = arith.constant 0 : i32
      %dma_start3A_254 = arith.constant 0 : i32
      %dma_start3A_255 = tpu.memref_slice %arg8[%run_scoped3A_78, %dma_start3A_253, %dma_start3A_254] : memref<4x64x64xf32, #tpu.memory_space<vmem>> -> memref<1x64x64xf32, #tpu.memory_space<vmem>>
      %dma_start3A_256 = tpu.memref_squeeze %dma_start3A_255 : memref<1x64x64xf32, #tpu.memory_space<vmem>> -> memref<64x64xf32, #tpu.memory_space<vmem>>
      %dma_start3A_257 = arith.constant 0 : i32
      %dma_start3A_258 = tpu.memref_slice %arg10[%add3A_77, %dma_start3A_257] : memref<10240x64xf32, #tpu.memory_space<vmem_shared>> -> memref<64x64xf32, #tpu.memory_space<vmem_shared>>
      %dma_start3A_259 = arith.constant 0 : i32
      %dma_start3A_260 = tpu.memref_slice %arg10[%add3A_77, %dma_start3A_259] : memref<10240x64xf32, #tpu.memory_space<vmem_shared>> -> memref<64x64xf32, #tpu.memory_space<vmem_shared>>
      %dma_start3A_261 = arith.constant 0 : i32
      %dma_start3A_262 = arith.constant 0 : i32
      %dma_start3A_263 = tpu.memref_slice %arg8[%run_scoped3A_78, %dma_start3A_261, %dma_start3A_262] : memref<4x64x64xf32, #tpu.memory_space<vmem>> -> memref<1x64x64xf32, #tpu.memory_space<vmem>>
      %dma_start3A_264 = tpu.memref_squeeze %dma_start3A_263 : memref<1x64x64xf32, #tpu.memory_space<vmem>> -> memref<64x64xf32, #tpu.memory_space<vmem>>
      tpu.enqueue_dma source(%dma_start3A_264 : memref<64x64xf32, #tpu.memory_space<vmem>>) target(%dma_start3A_260 : memref<64x64xf32, #tpu.memory_space<vmem_shared>>) target_semaphore(%run_scoped3A_252 : memref<!tpu.dma_semaphore, #tpu.memory_space<semaphore_mem>>)
      %dma_wait3A_265 = arith.constant 0 : i32
      %dma_wait3A_266 = arith.constant 0 : i32
      %dma_wait3A_267 = tpu.memref_slice %arg8[%run_scoped3A_78, %dma_wait3A_265, %dma_wait3A_266] : memref<4x64x64xf32, #tpu.memory_space<vmem>> -> memref<1x64x64xf32, #tpu.memory_space<vmem>>
      %dma_wait3A_268 = tpu.memref_squeeze %dma_wait3A_267 : memref<1x64x64xf32, #tpu.memory_space<vmem>> -> memref<64x64xf32, #tpu.memory_space<vmem>>
      %dma_wait3A_269 = arith.constant 0 : i32
      %dma_wait3A_270 = tpu.memref_slice %arg10[%add3A_77, %dma_wait3A_269] : memref<10240x64xf32, #tpu.memory_space<vmem_shared>> -> memref<64x64xf32, #tpu.memory_space<vmem_shared>>
      %dma_wait3A_271 = arith.constant 0 : i32
      %dma_wait3A_272 = tpu.memref_slice %arg10[%add3A_77, %dma_wait3A_271] : memref<10240x64xf32, #tpu.memory_space<vmem_shared>> -> memref<64x64xf32, #tpu.memory_space<vmem_shared>>
      %dma_wait3A_273 = arith.constant 0 : i32
      %dma_wait3A_274 = arith.constant 0 : i32
      %dma_wait3A_275 = tpu.memref_slice %arg8[%run_scoped3A_78, %dma_wait3A_273, %dma_wait3A_274] : memref<4x64x64xf32, #tpu.memory_space<vmem>> -> memref<1x64x64xf32, #tpu.memory_space<vmem>>
      %dma_wait3A_276 = tpu.memref_squeeze %dma_wait3A_275 : memref<1x64x64xf32, #tpu.memory_space<vmem>> -> memref<64x64xf32, #tpu.memory_space<vmem>>
      tpu.wait_dma2 semaphore(%run_scoped3A_252 : memref<!tpu.dma_semaphore, #tpu.memory_space<semaphore_mem>>) src(%dma_wait3A_276 : memref<64x64xf32, #tpu.memory_space<vmem>>) dst(%dma_wait3A_272 : memref<64x64xf32, #tpu.memory_space<vmem_shared>>)
      tpu.yield
    }) : () -> ()
    %mul3A_79 = arith.constant 640 : i32
    %mul3A_80 = arith.muli %arg1, %mul3A_79 : i32
    %add3A_81 = arith.constant 512 : i32
    %add3A_82 = arith.addi %mul3A_80, %add3A_81 : i32
    %run_scoped3A_83 = arith.constant 0 : i32
    "tpu.region"() ({
      %run_scoped3A_252 = tpu.sem_alloc : memref<!tpu.dma_semaphore, #tpu.memory_space<semaphore_mem>>
      %dma_start3A_253 = arith.constant 0 : i32
      %dma_start3A_254 = arith.constant 0 : i32
      %dma_start3A_255 = tpu.memref_slice %arg8[%run_scoped3A_83, %dma_start3A_253, %dma_start3A_254] : memref<4x64x64xf32, #tpu.memory_space<vmem>> -> memref<1x64x64xf32, #tpu.memory_space<vmem>>
      %dma_start3A_256 = tpu.memref_squeeze %dma_start3A_255 : memref<1x64x64xf32, #tpu.memory_space<vmem>> -> memref<64x64xf32, #tpu.memory_space<vmem>>
      %dma_start3A_257 = arith.constant 0 : i32
      %dma_start3A_258 = tpu.memref_slice %arg10[%add3A_82, %dma_start3A_257] : memref<10240x64xf32, #tpu.memory_space<vmem_shared>> -> memref<64x64xf32, #tpu.memory_space<vmem_shared>>
      %dma_start3A_259 = arith.constant 0 : i32
      %dma_start3A_260 = tpu.memref_slice %arg10[%add3A_82, %dma_start3A_259] : memref<10240x64xf32, #tpu.memory_space<vmem_shared>> -> memref<64x64xf32, #tpu.memory_space<vmem_shared>>
      %dma_start3A_261 = arith.constant 0 : i32
      %dma_start3A_262 = arith.constant 0 : i32
      %dma_start3A_263 = tpu.memref_slice %arg8[%run_scoped3A_83, %dma_start3A_261, %dma_start3A_262] : memref<4x64x64xf32, #tpu.memory_space<vmem>> -> memref<1x64x64xf32, #tpu.memory_space<vmem>>
      %dma_start3A_264 = tpu.memref_squeeze %dma_start3A_263 : memref<1x64x64xf32, #tpu.memory_space<vmem>> -> memref<64x64xf32, #tpu.memory_space<vmem>>
      tpu.enqueue_dma source(%dma_start3A_264 : memref<64x64xf32, #tpu.memory_space<vmem>>) target(%dma_start3A_260 : memref<64x64xf32, #tpu.memory_space<vmem_shared>>) target_semaphore(%run_scoped3A_252 : memref<!tpu.dma_semaphore, #tpu.memory_space<semaphore_mem>>)
      %dma_wait3A_265 = arith.constant 0 : i32
      %dma_wait3A_266 = arith.constant 0 : i32
      %dma_wait3A_267 = tpu.memref_slice %arg8[%run_scoped3A_83, %dma_wait3A_265, %dma_wait3A_266] : memref<4x64x64xf32, #tpu.memory_space<vmem>> -> memref<1x64x64xf32, #tpu.memory_space<vmem>>
      %dma_wait3A_268 = tpu.memref_squeeze %dma_wait3A_267 : memref<1x64x64xf32, #tpu.memory_space<vmem>> -> memref<64x64xf32, #tpu.memory_space<vmem>>
      %dma_wait3A_269 = arith.constant 0 : i32
      %dma_wait3A_270 = tpu.memref_slice %arg10[%add3A_82, %dma_wait3A_269] : memref<10240x64xf32, #tpu.memory_space<vmem_shared>> -> memref<64x64xf32, #tpu.memory_space<vmem_shared>>
      %dma_wait3A_271 = arith.constant 0 : i32
      %dma_wait3A_272 = tpu.memref_slice %arg10[%add3A_82, %dma_wait3A_271] : memref<10240x64xf32, #tpu.memory_space<vmem_shared>> -> memref<64x64xf32, #tpu.memory_space<vmem_shared>>
      %dma_wait3A_273 = arith.constant 0 : i32
      %dma_wait3A_274 = arith.constant 0 : i32
      %dma_wait3A_275 = tpu.memref_slice %arg8[%run_scoped3A_83, %dma_wait3A_273, %dma_wait3A_274] : memref<4x64x64xf32, #tpu.memory_space<vmem>> -> memref<1x64x64xf32, #tpu.memory_space<vmem>>
      %dma_wait3A_276 = tpu.memref_squeeze %dma_wait3A_275 : memref<1x64x64xf32, #tpu.memory_space<vmem>> -> memref<64x64xf32, #tpu.memory_space<vmem>>
      tpu.wait_dma2 semaphore(%run_scoped3A_252 : memref<!tpu.dma_semaphore, #tpu.memory_space<semaphore_mem>>) src(%dma_wait3A_276 : memref<64x64xf32, #tpu.memory_space<vmem>>) dst(%dma_wait3A_272 : memref<64x64xf32, #tpu.memory_space<vmem_shared>>)
      tpu.yield
    }) : () -> ()
    %mul3A_84 = arith.constant 640 : i32
    %mul3A_85 = arith.muli %arg1, %mul3A_84 : i32
    %add3A_86 = arith.constant 576 : i32
    %add3A_87 = arith.addi %mul3A_85, %add3A_86 : i32
    %run_scoped3A_88 = arith.constant 0 : i32
    "tpu.region"() ({
      %run_scoped3A_252 = tpu.sem_alloc : memref<!tpu.dma_semaphore, #tpu.memory_space<semaphore_mem>>
      %dma_start3A_253 = arith.constant 0 : i32
      %dma_start3A_254 = arith.constant 0 : i32
      %dma_start3A_255 = tpu.memref_slice %arg8[%run_scoped3A_88, %dma_start3A_253, %dma_start3A_254] : memref<4x64x64xf32, #tpu.memory_space<vmem>> -> memref<1x64x64xf32, #tpu.memory_space<vmem>>
      %dma_start3A_256 = tpu.memref_squeeze %dma_start3A_255 : memref<1x64x64xf32, #tpu.memory_space<vmem>> -> memref<64x64xf32, #tpu.memory_space<vmem>>
      %dma_start3A_257 = arith.constant 0 : i32
      %dma_start3A_258 = tpu.memref_slice %arg10[%add3A_87, %dma_start3A_257] : memref<10240x64xf32, #tpu.memory_space<vmem_shared>> -> memref<64x64xf32, #tpu.memory_space<vmem_shared>>
      %dma_start3A_259 = arith.constant 0 : i32
      %dma_start3A_260 = tpu.memref_slice %arg10[%add3A_87, %dma_start3A_259] : memref<10240x64xf32, #tpu.memory_space<vmem_shared>> -> memref<64x64xf32, #tpu.memory_space<vmem_shared>>
      %dma_start3A_261 = arith.constant 0 : i32
      %dma_start3A_262 = arith.constant 0 : i32
      %dma_start3A_263 = tpu.memref_slice %arg8[%run_scoped3A_88, %dma_start3A_261, %dma_start3A_262] : memref<4x64x64xf32, #tpu.memory_space<vmem>> -> memref<1x64x64xf32, #tpu.memory_space<vmem>>
      %dma_start3A_264 = tpu.memref_squeeze %dma_start3A_263 : memref<1x64x64xf32, #tpu.memory_space<vmem>> -> memref<64x64xf32, #tpu.memory_space<vmem>>
      tpu.enqueue_dma source(%dma_start3A_264 : memref<64x64xf32, #tpu.memory_space<vmem>>) target(%dma_start3A_260 : memref<64x64xf32, #tpu.memory_space<vmem_shared>>) target_semaphore(%run_scoped3A_252 : memref<!tpu.dma_semaphore, #tpu.memory_space<semaphore_mem>>)
      %dma_wait3A_265 = arith.constant 0 : i32
      %dma_wait3A_266 = arith.constant 0 : i32
      %dma_wait3A_267 = tpu.memref_slice %arg8[%run_scoped3A_88, %dma_wait3A_265, %dma_wait3A_266] : memref<4x64x64xf32, #tpu.memory_space<vmem>> -> memref<1x64x64xf32, #tpu.memory_space<vmem>>
      %dma_wait3A_268 = tpu.memref_squeeze %dma_wait3A_267 : memref<1x64x64xf32, #tpu.memory_space<vmem>> -> memref<64x64xf32, #tpu.memory_space<vmem>>
      %dma_wait3A_269 = arith.constant 0 : i32
      %dma_wait3A_270 = tpu.memref_slice %arg10[%add3A_87, %dma_wait3A_269] : memref<10240x64xf32, #tpu.memory_space<vmem_shared>> -> memref<64x64xf32, #tpu.memory_space<vmem_shared>>
      %dma_wait3A_271 = arith.constant 0 : i32
      %dma_wait3A_272 = tpu.memref_slice %arg10[%add3A_87, %dma_wait3A_271] : memref<10240x64xf32, #tpu.memory_space<vmem_shared>> -> memref<64x64xf32, #tpu.memory_space<vmem_shared>>
      %dma_wait3A_273 = arith.constant 0 : i32
      %dma_wait3A_274 = arith.constant 0 : i32
      %dma_wait3A_275 = tpu.memref_slice %arg8[%run_scoped3A_88, %dma_wait3A_273, %dma_wait3A_274] : memref<4x64x64xf32, #tpu.memory_space<vmem>> -> memref<1x64x64xf32, #tpu.memory_space<vmem>>
      %dma_wait3A_276 = tpu.memref_squeeze %dma_wait3A_275 : memref<1x64x64xf32, #tpu.memory_space<vmem>> -> memref<64x64xf32, #tpu.memory_space<vmem>>
      tpu.wait_dma2 semaphore(%run_scoped3A_252 : memref<!tpu.dma_semaphore, #tpu.memory_space<semaphore_mem>>) src(%dma_wait3A_276 : memref<64x64xf32, #tpu.memory_space<vmem>>) dst(%dma_wait3A_272 : memref<64x64xf32, #tpu.memory_space<vmem_shared>>)
      tpu.yield
    }) : () -> ()
    %dma_wait3A = arith.constant 0 : i32
    %dma_wait3A_89 = arith.constant 0 : i32
    %dma_wait3A_90 = arith.constant 0 : i32
    %dma_wait3A_91 = tpu.memref_slice %arg3[%add3A, %dma_wait3A_89, %dma_wait3A_90] : memref<32x160x64xi32, #tpu.memory_space<hbm>> -> memref<1x160x64xi32, #tpu.memory_space<hbm>>
    %dma_wait3A_92 = tpu.memref_squeeze %dma_wait3A_91 : memref<1x160x64xi32, #tpu.memory_space<hbm>> -> memref<160x64xi32, #tpu.memory_space<hbm>>
    %dma_wait3A_93 = tpu.memref_slice %arg11[%dma_wait3A] : memref<4x!tpu.dma_semaphore, #tpu.memory_space<semaphore_mem>> -> memref<1x!tpu.dma_semaphore, #tpu.memory_space<semaphore_mem>>
    %dma_wait3A_94 = tpu.memref_squeeze %dma_wait3A_93 : memref<1x!tpu.dma_semaphore, #tpu.memory_space<semaphore_mem>> -> memref<!tpu.dma_semaphore, #tpu.memory_space<semaphore_mem>>
    %dma_wait3A_95 = arith.constant 0 : i32
    %dma_wait3A_96 = arith.constant 0 : i32
    %dma_wait3A_97 = tpu.memref_slice %arg3[%add3A, %dma_wait3A_95, %dma_wait3A_96] : memref<32x160x64xi32, #tpu.memory_space<hbm>> -> memref<1x160x64xi32, #tpu.memory_space<hbm>>
    %dma_wait3A_98 = tpu.memref_squeeze %dma_wait3A_97 : memref<1x160x64xi32, #tpu.memory_space<hbm>> -> memref<160x64xi32, #tpu.memory_space<hbm>>
    tpu.wait_dma2 semaphore(%dma_wait3A_94 : memref<!tpu.dma_semaphore, #tpu.memory_space<semaphore_mem>>) src(%dma_wait3A_98 : memref<160x64xi32, #tpu.memory_space<hbm>>) dst(%arg6 : memref<160x64xi32, #tpu.memory_space<vmem>>)
    %dma_wait3A_99 = arith.constant 1 : i32
    %dma_wait3A_100 = arith.constant 0 : i32
    %dma_wait3A_101 = arith.constant 0 : i32
    %dma_wait3A_102 = tpu.memref_slice %arg4[%add3A, %dma_wait3A_100, %dma_wait3A_101] : memref<32x160x64xi32, #tpu.memory_space<hbm>> -> memref<1x160x64xi32, #tpu.memory_space<hbm>>
    %dma_wait3A_103 = tpu.memref_squeeze %dma_wait3A_102 : memref<1x160x64xi32, #tpu.memory_space<hbm>> -> memref<160x64xi32, #tpu.memory_space<hbm>>
    %dma_wait3A_104 = tpu.memref_slice %arg11[%dma_wait3A_99] : memref<4x!tpu.dma_semaphore, #tpu.memory_space<semaphore_mem>> -> memref<1x!tpu.dma_semaphore, #tpu.memory_space<semaphore_mem>>
    %dma_wait3A_105 = tpu.memref_squeeze %dma_wait3A_104 : memref<1x!tpu.dma_semaphore, #tpu.memory_space<semaphore_mem>> -> memref<!tpu.dma_semaphore, #tpu.memory_space<semaphore_mem>>
    %dma_wait3A_106 = arith.constant 0 : i32
    %dma_wait3A_107 = arith.constant 0 : i32
    %dma_wait3A_108 = tpu.memref_slice %arg4[%add3A, %dma_wait3A_106, %dma_wait3A_107] : memref<32x160x64xi32, #tpu.memory_space<hbm>> -> memref<1x160x64xi32, #tpu.memory_space<hbm>>
    %dma_wait3A_109 = tpu.memref_squeeze %dma_wait3A_108 : memref<1x160x64xi32, #tpu.memory_space<hbm>> -> memref<160x64xi32, #tpu.memory_space<hbm>>
    tpu.wait_dma2 semaphore(%dma_wait3A_105 : memref<!tpu.dma_semaphore, #tpu.memory_space<semaphore_mem>>) src(%dma_wait3A_109 : memref<160x64xi32, #tpu.memory_space<hbm>>) dst(%arg7 : memref<160x64xi32, #tpu.memory_space<vmem>>)
    %mul3A_110 = arith.constant 640 : i32
    %mul3A_111 = arith.muli %arg1, %mul3A_110 : i32
    %mul3A_112 = arith.constant 640 : i32
    %mul3A_113 = arith.muli %arg1, %mul3A_112 : i32
    %dma_wait3A_114 = arith.constant 2 : i32
    %dma_wait3A_115 = tpu.memref_slice %arg11[%dma_wait3A_114] : memref<4x!tpu.dma_semaphore, #tpu.memory_space<semaphore_mem>> -> memref<1x!tpu.dma_semaphore, #tpu.memory_space<semaphore_mem>>
    %dma_wait3A_116 = tpu.memref_squeeze %dma_wait3A_115 : memref<1x!tpu.dma_semaphore, #tpu.memory_space<semaphore_mem>> -> memref<!tpu.dma_semaphore, #tpu.memory_space<semaphore_mem>>
    %dma_wait3A_117 = arith.constant 0 : i32
    %dma_wait3A_118 = tpu.memref_slice %arg9[%mul3A_113, %dma_wait3A_117] : memref<10240x64xf32, #tpu.memory_space<vmem_shared>> -> memref<640x64xf32, #tpu.memory_space<vmem_shared>>
    %dma_wait3A_119 = arith.constant 0 : i32
    %dma_wait3A_120 = tpu.memref_slice %arg2[%mul3A_111, %dma_wait3A_119] : memref<10240x64xf32, #tpu.memory_space<hbm>> -> memref<640x64xf32, #tpu.memory_space<hbm>>
    tpu.wait_dma2 semaphore(%dma_wait3A_116 : memref<!tpu.dma_semaphore, #tpu.memory_space<semaphore_mem>>) src(%dma_wait3A_120 : memref<640x64xf32, #tpu.memory_space<hbm>>) dst(%dma_wait3A_118 : memref<640x64xf32, #tpu.memory_space<vmem_shared>>)
    %barrier3A = arith.constant 0 : index
    tpu.barrier barrier_id(%barrier3A)
    %dma_start3A_121 = arith.constant 0 : i32
    %dma_start3A_122 = arith.constant 0 : i32
    %dma_start3A_123 = arith.constant 0 : i32
    %dma_start3A_124 = arith.constant 0 : i32
    %dma_start3A_125 = arith.constant 0 : i32
    %dma_start3A_126 = tpu.memref_slice %arg8[%dma_start3A_122, %dma_start3A_124, %dma_start3A_125] : memref<4x64x64xf32, #tpu.memory_space<vmem>> -> memref<1x64x64xf32, #tpu.memory_space<vmem>>
    %dma_start3A_127 = tpu.memref_squeeze %dma_start3A_126 : memref<1x64x64xf32, #tpu.memory_space<vmem>> -> memref<64x64xf32, #tpu.memory_space<vmem>>
    %dma_start3A_128 = arith.constant 0 : i32
    %dma_start3A_129 = tpu.memref_slice %arg6[%dma_start3A_121, %dma_start3A_128] : memref<160x64xi32, #tpu.memory_space<vmem>> -> memref<1x64xi32, #tpu.memory_space<vmem>>
    %dma_start3A_130 = tpu.memref_squeeze %dma_start3A_129 : memref<1x64xi32, #tpu.memory_space<vmem>> -> memref<64xi32, #tpu.memory_space<vmem>>
    %dma_start3A_131 = arith.constant 0 : i32
    %dma_start3A_132 = arith.constant 0 : i32
    %dma_start3A_133 = tpu.memref_slice %arg9[%dma_start3A_131, %dma_start3A_132] : memref<10240x64xf32, #tpu.memory_space<vmem_shared>> -> memref<10240x64xf32, #tpu.memory_space<vmem_shared>>
    %dma_start3A_134 = tpu.memref_slice %arg11[%dma_start3A_123] : memref<4x!tpu.dma_semaphore, #tpu.memory_space<semaphore_mem>> -> memref<1x!tpu.dma_semaphore, #tpu.memory_space<semaphore_mem>>
    %dma_start3A_135 = tpu.memref_squeeze %dma_start3A_134 : memref<1x!tpu.dma_semaphore, #tpu.memory_space<semaphore_mem>> -> memref<!tpu.dma_semaphore, #tpu.memory_space<semaphore_mem>>
    tpu.enqueue_indirect_dma source(%dma_start3A_133 : memref<10240x64xf32, #tpu.memory_space<vmem_shared>>) target(%dma_start3A_127 : memref<64x64xf32, #tpu.memory_space<vmem>>) offsets(%dma_start3A_130 : memref<64xi32, #tpu.memory_space<vmem>>) semaphore(%dma_start3A_135 : memref<!tpu.dma_semaphore, #tpu.memory_space<semaphore_mem>>)
    %dma_start3A_136 = arith.constant 1 : i32
    %dma_start3A_137 = arith.constant 1 : i32
    %dma_start3A_138 = arith.constant 1 : i32
    %dma_start3A_139 = arith.constant 0 : i32
    %dma_start3A_140 = arith.constant 0 : i32
    %dma_start3A_141 = tpu.memref_slice %arg8[%dma_start3A_137, %dma_start3A_139, %dma_start3A_140] : memref<4x64x64xf32, #tpu.memory_space<vmem>> -> memref<1x64x64xf32, #tpu.memory_space<vmem>>
    %dma_start3A_142 = tpu.memref_squeeze %dma_start3A_141 : memref<1x64x64xf32, #tpu.memory_space<vmem>> -> memref<64x64xf32, #tpu.memory_space<vmem>>
    %dma_start3A_143 = arith.constant 0 : i32
    %dma_start3A_144 = tpu.memref_slice %arg6[%dma_start3A_136, %dma_start3A_143] : memref<160x64xi32, #tpu.memory_space<vmem>> -> memref<1x64xi32, #tpu.memory_space<vmem>>
    %dma_start3A_145 = tpu.memref_squeeze %dma_start3A_144 : memref<1x64xi32, #tpu.memory_space<vmem>> -> memref<64xi32, #tpu.memory_space<vmem>>
    %dma_start3A_146 = arith.constant 0 : i32
    %dma_start3A_147 = arith.constant 0 : i32
    %dma_start3A_148 = tpu.memref_slice %arg9[%dma_start3A_146, %dma_start3A_147] : memref<10240x64xf32, #tpu.memory_space<vmem_shared>> -> memref<10240x64xf32, #tpu.memory_space<vmem_shared>>
    %dma_start3A_149 = tpu.memref_slice %arg11[%dma_start3A_138] : memref<4x!tpu.dma_semaphore, #tpu.memory_space<semaphore_mem>> -> memref<1x!tpu.dma_semaphore, #tpu.memory_space<semaphore_mem>>
    %dma_start3A_150 = tpu.memref_squeeze %dma_start3A_149 : memref<1x!tpu.dma_semaphore, #tpu.memory_space<semaphore_mem>> -> memref<!tpu.dma_semaphore, #tpu.memory_space<semaphore_mem>>
    tpu.enqueue_indirect_dma source(%dma_start3A_148 : memref<10240x64xf32, #tpu.memory_space<vmem_shared>>) target(%dma_start3A_142 : memref<64x64xf32, #tpu.memory_space<vmem>>) offsets(%dma_start3A_145 : memref<64xi32, #tpu.memory_space<vmem>>) semaphore(%dma_start3A_150 : memref<!tpu.dma_semaphore, #tpu.memory_space<semaphore_mem>>)
    %dma_start3A_151 = arith.constant 2 : i32
    %dma_start3A_152 = arith.constant 2 : i32
    %dma_start3A_153 = arith.constant 2 : i32
    %dma_start3A_154 = arith.constant 0 : i32
    %dma_start3A_155 = arith.constant 0 : i32
    %dma_start3A_156 = tpu.memref_slice %arg8[%dma_start3A_152, %dma_start3A_154, %dma_start3A_155] : memref<4x64x64xf32, #tpu.memory_space<vmem>> -> memref<1x64x64xf32, #tpu.memory_space<vmem>>
    %dma_start3A_157 = tpu.memref_squeeze %dma_start3A_156 : memref<1x64x64xf32, #tpu.memory_space<vmem>> -> memref<64x64xf32, #tpu.memory_space<vmem>>
    %dma_start3A_158 = arith.constant 0 : i32
    %dma_start3A_159 = tpu.memref_slice %arg6[%dma_start3A_151, %dma_start3A_158] : memref<160x64xi32, #tpu.memory_space<vmem>> -> memref<1x64xi32, #tpu.memory_space<vmem>>
    %dma_start3A_160 = tpu.memref_squeeze %dma_start3A_159 : memref<1x64xi32, #tpu.memory_space<vmem>> -> memref<64xi32, #tpu.memory_space<vmem>>
    %dma_start3A_161 = arith.constant 0 : i32
    %dma_start3A_162 = arith.constant 0 : i32
    %dma_start3A_163 = tpu.memref_slice %arg9[%dma_start3A_161, %dma_start3A_162] : memref<10240x64xf32, #tpu.memory_space<vmem_shared>> -> memref<10240x64xf32, #tpu.memory_space<vmem_shared>>
    %dma_start3A_164 = tpu.memref_slice %arg11[%dma_start3A_153] : memref<4x!tpu.dma_semaphore, #tpu.memory_space<semaphore_mem>> -> memref<1x!tpu.dma_semaphore, #tpu.memory_space<semaphore_mem>>
    %dma_start3A_165 = tpu.memref_squeeze %dma_start3A_164 : memref<1x!tpu.dma_semaphore, #tpu.memory_space<semaphore_mem>> -> memref<!tpu.dma_semaphore, #tpu.memory_space<semaphore_mem>>
    tpu.enqueue_indirect_dma source(%dma_start3A_163 : memref<10240x64xf32, #tpu.memory_space<vmem_shared>>) target(%dma_start3A_157 : memref<64x64xf32, #tpu.memory_space<vmem>>) offsets(%dma_start3A_160 : memref<64xi32, #tpu.memory_space<vmem>>) semaphore(%dma_start3A_165 : memref<!tpu.dma_semaphore, #tpu.memory_space<semaphore_mem>>)
    %dma_start3A_166 = arith.constant 3 : i32
    %dma_start3A_167 = arith.constant 3 : i32
    %dma_start3A_168 = arith.constant 3 : i32
    %dma_start3A_169 = arith.constant 0 : i32
    %dma_start3A_170 = arith.constant 0 : i32
    %dma_start3A_171 = tpu.memref_slice %arg8[%dma_start3A_167, %dma_start3A_169, %dma_start3A_170] : memref<4x64x64xf32, #tpu.memory_space<vmem>> -> memref<1x64x64xf32, #tpu.memory_space<vmem>>
    %dma_start3A_172 = tpu.memref_squeeze %dma_start3A_171 : memref<1x64x64xf32, #tpu.memory_space<vmem>> -> memref<64x64xf32, #tpu.memory_space<vmem>>
    %dma_start3A_173 = arith.constant 0 : i32
    %dma_start3A_174 = tpu.memref_slice %arg6[%dma_start3A_166, %dma_start3A_173] : memref<160x64xi32, #tpu.memory_space<vmem>> -> memref<1x64xi32, #tpu.memory_space<vmem>>
    %dma_start3A_175 = tpu.memref_squeeze %dma_start3A_174 : memref<1x64xi32, #tpu.memory_space<vmem>> -> memref<64xi32, #tpu.memory_space<vmem>>
    %dma_start3A_176 = arith.constant 0 : i32
    %dma_start3A_177 = arith.constant 0 : i32
    %dma_start3A_178 = tpu.memref_slice %arg9[%dma_start3A_176, %dma_start3A_177] : memref<10240x64xf32, #tpu.memory_space<vmem_shared>> -> memref<10240x64xf32, #tpu.memory_space<vmem_shared>>
    %dma_start3A_179 = tpu.memref_slice %arg11[%dma_start3A_168] : memref<4x!tpu.dma_semaphore, #tpu.memory_space<semaphore_mem>> -> memref<1x!tpu.dma_semaphore, #tpu.memory_space<semaphore_mem>>
    %dma_start3A_180 = tpu.memref_squeeze %dma_start3A_179 : memref<1x!tpu.dma_semaphore, #tpu.memory_space<semaphore_mem>> -> memref<!tpu.dma_semaphore, #tpu.memory_space<semaphore_mem>>
    tpu.enqueue_indirect_dma source(%dma_start3A_178 : memref<10240x64xf32, #tpu.memory_space<vmem_shared>>) target(%dma_start3A_172 : memref<64x64xf32, #tpu.memory_space<vmem>>) offsets(%dma_start3A_175 : memref<64xi32, #tpu.memory_space<vmem>>) semaphore(%dma_start3A_180 : memref<!tpu.dma_semaphore, #tpu.memory_space<semaphore_mem>>)
    %scan3A_181 = arith.constant 0 : i32
    %scan3A_182 = arith.constant 0 : i32
    %scan3A_183 = arith.constant 40 : i32
    %scan3A_184 = arith.addi %scan3A_182, %scan3A_183 : i32
    %scan3A_185 = arith.constant 1 : i32
    scf.for %scan3A_252 = %scan3A_182 to %scan3A_184 step %scan3A_185  : i32 {
      %mul3A_253 = arith.constant 2 : i32
      %mul3A_254 = arith.muli %mul3A_253, %scan3A_252 : i32
      %add3A_255 = arith.constant 0 : i32
      %add3A_256 = arith.addi %mul3A_254, %add3A_255 : i32
      %mul3A_257 = arith.constant 2 : i32
      %mul3A_258 = arith.muli %add3A_256, %mul3A_257 : i32
      %add3A_259 = arith.constant 0 : i32
      %add3A_260 = arith.addi %mul3A_258, %add3A_259 : i32
      %dma_wait3A_261 = arith.constant 0 : i32
      %dma_wait3A_262 = arith.constant 0 : i32
      %dma_wait3A_263 = arith.constant 0 : i32
      %dma_wait3A_264 = arith.constant 0 : i32
      %dma_wait3A_265 = tpu.memref_slice %arg8[%dma_wait3A_261, %dma_wait3A_263, %dma_wait3A_264] : memref<4x64x64xf32, #tpu.memory_space<vmem>> -> memref<1x64x64xf32, #tpu.memory_space<vmem>>
      %dma_wait3A_266 = tpu.memref_squeeze %dma_wait3A_265 : memref<1x64x64xf32, #tpu.memory_space<vmem>> -> memref<64x64xf32, #tpu.memory_space<vmem>>
      %dma_wait3A_267 = arith.constant 0 : i32
      %dma_wait3A_268 = tpu.memref_slice %arg6[%add3A_260, %dma_wait3A_267] : memref<160x64xi32, #tpu.memory_space<vmem>> -> memref<1x64xi32, #tpu.memory_space<vmem>>
      %dma_wait3A_269 = tpu.memref_squeeze %dma_wait3A_268 : memref<1x64xi32, #tpu.memory_space<vmem>> -> memref<64xi32, #tpu.memory_space<vmem>>
      %dma_wait3A_270 = arith.constant 0 : i32
      %dma_wait3A_271 = arith.constant 0 : i32
      %dma_wait3A_272 = tpu.memref_slice %arg9[%dma_wait3A_270, %dma_wait3A_271] : memref<10240x64xf32, #tpu.memory_space<vmem_shared>> -> memref<10240x64xf32, #tpu.memory_space<vmem_shared>>
      %dma_wait3A_273 = tpu.memref_slice %arg11[%dma_wait3A_262] : memref<4x!tpu.dma_semaphore, #tpu.memory_space<semaphore_mem>> -> memref<1x!tpu.dma_semaphore, #tpu.memory_space<semaphore_mem>>
      %dma_wait3A_274 = tpu.memref_squeeze %dma_wait3A_273 : memref<1x!tpu.dma_semaphore, #tpu.memory_space<semaphore_mem>> -> memref<!tpu.dma_semaphore, #tpu.memory_space<semaphore_mem>>
      tpu.wait_indirect_dma semaphore(%dma_wait3A_274 : memref<!tpu.dma_semaphore, #tpu.memory_space<semaphore_mem>>) src(%dma_wait3A_272 : memref<10240x64xf32, #tpu.memory_space<vmem_shared>>) dst(%dma_wait3A_266 : memref<64x64xf32, #tpu.memory_space<vmem>>)
      %dma_start3A_275 = arith.constant 0 : i32
      %dma_start3A_276 = arith.constant 0 : i32
      %dma_start3A_277 = arith.constant 0 : i32
      %dma_start3A_278 = arith.constant 0 : i32
      %dma_start3A_279 = tpu.memref_slice %arg8[%dma_start3A_275, %dma_start3A_277, %dma_start3A_278] : memref<4x64x64xf32, #tpu.memory_space<vmem>> -> memref<1x64x64xf32, #tpu.memory_space<vmem>>
      %dma_start3A_280 = tpu.memref_squeeze %dma_start3A_279 : memref<1x64x64xf32, #tpu.memory_space<vmem>> -> memref<64x64xf32, #tpu.memory_space<vmem>>
      %dma_start3A_281 = arith.constant 0 : i32
      %dma_start3A_282 = tpu.memref_slice %arg7[%add3A_260, %dma_start3A_281] : memref<160x64xi32, #tpu.memory_space<vmem>> -> memref<1x64xi32, #tpu.memory_space<vmem>>
      %dma_start3A_283 = tpu.memref_squeeze %dma_start3A_282 : memref<1x64xi32, #tpu.memory_space<vmem>> -> memref<64xi32, #tpu.memory_space<vmem>>
      %dma_start3A_284 = arith.constant 0 : i32
      %dma_start3A_285 = arith.constant 0 : i32
      %dma_start3A_286 = tpu.memref_slice %arg10[%dma_start3A_284, %dma_start3A_285] : memref<10240x64xf32, #tpu.memory_space<vmem_shared>> -> memref<10240x64xf32, #tpu.memory_space<vmem_shared>>
      %dma_start3A_287 = tpu.memref_slice %arg12[%dma_start3A_276] : memref<4x!tpu.dma_semaphore, #tpu.memory_space<semaphore_mem>> -> memref<1x!tpu.dma_semaphore, #tpu.memory_space<semaphore_mem>>
      %dma_start3A_288 = tpu.memref_squeeze %dma_start3A_287 : memref<1x!tpu.dma_semaphore, #tpu.memory_space<semaphore_mem>> -> memref<!tpu.dma_semaphore, #tpu.memory_space<semaphore_mem>>
      tpu.enqueue_indirect_dma source(%dma_start3A_280 : memref<64x64xf32, #tpu.memory_space<vmem>>) target(%dma_start3A_286 : memref<10240x64xf32, #tpu.memory_space<vmem_shared>>) offsets(%dma_start3A_283 : memref<64xi32, #tpu.memory_space<vmem>>) semaphore(%dma_start3A_288 : memref<!tpu.dma_semaphore, #tpu.memory_space<semaphore_mem>>) {add = true}
      %mul3A_289 = arith.constant 2 : i32
      %mul3A_290 = arith.muli %mul3A_289, %scan3A_252 : i32
      %add3A_291 = arith.constant 0 : i32
      %add3A_292 = arith.addi %mul3A_290, %add3A_291 : i32
      %mul3A_293 = arith.constant 2 : i32
      %mul3A_294 = arith.muli %add3A_292, %mul3A_293 : i32
      %add3A_295 = arith.constant 1 : i32
      %add3A_296 = arith.addi %mul3A_294, %add3A_295 : i32
      %dma_wait3A_297 = arith.constant 1 : i32
      %dma_wait3A_298 = arith.constant 1 : i32
      %dma_wait3A_299 = arith.constant 0 : i32
      %dma_wait3A_300 = arith.constant 0 : i32
      %dma_wait3A_301 = tpu.memref_slice %arg8[%dma_wait3A_297, %dma_wait3A_299, %dma_wait3A_300] : memref<4x64x64xf32, #tpu.memory_space<vmem>> -> memref<1x64x64xf32, #tpu.memory_space<vmem>>
      %dma_wait3A_302 = tpu.memref_squeeze %dma_wait3A_301 : memref<1x64x64xf32, #tpu.memory_space<vmem>> -> memref<64x64xf32, #tpu.memory_space<vmem>>
      %dma_wait3A_303 = arith.constant 0 : i32
      %dma_wait3A_304 = tpu.memref_slice %arg6[%add3A_296, %dma_wait3A_303] : memref<160x64xi32, #tpu.memory_space<vmem>> -> memref<1x64xi32, #tpu.memory_space<vmem>>
      %dma_wait3A_305 = tpu.memref_squeeze %dma_wait3A_304 : memref<1x64xi32, #tpu.memory_space<vmem>> -> memref<64xi32, #tpu.memory_space<vmem>>
      %dma_wait3A_306 = arith.constant 0 : i32
      %dma_wait3A_307 = arith.constant 0 : i32
      %dma_wait3A_308 = tpu.memref_slice %arg9[%dma_wait3A_306, %dma_wait3A_307] : memref<10240x64xf32, #tpu.memory_space<vmem_shared>> -> memref<10240x64xf32, #tpu.memory_space<vmem_shared>>
      %dma_wait3A_309 = tpu.memref_slice %arg11[%dma_wait3A_298] : memref<4x!tpu.dma_semaphore, #tpu.memory_space<semaphore_mem>> -> memref<1x!tpu.dma_semaphore, #tpu.memory_space<semaphore_mem>>
      %dma_wait3A_310 = tpu.memref_squeeze %dma_wait3A_309 : memref<1x!tpu.dma_semaphore, #tpu.memory_space<semaphore_mem>> -> memref<!tpu.dma_semaphore, #tpu.memory_space<semaphore_mem>>
      tpu.wait_indirect_dma semaphore(%dma_wait3A_310 : memref<!tpu.dma_semaphore, #tpu.memory_space<semaphore_mem>>) src(%dma_wait3A_308 : memref<10240x64xf32, #tpu.memory_space<vmem_shared>>) dst(%dma_wait3A_302 : memref<64x64xf32, #tpu.memory_space<vmem>>)
      %dma_start3A_311 = arith.constant 1 : i32
      %dma_start3A_312 = arith.constant 1 : i32
      %dma_start3A_313 = arith.constant 0 : i32
      %dma_start3A_314 = arith.constant 0 : i32
      %dma_start3A_315 = tpu.memref_slice %arg8[%dma_start3A_311, %dma_start3A_313, %dma_start3A_314] : memref<4x64x64xf32, #tpu.memory_space<vmem>> -> memref<1x64x64xf32, #tpu.memory_space<vmem>>
      %dma_start3A_316 = tpu.memref_squeeze %dma_start3A_315 : memref<1x64x64xf32, #tpu.memory_space<vmem>> -> memref<64x64xf32, #tpu.memory_space<vmem>>
      %dma_start3A_317 = arith.constant 0 : i32
      %dma_start3A_318 = tpu.memref_slice %arg7[%add3A_296, %dma_start3A_317] : memref<160x64xi32, #tpu.memory_space<vmem>> -> memref<1x64xi32, #tpu.memory_space<vmem>>
      %dma_start3A_319 = tpu.memref_squeeze %dma_start3A_318 : memref<1x64xi32, #tpu.memory_space<vmem>> -> memref<64xi32, #tpu.memory_space<vmem>>
      %dma_start3A_320 = arith.constant 0 : i32
      %dma_start3A_321 = arith.constant 0 : i32
      %dma_start3A_322 = tpu.memref_slice %arg10[%dma_start3A_320, %dma_start3A_321] : memref<10240x64xf32, #tpu.memory_space<vmem_shared>> -> memref<10240x64xf32, #tpu.memory_space<vmem_shared>>
      %dma_start3A_323 = tpu.memref_slice %arg12[%dma_start3A_312] : memref<4x!tpu.dma_semaphore, #tpu.memory_space<semaphore_mem>> -> memref<1x!tpu.dma_semaphore, #tpu.memory_space<semaphore_mem>>
      %dma_start3A_324 = tpu.memref_squeeze %dma_start3A_323 : memref<1x!tpu.dma_semaphore, #tpu.memory_space<semaphore_mem>> -> memref<!tpu.dma_semaphore, #tpu.memory_space<semaphore_mem>>
      tpu.enqueue_indirect_dma source(%dma_start3A_316 : memref<64x64xf32, #tpu.memory_space<vmem>>) target(%dma_start3A_322 : memref<10240x64xf32, #tpu.memory_space<vmem_shared>>) offsets(%dma_start3A_319 : memref<64xi32, #tpu.memory_space<vmem>>) semaphore(%dma_start3A_324 : memref<!tpu.dma_semaphore, #tpu.memory_space<semaphore_mem>>) {add = true}
      %add3A_325 = arith.constant 1 : i32
      %add3A_326 = arith.addi %scan3A_252, %add3A_325 : i32
      %lt3A = arith.constant 40 : i32
      %lt3A_327 = arith.cmpi slt, %add3A_326, %lt3A : i32
      %convert_element_type3A = arith.extui %lt3A_327 : i1 to i32
      %cond3A = arith.constant 0 : i32
      %cond3A_328 = arith.cmpi ne, %convert_element_type3A, %cond3A : i32
      scf.if %cond3A_328 {
        %mul3A_408 = arith.constant 2 : i32
        %mul3A_409 = arith.muli %mul3A_408, %scan3A_252 : i32
        %add3A_410 = arith.constant 0 : i32
        %add3A_411 = arith.addi %mul3A_409, %add3A_410 : i32
        %mul3A_412 = arith.constant 2 : i32
        %mul3A_413 = arith.muli %add3A_411, %mul3A_412 : i32
        %add3A_414 = arith.constant 0 : i32
        %add3A_415 = arith.addi %mul3A_413, %add3A_414 : i32
        %dma_wait3A_416 = arith.constant 0 : i32
        %dma_wait3A_417 = arith.constant 0 : i32
        %dma_wait3A_418 = arith.constant 0 : i32
        %dma_wait3A_419 = arith.constant 0 : i32
        %dma_wait3A_420 = tpu.memref_slice %arg8[%dma_wait3A_416, %dma_wait3A_418, %dma_wait3A_419] : memref<4x64x64xf32, #tpu.memory_space<vmem>> -> memref<1x64x64xf32, #tpu.memory_space<vmem>>
        %dma_wait3A_421 = tpu.memref_squeeze %dma_wait3A_420 : memref<1x64x64xf32, #tpu.memory_space<vmem>> -> memref<64x64xf32, #tpu.memory_space<vmem>>
        %dma_wait3A_422 = arith.constant 0 : i32
        %dma_wait3A_423 = tpu.memref_slice %arg7[%add3A_415, %dma_wait3A_422] : memref<160x64xi32, #tpu.memory_space<vmem>> -> memref<1x64xi32, #tpu.memory_space<vmem>>
        %dma_wait3A_424 = tpu.memref_squeeze %dma_wait3A_423 : memref<1x64xi32, #tpu.memory_space<vmem>> -> memref<64xi32, #tpu.memory_space<vmem>>
        %dma_wait3A_425 = arith.constant 0 : i32
        %dma_wait3A_426 = arith.constant 0 : i32
        %dma_wait3A_427 = tpu.memref_slice %arg10[%dma_wait3A_425, %dma_wait3A_426] : memref<10240x64xf32, #tpu.memory_space<vmem_shared>> -> memref<10240x64xf32, #tpu.memory_space<vmem_shared>>
        %dma_wait3A_428 = tpu.memref_slice %arg12[%dma_wait3A_417] : memref<4x!tpu.dma_semaphore, #tpu.memory_space<semaphore_mem>> -> memref<1x!tpu.dma_semaphore, #tpu.memory_space<semaphore_mem>>
        %dma_wait3A_429 = tpu.memref_squeeze %dma_wait3A_428 : memref<1x!tpu.dma_semaphore, #tpu.memory_space<semaphore_mem>> -> memref<!tpu.dma_semaphore, #tpu.memory_space<semaphore_mem>>
        tpu.wait_indirect_dma semaphore(%dma_wait3A_429 : memref<!tpu.dma_semaphore, #tpu.memory_space<semaphore_mem>>) src(%dma_wait3A_421 : memref<64x64xf32, #tpu.memory_space<vmem>>) dst(%dma_wait3A_427 : memref<10240x64xf32, #tpu.memory_space<vmem_shared>>)
        %add3A_430 = arith.constant 4 : i32
        %add3A_431 = arith.addi %add3A_415, %add3A_430 : i32
        %dma_start3A_432 = arith.constant 0 : i32
        %dma_start3A_433 = arith.constant 0 : i32
        %dma_start3A_434 = arith.constant 0 : i32
        %dma_start3A_435 = arith.constant 0 : i32
        %dma_start3A_436 = tpu.memref_slice %arg8[%dma_start3A_432, %dma_start3A_434, %dma_start3A_435] : memref<4x64x64xf32, #tpu.memory_space<vmem>> -> memref<1x64x64xf32, #tpu.memory_space<vmem>>
        %dma_start3A_437 = tpu.memref_squeeze %dma_start3A_436 : memref<1x64x64xf32, #tpu.memory_space<vmem>> -> memref<64x64xf32, #tpu.memory_space<vmem>>
        %dma_start3A_438 = arith.constant 0 : i32
        %dma_start3A_439 = tpu.memref_slice %arg6[%add3A_431, %dma_start3A_438] : memref<160x64xi32, #tpu.memory_space<vmem>> -> memref<1x64xi32, #tpu.memory_space<vmem>>
        %dma_start3A_440 = tpu.memref_squeeze %dma_start3A_439 : memref<1x64xi32, #tpu.memory_space<vmem>> -> memref<64xi32, #tpu.memory_space<vmem>>
        %dma_start3A_441 = arith.constant 0 : i32
        %dma_start3A_442 = arith.constant 0 : i32
        %dma_start3A_443 = tpu.memref_slice %arg9[%dma_start3A_441, %dma_start3A_442] : memref<10240x64xf32, #tpu.memory_space<vmem_shared>> -> memref<10240x64xf32, #tpu.memory_space<vmem_shared>>
        %dma_start3A_444 = tpu.memref_slice %arg11[%dma_start3A_433] : memref<4x!tpu.dma_semaphore, #tpu.memory_space<semaphore_mem>> -> memref<1x!tpu.dma_semaphore, #tpu.memory_space<semaphore_mem>>
        %dma_start3A_445 = tpu.memref_squeeze %dma_start3A_444 : memref<1x!tpu.dma_semaphore, #tpu.memory_space<semaphore_mem>> -> memref<!tpu.dma_semaphore, #tpu.memory_space<semaphore_mem>>
        tpu.enqueue_indirect_dma source(%dma_start3A_443 : memref<10240x64xf32, #tpu.memory_space<vmem_shared>>) target(%dma_start3A_437 : memref<64x64xf32, #tpu.memory_space<vmem>>) offsets(%dma_start3A_440 : memref<64xi32, #tpu.memory_space<vmem>>) semaphore(%dma_start3A_445 : memref<!tpu.dma_semaphore, #tpu.memory_space<semaphore_mem>>)
        %mul3A_446 = arith.constant 2 : i32
        %mul3A_447 = arith.muli %mul3A_446, %scan3A_252 : i32
        %add3A_448 = arith.constant 0 : i32
        %add3A_449 = arith.addi %mul3A_447, %add3A_448 : i32
        %mul3A_450 = arith.constant 2 : i32
        %mul3A_451 = arith.muli %add3A_449, %mul3A_450 : i32
        %add3A_452 = arith.constant 1 : i32
        %add3A_453 = arith.addi %mul3A_451, %add3A_452 : i32
        %dma_wait3A_454 = arith.constant 1 : i32
        %dma_wait3A_455 = arith.constant 1 : i32
        %dma_wait3A_456 = arith.constant 0 : i32
        %dma_wait3A_457 = arith.constant 0 : i32
        %dma_wait3A_458 = tpu.memref_slice %arg8[%dma_wait3A_454, %dma_wait3A_456, %dma_wait3A_457] : memref<4x64x64xf32, #tpu.memory_space<vmem>> -> memref<1x64x64xf32, #tpu.memory_space<vmem>>
        %dma_wait3A_459 = tpu.memref_squeeze %dma_wait3A_458 : memref<1x64x64xf32, #tpu.memory_space<vmem>> -> memref<64x64xf32, #tpu.memory_space<vmem>>
        %dma_wait3A_460 = arith.constant 0 : i32
        %dma_wait3A_461 = tpu.memref_slice %arg7[%add3A_453, %dma_wait3A_460] : memref<160x64xi32, #tpu.memory_space<vmem>> -> memref<1x64xi32, #tpu.memory_space<vmem>>
        %dma_wait3A_462 = tpu.memref_squeeze %dma_wait3A_461 : memref<1x64xi32, #tpu.memory_space<vmem>> -> memref<64xi32, #tpu.memory_space<vmem>>
        %dma_wait3A_463 = arith.constant 0 : i32
        %dma_wait3A_464 = arith.constant 0 : i32
        %dma_wait3A_465 = tpu.memref_slice %arg10[%dma_wait3A_463, %dma_wait3A_464] : memref<10240x64xf32, #tpu.memory_space<vmem_shared>> -> memref<10240x64xf32, #tpu.memory_space<vmem_shared>>
        %dma_wait3A_466 = tpu.memref_slice %arg12[%dma_wait3A_455] : memref<4x!tpu.dma_semaphore, #tpu.memory_space<semaphore_mem>> -> memref<1x!tpu.dma_semaphore, #tpu.memory_space<semaphore_mem>>
        %dma_wait3A_467 = tpu.memref_squeeze %dma_wait3A_466 : memref<1x!tpu.dma_semaphore, #tpu.memory_space<semaphore_mem>> -> memref<!tpu.dma_semaphore, #tpu.memory_space<semaphore_mem>>
        tpu.wait_indirect_dma semaphore(%dma_wait3A_467 : memref<!tpu.dma_semaphore, #tpu.memory_space<semaphore_mem>>) src(%dma_wait3A_459 : memref<64x64xf32, #tpu.memory_space<vmem>>) dst(%dma_wait3A_465 : memref<10240x64xf32, #tpu.memory_space<vmem_shared>>)
        %add3A_468 = arith.constant 4 : i32
        %add3A_469 = arith.addi %add3A_453, %add3A_468 : i32
        %dma_start3A_470 = arith.constant 1 : i32
        %dma_start3A_471 = arith.constant 1 : i32
        %dma_start3A_472 = arith.constant 0 : i32
        %dma_start3A_473 = arith.constant 0 : i32
        %dma_start3A_474 = tpu.memref_slice %arg8[%dma_start3A_470, %dma_start3A_472, %dma_start3A_473] : memref<4x64x64xf32, #tpu.memory_space<vmem>> -> memref<1x64x64xf32, #tpu.memory_space<vmem>>
        %dma_start3A_475 = tpu.memref_squeeze %dma_start3A_474 : memref<1x64x64xf32, #tpu.memory_space<vmem>> -> memref<64x64xf32, #tpu.memory_space<vmem>>
        %dma_start3A_476 = arith.constant 0 : i32
        %dma_start3A_477 = tpu.memref_slice %arg6[%add3A_469, %dma_start3A_476] : memref<160x64xi32, #tpu.memory_space<vmem>> -> memref<1x64xi32, #tpu.memory_space<vmem>>
        %dma_start3A_478 = tpu.memref_squeeze %dma_start3A_477 : memref<1x64xi32, #tpu.memory_space<vmem>> -> memref<64xi32, #tpu.memory_space<vmem>>
        %dma_start3A_479 = arith.constant 0 : i32
        %dma_start3A_480 = arith.constant 0 : i32
        %dma_start3A_481 = tpu.memref_slice %arg9[%dma_start3A_479, %dma_start3A_480] : memref<10240x64xf32, #tpu.memory_space<vmem_shared>> -> memref<10240x64xf32, #tpu.memory_space<vmem_shared>>
        %dma_start3A_482 = tpu.memref_slice %arg11[%dma_start3A_471] : memref<4x!tpu.dma_semaphore, #tpu.memory_space<semaphore_mem>> -> memref<1x!tpu.dma_semaphore, #tpu.memory_space<semaphore_mem>>
        %dma_start3A_483 = tpu.memref_squeeze %dma_start3A_482 : memref<1x!tpu.dma_semaphore, #tpu.memory_space<semaphore_mem>> -> memref<!tpu.dma_semaphore, #tpu.memory_space<semaphore_mem>>
        tpu.enqueue_indirect_dma source(%dma_start3A_481 : memref<10240x64xf32, #tpu.memory_space<vmem_shared>>) target(%dma_start3A_475 : memref<64x64xf32, #tpu.memory_space<vmem>>) offsets(%dma_start3A_478 : memref<64xi32, #tpu.memory_space<vmem>>) semaphore(%dma_start3A_483 : memref<!tpu.dma_semaphore, #tpu.memory_space<semaphore_mem>>)
      } else {
      }
      %mul3A_329 = arith.constant 2 : i32
      %mul3A_330 = arith.muli %mul3A_329, %scan3A_252 : i32
      %add3A_331 = arith.constant 1 : i32
      %add3A_332 = arith.addi %mul3A_330, %add3A_331 : i32
      %mul3A_333 = arith.constant 2 : i32
      %mul3A_334 = arith.muli %add3A_332, %mul3A_333 : i32
      %add3A_335 = arith.constant 0 : i32
      %add3A_336 = arith.addi %mul3A_334, %add3A_335 : i32
      %dma_wait3A_337 = arith.constant 2 : i32
      %dma_wait3A_338 = arith.constant 2 : i32
      %dma_wait3A_339 = arith.constant 0 : i32
      %dma_wait3A_340 = arith.constant 0 : i32
      %dma_wait3A_341 = tpu.memref_slice %arg8[%dma_wait3A_337, %dma_wait3A_339, %dma_wait3A_340] : memref<4x64x64xf32, #tpu.memory_space<vmem>> -> memref<1x64x64xf32, #tpu.memory_space<vmem>>
      %dma_wait3A_342 = tpu.memref_squeeze %dma_wait3A_341 : memref<1x64x64xf32, #tpu.memory_space<vmem>> -> memref<64x64xf32, #tpu.memory_space<vmem>>
      %dma_wait3A_343 = arith.constant 0 : i32
      %dma_wait3A_344 = tpu.memref_slice %arg6[%add3A_336, %dma_wait3A_343] : memref<160x64xi32, #tpu.memory_space<vmem>> -> memref<1x64xi32, #tpu.memory_space<vmem>>
      %dma_wait3A_345 = tpu.memref_squeeze %dma_wait3A_344 : memref<1x64xi32, #tpu.memory_space<vmem>> -> memref<64xi32, #tpu.memory_space<vmem>>
      %dma_wait3A_346 = arith.constant 0 : i32
      %dma_wait3A_347 = arith.constant 0 : i32
      %dma_wait3A_348 = tpu.memref_slice %arg9[%dma_wait3A_346, %dma_wait3A_347] : memref<10240x64xf32, #tpu.memory_space<vmem_shared>> -> memref<10240x64xf32, #tpu.memory_space<vmem_shared>>
      %dma_wait3A_349 = tpu.memref_slice %arg11[%dma_wait3A_338] : memref<4x!tpu.dma_semaphore, #tpu.memory_space<semaphore_mem>> -> memref<1x!tpu.dma_semaphore, #tpu.memory_space<semaphore_mem>>
      %dma_wait3A_350 = tpu.memref_squeeze %dma_wait3A_349 : memref<1x!tpu.dma_semaphore, #tpu.memory_space<semaphore_mem>> -> memref<!tpu.dma_semaphore, #tpu.memory_space<semaphore_mem>>
      tpu.wait_indirect_dma semaphore(%dma_wait3A_350 : memref<!tpu.dma_semaphore, #tpu.memory_space<semaphore_mem>>) src(%dma_wait3A_348 : memref<10240x64xf32, #tpu.memory_space<vmem_shared>>) dst(%dma_wait3A_342 : memref<64x64xf32, #tpu.memory_space<vmem>>)
      %dma_start3A_351 = arith.constant 2 : i32
      %dma_start3A_352 = arith.constant 2 : i32
      %dma_start3A_353 = arith.constant 0 : i32
      %dma_start3A_354 = arith.constant 0 : i32
      %dma_start3A_355 = tpu.memref_slice %arg8[%dma_start3A_351, %dma_start3A_353, %dma_start3A_354] : memref<4x64x64xf32, #tpu.memory_space<vmem>> -> memref<1x64x64xf32, #tpu.memory_space<vmem>>
      %dma_start3A_356 = tpu.memref_squeeze %dma_start3A_355 : memref<1x64x64xf32, #tpu.memory_space<vmem>> -> memref<64x64xf32, #tpu.memory_space<vmem>>
      %dma_start3A_357 = arith.constant 0 : i32
      %dma_start3A_358 = tpu.memref_slice %arg7[%add3A_336, %dma_start3A_357] : memref<160x64xi32, #tpu.memory_space<vmem>> -> memref<1x64xi32, #tpu.memory_space<vmem>>
      %dma_start3A_359 = tpu.memref_squeeze %dma_start3A_358 : memref<1x64xi32, #tpu.memory_space<vmem>> -> memref<64xi32, #tpu.memory_space<vmem>>
      %dma_start3A_360 = arith.constant 0 : i32
      %dma_start3A_361 = arith.constant 0 : i32
      %dma_start3A_362 = tpu.memref_slice %arg10[%dma_start3A_360, %dma_start3A_361] : memref<10240x64xf32, #tpu.memory_space<vmem_shared>> -> memref<10240x64xf32, #tpu.memory_space<vmem_shared>>
      %dma_start3A_363 = tpu.memref_slice %arg12[%dma_start3A_352] : memref<4x!tpu.dma_semaphore, #tpu.memory_space<semaphore_mem>> -> memref<1x!tpu.dma_semaphore, #tpu.memory_space<semaphore_mem>>
      %dma_start3A_364 = tpu.memref_squeeze %dma_start3A_363 : memref<1x!tpu.dma_semaphore, #tpu.memory_space<semaphore_mem>> -> memref<!tpu.dma_semaphore, #tpu.memory_space<semaphore_mem>>
      tpu.enqueue_indirect_dma source(%dma_start3A_356 : memref<64x64xf32, #tpu.memory_space<vmem>>) target(%dma_start3A_362 : memref<10240x64xf32, #tpu.memory_space<vmem_shared>>) offsets(%dma_start3A_359 : memref<64xi32, #tpu.memory_space<vmem>>) semaphore(%dma_start3A_364 : memref<!tpu.dma_semaphore, #tpu.memory_space<semaphore_mem>>) {add = true}
      %mul3A_365 = arith.constant 2 : i32
      %mul3A_366 = arith.muli %mul3A_365, %scan3A_252 : i32
      %add3A_367 = arith.constant 1 : i32
      %add3A_368 = arith.addi %mul3A_366, %add3A_367 : i32
      %mul3A_369 = arith.constant 2 : i32
      %mul3A_370 = arith.muli %add3A_368, %mul3A_369 : i32
      %add3A_371 = arith.constant 1 : i32
      %add3A_372 = arith.addi %mul3A_370, %add3A_371 : i32
      %dma_wait3A_373 = arith.constant 3 : i32
      %dma_wait3A_374 = arith.constant 3 : i32
      %dma_wait3A_375 = arith.constant 0 : i32
      %dma_wait3A_376 = arith.constant 0 : i32
      %dma_wait3A_377 = tpu.memref_slice %arg8[%dma_wait3A_373, %dma_wait3A_375, %dma_wait3A_376] : memref<4x64x64xf32, #tpu.memory_space<vmem>> -> memref<1x64x64xf32, #tpu.memory_space<vmem>>
      %dma_wait3A_378 = tpu.memref_squeeze %dma_wait3A_377 : memref<1x64x64xf32, #tpu.memory_space<vmem>> -> memref<64x64xf32, #tpu.memory_space<vmem>>
      %dma_wait3A_379 = arith.constant 0 : i32
      %dma_wait3A_380 = tpu.memref_slice %arg6[%add3A_372, %dma_wait3A_379] : memref<160x64xi32, #tpu.memory_space<vmem>> -> memref<1x64xi32, #tpu.memory_space<vmem>>
      %dma_wait3A_381 = tpu.memref_squeeze %dma_wait3A_380 : memref<1x64xi32, #tpu.memory_space<vmem>> -> memref<64xi32, #tpu.memory_space<vmem>>
      %dma_wait3A_382 = arith.constant 0 : i32
      %dma_wait3A_383 = arith.constant 0 : i32
      %dma_wait3A_384 = tpu.memref_slice %arg9[%dma_wait3A_382, %dma_wait3A_383] : memref<10240x64xf32, #tpu.memory_space<vmem_shared>> -> memref<10240x64xf32, #tpu.memory_space<vmem_shared>>
      %dma_wait3A_385 = tpu.memref_slice %arg11[%dma_wait3A_374] : memref<4x!tpu.dma_semaphore, #tpu.memory_space<semaphore_mem>> -> memref<1x!tpu.dma_semaphore, #tpu.memory_space<semaphore_mem>>
      %dma_wait3A_386 = tpu.memref_squeeze %dma_wait3A_385 : memref<1x!tpu.dma_semaphore, #tpu.memory_space<semaphore_mem>> -> memref<!tpu.dma_semaphore, #tpu.memory_space<semaphore_mem>>
      tpu.wait_indirect_dma semaphore(%dma_wait3A_386 : memref<!tpu.dma_semaphore, #tpu.memory_space<semaphore_mem>>) src(%dma_wait3A_384 : memref<10240x64xf32, #tpu.memory_space<vmem_shared>>) dst(%dma_wait3A_378 : memref<64x64xf32, #tpu.memory_space<vmem>>)
      %dma_start3A_387 = arith.constant 3 : i32
      %dma_start3A_388 = arith.constant 3 : i32
      %dma_start3A_389 = arith.constant 0 : i32
      %dma_start3A_390 = arith.constant 0 : i32
      %dma_start3A_391 = tpu.memref_slice %arg8[%dma_start3A_387, %dma_start3A_389, %dma_start3A_390] : memref<4x64x64xf32, #tpu.memory_space<vmem>> -> memref<1x64x64xf32, #tpu.memory_space<vmem>>
      %dma_start3A_392 = tpu.memref_squeeze %dma_start3A_391 : memref<1x64x64xf32, #tpu.memory_space<vmem>> -> memref<64x64xf32, #tpu.memory_space<vmem>>
      %dma_start3A_393 = arith.constant 0 : i32
      %dma_start3A_394 = tpu.memref_slice %arg7[%add3A_372, %dma_start3A_393] : memref<160x64xi32, #tpu.memory_space<vmem>> -> memref<1x64xi32, #tpu.memory_space<vmem>>
      %dma_start3A_395 = tpu.memref_squeeze %dma_start3A_394 : memref<1x64xi32, #tpu.memory_space<vmem>> -> memref<64xi32, #tpu.memory_space<vmem>>
      %dma_start3A_396 = arith.constant 0 : i32
      %dma_start3A_397 = arith.constant 0 : i32
      %dma_start3A_398 = tpu.memref_slice %arg10[%dma_start3A_396, %dma_start3A_397] : memref<10240x64xf32, #tpu.memory_space<vmem_shared>> -> memref<10240x64xf32, #tpu.memory_space<vmem_shared>>
      %dma_start3A_399 = tpu.memref_slice %arg12[%dma_start3A_388] : memref<4x!tpu.dma_semaphore, #tpu.memory_space<semaphore_mem>> -> memref<1x!tpu.dma_semaphore, #tpu.memory_space<semaphore_mem>>
      %dma_start3A_400 = tpu.memref_squeeze %dma_start3A_399 : memref<1x!tpu.dma_semaphore, #tpu.memory_space<semaphore_mem>> -> memref<!tpu.dma_semaphore, #tpu.memory_space<semaphore_mem>>
      tpu.enqueue_indirect_dma source(%dma_start3A_392 : memref<64x64xf32, #tpu.memory_space<vmem>>) target(%dma_start3A_398 : memref<10240x64xf32, #tpu.memory_space<vmem_shared>>) offsets(%dma_start3A_395 : memref<64xi32, #tpu.memory_space<vmem>>) semaphore(%dma_start3A_400 : memref<!tpu.dma_semaphore, #tpu.memory_space<semaphore_mem>>) {add = true}
      %add3A_401 = arith.constant 1 : i32
      %add3A_402 = arith.addi %scan3A_252, %add3A_401 : i32
      %lt3A_403 = arith.constant 40 : i32
      %lt3A_404 = arith.cmpi slt, %add3A_402, %lt3A_403 : i32
      %convert_element_type3A_405 = arith.extui %lt3A_404 : i1 to i32
      %cond3A_406 = arith.constant 0 : i32
      %cond3A_407 = arith.cmpi ne, %convert_element_type3A_405, %cond3A_406 : i32
      scf.if %cond3A_407 {
        %mul3A_408 = arith.constant 2 : i32
        %mul3A_409 = arith.muli %mul3A_408, %scan3A_252 : i32
        %add3A_410 = arith.constant 1 : i32
        %add3A_411 = arith.addi %mul3A_409, %add3A_410 : i32
        %mul3A_412 = arith.constant 2 : i32
        %mul3A_413 = arith.muli %add3A_411, %mul3A_412 : i32
        %add3A_414 = arith.constant 0 : i32
        %add3A_415 = arith.addi %mul3A_413, %add3A_414 : i32
        %dma_wait3A_416 = arith.constant 2 : i32
        %dma_wait3A_417 = arith.constant 2 : i32
        %dma_wait3A_418 = arith.constant 0 : i32
        %dma_wait3A_419 = arith.constant 0 : i32
        %dma_wait3A_420 = tpu.memref_slice %arg8[%dma_wait3A_416, %dma_wait3A_418, %dma_wait3A_419] : memref<4x64x64xf32, #tpu.memory_space<vmem>> -> memref<1x64x64xf32, #tpu.memory_space<vmem>>
        %dma_wait3A_421 = tpu.memref_squeeze %dma_wait3A_420 : memref<1x64x64xf32, #tpu.memory_space<vmem>> -> memref<64x64xf32, #tpu.memory_space<vmem>>
        %dma_wait3A_422 = arith.constant 0 : i32
        %dma_wait3A_423 = tpu.memref_slice %arg7[%add3A_415, %dma_wait3A_422] : memref<160x64xi32, #tpu.memory_space<vmem>> -> memref<1x64xi32, #tpu.memory_space<vmem>>
        %dma_wait3A_424 = tpu.memref_squeeze %dma_wait3A_423 : memref<1x64xi32, #tpu.memory_space<vmem>> -> memref<64xi32, #tpu.memory_space<vmem>>
        %dma_wait3A_425 = arith.constant 0 : i32
        %dma_wait3A_426 = arith.constant 0 : i32
        %dma_wait3A_427 = tpu.memref_slice %arg10[%dma_wait3A_425, %dma_wait3A_426] : memref<10240x64xf32, #tpu.memory_space<vmem_shared>> -> memref<10240x64xf32, #tpu.memory_space<vmem_shared>>
        %dma_wait3A_428 = tpu.memref_slice %arg12[%dma_wait3A_417] : memref<4x!tpu.dma_semaphore, #tpu.memory_space<semaphore_mem>> -> memref<1x!tpu.dma_semaphore, #tpu.memory_space<semaphore_mem>>
        %dma_wait3A_429 = tpu.memref_squeeze %dma_wait3A_428 : memref<1x!tpu.dma_semaphore, #tpu.memory_space<semaphore_mem>> -> memref<!tpu.dma_semaphore, #tpu.memory_space<semaphore_mem>>
        tpu.wait_indirect_dma semaphore(%dma_wait3A_429 : memref<!tpu.dma_semaphore, #tpu.memory_space<semaphore_mem>>) src(%dma_wait3A_421 : memref<64x64xf32, #tpu.memory_space<vmem>>) dst(%dma_wait3A_427 : memref<10240x64xf32, #tpu.memory_space<vmem_shared>>)
        %add3A_430 = arith.constant 4 : i32
        %add3A_431 = arith.addi %add3A_415, %add3A_430 : i32
        %dma_start3A_432 = arith.constant 2 : i32
        %dma_start3A_433 = arith.constant 2 : i32
        %dma_start3A_434 = arith.constant 0 : i32
        %dma_start3A_435 = arith.constant 0 : i32
        %dma_start3A_436 = tpu.memref_slice %arg8[%dma_start3A_432, %dma_start3A_434, %dma_start3A_435] : memref<4x64x64xf32, #tpu.memory_space<vmem>> -> memref<1x64x64xf32, #tpu.memory_space<vmem>>
        %dma_start3A_437 = tpu.memref_squeeze %dma_start3A_436 : memref<1x64x64xf32, #tpu.memory_space<vmem>> -> memref<64x64xf32, #tpu.memory_space<vmem>>
        %dma_start3A_438 = arith.constant 0 : i32
        %dma_start3A_439 = tpu.memref_slice %arg6[%add3A_431, %dma_start3A_438] : memref<160x64xi32, #tpu.memory_space<vmem>> -> memref<1x64xi32, #tpu.memory_space<vmem>>
        %dma_start3A_440 = tpu.memref_squeeze %dma_start3A_439 : memref<1x64xi32, #tpu.memory_space<vmem>> -> memref<64xi32, #tpu.memory_space<vmem>>
        %dma_start3A_441 = arith.constant 0 : i32
        %dma_start3A_442 = arith.constant 0 : i32
        %dma_start3A_443 = tpu.memref_slice %arg9[%dma_start3A_441, %dma_start3A_442] : memref<10240x64xf32, #tpu.memory_space<vmem_shared>> -> memref<10240x64xf32, #tpu.memory_space<vmem_shared>>
        %dma_start3A_444 = tpu.memref_slice %arg11[%dma_start3A_433] : memref<4x!tpu.dma_semaphore, #tpu.memory_space<semaphore_mem>> -> memref<1x!tpu.dma_semaphore, #tpu.memory_space<semaphore_mem>>
        %dma_start3A_445 = tpu.memref_squeeze %dma_start3A_444 : memref<1x!tpu.dma_semaphore, #tpu.memory_space<semaphore_mem>> -> memref<!tpu.dma_semaphore, #tpu.memory_space<semaphore_mem>>
        tpu.enqueue_indirect_dma source(%dma_start3A_443 : memref<10240x64xf32, #tpu.memory_space<vmem_shared>>) target(%dma_start3A_437 : memref<64x64xf32, #tpu.memory_space<vmem>>) offsets(%dma_start3A_440 : memref<64xi32, #tpu.memory_space<vmem>>) semaphore(%dma_start3A_445 : memref<!tpu.dma_semaphore, #tpu.memory_space<semaphore_mem>>)
        %mul3A_446 = arith.constant 2 : i32
        %mul3A_447 = arith.muli %mul3A_446, %scan3A_252 : i32
        %add3A_448 = arith.constant 1 : i32
        %add3A_449 = arith.addi %mul3A_447, %add3A_448 : i32
        %mul3A_450 = arith.constant 2 : i32
        %mul3A_451 = arith.muli %add3A_449, %mul3A_450 : i32
        %add3A_452 = arith.constant 1 : i32
        %add3A_453 = arith.addi %mul3A_451, %add3A_452 : i32
        %dma_wait3A_454 = arith.constant 3 : i32
        %dma_wait3A_455 = arith.constant 3 : i32
        %dma_wait3A_456 = arith.constant 0 : i32
        %dma_wait3A_457 = arith.constant 0 : i32
        %dma_wait3A_458 = tpu.memref_slice %arg8[%dma_wait3A_454, %dma_wait3A_456, %dma_wait3A_457] : memref<4x64x64xf32, #tpu.memory_space<vmem>> -> memref<1x64x64xf32, #tpu.memory_space<vmem>>
        %dma_wait3A_459 = tpu.memref_squeeze %dma_wait3A_458 : memref<1x64x64xf32, #tpu.memory_space<vmem>> -> memref<64x64xf32, #tpu.memory_space<vmem>>
        %dma_wait3A_460 = arith.constant 0 : i32
        %dma_wait3A_461 = tpu.memref_slice %arg7[%add3A_453, %dma_wait3A_460] : memref<160x64xi32, #tpu.memory_space<vmem>> -> memref<1x64xi32, #tpu.memory_space<vmem>>
        %dma_wait3A_462 = tpu.memref_squeeze %dma_wait3A_461 : memref<1x64xi32, #tpu.memory_space<vmem>> -> memref<64xi32, #tpu.memory_space<vmem>>
        %dma_wait3A_463 = arith.constant 0 : i32
        %dma_wait3A_464 = arith.constant 0 : i32
        %dma_wait3A_465 = tpu.memref_slice %arg10[%dma_wait3A_463, %dma_wait3A_464] : memref<10240x64xf32, #tpu.memory_space<vmem_shared>> -> memref<10240x64xf32, #tpu.memory_space<vmem_shared>>
        %dma_wait3A_466 = tpu.memref_slice %arg12[%dma_wait3A_455] : memref<4x!tpu.dma_semaphore, #tpu.memory_space<semaphore_mem>> -> memref<1x!tpu.dma_semaphore, #tpu.memory_space<semaphore_mem>>
        %dma_wait3A_467 = tpu.memref_squeeze %dma_wait3A_466 : memref<1x!tpu.dma_semaphore, #tpu.memory_space<semaphore_mem>> -> memref<!tpu.dma_semaphore, #tpu.memory_space<semaphore_mem>>
        tpu.wait_indirect_dma semaphore(%dma_wait3A_467 : memref<!tpu.dma_semaphore, #tpu.memory_space<semaphore_mem>>) src(%dma_wait3A_459 : memref<64x64xf32, #tpu.memory_space<vmem>>) dst(%dma_wait3A_465 : memref<10240x64xf32, #tpu.memory_space<vmem_shared>>)
        %add3A_468 = arith.constant 4 : i32
        %add3A_469 = arith.addi %add3A_453, %add3A_468 : i32
        %dma_start3A_470 = arith.constant 3 : i32
        %dma_start3A_471 = arith.constant 3 : i32
        %dma_start3A_472 = arith.constant 0 : i32
        %dma_start3A_473 = arith.constant 0 : i32
        %dma_start3A_474 = tpu.memref_slice %arg8[%dma_start3A_470, %dma_start3A_472, %dma_start3A_473] : memref<4x64x64xf32, #tpu.memory_space<vmem>> -> memref<1x64x64xf32, #tpu.memory_space<vmem>>
        %dma_start3A_475 = tpu.memref_squeeze %dma_start3A_474 : memref<1x64x64xf32, #tpu.memory_space<vmem>> -> memref<64x64xf32, #tpu.memory_space<vmem>>
        %dma_start3A_476 = arith.constant 0 : i32
        %dma_start3A_477 = tpu.memref_slice %arg6[%add3A_469, %dma_start3A_476] : memref<160x64xi32, #tpu.memory_space<vmem>> -> memref<1x64xi32, #tpu.memory_space<vmem>>
        %dma_start3A_478 = tpu.memref_squeeze %dma_start3A_477 : memref<1x64xi32, #tpu.memory_space<vmem>> -> memref<64xi32, #tpu.memory_space<vmem>>
        %dma_start3A_479 = arith.constant 0 : i32
        %dma_start3A_480 = arith.constant 0 : i32
        %dma_start3A_481 = tpu.memref_slice %arg9[%dma_start3A_479, %dma_start3A_480] : memref<10240x64xf32, #tpu.memory_space<vmem_shared>> -> memref<10240x64xf32, #tpu.memory_space<vmem_shared>>
        %dma_start3A_482 = tpu.memref_slice %arg11[%dma_start3A_471] : memref<4x!tpu.dma_semaphore, #tpu.memory_space<semaphore_mem>> -> memref<1x!tpu.dma_semaphore, #tpu.memory_space<semaphore_mem>>
        %dma_start3A_483 = tpu.memref_squeeze %dma_start3A_482 : memref<1x!tpu.dma_semaphore, #tpu.memory_space<semaphore_mem>> -> memref<!tpu.dma_semaphore, #tpu.memory_space<semaphore_mem>>
        tpu.enqueue_indirect_dma source(%dma_start3A_481 : memref<10240x64xf32, #tpu.memory_space<vmem_shared>>) target(%dma_start3A_475 : memref<64x64xf32, #tpu.memory_space<vmem>>) offsets(%dma_start3A_478 : memref<64xi32, #tpu.memory_space<vmem>>) semaphore(%dma_start3A_483 : memref<!tpu.dma_semaphore, #tpu.memory_space<semaphore_mem>>)
      } else {
      }
    }
    %scan3A_186 = arith.constant 40 : i32
    %dma_wait3A_187 = arith.constant 0 : i32
    %dma_wait3A_188 = arith.constant 156 : i32
    %dma_wait3A_189 = arith.constant 0 : i32
    %dma_wait3A_190 = arith.constant 0 : i32
    %dma_wait3A_191 = arith.constant 0 : i32
    %dma_wait3A_192 = tpu.memref_slice %arg8[%dma_wait3A_187, %dma_wait3A_190, %dma_wait3A_191] : memref<4x64x64xf32, #tpu.memory_space<vmem>> -> memref<1x64x64xf32, #tpu.memory_space<vmem>>
    %dma_wait3A_193 = tpu.memref_squeeze %dma_wait3A_192 : memref<1x64x64xf32, #tpu.memory_space<vmem>> -> memref<64x64xf32, #tpu.memory_space<vmem>>
    %dma_wait3A_194 = arith.constant 0 : i32
    %dma_wait3A_195 = tpu.memref_slice %arg7[%dma_wait3A_188, %dma_wait3A_194] : memref<160x64xi32, #tpu.memory_space<vmem>> -> memref<1x64xi32, #tpu.memory_space<vmem>>
    %dma_wait3A_196 = tpu.memref_squeeze %dma_wait3A_195 : memref<1x64xi32, #tpu.memory_space<vmem>> -> memref<64xi32, #tpu.memory_space<vmem>>
    %dma_wait3A_197 = arith.constant 0 : i32
    %dma_wait3A_198 = arith.constant 0 : i32
    %dma_wait3A_199 = tpu.memref_slice %arg10[%dma_wait3A_197, %dma_wait3A_198] : memref<10240x64xf32, #tpu.memory_space<vmem_shared>> -> memref<10240x64xf32, #tpu.memory_space<vmem_shared>>
    %dma_wait3A_200 = tpu.memref_slice %arg12[%dma_wait3A_189] : memref<4x!tpu.dma_semaphore, #tpu.memory_space<semaphore_mem>> -> memref<1x!tpu.dma_semaphore, #tpu.memory_space<semaphore_mem>>
    %dma_wait3A_201 = tpu.memref_squeeze %dma_wait3A_200 : memref<1x!tpu.dma_semaphore, #tpu.memory_space<semaphore_mem>> -> memref<!tpu.dma_semaphore, #tpu.memory_space<semaphore_mem>>
    tpu.wait_indirect_dma semaphore(%dma_wait3A_201 : memref<!tpu.dma_semaphore, #tpu.memory_space<semaphore_mem>>) src(%dma_wait3A_193 : memref<64x64xf32, #tpu.memory_space<vmem>>) dst(%dma_wait3A_199 : memref<10240x64xf32, #tpu.memory_space<vmem_shared>>)
    %dma_wait3A_202 = arith.constant 1 : i32
    %dma_wait3A_203 = arith.constant 157 : i32
    %dma_wait3A_204 = arith.constant 1 : i32
    %dma_wait3A_205 = arith.constant 0 : i32
    %dma_wait3A_206 = arith.constant 0 : i32
    %dma_wait3A_207 = tpu.memref_slice %arg8[%dma_wait3A_202, %dma_wait3A_205, %dma_wait3A_206] : memref<4x64x64xf32, #tpu.memory_space<vmem>> -> memref<1x64x64xf32, #tpu.memory_space<vmem>>
    %dma_wait3A_208 = tpu.memref_squeeze %dma_wait3A_207 : memref<1x64x64xf32, #tpu.memory_space<vmem>> -> memref<64x64xf32, #tpu.memory_space<vmem>>
    %dma_wait3A_209 = arith.constant 0 : i32
    %dma_wait3A_210 = tpu.memref_slice %arg7[%dma_wait3A_203, %dma_wait3A_209] : memref<160x64xi32, #tpu.memory_space<vmem>> -> memref<1x64xi32, #tpu.memory_space<vmem>>
    %dma_wait3A_211 = tpu.memref_squeeze %dma_wait3A_210 : memref<1x64xi32, #tpu.memory_space<vmem>> -> memref<64xi32, #tpu.memory_space<vmem>>
    %dma_wait3A_212 = arith.constant 0 : i32
    %dma_wait3A_213 = arith.constant 0 : i32
    %dma_wait3A_214 = tpu.memref_slice %arg10[%dma_wait3A_212, %dma_wait3A_213] : memref<10240x64xf32, #tpu.memory_space<vmem_shared>> -> memref<10240x64xf32, #tpu.memory_space<vmem_shared>>
    %dma_wait3A_215 = tpu.memref_slice %arg12[%dma_wait3A_204] : memref<4x!tpu.dma_semaphore, #tpu.memory_space<semaphore_mem>> -> memref<1x!tpu.dma_semaphore, #tpu.memory_space<semaphore_mem>>
    %dma_wait3A_216 = tpu.memref_squeeze %dma_wait3A_215 : memref<1x!tpu.dma_semaphore, #tpu.memory_space<semaphore_mem>> -> memref<!tpu.dma_semaphore, #tpu.memory_space<semaphore_mem>>
    tpu.wait_indirect_dma semaphore(%dma_wait3A_216 : memref<!tpu.dma_semaphore, #tpu.memory_space<semaphore_mem>>) src(%dma_wait3A_208 : memref<64x64xf32, #tpu.memory_space<vmem>>) dst(%dma_wait3A_214 : memref<10240x64xf32, #tpu.memory_space<vmem_shared>>)
    %dma_wait3A_217 = arith.constant 2 : i32
    %dma_wait3A_218 = arith.constant 158 : i32
    %dma_wait3A_219 = arith.constant 2 : i32
    %dma_wait3A_220 = arith.constant 0 : i32
    %dma_wait3A_221 = arith.constant 0 : i32
    %dma_wait3A_222 = tpu.memref_slice %arg8[%dma_wait3A_217, %dma_wait3A_220, %dma_wait3A_221] : memref<4x64x64xf32, #tpu.memory_space<vmem>> -> memref<1x64x64xf32, #tpu.memory_space<vmem>>
    %dma_wait3A_223 = tpu.memref_squeeze %dma_wait3A_222 : memref<1x64x64xf32, #tpu.memory_space<vmem>> -> memref<64x64xf32, #tpu.memory_space<vmem>>
    %dma_wait3A_224 = arith.constant 0 : i32
    %dma_wait3A_225 = tpu.memref_slice %arg7[%dma_wait3A_218, %dma_wait3A_224] : memref<160x64xi32, #tpu.memory_space<vmem>> -> memref<1x64xi32, #tpu.memory_space<vmem>>
    %dma_wait3A_226 = tpu.memref_squeeze %dma_wait3A_225 : memref<1x64xi32, #tpu.memory_space<vmem>> -> memref<64xi32, #tpu.memory_space<vmem>>
    %dma_wait3A_227 = arith.constant 0 : i32
    %dma_wait3A_228 = arith.constant 0 : i32
    %dma_wait3A_229 = tpu.memref_slice %arg10[%dma_wait3A_227, %dma_wait3A_228] : memref<10240x64xf32, #tpu.memory_space<vmem_shared>> -> memref<10240x64xf32, #tpu.memory_space<vmem_shared>>
    %dma_wait3A_230 = tpu.memref_slice %arg12[%dma_wait3A_219] : memref<4x!tpu.dma_semaphore, #tpu.memory_space<semaphore_mem>> -> memref<1x!tpu.dma_semaphore, #tpu.memory_space<semaphore_mem>>
    %dma_wait3A_231 = tpu.memref_squeeze %dma_wait3A_230 : memref<1x!tpu.dma_semaphore, #tpu.memory_space<semaphore_mem>> -> memref<!tpu.dma_semaphore, #tpu.memory_space<semaphore_mem>>
    tpu.wait_indirect_dma semaphore(%dma_wait3A_231 : memref<!tpu.dma_semaphore, #tpu.memory_space<semaphore_mem>>) src(%dma_wait3A_223 : memref<64x64xf32, #tpu.memory_space<vmem>>) dst(%dma_wait3A_229 : memref<10240x64xf32, #tpu.memory_space<vmem_shared>>)
    %dma_wait3A_232 = arith.constant 3 : i32
    %dma_wait3A_233 = arith.constant 159 : i32
    %dma_wait3A_234 = arith.constant 3 : i32
    %dma_wait3A_235 = arith.constant 0 : i32
    %dma_wait3A_236 = arith.constant 0 : i32
    %dma_wait3A_237 = tpu.memref_slice %arg8[%dma_wait3A_232, %dma_wait3A_235, %dma_wait3A_236] : memref<4x64x64xf32, #tpu.memory_space<vmem>> -> memref<1x64x64xf32, #tpu.memory_space<vmem>>
    %dma_wait3A_238 = tpu.memref_squeeze %dma_wait3A_237 : memref<1x64x64xf32, #tpu.memory_space<vmem>> -> memref<64x64xf32, #tpu.memory_space<vmem>>
    %dma_wait3A_239 = arith.constant 0 : i32
    %dma_wait3A_240 = tpu.memref_slice %arg7[%dma_wait3A_233, %dma_wait3A_239] : memref<160x64xi32, #tpu.memory_space<vmem>> -> memref<1x64xi32, #tpu.memory_space<vmem>>
    %dma_wait3A_241 = tpu.memref_squeeze %dma_wait3A_240 : memref<1x64xi32, #tpu.memory_space<vmem>> -> memref<64xi32, #tpu.memory_space<vmem>>
    %dma_wait3A_242 = arith.constant 0 : i32
    %dma_wait3A_243 = arith.constant 0 : i32
    %dma_wait3A_244 = tpu.memref_slice %arg10[%dma_wait3A_242, %dma_wait3A_243] : memref<10240x64xf32, #tpu.memory_space<vmem_shared>> -> memref<10240x64xf32, #tpu.memory_space<vmem_shared>>
    %dma_wait3A_245 = tpu.memref_slice %arg12[%dma_wait3A_234] : memref<4x!tpu.dma_semaphore, #tpu.memory_space<semaphore_mem>> -> memref<1x!tpu.dma_semaphore, #tpu.memory_space<semaphore_mem>>
    %dma_wait3A_246 = tpu.memref_squeeze %dma_wait3A_245 : memref<1x!tpu.dma_semaphore, #tpu.memory_space<semaphore_mem>> -> memref<!tpu.dma_semaphore, #tpu.memory_space<semaphore_mem>>
    tpu.wait_indirect_dma semaphore(%dma_wait3A_246 : memref<!tpu.dma_semaphore, #tpu.memory_space<semaphore_mem>>) src(%dma_wait3A_238 : memref<64x64xf32, #tpu.memory_space<vmem>>) dst(%dma_wait3A_244 : memref<10240x64xf32, #tpu.memory_space<vmem_shared>>)
    %barrier3A_247 = arith.constant 0 : index
    tpu.barrier barrier_id(%barrier3A_247)
    %mul3A_248 = arith.constant 640 : i32
    %mul3A_249 = arith.muli %arg1, %mul3A_248 : i32
    %mul3A_250 = arith.constant 640 : i32
    %mul3A_251 = arith.muli %arg1, %mul3A_250 : i32
    "tpu.region"() ({
      %run_scoped3A_252 = tpu.sem_alloc : memref<!tpu.dma_semaphore, #tpu.memory_space<semaphore_mem>>
      %dma_start3A_253 = arith.constant 0 : i32
      %dma_start3A_254 = tpu.memref_slice %arg5[%arg0, %mul3A_251, %dma_start3A_253] : memref<2x10240x64xf32, #tpu.memory_space<hbm>> -> memref<1x640x64xf32, #tpu.memory_space<hbm>>
      %dma_start3A_255 = tpu.memref_squeeze %dma_start3A_254 : memref<1x640x64xf32, #tpu.memory_space<hbm>> -> memref<640x64xf32, #tpu.memory_space<hbm>>
      %dma_start3A_256 = arith.constant 0 : i32
      %dma_start3A_257 = tpu.memref_slice %arg10[%mul3A_249, %dma_start3A_256] : memref<10240x64xf32, #tpu.memory_space<vmem_shared>> -> memref<640x64xf32, #tpu.memory_space<vmem_shared>>
      tpu.enqueue_dma source(%dma_start3A_257 : memref<640x64xf32, #tpu.memory_space<vmem_shared>>) target(%dma_start3A_255 : memref<640x64xf32, #tpu.memory_space<hbm>>) target_semaphore(%run_scoped3A_252 : memref<!tpu.dma_semaphore, #tpu.memory_space<semaphore_mem>>)
      %dma_wait3A_258 = arith.constant 0 : i32
      %dma_wait3A_259 = tpu.memref_slice %arg5[%arg0, %mul3A_251, %dma_wait3A_258] : memref<2x10240x64xf32, #tpu.memory_space<hbm>> -> memref<1x640x64xf32, #tpu.memory_space<hbm>>
      %dma_wait3A_260 = tpu.memref_squeeze %dma_wait3A_259 : memref<1x640x64xf32, #tpu.memory_space<hbm>> -> memref<640x64xf32, #tpu.memory_space<hbm>>
      %dma_wait3A_261 = arith.constant 0 : i32
      %dma_wait3A_262 = tpu.memref_slice %arg10[%mul3A_249, %dma_wait3A_261] : memref<10240x64xf32, #tpu.memory_space<vmem_shared>> -> memref<640x64xf32, #tpu.memory_space<vmem_shared>>
      tpu.wait_dma2 semaphore(%run_scoped3A_252 : memref<!tpu.dma_semaphore, #tpu.memory_space<semaphore_mem>>) src(%dma_wait3A_262 : memref<640x64xf32, #tpu.memory_space<vmem_shared>>) dst(%dma_wait3A_260 : memref<640x64xf32, #tpu.memory_space<hbm>>)
      tpu.yield
    }) : () -> ()
    return
  }
}

#map = affine_map<(d0, d1) -> (0, 0)>
#map1 = affine_map<(d0, d1) -> (0, 0, 0)>
module attributes {stable_mosaic.version = 14 : i64} {
  func.func @sc_edge_scatter_64(%arg0: i32, %arg1: i32, %arg2: memref<10240x64xf32, #tpu.memory_space<hbm>>, %arg3: memref<32x160x64xi32, #tpu.memory_space<hbm>>, %arg4: memref<32x160x64xi32, #tpu.memory_space<hbm>>, %arg5: memref<2x10240x64xf32, #tpu.memory_space<hbm>>, %arg6: memref<160x64xi32, #tpu.memory_space<vmem>>, %arg7: memref<160x64xi32, #tpu.memory_space<vmem>>, %arg8: memref<4x64x64xf32, #tpu.memory_space<vmem>>, %arg9: memref<10240x64xf32, #tpu.memory_space<vmem_shared>>, %arg10: memref<10240x64xf32, #tpu.memory_space<vmem_shared>>, %arg11: memref<4x!tpu.dma_semaphore, #tpu.memory_space<semaphore_mem>>, %arg12: memref<4x!tpu.dma_semaphore, #tpu.memory_space<semaphore_mem>>) attributes {dimension_semantics = [#tpu.dimension_semantics<core_parallel>, #tpu.dimension_semantics<subcore_parallel>], iteration_bounds = array<i64: 2, 16>, scalar_prefetch = 0 : i64, scratch_operands = 7 : i64, tpu.core_type = #tpu.core_type<sc_vector_subcore>, window_params = [{transform_indices = #map}, {transform_indices = #map1}, {transform_indices = #map1}, {transform_indices = #map1}]} {
    %mul3A = arith.constant 16 : i32
    %mul3A_0 = arith.muli %arg0, %mul3A : i32
    %add3A = arith.addi %mul3A_0, %arg1 : i32
    %dma_start3A = arith.constant 0 : i32
    %dma_start3A_1 = arith.constant 0 : i32
    %dma_start3A_2 = arith.constant 0 : i32
    %dma_start3A_3 = tpu.memref_slice %arg3[%add3A, %dma_start3A_1, %dma_start3A_2] : memref<32x160x64xi32, #tpu.memory_space<hbm>> -> memref<1x160x64xi32, #tpu.memory_space<hbm>>
    %dma_start3A_4 = tpu.memref_squeeze %dma_start3A_3 : memref<1x160x64xi32, #tpu.memory_space<hbm>> -> memref<160x64xi32, #tpu.memory_space<hbm>>
    %dma_start3A_5 = tpu.memref_slice %arg11[%dma_start3A] : memref<4x!tpu.dma_semaphore, #tpu.memory_space<semaphore_mem>> -> memref<1x!tpu.dma_semaphore, #tpu.memory_space<semaphore_mem>>
    %dma_start3A_6 = tpu.memref_squeeze %dma_start3A_5 : memref<1x!tpu.dma_semaphore, #tpu.memory_space<semaphore_mem>> -> memref<!tpu.dma_semaphore, #tpu.memory_space<semaphore_mem>>
    %dma_start3A_7 = arith.constant 0 : i32
    %dma_start3A_8 = arith.constant 0 : i32
    %dma_start3A_9 = tpu.memref_slice %arg3[%add3A, %dma_start3A_7, %dma_start3A_8] : memref<32x160x64xi32, #tpu.memory_space<hbm>> -> memref<1x160x64xi32, #tpu.memory_space<hbm>>
    %dma_start3A_10 = tpu.memref_squeeze %dma_start3A_9 : memref<1x160x64xi32, #tpu.memory_space<hbm>> -> memref<160x64xi32, #tpu.memory_space<hbm>>
    tpu.enqueue_dma source(%dma_start3A_10 : memref<160x64xi32, #tpu.memory_space<hbm>>) target(%arg6 : memref<160x64xi32, #tpu.memory_space<vmem>>) target_semaphore(%dma_start3A_6 : memref<!tpu.dma_semaphore, #tpu.memory_space<semaphore_mem>>)
    %dma_start3A_11 = arith.constant 1 : i32
    %dma_start3A_12 = arith.constant 0 : i32
    %dma_start3A_13 = arith.constant 0 : i32
    %dma_start3A_14 = tpu.memref_slice %arg4[%add3A, %dma_start3A_12, %dma_start3A_13] : memref<32x160x64xi32, #tpu.memory_space<hbm>> -> memref<1x160x64xi32, #tpu.memory_space<hbm>>
    %dma_start3A_15 = tpu.memref_squeeze %dma_start3A_14 : memref<1x160x64xi32, #tpu.memory_space<hbm>> -> memref<160x64xi32, #tpu.memory_space<hbm>>
    %dma_start3A_16 = tpu.memref_slice %arg11[%dma_start3A_11] : memref<4x!tpu.dma_semaphore, #tpu.memory_space<semaphore_mem>> -> memref<1x!tpu.dma_semaphore, #tpu.memory_space<semaphore_mem>>
    %dma_start3A_17 = tpu.memref_squeeze %dma_start3A_16 : memref<1x!tpu.dma_semaphore, #tpu.memory_space<semaphore_mem>> -> memref<!tpu.dma_semaphore, #tpu.memory_space<semaphore_mem>>
    %dma_start3A_18 = arith.constant 0 : i32
    %dma_start3A_19 = arith.constant 0 : i32
    %dma_start3A_20 = tpu.memref_slice %arg4[%add3A, %dma_start3A_18, %dma_start3A_19] : memref<32x160x64xi32, #tpu.memory_space<hbm>> -> memref<1x160x64xi32, #tpu.memory_space<hbm>>
    %dma_start3A_21 = tpu.memref_squeeze %dma_start3A_20 : memref<1x160x64xi32, #tpu.memory_space<hbm>> -> memref<160x64xi32, #tpu.memory_space<hbm>>
    tpu.enqueue_dma source(%dma_start3A_21 : memref<160x64xi32, #tpu.memory_space<hbm>>) target(%arg7 : memref<160x64xi32, #tpu.memory_space<vmem>>) target_semaphore(%dma_start3A_17 : memref<!tpu.dma_semaphore, #tpu.memory_space<semaphore_mem>>)
    %mul3A_22 = arith.constant 640 : i32
    %mul3A_23 = arith.muli %arg1, %mul3A_22 : i32
    %mul3A_24 = arith.constant 640 : i32
    %mul3A_25 = arith.muli %arg1, %mul3A_24 : i32
    %dma_start3A_26 = arith.constant 2 : i32
    %dma_start3A_27 = tpu.memref_slice %arg11[%dma_start3A_26] : memref<4x!tpu.dma_semaphore, #tpu.memory_space<semaphore_mem>> -> memref<1x!tpu.dma_semaphore, #tpu.memory_space<semaphore_mem>>
    %dma_start3A_28 = tpu.memref_squeeze %dma_start3A_27 : memref<1x!tpu.dma_semaphore, #tpu.memory_space<semaphore_mem>> -> memref<!tpu.dma_semaphore, #tpu.memory_space<semaphore_mem>>
    %dma_start3A_29 = arith.constant 0 : i32
    %dma_start3A_30 = tpu.memref_slice %arg9[%mul3A_25, %dma_start3A_29] : memref<10240x64xf32, #tpu.memory_space<vmem_shared>> -> memref<640x64xf32, #tpu.memory_space<vmem_shared>>
    %dma_start3A_31 = arith.constant 0 : i32
    %dma_start3A_32 = tpu.memref_slice %arg2[%mul3A_23, %dma_start3A_31] : memref<10240x64xf32, #tpu.memory_space<hbm>> -> memref<640x64xf32, #tpu.memory_space<hbm>>
    tpu.enqueue_dma source(%dma_start3A_32 : memref<640x64xf32, #tpu.memory_space<hbm>>) target(%dma_start3A_30 : memref<640x64xf32, #tpu.memory_space<vmem_shared>>) target_semaphore(%dma_start3A_28 : memref<!tpu.dma_semaphore, #tpu.memory_space<semaphore_mem>>)
    %broadcast_in_dim3A = arith.constant 0.000000e+00 : f32
    %broadcast_in_dim3A_33 = vector.broadcast %broadcast_in_dim3A : f32 to vector<16xf32>
    %scan3A = arith.constant 0 : i32
    %scan3A_34 = arith.constant 0 : i32
    %scan3A_35 = arith.constant 0 : i32
    %scan3A_36 = arith.constant 256 : i32
    %scan3A_37 = arith.addi %scan3A_35, %scan3A_36 : i32
    %scan3A_38 = arith.constant 1 : i32
    scf.for %scan3A_252 = %scan3A_35 to %scan3A_37 step %scan3A_38  : i32 {
      %jit3A = arith.constant 4 : i32
      %div3A = arith.divsi %scan3A_252, %jit3A : i32
      %sign3A = arith.constant 0 : i32
      %sign3A_253 = arith.cmpi sgt, %scan3A_252, %sign3A : i32
      %sign3A_254 = arith.extui %sign3A_253 : i1 to i32
      %sign3A_255 = arith.constant 0 : i32
      %sign3A_256 = arith.cmpi slt, %scan3A_252, %sign3A_255 : i32
      %sign3A_257 = arith.extui %sign3A_256 : i1 to i32
      %sign3A_258 = arith.subi %sign3A_254, %sign3A_257 : i32
      %sign3A_259 = arith.constant 0 : i32
      %sign3A_260 = arith.cmpi sgt, %jit3A, %sign3A_259 : i32
      %sign3A_261 = arith.extui %sign3A_260 : i1 to i32
      %sign3A_262 = arith.constant 0 : i32
      %sign3A_263 = arith.cmpi slt, %jit3A, %sign3A_262 : i32
      %sign3A_264 = arith.extui %sign3A_263 : i1 to i32
      %sign3A_265 = arith.subi %sign3A_261, %sign3A_264 : i32
      %ne3A = arith.cmpi ne, %sign3A_258, %sign3A_265 : i32
      %rem3A = arith.remsi %scan3A_252, %jit3A : i32
      %ne3A_266 = arith.constant 0 : i32
      %ne3A_267 = arith.cmpi ne, %rem3A, %ne3A_266 : i32
      %and3A = arith.andi %ne3A, %ne3A_267 : i1
      %sub3A = arith.constant 1 : i32
      %sub3A_268 = arith.subi %div3A, %sub3A : i32
      %select_n3A = arith.select %and3A, %sub3A_268, %div3A : i32
      %jit3A_269 = arith.constant 4 : i32
      %eq3A = arith.constant 0 : i32
      %eq3A_270 = arith.cmpi eq, %jit3A_269, %eq3A : i32
      %jit3A_271 = arith.constant 1 : i32
      %select_n3A_272 = arith.select %eq3A_270, %jit3A_271, %jit3A_269 : i32
      %rem3A_273 = arith.remsi %scan3A_252, %select_n3A_272 : i32
      %ne3A_274 = arith.constant 0 : i32
      %ne3A_275 = arith.cmpi ne, %rem3A_273, %ne3A_274 : i32
      %lt3A = arith.constant 0 : i32
      %lt3A_276 = arith.cmpi slt, %rem3A_273, %lt3A : i32
      %lt3A_277 = arith.constant 0 : i32
      %lt3A_278 = arith.cmpi slt, %select_n3A_272, %lt3A_277 : i32
      %ne3A_279 = arith.xori %lt3A_276, %lt3A_278 : i1
      %and3A_280 = arith.andi %ne3A_279, %ne3A_275 : i1
      %add3A_281 = arith.addi %rem3A_273, %select_n3A_272 : i32
      %select_n3A_282 = arith.select %and3A_280, %add3A_281, %rem3A_273 : i32
      %mul3A_283 = arith.constant 16 : i32
      %mul3A_284 = arith.muli %select_n3A_282, %mul3A_283 : i32
      %swap3A = arith.constant 0 : i32
      %swap3A_285 = arith.constant 0 : i32
      %swap3A_286 = tpu.memref_slice %arg8[%scan3A_34, %swap3A, %swap3A_285] : memref<4x64x64xf32, #tpu.memory_space<vmem>> -> memref<1x64x64xf32, #tpu.memory_space<vmem>>
      %swap3A_287 = tpu.memref_squeeze %swap3A_286 : memref<1x64x64xf32, #tpu.memory_space<vmem>> -> memref<64x64xf32, #tpu.memory_space<vmem>>
      %swap3A_288 = arith.index_cast %select_n3A : i32 to index
      %swap3A_289 = arith.index_cast %mul3A_284 : i32 to index
      %swap3A_290 = tpu.vector_load %swap3A_287[%swap3A_288, %swap3A_289] {strides = array<i32>} : memref<64x64xf32, #tpu.memory_space<vmem>>, vector<1x16xf32>,
      %swap3A_291 = vector.shape_cast %swap3A_290 : vector<1x16xf32> to vector<16xf32>
      %swap3A_292 = vector.shape_cast %broadcast_in_dim3A_33 : vector<16xf32> to vector<1x16xf32>
      tpu.vector_store %swap3A_287[%swap3A_288, %swap3A_289], %swap3A_292 {strides = array<i32>} : memref<64x64xf32, #tpu.memory_space<vmem>>, vector<1x16xf32>,
    }
    %scan3A_39 = arith.constant 256 : i32
    %mul3A_40 = arith.constant 640 : i32
    %mul3A_41 = arith.muli %arg1, %mul3A_40 : i32
    %add3A_42 = arith.constant 0 : i32
    %add3A_43 = arith.addi %mul3A_41, %add3A_42 : i32
    %run_scoped3A = arith.constant 0 : i32
    "tpu.region"() ({
      %run_scoped3A_252 = tpu.sem_alloc : memref<!tpu.dma_semaphore, #tpu.memory_space<semaphore_mem>>
      %dma_start3A_253 = arith.constant 0 : i32
      %dma_start3A_254 = arith.constant 0 : i32
      %dma_start3A_255 = tpu.memref_slice %arg8[%run_scoped3A, %dma_start3A_253, %dma_start3A_254] : memref<4x64x64xf32, #tpu.memory_space<vmem>> -> memref<1x64x64xf32, #tpu.memory_space<vmem>>
      %dma_start3A_256 = tpu.memref_squeeze %dma_start3A_255 : memref<1x64x64xf32, #tpu.memory_space<vmem>> -> memref<64x64xf32, #tpu.memory_space<vmem>>
      %dma_start3A_257 = arith.constant 0 : i32
      %dma_start3A_258 = tpu.memref_slice %arg10[%add3A_43, %dma_start3A_257] : memref<10240x64xf32, #tpu.memory_space<vmem_shared>> -> memref<64x64xf32, #tpu.memory_space<vmem_shared>>
      %dma_start3A_259 = arith.constant 0 : i32
      %dma_start3A_260 = tpu.memref_slice %arg10[%add3A_43, %dma_start3A_259] : memref<10240x64xf32, #tpu.memory_space<vmem_shared>> -> memref<64x64xf32, #tpu.memory_space<vmem_shared>>
      %dma_start3A_261 = arith.constant 0 : i32
      %dma_start3A_262 = arith.constant 0 : i32
      %dma_start3A_263 = tpu.memref_slice %arg8[%run_scoped3A, %dma_start3A_261, %dma_start3A_262] : memref<4x64x64xf32, #tpu.memory_space<vmem>> -> memref<1x64x64xf32, #tpu.memory_space<vmem>>
      %dma_start3A_264 = tpu.memref_squeeze %dma_start3A_263 : memref<1x64x64xf32, #tpu.memory_space<vmem>> -> memref<64x64xf32, #tpu.memory_space<vmem>>
      tpu.enqueue_dma source(%dma_start3A_264 : memref<64x64xf32, #tpu.memory_space<vmem>>) target(%dma_start3A_260 : memref<64x64xf32, #tpu.memory_space<vmem_shared>>) target_semaphore(%run_scoped3A_252 : memref<!tpu.dma_semaphore, #tpu.memory_space<semaphore_mem>>)
      %dma_wait3A_265 = arith.constant 0 : i32
      %dma_wait3A_266 = arith.constant 0 : i32
      %dma_wait3A_267 = tpu.memref_slice %arg8[%run_scoped3A, %dma_wait3A_265, %dma_wait3A_266] : memref<4x64x64xf32, #tpu.memory_space<vmem>> -> memref<1x64x64xf32, #tpu.memory_space<vmem>>
      %dma_wait3A_268 = tpu.memref_squeeze %dma_wait3A_267 : memref<1x64x64xf32, #tpu.memory_space<vmem>> -> memref<64x64xf32, #tpu.memory_space<vmem>>
      %dma_wait3A_269 = arith.constant 0 : i32
      %dma_wait3A_270 = tpu.memref_slice %arg10[%add3A_43, %dma_wait3A_269] : memref<10240x64xf32, #tpu.memory_space<vmem_shared>> -> memref<64x64xf32, #tpu.memory_space<vmem_shared>>
      %dma_wait3A_271 = arith.constant 0 : i32
      %dma_wait3A_272 = tpu.memref_slice %arg10[%add3A_43, %dma_wait3A_271] : memref<10240x64xf32, #tpu.memory_space<vmem_shared>> -> memref<64x64xf32, #tpu.memory_space<vmem_shared>>
      %dma_wait3A_273 = arith.constant 0 : i32
      %dma_wait3A_274 = arith.constant 0 : i32
      %dma_wait3A_275 = tpu.memref_slice %arg8[%run_scoped3A, %dma_wait3A_273, %dma_wait3A_274] : memref<4x64x64xf32, #tpu.memory_space<vmem>> -> memref<1x64x64xf32, #tpu.memory_space<vmem>>
      %dma_wait3A_276 = tpu.memref_squeeze %dma_wait3A_275 : memref<1x64x64xf32, #tpu.memory_space<vmem>> -> memref<64x64xf32, #tpu.memory_space<vmem>>
      tpu.wait_dma2 semaphore(%run_scoped3A_252 : memref<!tpu.dma_semaphore, #tpu.memory_space<semaphore_mem>>) src(%dma_wait3A_276 : memref<64x64xf32, #tpu.memory_space<vmem>>) dst(%dma_wait3A_272 : memref<64x64xf32, #tpu.memory_space<vmem_shared>>)
      tpu.yield
    }) : () -> ()
    %mul3A_44 = arith.constant 640 : i32
    %mul3A_45 = arith.muli %arg1, %mul3A_44 : i32
    %add3A_46 = arith.constant 64 : i32
    %add3A_47 = arith.addi %mul3A_45, %add3A_46 : i32
    %run_scoped3A_48 = arith.constant 0 : i32
    "tpu.region"() ({
      %run_scoped3A_252 = tpu.sem_alloc : memref<!tpu.dma_semaphore, #tpu.memory_space<semaphore_mem>>
      %dma_start3A_253 = arith.constant 0 : i32
      %dma_start3A_254 = arith.constant 0 : i32
      %dma_start3A_255 = tpu.memref_slice %arg8[%run_scoped3A_48, %dma_start3A_253, %dma_start3A_254] : memref<4x64x64xf32, #tpu.memory_space<vmem>> -> memref<1x64x64xf32, #tpu.memory_space<vmem>>
      %dma_start3A_256 = tpu.memref_squeeze %dma_start3A_255 : memref<1x64x64xf32, #tpu.memory_space<vmem>> -> memref<64x64xf32, #tpu.memory_space<vmem>>
      %dma_start3A_257 = arith.constant 0 : i32
      %dma_start3A_258 = tpu.memref_slice %arg10[%add3A_47, %dma_start3A_257] : memref<10240x64xf32, #tpu.memory_space<vmem_shared>> -> memref<64x64xf32, #tpu.memory_space<vmem_shared>>
      %dma_start3A_259 = arith.constant 0 : i32
      %dma_start3A_260 = tpu.memref_slice %arg10[%add3A_47, %dma_start3A_259] : memref<10240x64xf32, #tpu.memory_space<vmem_shared>> -> memref<64x64xf32, #tpu.memory_space<vmem_shared>>
      %dma_start3A_261 = arith.constant 0 : i32
      %dma_start3A_262 = arith.constant 0 : i32
      %dma_start3A_263 = tpu.memref_slice %arg8[%run_scoped3A_48, %dma_start3A_261, %dma_start3A_262] : memref<4x64x64xf32, #tpu.memory_space<vmem>> -> memref<1x64x64xf32, #tpu.memory_space<vmem>>
      %dma_start3A_264 = tpu.memref_squeeze %dma_start3A_263 : memref<1x64x64xf32, #tpu.memory_space<vmem>> -> memref<64x64xf32, #tpu.memory_space<vmem>>
      tpu.enqueue_dma source(%dma_start3A_264 : memref<64x64xf32, #tpu.memory_space<vmem>>) target(%dma_start3A_260 : memref<64x64xf32, #tpu.memory_space<vmem_shared>>) target_semaphore(%run_scoped3A_252 : memref<!tpu.dma_semaphore, #tpu.memory_space<semaphore_mem>>)
      %dma_wait3A_265 = arith.constant 0 : i32
      %dma_wait3A_266 = arith.constant 0 : i32
      %dma_wait3A_267 = tpu.memref_slice %arg8[%run_scoped3A_48, %dma_wait3A_265, %dma_wait3A_266] : memref<4x64x64xf32, #tpu.memory_space<vmem>> -> memref<1x64x64xf32, #tpu.memory_space<vmem>>
      %dma_wait3A_268 = tpu.memref_squeeze %dma_wait3A_267 : memref<1x64x64xf32, #tpu.memory_space<vmem>> -> memref<64x64xf32, #tpu.memory_space<vmem>>
      %dma_wait3A_269 = arith.constant 0 : i32
      %dma_wait3A_270 = tpu.memref_slice %arg10[%add3A_47, %dma_wait3A_269] : memref<10240x64xf32, #tpu.memory_space<vmem_shared>> -> memref<64x64xf32, #tpu.memory_space<vmem_shared>>
      %dma_wait3A_271 = arith.constant 0 : i32
      %dma_wait3A_272 = tpu.memref_slice %arg10[%add3A_47, %dma_wait3A_271] : memref<10240x64xf32, #tpu.memory_space<vmem_shared>> -> memref<64x64xf32, #tpu.memory_space<vmem_shared>>
      %dma_wait3A_273 = arith.constant 0 : i32
      %dma_wait3A_274 = arith.constant 0 : i32
      %dma_wait3A_275 = tpu.memref_slice %arg8[%run_scoped3A_48, %dma_wait3A_273, %dma_wait3A_274] : memref<4x64x64xf32, #tpu.memory_space<vmem>> -> memref<1x64x64xf32, #tpu.memory_space<vmem>>
      %dma_wait3A_276 = tpu.memref_squeeze %dma_wait3A_275 : memref<1x64x64xf32, #tpu.memory_space<vmem>> -> memref<64x64xf32, #tpu.memory_space<vmem>>
      tpu.wait_dma2 semaphore(%run_scoped3A_252 : memref<!tpu.dma_semaphore, #tpu.memory_space<semaphore_mem>>) src(%dma_wait3A_276 : memref<64x64xf32, #tpu.memory_space<vmem>>) dst(%dma_wait3A_272 : memref<64x64xf32, #tpu.memory_space<vmem_shared>>)
      tpu.yield
    }) : () -> ()
    %mul3A_49 = arith.constant 640 : i32
    %mul3A_50 = arith.muli %arg1, %mul3A_49 : i32
    %add3A_51 = arith.constant 128 : i32
    %add3A_52 = arith.addi %mul3A_50, %add3A_51 : i32
    %run_scoped3A_53 = arith.constant 0 : i32
    "tpu.region"() ({
      %run_scoped3A_252 = tpu.sem_alloc : memref<!tpu.dma_semaphore, #tpu.memory_space<semaphore_mem>>
      %dma_start3A_253 = arith.constant 0 : i32
      %dma_start3A_254 = arith.constant 0 : i32
      %dma_start3A_255 = tpu.memref_slice %arg8[%run_scoped3A_53, %dma_start3A_253, %dma_start3A_254] : memref<4x64x64xf32, #tpu.memory_space<vmem>> -> memref<1x64x64xf32, #tpu.memory_space<vmem>>
      %dma_start3A_256 = tpu.memref_squeeze %dma_start3A_255 : memref<1x64x64xf32, #tpu.memory_space<vmem>> -> memref<64x64xf32, #tpu.memory_space<vmem>>
      %dma_start3A_257 = arith.constant 0 : i32
      %dma_start3A_258 = tpu.memref_slice %arg10[%add3A_52, %dma_start3A_257] : memref<10240x64xf32, #tpu.memory_space<vmem_shared>> -> memref<64x64xf32, #tpu.memory_space<vmem_shared>>
      %dma_start3A_259 = arith.constant 0 : i32
      %dma_start3A_260 = tpu.memref_slice %arg10[%add3A_52, %dma_start3A_259] : memref<10240x64xf32, #tpu.memory_space<vmem_shared>> -> memref<64x64xf32, #tpu.memory_space<vmem_shared>>
      %dma_start3A_261 = arith.constant 0 : i32
      %dma_start3A_262 = arith.constant 0 : i32
      %dma_start3A_263 = tpu.memref_slice %arg8[%run_scoped3A_53, %dma_start3A_261, %dma_start3A_262] : memref<4x64x64xf32, #tpu.memory_space<vmem>> -> memref<1x64x64xf32, #tpu.memory_space<vmem>>
      %dma_start3A_264 = tpu.memref_squeeze %dma_start3A_263 : memref<1x64x64xf32, #tpu.memory_space<vmem>> -> memref<64x64xf32, #tpu.memory_space<vmem>>
      tpu.enqueue_dma source(%dma_start3A_264 : memref<64x64xf32, #tpu.memory_space<vmem>>) target(%dma_start3A_260 : memref<64x64xf32, #tpu.memory_space<vmem_shared>>) target_semaphore(%run_scoped3A_252 : memref<!tpu.dma_semaphore, #tpu.memory_space<semaphore_mem>>)
      %dma_wait3A_265 = arith.constant 0 : i32
      %dma_wait3A_266 = arith.constant 0 : i32
      %dma_wait3A_267 = tpu.memref_slice %arg8[%run_scoped3A_53, %dma_wait3A_265, %dma_wait3A_266] : memref<4x64x64xf32, #tpu.memory_space<vmem>> -> memref<1x64x64xf32, #tpu.memory_space<vmem>>
      %dma_wait3A_268 = tpu.memref_squeeze %dma_wait3A_267 : memref<1x64x64xf32, #tpu.memory_space<vmem>> -> memref<64x64xf32, #tpu.memory_space<vmem>>
      %dma_wait3A_269 = arith.constant 0 : i32
      %dma_wait3A_270 = tpu.memref_slice %arg10[%add3A_52, %dma_wait3A_269] : memref<10240x64xf32, #tpu.memory_space<vmem_shared>> -> memref<64x64xf32, #tpu.memory_space<vmem_shared>>
      %dma_wait3A_271 = arith.constant 0 : i32
      %dma_wait3A_272 = tpu.memref_slice %arg10[%add3A_52, %dma_wait3A_271] : memref<10240x64xf32, #tpu.memory_space<vmem_shared>> -> memref<64x64xf32, #tpu.memory_space<vmem_shared>>
      %dma_wait3A_273 = arith.constant 0 : i32
      %dma_wait3A_274 = arith.constant 0 : i32
      %dma_wait3A_275 = tpu.memref_slice %arg8[%run_scoped3A_53, %dma_wait3A_273, %dma_wait3A_274] : memref<4x64x64xf32, #tpu.memory_space<vmem>> -> memref<1x64x64xf32, #tpu.memory_space<vmem>>
      %dma_wait3A_276 = tpu.memref_squeeze %dma_wait3A_275 : memref<1x64x64xf32, #tpu.memory_space<vmem>> -> memref<64x64xf32, #tpu.memory_space<vmem>>
      tpu.wait_dma2 semaphore(%run_scoped3A_252 : memref<!tpu.dma_semaphore, #tpu.memory_space<semaphore_mem>>) src(%dma_wait3A_276 : memref<64x64xf32, #tpu.memory_space<vmem>>) dst(%dma_wait3A_272 : memref<64x64xf32, #tpu.memory_space<vmem_shared>>)
      tpu.yield
    }) : () -> ()
    %mul3A_54 = arith.constant 640 : i32
    %mul3A_55 = arith.muli %arg1, %mul3A_54 : i32
    %add3A_56 = arith.constant 192 : i32
    %add3A_57 = arith.addi %mul3A_55, %add3A_56 : i32
    %run_scoped3A_58 = arith.constant 0 : i32
    "tpu.region"() ({
      %run_scoped3A_252 = tpu.sem_alloc : memref<!tpu.dma_semaphore, #tpu.memory_space<semaphore_mem>>
      %dma_start3A_253 = arith.constant 0 : i32
      %dma_start3A_254 = arith.constant 0 : i32
      %dma_start3A_255 = tpu.memref_slice %arg8[%run_scoped3A_58, %dma_start3A_253, %dma_start3A_254] : memref<4x64x64xf32, #tpu.memory_space<vmem>> -> memref<1x64x64xf32, #tpu.memory_space<vmem>>
      %dma_start3A_256 = tpu.memref_squeeze %dma_start3A_255 : memref<1x64x64xf32, #tpu.memory_space<vmem>> -> memref<64x64xf32, #tpu.memory_space<vmem>>
      %dma_start3A_257 = arith.constant 0 : i32
      %dma_start3A_258 = tpu.memref_slice %arg10[%add3A_57, %dma_start3A_257] : memref<10240x64xf32, #tpu.memory_space<vmem_shared>> -> memref<64x64xf32, #tpu.memory_space<vmem_shared>>
      %dma_start3A_259 = arith.constant 0 : i32
      %dma_start3A_260 = tpu.memref_slice %arg10[%add3A_57, %dma_start3A_259] : memref<10240x64xf32, #tpu.memory_space<vmem_shared>> -> memref<64x64xf32, #tpu.memory_space<vmem_shared>>
      %dma_start3A_261 = arith.constant 0 : i32
      %dma_start3A_262 = arith.constant 0 : i32
      %dma_start3A_263 = tpu.memref_slice %arg8[%run_scoped3A_58, %dma_start3A_261, %dma_start3A_262] : memref<4x64x64xf32, #tpu.memory_space<vmem>> -> memref<1x64x64xf32, #tpu.memory_space<vmem>>
      %dma_start3A_264 = tpu.memref_squeeze %dma_start3A_263 : memref<1x64x64xf32, #tpu.memory_space<vmem>> -> memref<64x64xf32, #tpu.memory_space<vmem>>
      tpu.enqueue_dma source(%dma_start3A_264 : memref<64x64xf32, #tpu.memory_space<vmem>>) target(%dma_start3A_260 : memref<64x64xf32, #tpu.memory_space<vmem_shared>>) target_semaphore(%run_scoped3A_252 : memref<!tpu.dma_semaphore, #tpu.memory_space<semaphore_mem>>)
      %dma_wait3A_265 = arith.constant 0 : i32
      %dma_wait3A_266 = arith.constant 0 : i32
      %dma_wait3A_267 = tpu.memref_slice %arg8[%run_scoped3A_58, %dma_wait3A_265, %dma_wait3A_266] : memref<4x64x64xf32, #tpu.memory_space<vmem>> -> memref<1x64x64xf32, #tpu.memory_space<vmem>>
      %dma_wait3A_268 = tpu.memref_squeeze %dma_wait3A_267 : memref<1x64x64xf32, #tpu.memory_space<vmem>> -> memref<64x64xf32, #tpu.memory_space<vmem>>
      %dma_wait3A_269 = arith.constant 0 : i32
      %dma_wait3A_270 = tpu.memref_slice %arg10[%add3A_57, %dma_wait3A_269] : memref<10240x64xf32, #tpu.memory_space<vmem_shared>> -> memref<64x64xf32, #tpu.memory_space<vmem_shared>>
      %dma_wait3A_271 = arith.constant 0 : i32
      %dma_wait3A_272 = tpu.memref_slice %arg10[%add3A_57, %dma_wait3A_271] : memref<10240x64xf32, #tpu.memory_space<vmem_shared>> -> memref<64x64xf32, #tpu.memory_space<vmem_shared>>
      %dma_wait3A_273 = arith.constant 0 : i32
      %dma_wait3A_274 = arith.constant 0 : i32
      %dma_wait3A_275 = tpu.memref_slice %arg8[%run_scoped3A_58, %dma_wait3A_273, %dma_wait3A_274] : memref<4x64x64xf32, #tpu.memory_space<vmem>> -> memref<1x64x64xf32, #tpu.memory_space<vmem>>
      %dma_wait3A_276 = tpu.memref_squeeze %dma_wait3A_275 : memref<1x64x64xf32, #tpu.memory_space<vmem>> -> memref<64x64xf32, #tpu.memory_space<vmem>>
      tpu.wait_dma2 semaphore(%run_scoped3A_252 : memref<!tpu.dma_semaphore, #tpu.memory_space<semaphore_mem>>) src(%dma_wait3A_276 : memref<64x64xf32, #tpu.memory_space<vmem>>) dst(%dma_wait3A_272 : memref<64x64xf32, #tpu.memory_space<vmem_shared>>)
      tpu.yield
    }) : () -> ()
    %mul3A_59 = arith.constant 640 : i32
    %mul3A_60 = arith.muli %arg1, %mul3A_59 : i32
    %add3A_61 = arith.constant 256 : i32
    %add3A_62 = arith.addi %mul3A_60, %add3A_61 : i32
    %run_scoped3A_63 = arith.constant 0 : i32
    "tpu.region"() ({
      %run_scoped3A_252 = tpu.sem_alloc : memref<!tpu.dma_semaphore, #tpu.memory_space<semaphore_mem>>
      %dma_start3A_253 = arith.constant 0 : i32
      %dma_start3A_254 = arith.constant 0 : i32
      %dma_start3A_255 = tpu.memref_slice %arg8[%run_scoped3A_63, %dma_start3A_253, %dma_start3A_254] : memref<4x64x64xf32, #tpu.memory_space<vmem>> -> memref<1x64x64xf32, #tpu.memory_space<vmem>>
      %dma_start3A_256 = tpu.memref_squeeze %dma_start3A_255 : memref<1x64x64xf32, #tpu.memory_space<vmem>> -> memref<64x64xf32, #tpu.memory_space<vmem>>
      %dma_start3A_257 = arith.constant 0 : i32
      %dma_start3A_258 = tpu.memref_slice %arg10[%add3A_62, %dma_start3A_257] : memref<10240x64xf32, #tpu.memory_space<vmem_shared>> -> memref<64x64xf32, #tpu.memory_space<vmem_shared>>
      %dma_start3A_259 = arith.constant 0 : i32
      %dma_start3A_260 = tpu.memref_slice %arg10[%add3A_62, %dma_start3A_259] : memref<10240x64xf32, #tpu.memory_space<vmem_shared>> -> memref<64x64xf32, #tpu.memory_space<vmem_shared>>
      %dma_start3A_261 = arith.constant 0 : i32
      %dma_start3A_262 = arith.constant 0 : i32
      %dma_start3A_263 = tpu.memref_slice %arg8[%run_scoped3A_63, %dma_start3A_261, %dma_start3A_262] : memref<4x64x64xf32, #tpu.memory_space<vmem>> -> memref<1x64x64xf32, #tpu.memory_space<vmem>>
      %dma_start3A_264 = tpu.memref_squeeze %dma_start3A_263 : memref<1x64x64xf32, #tpu.memory_space<vmem>> -> memref<64x64xf32, #tpu.memory_space<vmem>>
      tpu.enqueue_dma source(%dma_start3A_264 : memref<64x64xf32, #tpu.memory_space<vmem>>) target(%dma_start3A_260 : memref<64x64xf32, #tpu.memory_space<vmem_shared>>) target_semaphore(%run_scoped3A_252 : memref<!tpu.dma_semaphore, #tpu.memory_space<semaphore_mem>>)
      %dma_wait3A_265 = arith.constant 0 : i32
      %dma_wait3A_266 = arith.constant 0 : i32
      %dma_wait3A_267 = tpu.memref_slice %arg8[%run_scoped3A_63, %dma_wait3A_265, %dma_wait3A_266] : memref<4x64x64xf32, #tpu.memory_space<vmem>> -> memref<1x64x64xf32, #tpu.memory_space<vmem>>
      %dma_wait3A_268 = tpu.memref_squeeze %dma_wait3A_267 : memref<1x64x64xf32, #tpu.memory_space<vmem>> -> memref<64x64xf32, #tpu.memory_space<vmem>>
      %dma_wait3A_269 = arith.constant 0 : i32
      %dma_wait3A_270 = tpu.memref_slice %arg10[%add3A_62, %dma_wait3A_269] : memref<10240x64xf32, #tpu.memory_space<vmem_shared>> -> memref<64x64xf32, #tpu.memory_space<vmem_shared>>
      %dma_wait3A_271 = arith.constant 0 : i32
      %dma_wait3A_272 = tpu.memref_slice %arg10[%add3A_62, %dma_wait3A_271] : memref<10240x64xf32, #tpu.memory_space<vmem_shared>> -> memref<64x64xf32, #tpu.memory_space<vmem_shared>>
      %dma_wait3A_273 = arith.constant 0 : i32
      %dma_wait3A_274 = arith.constant 0 : i32
      %dma_wait3A_275 = tpu.memref_slice %arg8[%run_scoped3A_63, %dma_wait3A_273, %dma_wait3A_274] : memref<4x64x64xf32, #tpu.memory_space<vmem>> -> memref<1x64x64xf32, #tpu.memory_space<vmem>>
      %dma_wait3A_276 = tpu.memref_squeeze %dma_wait3A_275 : memref<1x64x64xf32, #tpu.memory_space<vmem>> -> memref<64x64xf32, #tpu.memory_space<vmem>>
      tpu.wait_dma2 semaphore(%run_scoped3A_252 : memref<!tpu.dma_semaphore, #tpu.memory_space<semaphore_mem>>) src(%dma_wait3A_276 : memref<64x64xf32, #tpu.memory_space<vmem>>) dst(%dma_wait3A_272 : memref<64x64xf32, #tpu.memory_space<vmem_shared>>)
      tpu.yield
    }) : () -> ()
    %mul3A_64 = arith.constant 640 : i32
    %mul3A_65 = arith.muli %arg1, %mul3A_64 : i32
    %add3A_66 = arith.constant 320 : i32
    %add3A_67 = arith.addi %mul3A_65, %add3A_66 : i32
    %run_scoped3A_68 = arith.constant 0 : i32
    "tpu.region"() ({
      %run_scoped3A_252 = tpu.sem_alloc : memref<!tpu.dma_semaphore, #tpu.memory_space<semaphore_mem>>
      %dma_start3A_253 = arith.constant 0 : i32
      %dma_start3A_254 = arith.constant 0 : i32
      %dma_start3A_255 = tpu.memref_slice %arg8[%run_scoped3A_68, %dma_start3A_253, %dma_start3A_254] : memref<4x64x64xf32, #tpu.memory_space<vmem>> -> memref<1x64x64xf32, #tpu.memory_space<vmem>>
      %dma_start3A_256 = tpu.memref_squeeze %dma_start3A_255 : memref<1x64x64xf32, #tpu.memory_space<vmem>> -> memref<64x64xf32, #tpu.memory_space<vmem>>
      %dma_start3A_257 = arith.constant 0 : i32
      %dma_start3A_258 = tpu.memref_slice %arg10[%add3A_67, %dma_start3A_257] : memref<10240x64xf32, #tpu.memory_space<vmem_shared>> -> memref<64x64xf32, #tpu.memory_space<vmem_shared>>
      %dma_start3A_259 = arith.constant 0 : i32
      %dma_start3A_260 = tpu.memref_slice %arg10[%add3A_67, %dma_start3A_259] : memref<10240x64xf32, #tpu.memory_space<vmem_shared>> -> memref<64x64xf32, #tpu.memory_space<vmem_shared>>
      %dma_start3A_261 = arith.constant 0 : i32
      %dma_start3A_262 = arith.constant 0 : i32
      %dma_start3A_263 = tpu.memref_slice %arg8[%run_scoped3A_68, %dma_start3A_261, %dma_start3A_262] : memref<4x64x64xf32, #tpu.memory_space<vmem>> -> memref<1x64x64xf32, #tpu.memory_space<vmem>>
      %dma_start3A_264 = tpu.memref_squeeze %dma_start3A_263 : memref<1x64x64xf32, #tpu.memory_space<vmem>> -> memref<64x64xf32, #tpu.memory_space<vmem>>
      tpu.enqueue_dma source(%dma_start3A_264 : memref<64x64xf32, #tpu.memory_space<vmem>>) target(%dma_start3A_260 : memref<64x64xf32, #tpu.memory_space<vmem_shared>>) target_semaphore(%run_scoped3A_252 : memref<!tpu.dma_semaphore, #tpu.memory_space<semaphore_mem>>)
      %dma_wait3A_265 = arith.constant 0 : i32
      %dma_wait3A_266 = arith.constant 0 : i32
      %dma_wait3A_267 = tpu.memref_slice %arg8[%run_scoped3A_68, %dma_wait3A_265, %dma_wait3A_266] : memref<4x64x64xf32, #tpu.memory_space<vmem>> -> memref<1x64x64xf32, #tpu.memory_space<vmem>>
      %dma_wait3A_268 = tpu.memref_squeeze %dma_wait3A_267 : memref<1x64x64xf32, #tpu.memory_space<vmem>> -> memref<64x64xf32, #tpu.memory_space<vmem>>
      %dma_wait3A_269 = arith.constant 0 : i32
      %dma_wait3A_270 = tpu.memref_slice %arg10[%add3A_67, %dma_wait3A_269] : memref<10240x64xf32, #tpu.memory_space<vmem_shared>> -> memref<64x64xf32, #tpu.memory_space<vmem_shared>>
      %dma_wait3A_271 = arith.constant 0 : i32
      %dma_wait3A_272 = tpu.memref_slice %arg10[%add3A_67, %dma_wait3A_271] : memref<10240x64xf32, #tpu.memory_space<vmem_shared>> -> memref<64x64xf32, #tpu.memory_space<vmem_shared>>
      %dma_wait3A_273 = arith.constant 0 : i32
      %dma_wait3A_274 = arith.constant 0 : i32
      %dma_wait3A_275 = tpu.memref_slice %arg8[%run_scoped3A_68, %dma_wait3A_273, %dma_wait3A_274] : memref<4x64x64xf32, #tpu.memory_space<vmem>> -> memref<1x64x64xf32, #tpu.memory_space<vmem>>
      %dma_wait3A_276 = tpu.memref_squeeze %dma_wait3A_275 : memref<1x64x64xf32, #tpu.memory_space<vmem>> -> memref<64x64xf32, #tpu.memory_space<vmem>>
      tpu.wait_dma2 semaphore(%run_scoped3A_252 : memref<!tpu.dma_semaphore, #tpu.memory_space<semaphore_mem>>) src(%dma_wait3A_276 : memref<64x64xf32, #tpu.memory_space<vmem>>) dst(%dma_wait3A_272 : memref<64x64xf32, #tpu.memory_space<vmem_shared>>)
      tpu.yield
    }) : () -> ()
    %mul3A_69 = arith.constant 640 : i32
    %mul3A_70 = arith.muli %arg1, %mul3A_69 : i32
    %add3A_71 = arith.constant 384 : i32
    %add3A_72 = arith.addi %mul3A_70, %add3A_71 : i32
    %run_scoped3A_73 = arith.constant 0 : i32
    "tpu.region"() ({
      %run_scoped3A_252 = tpu.sem_alloc : memref<!tpu.dma_semaphore, #tpu.memory_space<semaphore_mem>>
      %dma_start3A_253 = arith.constant 0 : i32
      %dma_start3A_254 = arith.constant 0 : i32
      %dma_start3A_255 = tpu.memref_slice %arg8[%run_scoped3A_73, %dma_start3A_253, %dma_start3A_254] : memref<4x64x64xf32, #tpu.memory_space<vmem>> -> memref<1x64x64xf32, #tpu.memory_space<vmem>>
      %dma_start3A_256 = tpu.memref_squeeze %dma_start3A_255 : memref<1x64x64xf32, #tpu.memory_space<vmem>> -> memref<64x64xf32, #tpu.memory_space<vmem>>
      %dma_start3A_257 = arith.constant 0 : i32
      %dma_start3A_258 = tpu.memref_slice %arg10[%add3A_72, %dma_start3A_257] : memref<10240x64xf32, #tpu.memory_space<vmem_shared>> -> memref<64x64xf32, #tpu.memory_space<vmem_shared>>
      %dma_start3A_259 = arith.constant 0 : i32
      %dma_start3A_260 = tpu.memref_slice %arg10[%add3A_72, %dma_start3A_259] : memref<10240x64xf32, #tpu.memory_space<vmem_shared>> -> memref<64x64xf32, #tpu.memory_space<vmem_shared>>
      %dma_start3A_261 = arith.constant 0 : i32
      %dma_start3A_262 = arith.constant 0 : i32
      %dma_start3A_263 = tpu.memref_slice %arg8[%run_scoped3A_73, %dma_start3A_261, %dma_start3A_262] : memref<4x64x64xf32, #tpu.memory_space<vmem>> -> memref<1x64x64xf32, #tpu.memory_space<vmem>>
      %dma_start3A_264 = tpu.memref_squeeze %dma_start3A_263 : memref<1x64x64xf32, #tpu.memory_space<vmem>> -> memref<64x64xf32, #tpu.memory_space<vmem>>
      tpu.enqueue_dma source(%dma_start3A_264 : memref<64x64xf32, #tpu.memory_space<vmem>>) target(%dma_start3A_260 : memref<64x64xf32, #tpu.memory_space<vmem_shared>>) target_semaphore(%run_scoped3A_252 : memref<!tpu.dma_semaphore, #tpu.memory_space<semaphore_mem>>)
      %dma_wait3A_265 = arith.constant 0 : i32
      %dma_wait3A_266 = arith.constant 0 : i32
      %dma_wait3A_267 = tpu.memref_slice %arg8[%run_scoped3A_73, %dma_wait3A_265, %dma_wait3A_266] : memref<4x64x64xf32, #tpu.memory_space<vmem>> -> memref<1x64x64xf32, #tpu.memory_space<vmem>>
      %dma_wait3A_268 = tpu.memref_squeeze %dma_wait3A_267 : memref<1x64x64xf32, #tpu.memory_space<vmem>> -> memref<64x64xf32, #tpu.memory_space<vmem>>
      %dma_wait3A_269 = arith.constant 0 : i32
      %dma_wait3A_270 = tpu.memref_slice %arg10[%add3A_72, %dma_wait3A_269] : memref<10240x64xf32, #tpu.memory_space<vmem_shared>> -> memref<64x64xf32, #tpu.memory_space<vmem_shared>>
      %dma_wait3A_271 = arith.constant 0 : i32
      %dma_wait3A_272 = tpu.memref_slice %arg10[%add3A_72, %dma_wait3A_271] : memref<10240x64xf32, #tpu.memory_space<vmem_shared>> -> memref<64x64xf32, #tpu.memory_space<vmem_shared>>
      %dma_wait3A_273 = arith.constant 0 : i32
      %dma_wait3A_274 = arith.constant 0 : i32
      %dma_wait3A_275 = tpu.memref_slice %arg8[%run_scoped3A_73, %dma_wait3A_273, %dma_wait3A_274] : memref<4x64x64xf32, #tpu.memory_space<vmem>> -> memref<1x64x64xf32, #tpu.memory_space<vmem>>
      %dma_wait3A_276 = tpu.memref_squeeze %dma_wait3A_275 : memref<1x64x64xf32, #tpu.memory_space<vmem>> -> memref<64x64xf32, #tpu.memory_space<vmem>>
      tpu.wait_dma2 semaphore(%run_scoped3A_252 : memref<!tpu.dma_semaphore, #tpu.memory_space<semaphore_mem>>) src(%dma_wait3A_276 : memref<64x64xf32, #tpu.memory_space<vmem>>) dst(%dma_wait3A_272 : memref<64x64xf32, #tpu.memory_space<vmem_shared>>)
      tpu.yield
    }) : () -> ()
    %mul3A_74 = arith.constant 640 : i32
    %mul3A_75 = arith.muli %arg1, %mul3A_74 : i32
    %add3A_76 = arith.constant 448 : i32
    %add3A_77 = arith.addi %mul3A_75, %add3A_76 : i32
    %run_scoped3A_78 = arith.constant 0 : i32
    "tpu.region"() ({
      %run_scoped3A_252 = tpu.sem_alloc : memref<!tpu.dma_semaphore, #tpu.memory_space<semaphore_mem>>
      %dma_start3A_253 = arith.constant 0 : i32
      %dma_start3A_254 = arith.constant 0 : i32
      %dma_start3A_255 = tpu.memref_slice %arg8[%run_scoped3A_78, %dma_start3A_253, %dma_start3A_254] : memref<4x64x64xf32, #tpu.memory_space<vmem>> -> memref<1x64x64xf32, #tpu.memory_space<vmem>>
      %dma_start3A_256 = tpu.memref_squeeze %dma_start3A_255 : memref<1x64x64xf32, #tpu.memory_space<vmem>> -> memref<64x64xf32, #tpu.memory_space<vmem>>
      %dma_start3A_257 = arith.constant 0 : i32
      %dma_start3A_258 = tpu.memref_slice %arg10[%add3A_77, %dma_start3A_257] : memref<10240x64xf32, #tpu.memory_space<vmem_shared>> -> memref<64x64xf32, #tpu.memory_space<vmem_shared>>
      %dma_start3A_259 = arith.constant 0 : i32
      %dma_start3A_260 = tpu.memref_slice %arg10[%add3A_77, %dma_start3A_259] : memref<10240x64xf32, #tpu.memory_space<vmem_shared>> -> memref<64x64xf32, #tpu.memory_space<vmem_shared>>
      %dma_start3A_261 = arith.constant 0 : i32
      %dma_start3A_262 = arith.constant 0 : i32
      %dma_start3A_263 = tpu.memref_slice %arg8[%run_scoped3A_78, %dma_start3A_261, %dma_start3A_262] : memref<4x64x64xf32, #tpu.memory_space<vmem>> -> memref<1x64x64xf32, #tpu.memory_space<vmem>>
      %dma_start3A_264 = tpu.memref_squeeze %dma_start3A_263 : memref<1x64x64xf32, #tpu.memory_space<vmem>> -> memref<64x64xf32, #tpu.memory_space<vmem>>
      tpu.enqueue_dma source(%dma_start3A_264 : memref<64x64xf32, #tpu.memory_space<vmem>>) target(%dma_start3A_260 : memref<64x64xf32, #tpu.memory_space<vmem_shared>>) target_semaphore(%run_scoped3A_252 : memref<!tpu.dma_semaphore, #tpu.memory_space<semaphore_mem>>)
      %dma_wait3A_265 = arith.constant 0 : i32
      %dma_wait3A_266 = arith.constant 0 : i32
      %dma_wait3A_267 = tpu.memref_slice %arg8[%run_scoped3A_78, %dma_wait3A_265, %dma_wait3A_266] : memref<4x64x64xf32, #tpu.memory_space<vmem>> -> memref<1x64x64xf32, #tpu.memory_space<vmem>>
      %dma_wait3A_268 = tpu.memref_squeeze %dma_wait3A_267 : memref<1x64x64xf32, #tpu.memory_space<vmem>> -> memref<64x64xf32, #tpu.memory_space<vmem>>
      %dma_wait3A_269 = arith.constant 0 : i32
      %dma_wait3A_270 = tpu.memref_slice %arg10[%add3A_77, %dma_wait3A_269] : memref<10240x64xf32, #tpu.memory_space<vmem_shared>> -> memref<64x64xf32, #tpu.memory_space<vmem_shared>>
      %dma_wait3A_271 = arith.constant 0 : i32
      %dma_wait3A_272 = tpu.memref_slice %arg10[%add3A_77, %dma_wait3A_271] : memref<10240x64xf32, #tpu.memory_space<vmem_shared>> -> memref<64x64xf32, #tpu.memory_space<vmem_shared>>
      %dma_wait3A_273 = arith.constant 0 : i32
      %dma_wait3A_274 = arith.constant 0 : i32
      %dma_wait3A_275 = tpu.memref_slice %arg8[%run_scoped3A_78, %dma_wait3A_273, %dma_wait3A_274] : memref<4x64x64xf32, #tpu.memory_space<vmem>> -> memref<1x64x64xf32, #tpu.memory_space<vmem>>
      %dma_wait3A_276 = tpu.memref_squeeze %dma_wait3A_275 : memref<1x64x64xf32, #tpu.memory_space<vmem>> -> memref<64x64xf32, #tpu.memory_space<vmem>>
      tpu.wait_dma2 semaphore(%run_scoped3A_252 : memref<!tpu.dma_semaphore, #tpu.memory_space<semaphore_mem>>) src(%dma_wait3A_276 : memref<64x64xf32, #tpu.memory_space<vmem>>) dst(%dma_wait3A_272 : memref<64x64xf32, #tpu.memory_space<vmem_shared>>)
      tpu.yield
    }) : () -> ()
    %mul3A_79 = arith.constant 640 : i32
    %mul3A_80 = arith.muli %arg1, %mul3A_79 : i32
    %add3A_81 = arith.constant 512 : i32
    %add3A_82 = arith.addi %mul3A_80, %add3A_81 : i32
    %run_scoped3A_83 = arith.constant 0 : i32
    "tpu.region"() ({
      %run_scoped3A_252 = tpu.sem_alloc : memref<!tpu.dma_semaphore, #tpu.memory_space<semaphore_mem>>
      %dma_start3A_253 = arith.constant 0 : i32
      %dma_start3A_254 = arith.constant 0 : i32
      %dma_start3A_255 = tpu.memref_slice %arg8[%run_scoped3A_83, %dma_start3A_253, %dma_start3A_254] : memref<4x64x64xf32, #tpu.memory_space<vmem>> -> memref<1x64x64xf32, #tpu.memory_space<vmem>>
      %dma_start3A_256 = tpu.memref_squeeze %dma_start3A_255 : memref<1x64x64xf32, #tpu.memory_space<vmem>> -> memref<64x64xf32, #tpu.memory_space<vmem>>
      %dma_start3A_257 = arith.constant 0 : i32
      %dma_start3A_258 = tpu.memref_slice %arg10[%add3A_82, %dma_start3A_257] : memref<10240x64xf32, #tpu.memory_space<vmem_shared>> -> memref<64x64xf32, #tpu.memory_space<vmem_shared>>
      %dma_start3A_259 = arith.constant 0 : i32
      %dma_start3A_260 = tpu.memref_slice %arg10[%add3A_82, %dma_start3A_259] : memref<10240x64xf32, #tpu.memory_space<vmem_shared>> -> memref<64x64xf32, #tpu.memory_space<vmem_shared>>
      %dma_start3A_261 = arith.constant 0 : i32
      %dma_start3A_262 = arith.constant 0 : i32
      %dma_start3A_263 = tpu.memref_slice %arg8[%run_scoped3A_83, %dma_start3A_261, %dma_start3A_262] : memref<4x64x64xf32, #tpu.memory_space<vmem>> -> memref<1x64x64xf32, #tpu.memory_space<vmem>>
      %dma_start3A_264 = tpu.memref_squeeze %dma_start3A_263 : memref<1x64x64xf32, #tpu.memory_space<vmem>> -> memref<64x64xf32, #tpu.memory_space<vmem>>
      tpu.enqueue_dma source(%dma_start3A_264 : memref<64x64xf32, #tpu.memory_space<vmem>>) target(%dma_start3A_260 : memref<64x64xf32, #tpu.memory_space<vmem_shared>>) target_semaphore(%run_scoped3A_252 : memref<!tpu.dma_semaphore, #tpu.memory_space<semaphore_mem>>)
      %dma_wait3A_265 = arith.constant 0 : i32
      %dma_wait3A_266 = arith.constant 0 : i32
      %dma_wait3A_267 = tpu.memref_slice %arg8[%run_scoped3A_83, %dma_wait3A_265, %dma_wait3A_266] : memref<4x64x64xf32, #tpu.memory_space<vmem>> -> memref<1x64x64xf32, #tpu.memory_space<vmem>>
      %dma_wait3A_268 = tpu.memref_squeeze %dma_wait3A_267 : memref<1x64x64xf32, #tpu.memory_space<vmem>> -> memref<64x64xf32, #tpu.memory_space<vmem>>
      %dma_wait3A_269 = arith.constant 0 : i32
      %dma_wait3A_270 = tpu.memref_slice %arg10[%add3A_82, %dma_wait3A_269] : memref<10240x64xf32, #tpu.memory_space<vmem_shared>> -> memref<64x64xf32, #tpu.memory_space<vmem_shared>>
      %dma_wait3A_271 = arith.constant 0 : i32
      %dma_wait3A_272 = tpu.memref_slice %arg10[%add3A_82, %dma_wait3A_271] : memref<10240x64xf32, #tpu.memory_space<vmem_shared>> -> memref<64x64xf32, #tpu.memory_space<vmem_shared>>
      %dma_wait3A_273 = arith.constant 0 : i32
      %dma_wait3A_274 = arith.constant 0 : i32
      %dma_wait3A_275 = tpu.memref_slice %arg8[%run_scoped3A_83, %dma_wait3A_273, %dma_wait3A_274] : memref<4x64x64xf32, #tpu.memory_space<vmem>> -> memref<1x64x64xf32, #tpu.memory_space<vmem>>
      %dma_wait3A_276 = tpu.memref_squeeze %dma_wait3A_275 : memref<1x64x64xf32, #tpu.memory_space<vmem>> -> memref<64x64xf32, #tpu.memory_space<vmem>>
      tpu.wait_dma2 semaphore(%run_scoped3A_252 : memref<!tpu.dma_semaphore, #tpu.memory_space<semaphore_mem>>) src(%dma_wait3A_276 : memref<64x64xf32, #tpu.memory_space<vmem>>) dst(%dma_wait3A_272 : memref<64x64xf32, #tpu.memory_space<vmem_shared>>)
      tpu.yield
    }) : () -> ()
    %mul3A_84 = arith.constant 640 : i32
    %mul3A_85 = arith.muli %arg1, %mul3A_84 : i32
    %add3A_86 = arith.constant 576 : i32
    %add3A_87 = arith.addi %mul3A_85, %add3A_86 : i32
    %run_scoped3A_88 = arith.constant 0 : i32
    "tpu.region"() ({
      %run_scoped3A_252 = tpu.sem_alloc : memref<!tpu.dma_semaphore, #tpu.memory_space<semaphore_mem>>
      %dma_start3A_253 = arith.constant 0 : i32
      %dma_start3A_254 = arith.constant 0 : i32
      %dma_start3A_255 = tpu.memref_slice %arg8[%run_scoped3A_88, %dma_start3A_253, %dma_start3A_254] : memref<4x64x64xf32, #tpu.memory_space<vmem>> -> memref<1x64x64xf32, #tpu.memory_space<vmem>>
      %dma_start3A_256 = tpu.memref_squeeze %dma_start3A_255 : memref<1x64x64xf32, #tpu.memory_space<vmem>> -> memref<64x64xf32, #tpu.memory_space<vmem>>
      %dma_start3A_257 = arith.constant 0 : i32
      %dma_start3A_258 = tpu.memref_slice %arg10[%add3A_87, %dma_start3A_257] : memref<10240x64xf32, #tpu.memory_space<vmem_shared>> -> memref<64x64xf32, #tpu.memory_space<vmem_shared>>
      %dma_start3A_259 = arith.constant 0 : i32
      %dma_start3A_260 = tpu.memref_slice %arg10[%add3A_87, %dma_start3A_259] : memref<10240x64xf32, #tpu.memory_space<vmem_shared>> -> memref<64x64xf32, #tpu.memory_space<vmem_shared>>
      %dma_start3A_261 = arith.constant 0 : i32
      %dma_start3A_262 = arith.constant 0 : i32
      %dma_start3A_263 = tpu.memref_slice %arg8[%run_scoped3A_88, %dma_start3A_261, %dma_start3A_262] : memref<4x64x64xf32, #tpu.memory_space<vmem>> -> memref<1x64x64xf32, #tpu.memory_space<vmem>>
      %dma_start3A_264 = tpu.memref_squeeze %dma_start3A_263 : memref<1x64x64xf32, #tpu.memory_space<vmem>> -> memref<64x64xf32, #tpu.memory_space<vmem>>
      tpu.enqueue_dma source(%dma_start3A_264 : memref<64x64xf32, #tpu.memory_space<vmem>>) target(%dma_start3A_260 : memref<64x64xf32, #tpu.memory_space<vmem_shared>>) target_semaphore(%run_scoped3A_252 : memref<!tpu.dma_semaphore, #tpu.memory_space<semaphore_mem>>)
      %dma_wait3A_265 = arith.constant 0 : i32
      %dma_wait3A_266 = arith.constant 0 : i32
      %dma_wait3A_267 = tpu.memref_slice %arg8[%run_scoped3A_88, %dma_wait3A_265, %dma_wait3A_266] : memref<4x64x64xf32, #tpu.memory_space<vmem>> -> memref<1x64x64xf32, #tpu.memory_space<vmem>>
      %dma_wait3A_268 = tpu.memref_squeeze %dma_wait3A_267 : memref<1x64x64xf32, #tpu.memory_space<vmem>> -> memref<64x64xf32, #tpu.memory_space<vmem>>
      %dma_wait3A_269 = arith.constant 0 : i32
      %dma_wait3A_270 = tpu.memref_slice %arg10[%add3A_87, %dma_wait3A_269] : memref<10240x64xf32, #tpu.memory_space<vmem_shared>> -> memref<64x64xf32, #tpu.memory_space<vmem_shared>>
      %dma_wait3A_271 = arith.constant 0 : i32
      %dma_wait3A_272 = tpu.memref_slice %arg10[%add3A_87, %dma_wait3A_271] : memref<10240x64xf32, #tpu.memory_space<vmem_shared>> -> memref<64x64xf32, #tpu.memory_space<vmem_shared>>
      %dma_wait3A_273 = arith.constant 0 : i32
      %dma_wait3A_274 = arith.constant 0 : i32
      %dma_wait3A_275 = tpu.memref_slice %arg8[%run_scoped3A_88, %dma_wait3A_273, %dma_wait3A_274] : memref<4x64x64xf32, #tpu.memory_space<vmem>> -> memref<1x64x64xf32, #tpu.memory_space<vmem>>
      %dma_wait3A_276 = tpu.memref_squeeze %dma_wait3A_275 : memref<1x64x64xf32, #tpu.memory_space<vmem>> -> memref<64x64xf32, #tpu.memory_space<vmem>>
      tpu.wait_dma2 semaphore(%run_scoped3A_252 : memref<!tpu.dma_semaphore, #tpu.memory_space<semaphore_mem>>) src(%dma_wait3A_276 : memref<64x64xf32, #tpu.memory_space<vmem>>) dst(%dma_wait3A_272 : memref<64x64xf32, #tpu.memory_space<vmem_shared>>)
      tpu.yield
    }) : () -> ()
    %dma_wait3A = arith.constant 0 : i32
    %dma_wait3A_89 = arith.constant 0 : i32
    %dma_wait3A_90 = arith.constant 0 : i32
    %dma_wait3A_91 = tpu.memref_slice %arg3[%add3A, %dma_wait3A_89, %dma_wait3A_90] : memref<32x160x64xi32, #tpu.memory_space<hbm>> -> memref<1x160x64xi32, #tpu.memory_space<hbm>>
    %dma_wait3A_92 = tpu.memref_squeeze %dma_wait3A_91 : memref<1x160x64xi32, #tpu.memory_space<hbm>> -> memref<160x64xi32, #tpu.memory_space<hbm>>
    %dma_wait3A_93 = tpu.memref_slice %arg11[%dma_wait3A] : memref<4x!tpu.dma_semaphore, #tpu.memory_space<semaphore_mem>> -> memref<1x!tpu.dma_semaphore, #tpu.memory_space<semaphore_mem>>
    %dma_wait3A_94 = tpu.memref_squeeze %dma_wait3A_93 : memref<1x!tpu.dma_semaphore, #tpu.memory_space<semaphore_mem>> -> memref<!tpu.dma_semaphore, #tpu.memory_space<semaphore_mem>>
    %dma_wait3A_95 = arith.constant 0 : i32
    %dma_wait3A_96 = arith.constant 0 : i32
    %dma_wait3A_97 = tpu.memref_slice %arg3[%add3A, %dma_wait3A_95, %dma_wait3A_96] : memref<32x160x64xi32, #tpu.memory_space<hbm>> -> memref<1x160x64xi32, #tpu.memory_space<hbm>>
    %dma_wait3A_98 = tpu.memref_squeeze %dma_wait3A_97 : memref<1x160x64xi32, #tpu.memory_space<hbm>> -> memref<160x64xi32, #tpu.memory_space<hbm>>
    tpu.wait_dma2 semaphore(%dma_wait3A_94 : memref<!tpu.dma_semaphore, #tpu.memory_space<semaphore_mem>>) src(%dma_wait3A_98 : memref<160x64xi32, #tpu.memory_space<hbm>>) dst(%arg6 : memref<160x64xi32, #tpu.memory_space<vmem>>)
    %dma_wait3A_99 = arith.constant 1 : i32
    %dma_wait3A_100 = arith.constant 0 : i32
    %dma_wait3A_101 = arith.constant 0 : i32
    %dma_wait3A_102 = tpu.memref_slice %arg4[%add3A, %dma_wait3A_100, %dma_wait3A_101] : memref<32x160x64xi32, #tpu.memory_space<hbm>> -> memref<1x160x64xi32, #tpu.memory_space<hbm>>
    %dma_wait3A_103 = tpu.memref_squeeze %dma_wait3A_102 : memref<1x160x64xi32, #tpu.memory_space<hbm>> -> memref<160x64xi32, #tpu.memory_space<hbm>>
    %dma_wait3A_104 = tpu.memref_slice %arg11[%dma_wait3A_99] : memref<4x!tpu.dma_semaphore, #tpu.memory_space<semaphore_mem>> -> memref<1x!tpu.dma_semaphore, #tpu.memory_space<semaphore_mem>>
    %dma_wait3A_105 = tpu.memref_squeeze %dma_wait3A_104 : memref<1x!tpu.dma_semaphore, #tpu.memory_space<semaphore_mem>> -> memref<!tpu.dma_semaphore, #tpu.memory_space<semaphore_mem>>
    %dma_wait3A_106 = arith.constant 0 : i32
    %dma_wait3A_107 = arith.constant 0 : i32
    %dma_wait3A_108 = tpu.memref_slice %arg4[%add3A, %dma_wait3A_106, %dma_wait3A_107] : memref<32x160x64xi32, #tpu.memory_space<hbm>> -> memref<1x160x64xi32, #tpu.memory_space<hbm>>
    %dma_wait3A_109 = tpu.memref_squeeze %dma_wait3A_108 : memref<1x160x64xi32, #tpu.memory_space<hbm>> -> memref<160x64xi32, #tpu.memory_space<hbm>>
    tpu.wait_dma2 semaphore(%dma_wait3A_105 : memref<!tpu.dma_semaphore, #tpu.memory_space<semaphore_mem>>) src(%dma_wait3A_109 : memref<160x64xi32, #tpu.memory_space<hbm>>) dst(%arg7 : memref<160x64xi32, #tpu.memory_space<vmem>>)
    %mul3A_110 = arith.constant 640 : i32
    %mul3A_111 = arith.muli %arg1, %mul3A_110 : i32
    %mul3A_112 = arith.constant 640 : i32
    %mul3A_113 = arith.muli %arg1, %mul3A_112 : i32
    %dma_wait3A_114 = arith.constant 2 : i32
    %dma_wait3A_115 = tpu.memref_slice %arg11[%dma_wait3A_114] : memref<4x!tpu.dma_semaphore, #tpu.memory_space<semaphore_mem>> -> memref<1x!tpu.dma_semaphore, #tpu.memory_space<semaphore_mem>>
    %dma_wait3A_116 = tpu.memref_squeeze %dma_wait3A_115 : memref<1x!tpu.dma_semaphore, #tpu.memory_space<semaphore_mem>> -> memref<!tpu.dma_semaphore, #tpu.memory_space<semaphore_mem>>
    %dma_wait3A_117 = arith.constant 0 : i32
    %dma_wait3A_118 = tpu.memref_slice %arg9[%mul3A_113, %dma_wait3A_117] : memref<10240x64xf32, #tpu.memory_space<vmem_shared>> -> memref<640x64xf32, #tpu.memory_space<vmem_shared>>
    %dma_wait3A_119 = arith.constant 0 : i32
    %dma_wait3A_120 = tpu.memref_slice %arg2[%mul3A_111, %dma_wait3A_119] : memref<10240x64xf32, #tpu.memory_space<hbm>> -> memref<640x64xf32, #tpu.memory_space<hbm>>
    tpu.wait_dma2 semaphore(%dma_wait3A_116 : memref<!tpu.dma_semaphore, #tpu.memory_space<semaphore_mem>>) src(%dma_wait3A_120 : memref<640x64xf32, #tpu.memory_space<hbm>>) dst(%dma_wait3A_118 : memref<640x64xf32, #tpu.memory_space<vmem_shared>>)
    %barrier3A = arith.constant 0 : index
    tpu.barrier barrier_id(%barrier3A)
    %dma_start3A_121 = arith.constant 0 : i32
    %dma_start3A_122 = arith.constant 0 : i32
    %dma_start3A_123 = arith.constant 0 : i32
    %dma_start3A_124 = arith.constant 0 : i32
    %dma_start3A_125 = arith.constant 0 : i32
    %dma_start3A_126 = tpu.memref_slice %arg8[%dma_start3A_122, %dma_start3A_124, %dma_start3A_125] : memref<4x64x64xf32, #tpu.memory_space<vmem>> -> memref<1x64x64xf32, #tpu.memory_space<vmem>>
    %dma_start3A_127 = tpu.memref_squeeze %dma_start3A_126 : memref<1x64x64xf32, #tpu.memory_space<vmem>> -> memref<64x64xf32, #tpu.memory_space<vmem>>
    %dma_start3A_128 = arith.constant 0 : i32
    %dma_start3A_129 = tpu.memref_slice %arg6[%dma_start3A_121, %dma_start3A_128] : memref<160x64xi32, #tpu.memory_space<vmem>> -> memref<1x64xi32, #tpu.memory_space<vmem>>
    %dma_start3A_130 = tpu.memref_squeeze %dma_start3A_129 : memref<1x64xi32, #tpu.memory_space<vmem>> -> memref<64xi32, #tpu.memory_space<vmem>>
    %dma_start3A_131 = arith.constant 0 : i32
    %dma_start3A_132 = arith.constant 0 : i32
    %dma_start3A_133 = tpu.memref_slice %arg9[%dma_start3A_131, %dma_start3A_132] : memref<10240x64xf32, #tpu.memory_space<vmem_shared>> -> memref<10240x64xf32, #tpu.memory_space<vmem_shared>>
    %dma_start3A_134 = tpu.memref_slice %arg11[%dma_start3A_123] : memref<4x!tpu.dma_semaphore, #tpu.memory_space<semaphore_mem>> -> memref<1x!tpu.dma_semaphore, #tpu.memory_space<semaphore_mem>>
    %dma_start3A_135 = tpu.memref_squeeze %dma_start3A_134 : memref<1x!tpu.dma_semaphore, #tpu.memory_space<semaphore_mem>> -> memref<!tpu.dma_semaphore, #tpu.memory_space<semaphore_mem>>
    tpu.enqueue_indirect_dma source(%dma_start3A_133 : memref<10240x64xf32, #tpu.memory_space<vmem_shared>>) target(%dma_start3A_127 : memref<64x64xf32, #tpu.memory_space<vmem>>) offsets(%dma_start3A_130 : memref<64xi32, #tpu.memory_space<vmem>>) semaphore(%dma_start3A_135 : memref<!tpu.dma_semaphore, #tpu.memory_space<semaphore_mem>>)
    %dma_start3A_136 = arith.constant 1 : i32
    %dma_start3A_137 = arith.constant 1 : i32
    %dma_start3A_138 = arith.constant 1 : i32
    %dma_start3A_139 = arith.constant 0 : i32
    %dma_start3A_140 = arith.constant 0 : i32
    %dma_start3A_141 = tpu.memref_slice %arg8[%dma_start3A_137, %dma_start3A_139, %dma_start3A_140] : memref<4x64x64xf32, #tpu.memory_space<vmem>> -> memref<1x64x64xf32, #tpu.memory_space<vmem>>
    %dma_start3A_142 = tpu.memref_squeeze %dma_start3A_141 : memref<1x64x64xf32, #tpu.memory_space<vmem>> -> memref<64x64xf32, #tpu.memory_space<vmem>>
    %dma_start3A_143 = arith.constant 0 : i32
    %dma_start3A_144 = tpu.memref_slice %arg6[%dma_start3A_136, %dma_start3A_143] : memref<160x64xi32, #tpu.memory_space<vmem>> -> memref<1x64xi32, #tpu.memory_space<vmem>>
    %dma_start3A_145 = tpu.memref_squeeze %dma_start3A_144 : memref<1x64xi32, #tpu.memory_space<vmem>> -> memref<64xi32, #tpu.memory_space<vmem>>
    %dma_start3A_146 = arith.constant 0 : i32
    %dma_start3A_147 = arith.constant 0 : i32
    %dma_start3A_148 = tpu.memref_slice %arg9[%dma_start3A_146, %dma_start3A_147] : memref<10240x64xf32, #tpu.memory_space<vmem_shared>> -> memref<10240x64xf32, #tpu.memory_space<vmem_shared>>
    %dma_start3A_149 = tpu.memref_slice %arg11[%dma_start3A_138] : memref<4x!tpu.dma_semaphore, #tpu.memory_space<semaphore_mem>> -> memref<1x!tpu.dma_semaphore, #tpu.memory_space<semaphore_mem>>
    %dma_start3A_150 = tpu.memref_squeeze %dma_start3A_149 : memref<1x!tpu.dma_semaphore, #tpu.memory_space<semaphore_mem>> -> memref<!tpu.dma_semaphore, #tpu.memory_space<semaphore_mem>>
    tpu.enqueue_indirect_dma source(%dma_start3A_148 : memref<10240x64xf32, #tpu.memory_space<vmem_shared>>) target(%dma_start3A_142 : memref<64x64xf32, #tpu.memory_space<vmem>>) offsets(%dma_start3A_145 : memref<64xi32, #tpu.memory_space<vmem>>) semaphore(%dma_start3A_150 : memref<!tpu.dma_semaphore, #tpu.memory_space<semaphore_mem>>)
    %dma_start3A_151 = arith.constant 2 : i32
    %dma_start3A_152 = arith.constant 2 : i32
    %dma_start3A_153 = arith.constant 2 : i32
    %dma_start3A_154 = arith.constant 0 : i32
    %dma_start3A_155 = arith.constant 0 : i32
    %dma_start3A_156 = tpu.memref_slice %arg8[%dma_start3A_152, %dma_start3A_154, %dma_start3A_155] : memref<4x64x64xf32, #tpu.memory_space<vmem>> -> memref<1x64x64xf32, #tpu.memory_space<vmem>>
    %dma_start3A_157 = tpu.memref_squeeze %dma_start3A_156 : memref<1x64x64xf32, #tpu.memory_space<vmem>> -> memref<64x64xf32, #tpu.memory_space<vmem>>
    %dma_start3A_158 = arith.constant 0 : i32
    %dma_start3A_159 = tpu.memref_slice %arg6[%dma_start3A_151, %dma_start3A_158] : memref<160x64xi32, #tpu.memory_space<vmem>> -> memref<1x64xi32, #tpu.memory_space<vmem>>
    %dma_start3A_160 = tpu.memref_squeeze %dma_start3A_159 : memref<1x64xi32, #tpu.memory_space<vmem>> -> memref<64xi32, #tpu.memory_space<vmem>>
    %dma_start3A_161 = arith.constant 0 : i32
    %dma_start3A_162 = arith.constant 0 : i32
    %dma_start3A_163 = tpu.memref_slice %arg9[%dma_start3A_161, %dma_start3A_162] : memref<10240x64xf32, #tpu.memory_space<vmem_shared>> -> memref<10240x64xf32, #tpu.memory_space<vmem_shared>>
    %dma_start3A_164 = tpu.memref_slice %arg11[%dma_start3A_153] : memref<4x!tpu.dma_semaphore, #tpu.memory_space<semaphore_mem>> -> memref<1x!tpu.dma_semaphore, #tpu.memory_space<semaphore_mem>>
    %dma_start3A_165 = tpu.memref_squeeze %dma_start3A_164 : memref<1x!tpu.dma_semaphore, #tpu.memory_space<semaphore_mem>> -> memref<!tpu.dma_semaphore, #tpu.memory_space<semaphore_mem>>
    tpu.enqueue_indirect_dma source(%dma_start3A_163 : memref<10240x64xf32, #tpu.memory_space<vmem_shared>>) target(%dma_start3A_157 : memref<64x64xf32, #tpu.memory_space<vmem>>) offsets(%dma_start3A_160 : memref<64xi32, #tpu.memory_space<vmem>>) semaphore(%dma_start3A_165 : memref<!tpu.dma_semaphore, #tpu.memory_space<semaphore_mem>>)
    %dma_start3A_166 = arith.constant 3 : i32
    %dma_start3A_167 = arith.constant 3 : i32
    %dma_start3A_168 = arith.constant 3 : i32
    %dma_start3A_169 = arith.constant 0 : i32
    %dma_start3A_170 = arith.constant 0 : i32
    %dma_start3A_171 = tpu.memref_slice %arg8[%dma_start3A_167, %dma_start3A_169, %dma_start3A_170] : memref<4x64x64xf32, #tpu.memory_space<vmem>> -> memref<1x64x64xf32, #tpu.memory_space<vmem>>
    %dma_start3A_172 = tpu.memref_squeeze %dma_start3A_171 : memref<1x64x64xf32, #tpu.memory_space<vmem>> -> memref<64x64xf32, #tpu.memory_space<vmem>>
    %dma_start3A_173 = arith.constant 0 : i32
    %dma_start3A_174 = tpu.memref_slice %arg6[%dma_start3A_166, %dma_start3A_173] : memref<160x64xi32, #tpu.memory_space<vmem>> -> memref<1x64xi32, #tpu.memory_space<vmem>>
    %dma_start3A_175 = tpu.memref_squeeze %dma_start3A_174 : memref<1x64xi32, #tpu.memory_space<vmem>> -> memref<64xi32, #tpu.memory_space<vmem>>
    %dma_start3A_176 = arith.constant 0 : i32
    %dma_start3A_177 = arith.constant 0 : i32
    %dma_start3A_178 = tpu.memref_slice %arg9[%dma_start3A_176, %dma_start3A_177] : memref<10240x64xf32, #tpu.memory_space<vmem_shared>> -> memref<10240x64xf32, #tpu.memory_space<vmem_shared>>
    %dma_start3A_179 = tpu.memref_slice %arg11[%dma_start3A_168] : memref<4x!tpu.dma_semaphore, #tpu.memory_space<semaphore_mem>> -> memref<1x!tpu.dma_semaphore, #tpu.memory_space<semaphore_mem>>
    %dma_start3A_180 = tpu.memref_squeeze %dma_start3A_179 : memref<1x!tpu.dma_semaphore, #tpu.memory_space<semaphore_mem>> -> memref<!tpu.dma_semaphore, #tpu.memory_space<semaphore_mem>>
    tpu.enqueue_indirect_dma source(%dma_start3A_178 : memref<10240x64xf32, #tpu.memory_space<vmem_shared>>) target(%dma_start3A_172 : memref<64x64xf32, #tpu.memory_space<vmem>>) offsets(%dma_start3A_175 : memref<64xi32, #tpu.memory_space<vmem>>) semaphore(%dma_start3A_180 : memref<!tpu.dma_semaphore, #tpu.memory_space<semaphore_mem>>)
    %scan3A_181 = arith.constant 0 : i32
    %scan3A_182 = arith.constant 0 : i32
    %scan3A_183 = arith.constant 40 : i32
    %scan3A_184 = arith.addi %scan3A_182, %scan3A_183 : i32
    %scan3A_185 = arith.constant 1 : i32
    scf.for %scan3A_252 = %scan3A_182 to %scan3A_184 step %scan3A_185  : i32 {
      %mul3A_253 = arith.constant 2 : i32
      %mul3A_254 = arith.muli %mul3A_253, %scan3A_252 : i32
      %add3A_255 = arith.constant 0 : i32
      %add3A_256 = arith.addi %mul3A_254, %add3A_255 : i32
      %mul3A_257 = arith.constant 2 : i32
      %mul3A_258 = arith.muli %add3A_256, %mul3A_257 : i32
      %add3A_259 = arith.constant 0 : i32
      %add3A_260 = arith.addi %mul3A_258, %add3A_259 : i32
      %dma_wait3A_261 = arith.constant 0 : i32
      %dma_wait3A_262 = arith.constant 0 : i32
      %dma_wait3A_263 = arith.constant 0 : i32
      %dma_wait3A_264 = arith.constant 0 : i32
      %dma_wait3A_265 = tpu.memref_slice %arg8[%dma_wait3A_261, %dma_wait3A_263, %dma_wait3A_264] : memref<4x64x64xf32, #tpu.memory_space<vmem>> -> memref<1x64x64xf32, #tpu.memory_space<vmem>>
      %dma_wait3A_266 = tpu.memref_squeeze %dma_wait3A_265 : memref<1x64x64xf32, #tpu.memory_space<vmem>> -> memref<64x64xf32, #tpu.memory_space<vmem>>
      %dma_wait3A_267 = arith.constant 0 : i32
      %dma_wait3A_268 = tpu.memref_slice %arg6[%add3A_260, %dma_wait3A_267] : memref<160x64xi32, #tpu.memory_space<vmem>> -> memref<1x64xi32, #tpu.memory_space<vmem>>
      %dma_wait3A_269 = tpu.memref_squeeze %dma_wait3A_268 : memref<1x64xi32, #tpu.memory_space<vmem>> -> memref<64xi32, #tpu.memory_space<vmem>>
      %dma_wait3A_270 = arith.constant 0 : i32
      %dma_wait3A_271 = arith.constant 0 : i32
      %dma_wait3A_272 = tpu.memref_slice %arg9[%dma_wait3A_270, %dma_wait3A_271] : memref<10240x64xf32, #tpu.memory_space<vmem_shared>> -> memref<10240x64xf32, #tpu.memory_space<vmem_shared>>
      %dma_wait3A_273 = tpu.memref_slice %arg11[%dma_wait3A_262] : memref<4x!tpu.dma_semaphore, #tpu.memory_space<semaphore_mem>> -> memref<1x!tpu.dma_semaphore, #tpu.memory_space<semaphore_mem>>
      %dma_wait3A_274 = tpu.memref_squeeze %dma_wait3A_273 : memref<1x!tpu.dma_semaphore, #tpu.memory_space<semaphore_mem>> -> memref<!tpu.dma_semaphore, #tpu.memory_space<semaphore_mem>>
      tpu.wait_indirect_dma semaphore(%dma_wait3A_274 : memref<!tpu.dma_semaphore, #tpu.memory_space<semaphore_mem>>) src(%dma_wait3A_272 : memref<10240x64xf32, #tpu.memory_space<vmem_shared>>) dst(%dma_wait3A_266 : memref<64x64xf32, #tpu.memory_space<vmem>>)
      %dma_start3A_275 = arith.constant 0 : i32
      %dma_start3A_276 = arith.constant 0 : i32
      %dma_start3A_277 = arith.constant 0 : i32
      %dma_start3A_278 = arith.constant 0 : i32
      %dma_start3A_279 = tpu.memref_slice %arg8[%dma_start3A_275, %dma_start3A_277, %dma_start3A_278] : memref<4x64x64xf32, #tpu.memory_space<vmem>> -> memref<1x64x64xf32, #tpu.memory_space<vmem>>
      %dma_start3A_280 = tpu.memref_squeeze %dma_start3A_279 : memref<1x64x64xf32, #tpu.memory_space<vmem>> -> memref<64x64xf32, #tpu.memory_space<vmem>>
      %dma_start3A_281 = arith.constant 0 : i32
      %dma_start3A_282 = tpu.memref_slice %arg7[%add3A_260, %dma_start3A_281] : memref<160x64xi32, #tpu.memory_space<vmem>> -> memref<1x64xi32, #tpu.memory_space<vmem>>
      %dma_start3A_283 = tpu.memref_squeeze %dma_start3A_282 : memref<1x64xi32, #tpu.memory_space<vmem>> -> memref<64xi32, #tpu.memory_space<vmem>>
      %dma_start3A_284 = arith.constant 0 : i32
      %dma_start3A_285 = arith.constant 0 : i32
      %dma_start3A_286 = tpu.memref_slice %arg10[%dma_start3A_284, %dma_start3A_285] : memref<10240x64xf32, #tpu.memory_space<vmem_shared>> -> memref<10240x64xf32, #tpu.memory_space<vmem_shared>>
      %dma_start3A_287 = tpu.memref_slice %arg12[%dma_start3A_276] : memref<4x!tpu.dma_semaphore, #tpu.memory_space<semaphore_mem>> -> memref<1x!tpu.dma_semaphore, #tpu.memory_space<semaphore_mem>>
      %dma_start3A_288 = tpu.memref_squeeze %dma_start3A_287 : memref<1x!tpu.dma_semaphore, #tpu.memory_space<semaphore_mem>> -> memref<!tpu.dma_semaphore, #tpu.memory_space<semaphore_mem>>
      tpu.enqueue_indirect_dma source(%dma_start3A_280 : memref<64x64xf32, #tpu.memory_space<vmem>>) target(%dma_start3A_286 : memref<10240x64xf32, #tpu.memory_space<vmem_shared>>) offsets(%dma_start3A_283 : memref<64xi32, #tpu.memory_space<vmem>>) semaphore(%dma_start3A_288 : memref<!tpu.dma_semaphore, #tpu.memory_space<semaphore_mem>>) {add = true}
      %mul3A_289 = arith.constant 2 : i32
      %mul3A_290 = arith.muli %mul3A_289, %scan3A_252 : i32
      %add3A_291 = arith.constant 0 : i32
      %add3A_292 = arith.addi %mul3A_290, %add3A_291 : i32
      %mul3A_293 = arith.constant 2 : i32
      %mul3A_294 = arith.muli %add3A_292, %mul3A_293 : i32
      %add3A_295 = arith.constant 1 : i32
      %add3A_296 = arith.addi %mul3A_294, %add3A_295 : i32
      %dma_wait3A_297 = arith.constant 1 : i32
      %dma_wait3A_298 = arith.constant 1 : i32
      %dma_wait3A_299 = arith.constant 0 : i32
      %dma_wait3A_300 = arith.constant 0 : i32
      %dma_wait3A_301 = tpu.memref_slice %arg8[%dma_wait3A_297, %dma_wait3A_299, %dma_wait3A_300] : memref<4x64x64xf32, #tpu.memory_space<vmem>> -> memref<1x64x64xf32, #tpu.memory_space<vmem>>
      %dma_wait3A_302 = tpu.memref_squeeze %dma_wait3A_301 : memref<1x64x64xf32, #tpu.memory_space<vmem>> -> memref<64x64xf32, #tpu.memory_space<vmem>>
      %dma_wait3A_303 = arith.constant 0 : i32
      %dma_wait3A_304 = tpu.memref_slice %arg6[%add3A_296, %dma_wait3A_303] : memref<160x64xi32, #tpu.memory_space<vmem>> -> memref<1x64xi32, #tpu.memory_space<vmem>>
      %dma_wait3A_305 = tpu.memref_squeeze %dma_wait3A_304 : memref<1x64xi32, #tpu.memory_space<vmem>> -> memref<64xi32, #tpu.memory_space<vmem>>
      %dma_wait3A_306 = arith.constant 0 : i32
      %dma_wait3A_307 = arith.constant 0 : i32
      %dma_wait3A_308 = tpu.memref_slice %arg9[%dma_wait3A_306, %dma_wait3A_307] : memref<10240x64xf32, #tpu.memory_space<vmem_shared>> -> memref<10240x64xf32, #tpu.memory_space<vmem_shared>>
      %dma_wait3A_309 = tpu.memref_slice %arg11[%dma_wait3A_298] : memref<4x!tpu.dma_semaphore, #tpu.memory_space<semaphore_mem>> -> memref<1x!tpu.dma_semaphore, #tpu.memory_space<semaphore_mem>>
      %dma_wait3A_310 = tpu.memref_squeeze %dma_wait3A_309 : memref<1x!tpu.dma_semaphore, #tpu.memory_space<semaphore_mem>> -> memref<!tpu.dma_semaphore, #tpu.memory_space<semaphore_mem>>
      tpu.wait_indirect_dma semaphore(%dma_wait3A_310 : memref<!tpu.dma_semaphore, #tpu.memory_space<semaphore_mem>>) src(%dma_wait3A_308 : memref<10240x64xf32, #tpu.memory_space<vmem_shared>>) dst(%dma_wait3A_302 : memref<64x64xf32, #tpu.memory_space<vmem>>)
      %dma_start3A_311 = arith.constant 1 : i32
      %dma_start3A_312 = arith.constant 1 : i32
      %dma_start3A_313 = arith.constant 0 : i32
      %dma_start3A_314 = arith.constant 0 : i32
      %dma_start3A_315 = tpu.memref_slice %arg8[%dma_start3A_311, %dma_start3A_313, %dma_start3A_314] : memref<4x64x64xf32, #tpu.memory_space<vmem>> -> memref<1x64x64xf32, #tpu.memory_space<vmem>>
      %dma_start3A_316 = tpu.memref_squeeze %dma_start3A_315 : memref<1x64x64xf32, #tpu.memory_space<vmem>> -> memref<64x64xf32, #tpu.memory_space<vmem>>
      %dma_start3A_317 = arith.constant 0 : i32
      %dma_start3A_318 = tpu.memref_slice %arg7[%add3A_296, %dma_start3A_317] : memref<160x64xi32, #tpu.memory_space<vmem>> -> memref<1x64xi32, #tpu.memory_space<vmem>>
      %dma_start3A_319 = tpu.memref_squeeze %dma_start3A_318 : memref<1x64xi32, #tpu.memory_space<vmem>> -> memref<64xi32, #tpu.memory_space<vmem>>
      %dma_start3A_320 = arith.constant 0 : i32
      %dma_start3A_321 = arith.constant 0 : i32
      %dma_start3A_322 = tpu.memref_slice %arg10[%dma_start3A_320, %dma_start3A_321] : memref<10240x64xf32, #tpu.memory_space<vmem_shared>> -> memref<10240x64xf32, #tpu.memory_space<vmem_shared>>
      %dma_start3A_323 = tpu.memref_slice %arg12[%dma_start3A_312] : memref<4x!tpu.dma_semaphore, #tpu.memory_space<semaphore_mem>> -> memref<1x!tpu.dma_semaphore, #tpu.memory_space<semaphore_mem>>
      %dma_start3A_324 = tpu.memref_squeeze %dma_start3A_323 : memref<1x!tpu.dma_semaphore, #tpu.memory_space<semaphore_mem>> -> memref<!tpu.dma_semaphore, #tpu.memory_space<semaphore_mem>>
      tpu.enqueue_indirect_dma source(%dma_start3A_316 : memref<64x64xf32, #tpu.memory_space<vmem>>) target(%dma_start3A_322 : memref<10240x64xf32, #tpu.memory_space<vmem_shared>>) offsets(%dma_start3A_319 : memref<64xi32, #tpu.memory_space<vmem>>) semaphore(%dma_start3A_324 : memref<!tpu.dma_semaphore, #tpu.memory_space<semaphore_mem>>) {add = true}
      %add3A_325 = arith.constant 1 : i32
      %add3A_326 = arith.addi %scan3A_252, %add3A_325 : i32
      %lt3A = arith.constant 40 : i32
      %lt3A_327 = arith.cmpi slt, %add3A_326, %lt3A : i32
      %convert_element_type3A = arith.extui %lt3A_327 : i1 to i32
      %cond3A = arith.constant 0 : i32
      %cond3A_328 = arith.cmpi ne, %convert_element_type3A, %cond3A : i32
      scf.if %cond3A_328 {
        %mul3A_408 = arith.constant 2 : i32
        %mul3A_409 = arith.muli %mul3A_408, %scan3A_252 : i32
        %add3A_410 = arith.constant 0 : i32
        %add3A_411 = arith.addi %mul3A_409, %add3A_410 : i32
        %mul3A_412 = arith.constant 2 : i32
        %mul3A_413 = arith.muli %add3A_411, %mul3A_412 : i32
        %add3A_414 = arith.constant 0 : i32
        %add3A_415 = arith.addi %mul3A_413, %add3A_414 : i32
        %dma_wait3A_416 = arith.constant 0 : i32
        %dma_wait3A_417 = arith.constant 0 : i32
        %dma_wait3A_418 = arith.constant 0 : i32
        %dma_wait3A_419 = arith.constant 0 : i32
        %dma_wait3A_420 = tpu.memref_slice %arg8[%dma_wait3A_416, %dma_wait3A_418, %dma_wait3A_419] : memref<4x64x64xf32, #tpu.memory_space<vmem>> -> memref<1x64x64xf32, #tpu.memory_space<vmem>>
        %dma_wait3A_421 = tpu.memref_squeeze %dma_wait3A_420 : memref<1x64x64xf32, #tpu.memory_space<vmem>> -> memref<64x64xf32, #tpu.memory_space<vmem>>
        %dma_wait3A_422 = arith.constant 0 : i32
        %dma_wait3A_423 = tpu.memref_slice %arg7[%add3A_415, %dma_wait3A_422] : memref<160x64xi32, #tpu.memory_space<vmem>> -> memref<1x64xi32, #tpu.memory_space<vmem>>
        %dma_wait3A_424 = tpu.memref_squeeze %dma_wait3A_423 : memref<1x64xi32, #tpu.memory_space<vmem>> -> memref<64xi32, #tpu.memory_space<vmem>>
        %dma_wait3A_425 = arith.constant 0 : i32
        %dma_wait3A_426 = arith.constant 0 : i32
        %dma_wait3A_427 = tpu.memref_slice %arg10[%dma_wait3A_425, %dma_wait3A_426] : memref<10240x64xf32, #tpu.memory_space<vmem_shared>> -> memref<10240x64xf32, #tpu.memory_space<vmem_shared>>
        %dma_wait3A_428 = tpu.memref_slice %arg12[%dma_wait3A_417] : memref<4x!tpu.dma_semaphore, #tpu.memory_space<semaphore_mem>> -> memref<1x!tpu.dma_semaphore, #tpu.memory_space<semaphore_mem>>
        %dma_wait3A_429 = tpu.memref_squeeze %dma_wait3A_428 : memref<1x!tpu.dma_semaphore, #tpu.memory_space<semaphore_mem>> -> memref<!tpu.dma_semaphore, #tpu.memory_space<semaphore_mem>>
        tpu.wait_indirect_dma semaphore(%dma_wait3A_429 : memref<!tpu.dma_semaphore, #tpu.memory_space<semaphore_mem>>) src(%dma_wait3A_421 : memref<64x64xf32, #tpu.memory_space<vmem>>) dst(%dma_wait3A_427 : memref<10240x64xf32, #tpu.memory_space<vmem_shared>>)
        %add3A_430 = arith.constant 4 : i32
        %add3A_431 = arith.addi %add3A_415, %add3A_430 : i32
        %dma_start3A_432 = arith.constant 0 : i32
        %dma_start3A_433 = arith.constant 0 : i32
        %dma_start3A_434 = arith.constant 0 : i32
        %dma_start3A_435 = arith.constant 0 : i32
        %dma_start3A_436 = tpu.memref_slice %arg8[%dma_start3A_432, %dma_start3A_434, %dma_start3A_435] : memref<4x64x64xf32, #tpu.memory_space<vmem>> -> memref<1x64x64xf32, #tpu.memory_space<vmem>>
        %dma_start3A_437 = tpu.memref_squeeze %dma_start3A_436 : memref<1x64x64xf32, #tpu.memory_space<vmem>> -> memref<64x64xf32, #tpu.memory_space<vmem>>
        %dma_start3A_438 = arith.constant 0 : i32
        %dma_start3A_439 = tpu.memref_slice %arg6[%add3A_431, %dma_start3A_438] : memref<160x64xi32, #tpu.memory_space<vmem>> -> memref<1x64xi32, #tpu.memory_space<vmem>>
        %dma_start3A_440 = tpu.memref_squeeze %dma_start3A_439 : memref<1x64xi32, #tpu.memory_space<vmem>> -> memref<64xi32, #tpu.memory_space<vmem>>
        %dma_start3A_441 = arith.constant 0 : i32
        %dma_start3A_442 = arith.constant 0 : i32
        %dma_start3A_443 = tpu.memref_slice %arg9[%dma_start3A_441, %dma_start3A_442] : memref<10240x64xf32, #tpu.memory_space<vmem_shared>> -> memref<10240x64xf32, #tpu.memory_space<vmem_shared>>
        %dma_start3A_444 = tpu.memref_slice %arg11[%dma_start3A_433] : memref<4x!tpu.dma_semaphore, #tpu.memory_space<semaphore_mem>> -> memref<1x!tpu.dma_semaphore, #tpu.memory_space<semaphore_mem>>
        %dma_start3A_445 = tpu.memref_squeeze %dma_start3A_444 : memref<1x!tpu.dma_semaphore, #tpu.memory_space<semaphore_mem>> -> memref<!tpu.dma_semaphore, #tpu.memory_space<semaphore_mem>>
        tpu.enqueue_indirect_dma source(%dma_start3A_443 : memref<10240x64xf32, #tpu.memory_space<vmem_shared>>) target(%dma_start3A_437 : memref<64x64xf32, #tpu.memory_space<vmem>>) offsets(%dma_start3A_440 : memref<64xi32, #tpu.memory_space<vmem>>) semaphore(%dma_start3A_445 : memref<!tpu.dma_semaphore, #tpu.memory_space<semaphore_mem>>)
        %mul3A_446 = arith.constant 2 : i32
        %mul3A_447 = arith.muli %mul3A_446, %scan3A_252 : i32
        %add3A_448 = arith.constant 0 : i32
        %add3A_449 = arith.addi %mul3A_447, %add3A_448 : i32
        %mul3A_450 = arith.constant 2 : i32
        %mul3A_451 = arith.muli %add3A_449, %mul3A_450 : i32
        %add3A_452 = arith.constant 1 : i32
        %add3A_453 = arith.addi %mul3A_451, %add3A_452 : i32
        %dma_wait3A_454 = arith.constant 1 : i32
        %dma_wait3A_455 = arith.constant 1 : i32
        %dma_wait3A_456 = arith.constant 0 : i32
        %dma_wait3A_457 = arith.constant 0 : i32
        %dma_wait3A_458 = tpu.memref_slice %arg8[%dma_wait3A_454, %dma_wait3A_456, %dma_wait3A_457] : memref<4x64x64xf32, #tpu.memory_space<vmem>> -> memref<1x64x64xf32, #tpu.memory_space<vmem>>
        %dma_wait3A_459 = tpu.memref_squeeze %dma_wait3A_458 : memref<1x64x64xf32, #tpu.memory_space<vmem>> -> memref<64x64xf32, #tpu.memory_space<vmem>>
        %dma_wait3A_460 = arith.constant 0 : i32
        %dma_wait3A_461 = tpu.memref_slice %arg7[%add3A_453, %dma_wait3A_460] : memref<160x64xi32, #tpu.memory_space<vmem>> -> memref<1x64xi32, #tpu.memory_space<vmem>>
        %dma_wait3A_462 = tpu.memref_squeeze %dma_wait3A_461 : memref<1x64xi32, #tpu.memory_space<vmem>> -> memref<64xi32, #tpu.memory_space<vmem>>
        %dma_wait3A_463 = arith.constant 0 : i32
        %dma_wait3A_464 = arith.constant 0 : i32
        %dma_wait3A_465 = tpu.memref_slice %arg10[%dma_wait3A_463, %dma_wait3A_464] : memref<10240x64xf32, #tpu.memory_space<vmem_shared>> -> memref<10240x64xf32, #tpu.memory_space<vmem_shared>>
        %dma_wait3A_466 = tpu.memref_slice %arg12[%dma_wait3A_455] : memref<4x!tpu.dma_semaphore, #tpu.memory_space<semaphore_mem>> -> memref<1x!tpu.dma_semaphore, #tpu.memory_space<semaphore_mem>>
        %dma_wait3A_467 = tpu.memref_squeeze %dma_wait3A_466 : memref<1x!tpu.dma_semaphore, #tpu.memory_space<semaphore_mem>> -> memref<!tpu.dma_semaphore, #tpu.memory_space<semaphore_mem>>
        tpu.wait_indirect_dma semaphore(%dma_wait3A_467 : memref<!tpu.dma_semaphore, #tpu.memory_space<semaphore_mem>>) src(%dma_wait3A_459 : memref<64x64xf32, #tpu.memory_space<vmem>>) dst(%dma_wait3A_465 : memref<10240x64xf32, #tpu.memory_space<vmem_shared>>)
        %add3A_468 = arith.constant 4 : i32
        %add3A_469 = arith.addi %add3A_453, %add3A_468 : i32
        %dma_start3A_470 = arith.constant 1 : i32
        %dma_start3A_471 = arith.constant 1 : i32
        %dma_start3A_472 = arith.constant 0 : i32
        %dma_start3A_473 = arith.constant 0 : i32
        %dma_start3A_474 = tpu.memref_slice %arg8[%dma_start3A_470, %dma_start3A_472, %dma_start3A_473] : memref<4x64x64xf32, #tpu.memory_space<vmem>> -> memref<1x64x64xf32, #tpu.memory_space<vmem>>
        %dma_start3A_475 = tpu.memref_squeeze %dma_start3A_474 : memref<1x64x64xf32, #tpu.memory_space<vmem>> -> memref<64x64xf32, #tpu.memory_space<vmem>>
        %dma_start3A_476 = arith.constant 0 : i32
        %dma_start3A_477 = tpu.memref_slice %arg6[%add3A_469, %dma_start3A_476] : memref<160x64xi32, #tpu.memory_space<vmem>> -> memref<1x64xi32, #tpu.memory_space<vmem>>
        %dma_start3A_478 = tpu.memref_squeeze %dma_start3A_477 : memref<1x64xi32, #tpu.memory_space<vmem>> -> memref<64xi32, #tpu.memory_space<vmem>>
        %dma_start3A_479 = arith.constant 0 : i32
        %dma_start3A_480 = arith.constant 0 : i32
        %dma_start3A_481 = tpu.memref_slice %arg9[%dma_start3A_479, %dma_start3A_480] : memref<10240x64xf32, #tpu.memory_space<vmem_shared>> -> memref<10240x64xf32, #tpu.memory_space<vmem_shared>>
        %dma_start3A_482 = tpu.memref_slice %arg11[%dma_start3A_471] : memref<4x!tpu.dma_semaphore, #tpu.memory_space<semaphore_mem>> -> memref<1x!tpu.dma_semaphore, #tpu.memory_space<semaphore_mem>>
        %dma_start3A_483 = tpu.memref_squeeze %dma_start3A_482 : memref<1x!tpu.dma_semaphore, #tpu.memory_space<semaphore_mem>> -> memref<!tpu.dma_semaphore, #tpu.memory_space<semaphore_mem>>
        tpu.enqueue_indirect_dma source(%dma_start3A_481 : memref<10240x64xf32, #tpu.memory_space<vmem_shared>>) target(%dma_start3A_475 : memref<64x64xf32, #tpu.memory_space<vmem>>) offsets(%dma_start3A_478 : memref<64xi32, #tpu.memory_space<vmem>>) semaphore(%dma_start3A_483 : memref<!tpu.dma_semaphore, #tpu.memory_space<semaphore_mem>>)
      } else {
      }
      %mul3A_329 = arith.constant 2 : i32
      %mul3A_330 = arith.muli %mul3A_329, %scan3A_252 : i32
      %add3A_331 = arith.constant 1 : i32
      %add3A_332 = arith.addi %mul3A_330, %add3A_331 : i32
      %mul3A_333 = arith.constant 2 : i32
      %mul3A_334 = arith.muli %add3A_332, %mul3A_333 : i32
      %add3A_335 = arith.constant 0 : i32
      %add3A_336 = arith.addi %mul3A_334, %add3A_335 : i32
      %dma_wait3A_337 = arith.constant 2 : i32
      %dma_wait3A_338 = arith.constant 2 : i32
      %dma_wait3A_339 = arith.constant 0 : i32
      %dma_wait3A_340 = arith.constant 0 : i32
      %dma_wait3A_341 = tpu.memref_slice %arg8[%dma_wait3A_337, %dma_wait3A_339, %dma_wait3A_340] : memref<4x64x64xf32, #tpu.memory_space<vmem>> -> memref<1x64x64xf32, #tpu.memory_space<vmem>>
      %dma_wait3A_342 = tpu.memref_squeeze %dma_wait3A_341 : memref<1x64x64xf32, #tpu.memory_space<vmem>> -> memref<64x64xf32, #tpu.memory_space<vmem>>
      %dma_wait3A_343 = arith.constant 0 : i32
      %dma_wait3A_344 = tpu.memref_slice %arg6[%add3A_336, %dma_wait3A_343] : memref<160x64xi32, #tpu.memory_space<vmem>> -> memref<1x64xi32, #tpu.memory_space<vmem>>
      %dma_wait3A_345 = tpu.memref_squeeze %dma_wait3A_344 : memref<1x64xi32, #tpu.memory_space<vmem>> -> memref<64xi32, #tpu.memory_space<vmem>>
      %dma_wait3A_346 = arith.constant 0 : i32
      %dma_wait3A_347 = arith.constant 0 : i32
      %dma_wait3A_348 = tpu.memref_slice %arg9[%dma_wait3A_346, %dma_wait3A_347] : memref<10240x64xf32, #tpu.memory_space<vmem_shared>> -> memref<10240x64xf32, #tpu.memory_space<vmem_shared>>
      %dma_wait3A_349 = tpu.memref_slice %arg11[%dma_wait3A_338] : memref<4x!tpu.dma_semaphore, #tpu.memory_space<semaphore_mem>> -> memref<1x!tpu.dma_semaphore, #tpu.memory_space<semaphore_mem>>
      %dma_wait3A_350 = tpu.memref_squeeze %dma_wait3A_349 : memref<1x!tpu.dma_semaphore, #tpu.memory_space<semaphore_mem>> -> memref<!tpu.dma_semaphore, #tpu.memory_space<semaphore_mem>>
      tpu.wait_indirect_dma semaphore(%dma_wait3A_350 : memref<!tpu.dma_semaphore, #tpu.memory_space<semaphore_mem>>) src(%dma_wait3A_348 : memref<10240x64xf32, #tpu.memory_space<vmem_shared>>) dst(%dma_wait3A_342 : memref<64x64xf32, #tpu.memory_space<vmem>>)
      %dma_start3A_351 = arith.constant 2 : i32
      %dma_start3A_352 = arith.constant 2 : i32
      %dma_start3A_353 = arith.constant 0 : i32
      %dma_start3A_354 = arith.constant 0 : i32
      %dma_start3A_355 = tpu.memref_slice %arg8[%dma_start3A_351, %dma_start3A_353, %dma_start3A_354] : memref<4x64x64xf32, #tpu.memory_space<vmem>> -> memref<1x64x64xf32, #tpu.memory_space<vmem>>
      %dma_start3A_356 = tpu.memref_squeeze %dma_start3A_355 : memref<1x64x64xf32, #tpu.memory_space<vmem>> -> memref<64x64xf32, #tpu.memory_space<vmem>>
      %dma_start3A_357 = arith.constant 0 : i32
      %dma_start3A_358 = tpu.memref_slice %arg7[%add3A_336, %dma_start3A_357] : memref<160x64xi32, #tpu.memory_space<vmem>> -> memref<1x64xi32, #tpu.memory_space<vmem>>
      %dma_start3A_359 = tpu.memref_squeeze %dma_start3A_358 : memref<1x64xi32, #tpu.memory_space<vmem>> -> memref<64xi32, #tpu.memory_space<vmem>>
      %dma_start3A_360 = arith.constant 0 : i32
      %dma_start3A_361 = arith.constant 0 : i32
      %dma_start3A_362 = tpu.memref_slice %arg10[%dma_start3A_360, %dma_start3A_361] : memref<10240x64xf32, #tpu.memory_space<vmem_shared>> -> memref<10240x64xf32, #tpu.memory_space<vmem_shared>>
      %dma_start3A_363 = tpu.memref_slice %arg12[%dma_start3A_352] : memref<4x!tpu.dma_semaphore, #tpu.memory_space<semaphore_mem>> -> memref<1x!tpu.dma_semaphore, #tpu.memory_space<semaphore_mem>>
      %dma_start3A_364 = tpu.memref_squeeze %dma_start3A_363 : memref<1x!tpu.dma_semaphore, #tpu.memory_space<semaphore_mem>> -> memref<!tpu.dma_semaphore, #tpu.memory_space<semaphore_mem>>
      tpu.enqueue_indirect_dma source(%dma_start3A_356 : memref<64x64xf32, #tpu.memory_space<vmem>>) target(%dma_start3A_362 : memref<10240x64xf32, #tpu.memory_space<vmem_shared>>) offsets(%dma_start3A_359 : memref<64xi32, #tpu.memory_space<vmem>>) semaphore(%dma_start3A_364 : memref<!tpu.dma_semaphore, #tpu.memory_space<semaphore_mem>>) {add = true}
      %mul3A_365 = arith.constant 2 : i32
      %mul3A_366 = arith.muli %mul3A_365, %scan3A_252 : i32
      %add3A_367 = arith.constant 1 : i32
      %add3A_368 = arith.addi %mul3A_366, %add3A_367 : i32
      %mul3A_369 = arith.constant 2 : i32
      %mul3A_370 = arith.muli %add3A_368, %mul3A_369 : i32
      %add3A_371 = arith.constant 1 : i32
      %add3A_372 = arith.addi %mul3A_370, %add3A_371 : i32
      %dma_wait3A_373 = arith.constant 3 : i32
      %dma_wait3A_374 = arith.constant 3 : i32
      %dma_wait3A_375 = arith.constant 0 : i32
      %dma_wait3A_376 = arith.constant 0 : i32
      %dma_wait3A_377 = tpu.memref_slice %arg8[%dma_wait3A_373, %dma_wait3A_375, %dma_wait3A_376] : memref<4x64x64xf32, #tpu.memory_space<vmem>> -> memref<1x64x64xf32, #tpu.memory_space<vmem>>
      %dma_wait3A_378 = tpu.memref_squeeze %dma_wait3A_377 : memref<1x64x64xf32, #tpu.memory_space<vmem>> -> memref<64x64xf32, #tpu.memory_space<vmem>>
      %dma_wait3A_379 = arith.constant 0 : i32
      %dma_wait3A_380 = tpu.memref_slice %arg6[%add3A_372, %dma_wait3A_379] : memref<160x64xi32, #tpu.memory_space<vmem>> -> memref<1x64xi32, #tpu.memory_space<vmem>>
      %dma_wait3A_381 = tpu.memref_squeeze %dma_wait3A_380 : memref<1x64xi32, #tpu.memory_space<vmem>> -> memref<64xi32, #tpu.memory_space<vmem>>
      %dma_wait3A_382 = arith.constant 0 : i32
      %dma_wait3A_383 = arith.constant 0 : i32
      %dma_wait3A_384 = tpu.memref_slice %arg9[%dma_wait3A_382, %dma_wait3A_383] : memref<10240x64xf32, #tpu.memory_space<vmem_shared>> -> memref<10240x64xf32, #tpu.memory_space<vmem_shared>>
      %dma_wait3A_385 = tpu.memref_slice %arg11[%dma_wait3A_374] : memref<4x!tpu.dma_semaphore, #tpu.memory_space<semaphore_mem>> -> memref<1x!tpu.dma_semaphore, #tpu.memory_space<semaphore_mem>>
      %dma_wait3A_386 = tpu.memref_squeeze %dma_wait3A_385 : memref<1x!tpu.dma_semaphore, #tpu.memory_space<semaphore_mem>> -> memref<!tpu.dma_semaphore, #tpu.memory_space<semaphore_mem>>
      tpu.wait_indirect_dma semaphore(%dma_wait3A_386 : memref<!tpu.dma_semaphore, #tpu.memory_space<semaphore_mem>>) src(%dma_wait3A_384 : memref<10240x64xf32, #tpu.memory_space<vmem_shared>>) dst(%dma_wait3A_378 : memref<64x64xf32, #tpu.memory_space<vmem>>)
      %dma_start3A_387 = arith.constant 3 : i32
      %dma_start3A_388 = arith.constant 3 : i32
      %dma_start3A_389 = arith.constant 0 : i32
      %dma_start3A_390 = arith.constant 0 : i32
      %dma_start3A_391 = tpu.memref_slice %arg8[%dma_start3A_387, %dma_start3A_389, %dma_start3A_390] : memref<4x64x64xf32, #tpu.memory_space<vmem>> -> memref<1x64x64xf32, #tpu.memory_space<vmem>>
      %dma_start3A_392 = tpu.memref_squeeze %dma_start3A_391 : memref<1x64x64xf32, #tpu.memory_space<vmem>> -> memref<64x64xf32, #tpu.memory_space<vmem>>
      %dma_start3A_393 = arith.constant 0 : i32
      %dma_start3A_394 = tpu.memref_slice %arg7[%add3A_372, %dma_start3A_393] : memref<160x64xi32, #tpu.memory_space<vmem>> -> memref<1x64xi32, #tpu.memory_space<vmem>>
      %dma_start3A_395 = tpu.memref_squeeze %dma_start3A_394 : memref<1x64xi32, #tpu.memory_space<vmem>> -> memref<64xi32, #tpu.memory_space<vmem>>
      %dma_start3A_396 = arith.constant 0 : i32
      %dma_start3A_397 = arith.constant 0 : i32
      %dma_start3A_398 = tpu.memref_slice %arg10[%dma_start3A_396, %dma_start3A_397] : memref<10240x64xf32, #tpu.memory_space<vmem_shared>> -> memref<10240x64xf32, #tpu.memory_space<vmem_shared>>
      %dma_start3A_399 = tpu.memref_slice %arg12[%dma_start3A_388] : memref<4x!tpu.dma_semaphore, #tpu.memory_space<semaphore_mem>> -> memref<1x!tpu.dma_semaphore, #tpu.memory_space<semaphore_mem>>
      %dma_start3A_400 = tpu.memref_squeeze %dma_start3A_399 : memref<1x!tpu.dma_semaphore, #tpu.memory_space<semaphore_mem>> -> memref<!tpu.dma_semaphore, #tpu.memory_space<semaphore_mem>>
      tpu.enqueue_indirect_dma source(%dma_start3A_392 : memref<64x64xf32, #tpu.memory_space<vmem>>) target(%dma_start3A_398 : memref<10240x64xf32, #tpu.memory_space<vmem_shared>>) offsets(%dma_start3A_395 : memref<64xi32, #tpu.memory_space<vmem>>) semaphore(%dma_start3A_400 : memref<!tpu.dma_semaphore, #tpu.memory_space<semaphore_mem>>) {add = true}
      %add3A_401 = arith.constant 1 : i32
      %add3A_402 = arith.addi %scan3A_252, %add3A_401 : i32
      %lt3A_403 = arith.constant 40 : i32
      %lt3A_404 = arith.cmpi slt, %add3A_402, %lt3A_403 : i32
      %convert_element_type3A_405 = arith.extui %lt3A_404 : i1 to i32
      %cond3A_406 = arith.constant 0 : i32
      %cond3A_407 = arith.cmpi ne, %convert_element_type3A_405, %cond3A_406 : i32
      scf.if %cond3A_407 {
        %mul3A_408 = arith.constant 2 : i32
        %mul3A_409 = arith.muli %mul3A_408, %scan3A_252 : i32
        %add3A_410 = arith.constant 1 : i32
        %add3A_411 = arith.addi %mul3A_409, %add3A_410 : i32
        %mul3A_412 = arith.constant 2 : i32
        %mul3A_413 = arith.muli %add3A_411, %mul3A_412 : i32
        %add3A_414 = arith.constant 0 : i32
        %add3A_415 = arith.addi %mul3A_413, %add3A_414 : i32
        %dma_wait3A_416 = arith.constant 2 : i32
        %dma_wait3A_417 = arith.constant 2 : i32
        %dma_wait3A_418 = arith.constant 0 : i32
        %dma_wait3A_419 = arith.constant 0 : i32
        %dma_wait3A_420 = tpu.memref_slice %arg8[%dma_wait3A_416, %dma_wait3A_418, %dma_wait3A_419] : memref<4x64x64xf32, #tpu.memory_space<vmem>> -> memref<1x64x64xf32, #tpu.memory_space<vmem>>
        %dma_wait3A_421 = tpu.memref_squeeze %dma_wait3A_420 : memref<1x64x64xf32, #tpu.memory_space<vmem>> -> memref<64x64xf32, #tpu.memory_space<vmem>>
        %dma_wait3A_422 = arith.constant 0 : i32
        %dma_wait3A_423 = tpu.memref_slice %arg7[%add3A_415, %dma_wait3A_422] : memref<160x64xi32, #tpu.memory_space<vmem>> -> memref<1x64xi32, #tpu.memory_space<vmem>>
        %dma_wait3A_424 = tpu.memref_squeeze %dma_wait3A_423 : memref<1x64xi32, #tpu.memory_space<vmem>> -> memref<64xi32, #tpu.memory_space<vmem>>
        %dma_wait3A_425 = arith.constant 0 : i32
        %dma_wait3A_426 = arith.constant 0 : i32
        %dma_wait3A_427 = tpu.memref_slice %arg10[%dma_wait3A_425, %dma_wait3A_426] : memref<10240x64xf32, #tpu.memory_space<vmem_shared>> -> memref<10240x64xf32, #tpu.memory_space<vmem_shared>>
        %dma_wait3A_428 = tpu.memref_slice %arg12[%dma_wait3A_417] : memref<4x!tpu.dma_semaphore, #tpu.memory_space<semaphore_mem>> -> memref<1x!tpu.dma_semaphore, #tpu.memory_space<semaphore_mem>>
        %dma_wait3A_429 = tpu.memref_squeeze %dma_wait3A_428 : memref<1x!tpu.dma_semaphore, #tpu.memory_space<semaphore_mem>> -> memref<!tpu.dma_semaphore, #tpu.memory_space<semaphore_mem>>
        tpu.wait_indirect_dma semaphore(%dma_wait3A_429 : memref<!tpu.dma_semaphore, #tpu.memory_space<semaphore_mem>>) src(%dma_wait3A_421 : memref<64x64xf32, #tpu.memory_space<vmem>>) dst(%dma_wait3A_427 : memref<10240x64xf32, #tpu.memory_space<vmem_shared>>)
        %add3A_430 = arith.constant 4 : i32
        %add3A_431 = arith.addi %add3A_415, %add3A_430 : i32
        %dma_start3A_432 = arith.constant 2 : i32
        %dma_start3A_433 = arith.constant 2 : i32
        %dma_start3A_434 = arith.constant 0 : i32
        %dma_start3A_435 = arith.constant 0 : i32
        %dma_start3A_436 = tpu.memref_slice %arg8[%dma_start3A_432, %dma_start3A_434, %dma_start3A_435] : memref<4x64x64xf32, #tpu.memory_space<vmem>> -> memref<1x64x64xf32, #tpu.memory_space<vmem>>
        %dma_start3A_437 = tpu.memref_squeeze %dma_start3A_436 : memref<1x64x64xf32, #tpu.memory_space<vmem>> -> memref<64x64xf32, #tpu.memory_space<vmem>>
        %dma_start3A_438 = arith.constant 0 : i32
        %dma_start3A_439 = tpu.memref_slice %arg6[%add3A_431, %dma_start3A_438] : memref<160x64xi32, #tpu.memory_space<vmem>> -> memref<1x64xi32, #tpu.memory_space<vmem>>
        %dma_start3A_440 = tpu.memref_squeeze %dma_start3A_439 : memref<1x64xi32, #tpu.memory_space<vmem>> -> memref<64xi32, #tpu.memory_space<vmem>>
        %dma_start3A_441 = arith.constant 0 : i32
        %dma_start3A_442 = arith.constant 0 : i32
        %dma_start3A_443 = tpu.memref_slice %arg9[%dma_start3A_441, %dma_start3A_442] : memref<10240x64xf32, #tpu.memory_space<vmem_shared>> -> memref<10240x64xf32, #tpu.memory_space<vmem_shared>>
        %dma_start3A_444 = tpu.memref_slice %arg11[%dma_start3A_433] : memref<4x!tpu.dma_semaphore, #tpu.memory_space<semaphore_mem>> -> memref<1x!tpu.dma_semaphore, #tpu.memory_space<semaphore_mem>>
        %dma_start3A_445 = tpu.memref_squeeze %dma_start3A_444 : memref<1x!tpu.dma_semaphore, #tpu.memory_space<semaphore_mem>> -> memref<!tpu.dma_semaphore, #tpu.memory_space<semaphore_mem>>
        tpu.enqueue_indirect_dma source(%dma_start3A_443 : memref<10240x64xf32, #tpu.memory_space<vmem_shared>>) target(%dma_start3A_437 : memref<64x64xf32, #tpu.memory_space<vmem>>) offsets(%dma_start3A_440 : memref<64xi32, #tpu.memory_space<vmem>>) semaphore(%dma_start3A_445 : memref<!tpu.dma_semaphore, #tpu.memory_space<semaphore_mem>>)
        %mul3A_446 = arith.constant 2 : i32
        %mul3A_447 = arith.muli %mul3A_446, %scan3A_252 : i32
        %add3A_448 = arith.constant 1 : i32
        %add3A_449 = arith.addi %mul3A_447, %add3A_448 : i32
        %mul3A_450 = arith.constant 2 : i32
        %mul3A_451 = arith.muli %add3A_449, %mul3A_450 : i32
        %add3A_452 = arith.constant 1 : i32
        %add3A_453 = arith.addi %mul3A_451, %add3A_452 : i32
        %dma_wait3A_454 = arith.constant 3 : i32
        %dma_wait3A_455 = arith.constant 3 : i32
        %dma_wait3A_456 = arith.constant 0 : i32
        %dma_wait3A_457 = arith.constant 0 : i32
        %dma_wait3A_458 = tpu.memref_slice %arg8[%dma_wait3A_454, %dma_wait3A_456, %dma_wait3A_457] : memref<4x64x64xf32, #tpu.memory_space<vmem>> -> memref<1x64x64xf32, #tpu.memory_space<vmem>>
        %dma_wait3A_459 = tpu.memref_squeeze %dma_wait3A_458 : memref<1x64x64xf32, #tpu.memory_space<vmem>> -> memref<64x64xf32, #tpu.memory_space<vmem>>
        %dma_wait3A_460 = arith.constant 0 : i32
        %dma_wait3A_461 = tpu.memref_slice %arg7[%add3A_453, %dma_wait3A_460] : memref<160x64xi32, #tpu.memory_space<vmem>> -> memref<1x64xi32, #tpu.memory_space<vmem>>
        %dma_wait3A_462 = tpu.memref_squeeze %dma_wait3A_461 : memref<1x64xi32, #tpu.memory_space<vmem>> -> memref<64xi32, #tpu.memory_space<vmem>>
        %dma_wait3A_463 = arith.constant 0 : i32
        %dma_wait3A_464 = arith.constant 0 : i32
        %dma_wait3A_465 = tpu.memref_slice %arg10[%dma_wait3A_463, %dma_wait3A_464] : memref<10240x64xf32, #tpu.memory_space<vmem_shared>> -> memref<10240x64xf32, #tpu.memory_space<vmem_shared>>
        %dma_wait3A_466 = tpu.memref_slice %arg12[%dma_wait3A_455] : memref<4x!tpu.dma_semaphore, #tpu.memory_space<semaphore_mem>> -> memref<1x!tpu.dma_semaphore, #tpu.memory_space<semaphore_mem>>
        %dma_wait3A_467 = tpu.memref_squeeze %dma_wait3A_466 : memref<1x!tpu.dma_semaphore, #tpu.memory_space<semaphore_mem>> -> memref<!tpu.dma_semaphore, #tpu.memory_space<semaphore_mem>>
        tpu.wait_indirect_dma semaphore(%dma_wait3A_467 : memref<!tpu.dma_semaphore, #tpu.memory_space<semaphore_mem>>) src(%dma_wait3A_459 : memref<64x64xf32, #tpu.memory_space<vmem>>) dst(%dma_wait3A_465 : memref<10240x64xf32, #tpu.memory_space<vmem_shared>>)
        %add3A_468 = arith.constant 4 : i32
        %add3A_469 = arith.addi %add3A_453, %add3A_468 : i32
        %dma_start3A_470 = arith.constant 3 : i32
        %dma_start3A_471 = arith.constant 3 : i32
        %dma_start3A_472 = arith.constant 0 : i32
        %dma_start3A_473 = arith.constant 0 : i32
        %dma_start3A_474 = tpu.memref_slice %arg8[%dma_start3A_470, %dma_start3A_472, %dma_start3A_473] : memref<4x64x64xf32, #tpu.memory_space<vmem>> -> memref<1x64x64xf32, #tpu.memory_space<vmem>>
        %dma_start3A_475 = tpu.memref_squeeze %dma_start3A_474 : memref<1x64x64xf32, #tpu.memory_space<vmem>> -> memref<64x64xf32, #tpu.memory_space<vmem>>
        %dma_start3A_476 = arith.constant 0 : i32
        %dma_start3A_477 = tpu.memref_slice %arg6[%add3A_469, %dma_start3A_476] : memref<160x64xi32, #tpu.memory_space<vmem>> -> memref<1x64xi32, #tpu.memory_space<vmem>>
        %dma_start3A_478 = tpu.memref_squeeze %dma_start3A_477 : memref<1x64xi32, #tpu.memory_space<vmem>> -> memref<64xi32, #tpu.memory_space<vmem>>
        %dma_start3A_479 = arith.constant 0 : i32
        %dma_start3A_480 = arith.constant 0 : i32
        %dma_start3A_481 = tpu.memref_slice %arg9[%dma_start3A_479, %dma_start3A_480] : memref<10240x64xf32, #tpu.memory_space<vmem_shared>> -> memref<10240x64xf32, #tpu.memory_space<vmem_shared>>
        %dma_start3A_482 = tpu.memref_slice %arg11[%dma_start3A_471] : memref<4x!tpu.dma_semaphore, #tpu.memory_space<semaphore_mem>> -> memref<1x!tpu.dma_semaphore, #tpu.memory_space<semaphore_mem>>
        %dma_start3A_483 = tpu.memref_squeeze %dma_start3A_482 : memref<1x!tpu.dma_semaphore, #tpu.memory_space<semaphore_mem>> -> memref<!tpu.dma_semaphore, #tpu.memory_space<semaphore_mem>>
        tpu.enqueue_indirect_dma source(%dma_start3A_481 : memref<10240x64xf32, #tpu.memory_space<vmem_shared>>) target(%dma_start3A_475 : memref<64x64xf32, #tpu.memory_space<vmem>>) offsets(%dma_start3A_478 : memref<64xi32, #tpu.memory_space<vmem>>) semaphore(%dma_start3A_483 : memref<!tpu.dma_semaphore, #tpu.memory_space<semaphore_mem>>)
      } else {
      }
    }
    %scan3A_186 = arith.constant 40 : i32
    %dma_wait3A_187 = arith.constant 0 : i32
    %dma_wait3A_188 = arith.constant 156 : i32
    %dma_wait3A_189 = arith.constant 0 : i32
    %dma_wait3A_190 = arith.constant 0 : i32
    %dma_wait3A_191 = arith.constant 0 : i32
    %dma_wait3A_192 = tpu.memref_slice %arg8[%dma_wait3A_187, %dma_wait3A_190, %dma_wait3A_191] : memref<4x64x64xf32, #tpu.memory_space<vmem>> -> memref<1x64x64xf32, #tpu.memory_space<vmem>>
    %dma_wait3A_193 = tpu.memref_squeeze %dma_wait3A_192 : memref<1x64x64xf32, #tpu.memory_space<vmem>> -> memref<64x64xf32, #tpu.memory_space<vmem>>
    %dma_wait3A_194 = arith.constant 0 : i32
    %dma_wait3A_195 = tpu.memref_slice %arg7[%dma_wait3A_188, %dma_wait3A_194] : memref<160x64xi32, #tpu.memory_space<vmem>> -> memref<1x64xi32, #tpu.memory_space<vmem>>
    %dma_wait3A_196 = tpu.memref_squeeze %dma_wait3A_195 : memref<1x64xi32, #tpu.memory_space<vmem>> -> memref<64xi32, #tpu.memory_space<vmem>>
    %dma_wait3A_197 = arith.constant 0 : i32
    %dma_wait3A_198 = arith.constant 0 : i32
    %dma_wait3A_199 = tpu.memref_slice %arg10[%dma_wait3A_197, %dma_wait3A_198] : memref<10240x64xf32, #tpu.memory_space<vmem_shared>> -> memref<10240x64xf32, #tpu.memory_space<vmem_shared>>
    %dma_wait3A_200 = tpu.memref_slice %arg12[%dma_wait3A_189] : memref<4x!tpu.dma_semaphore, #tpu.memory_space<semaphore_mem>> -> memref<1x!tpu.dma_semaphore, #tpu.memory_space<semaphore_mem>>
    %dma_wait3A_201 = tpu.memref_squeeze %dma_wait3A_200 : memref<1x!tpu.dma_semaphore, #tpu.memory_space<semaphore_mem>> -> memref<!tpu.dma_semaphore, #tpu.memory_space<semaphore_mem>>
    tpu.wait_indirect_dma semaphore(%dma_wait3A_201 : memref<!tpu.dma_semaphore, #tpu.memory_space<semaphore_mem>>) src(%dma_wait3A_193 : memref<64x64xf32, #tpu.memory_space<vmem>>) dst(%dma_wait3A_199 : memref<10240x64xf32, #tpu.memory_space<vmem_shared>>)
    %dma_wait3A_202 = arith.constant 1 : i32
    %dma_wait3A_203 = arith.constant 157 : i32
    %dma_wait3A_204 = arith.constant 1 : i32
    %dma_wait3A_205 = arith.constant 0 : i32
    %dma_wait3A_206 = arith.constant 0 : i32
    %dma_wait3A_207 = tpu.memref_slice %arg8[%dma_wait3A_202, %dma_wait3A_205, %dma_wait3A_206] : memref<4x64x64xf32, #tpu.memory_space<vmem>> -> memref<1x64x64xf32, #tpu.memory_space<vmem>>
    %dma_wait3A_208 = tpu.memref_squeeze %dma_wait3A_207 : memref<1x64x64xf32, #tpu.memory_space<vmem>> -> memref<64x64xf32, #tpu.memory_space<vmem>>
    %dma_wait3A_209 = arith.constant 0 : i32
    %dma_wait3A_210 = tpu.memref_slice %arg7[%dma_wait3A_203, %dma_wait3A_209] : memref<160x64xi32, #tpu.memory_space<vmem>> -> memref<1x64xi32, #tpu.memory_space<vmem>>
    %dma_wait3A_211 = tpu.memref_squeeze %dma_wait3A_210 : memref<1x64xi32, #tpu.memory_space<vmem>> -> memref<64xi32, #tpu.memory_space<vmem>>
    %dma_wait3A_212 = arith.constant 0 : i32
    %dma_wait3A_213 = arith.constant 0 : i32
    %dma_wait3A_214 = tpu.memref_slice %arg10[%dma_wait3A_212, %dma_wait3A_213] : memref<10240x64xf32, #tpu.memory_space<vmem_shared>> -> memref<10240x64xf32, #tpu.memory_space<vmem_shared>>
    %dma_wait3A_215 = tpu.memref_slice %arg12[%dma_wait3A_204] : memref<4x!tpu.dma_semaphore, #tpu.memory_space<semaphore_mem>> -> memref<1x!tpu.dma_semaphore, #tpu.memory_space<semaphore_mem>>
    %dma_wait3A_216 = tpu.memref_squeeze %dma_wait3A_215 : memref<1x!tpu.dma_semaphore, #tpu.memory_space<semaphore_mem>> -> memref<!tpu.dma_semaphore, #tpu.memory_space<semaphore_mem>>
    tpu.wait_indirect_dma semaphore(%dma_wait3A_216 : memref<!tpu.dma_semaphore, #tpu.memory_space<semaphore_mem>>) src(%dma_wait3A_208 : memref<64x64xf32, #tpu.memory_space<vmem>>) dst(%dma_wait3A_214 : memref<10240x64xf32, #tpu.memory_space<vmem_shared>>)
    %dma_wait3A_217 = arith.constant 2 : i32
    %dma_wait3A_218 = arith.constant 158 : i32
    %dma_wait3A_219 = arith.constant 2 : i32
    %dma_wait3A_220 = arith.constant 0 : i32
    %dma_wait3A_221 = arith.constant 0 : i32
    %dma_wait3A_222 = tpu.memref_slice %arg8[%dma_wait3A_217, %dma_wait3A_220, %dma_wait3A_221] : memref<4x64x64xf32, #tpu.memory_space<vmem>> -> memref<1x64x64xf32, #tpu.memory_space<vmem>>
    %dma_wait3A_223 = tpu.memref_squeeze %dma_wait3A_222 : memref<1x64x64xf32, #tpu.memory_space<vmem>> -> memref<64x64xf32, #tpu.memory_space<vmem>>
    %dma_wait3A_224 = arith.constant 0 : i32
    %dma_wait3A_225 = tpu.memref_slice %arg7[%dma_wait3A_218, %dma_wait3A_224] : memref<160x64xi32, #tpu.memory_space<vmem>> -> memref<1x64xi32, #tpu.memory_space<vmem>>
    %dma_wait3A_226 = tpu.memref_squeeze %dma_wait3A_225 : memref<1x64xi32, #tpu.memory_space<vmem>> -> memref<64xi32, #tpu.memory_space<vmem>>
    %dma_wait3A_227 = arith.constant 0 : i32
    %dma_wait3A_228 = arith.constant 0 : i32
    %dma_wait3A_229 = tpu.memref_slice %arg10[%dma_wait3A_227, %dma_wait3A_228] : memref<10240x64xf32, #tpu.memory_space<vmem_shared>> -> memref<10240x64xf32, #tpu.memory_space<vmem_shared>>
    %dma_wait3A_230 = tpu.memref_slice %arg12[%dma_wait3A_219] : memref<4x!tpu.dma_semaphore, #tpu.memory_space<semaphore_mem>> -> memref<1x!tpu.dma_semaphore, #tpu.memory_space<semaphore_mem>>
    %dma_wait3A_231 = tpu.memref_squeeze %dma_wait3A_230 : memref<1x!tpu.dma_semaphore, #tpu.memory_space<semaphore_mem>> -> memref<!tpu.dma_semaphore, #tpu.memory_space<semaphore_mem>>
    tpu.wait_indirect_dma semaphore(%dma_wait3A_231 : memref<!tpu.dma_semaphore, #tpu.memory_space<semaphore_mem>>) src(%dma_wait3A_223 : memref<64x64xf32, #tpu.memory_space<vmem>>) dst(%dma_wait3A_229 : memref<10240x64xf32, #tpu.memory_space<vmem_shared>>)
    %dma_wait3A_232 = arith.constant 3 : i32
    %dma_wait3A_233 = arith.constant 159 : i32
    %dma_wait3A_234 = arith.constant 3 : i32
    %dma_wait3A_235 = arith.constant 0 : i32
    %dma_wait3A_236 = arith.constant 0 : i32
    %dma_wait3A_237 = tpu.memref_slice %arg8[%dma_wait3A_232, %dma_wait3A_235, %dma_wait3A_236] : memref<4x64x64xf32, #tpu.memory_space<vmem>> -> memref<1x64x64xf32, #tpu.memory_space<vmem>>
    %dma_wait3A_238 = tpu.memref_squeeze %dma_wait3A_237 : memref<1x64x64xf32, #tpu.memory_space<vmem>> -> memref<64x64xf32, #tpu.memory_space<vmem>>
    %dma_wait3A_239 = arith.constant 0 : i32
    %dma_wait3A_240 = tpu.memref_slice %arg7[%dma_wait3A_233, %dma_wait3A_239] : memref<160x64xi32, #tpu.memory_space<vmem>> -> memref<1x64xi32, #tpu.memory_space<vmem>>
    %dma_wait3A_241 = tpu.memref_squeeze %dma_wait3A_240 : memref<1x64xi32, #tpu.memory_space<vmem>> -> memref<64xi32, #tpu.memory_space<vmem>>
    %dma_wait3A_242 = arith.constant 0 : i32
    %dma_wait3A_243 = arith.constant 0 : i32
    %dma_wait3A_244 = tpu.memref_slice %arg10[%dma_wait3A_242, %dma_wait3A_243] : memref<10240x64xf32, #tpu.memory_space<vmem_shared>> -> memref<10240x64xf32, #tpu.memory_space<vmem_shared>>
    %dma_wait3A_245 = tpu.memref_slice %arg12[%dma_wait3A_234] : memref<4x!tpu.dma_semaphore, #tpu.memory_space<semaphore_mem>> -> memref<1x!tpu.dma_semaphore, #tpu.memory_space<semaphore_mem>>
    %dma_wait3A_246 = tpu.memref_squeeze %dma_wait3A_245 : memref<1x!tpu.dma_semaphore, #tpu.memory_space<semaphore_mem>> -> memref<!tpu.dma_semaphore, #tpu.memory_space<semaphore_mem>>
    tpu.wait_indirect_dma semaphore(%dma_wait3A_246 : memref<!tpu.dma_semaphore, #tpu.memory_space<semaphore_mem>>) src(%dma_wait3A_238 : memref<64x64xf32, #tpu.memory_space<vmem>>) dst(%dma_wait3A_244 : memref<10240x64xf32, #tpu.memory_space<vmem_shared>>)
    %barrier3A_247 = arith.constant 0 : index
    tpu.barrier barrier_id(%barrier3A_247)
    %mul3A_248 = arith.constant 640 : i32
    %mul3A_249 = arith.muli %arg1, %mul3A_248 : i32
    %mul3A_250 = arith.constant 640 : i32
    %mul3A_251 = arith.muli %arg1, %mul3A_250 : i32
    "tpu.region"() ({
      %run_scoped3A_252 = tpu.sem_alloc : memref<!tpu.dma_semaphore, #tpu.memory_space<semaphore_mem>>
      %dma_start3A_253 = arith.constant 0 : i32
      %dma_start3A_254 = tpu.memref_slice %arg5[%arg0, %mul3A_251, %dma_start3A_253] : memref<2x10240x64xf32, #tpu.memory_space<hbm>> -> memref<1x640x64xf32, #tpu.memory_space<hbm>>
      %dma_start3A_255 = tpu.memref_squeeze %dma_start3A_254 : memref<1x640x64xf32, #tpu.memory_space<hbm>> -> memref<640x64xf32, #tpu.memory_space<hbm>>
      %dma_start3A_256 = arith.constant 0 : i32
      %dma_start3A_257 = tpu.memref_slice %arg10[%mul3A_249, %dma_start3A_256] : memref<10240x64xf32, #tpu.memory_space<vmem_shared>> -> memref<640x64xf32, #tpu.memory_space<vmem_shared>>
      tpu.enqueue_dma source(%dma_start3A_257 : memref<640x64xf32, #tpu.memory_space<vmem_shared>>) target(%dma_start3A_255 : memref<640x64xf32, #tpu.memory_space<hbm>>) target_semaphore(%run_scoped3A_252 : memref<!tpu.dma_semaphore, #tpu.memory_space<semaphore_mem>>)
      %dma_wait3A_258 = arith.constant 0 : i32
      %dma_wait3A_259 = tpu.memref_slice %arg5[%arg0, %mul3A_251, %dma_wait3A_258] : memref<2x10240x64xf32, #tpu.memory_space<hbm>> -> memref<1x640x64xf32, #tpu.memory_space<hbm>>
      %dma_wait3A_260 = tpu.memref_squeeze %dma_wait3A_259 : memref<1x640x64xf32, #tpu.memory_space<hbm>> -> memref<640x64xf32, #tpu.memory_space<hbm>>
      %dma_wait3A_261 = arith.constant 0 : i32
      %dma_wait3A_262 = tpu.memref_slice %arg10[%mul3A_249, %dma_wait3A_261] : memref<10240x64xf32, #tpu.memory_space<vmem_shared>> -> memref<640x64xf32, #tpu.memory_space<vmem_shared>>
      tpu.wait_dma2 semaphore(%run_scoped3A_252 : memref<!tpu.dma_semaphore, #tpu.memory_space<semaphore_mem>>) src(%dma_wait3A_262 : memref<640x64xf32, #tpu.memory_space<vmem_shared>>) dst(%dma_wait3A_260 : memref<640x64xf32, #tpu.memory_space<hbm>>)
      tpu.yield
    }) : () -> ()
    return
  }
}

module attributes {stable_mosaic.version = 14 : i64} {
  func.func @_tc1_body(%arg0: i32, %arg1: memref<1024x128xf32, #tpu.memory_space<vmem>>, %arg2: memref<2x1024x16xf32, #tpu.memory_space<vmem>>, %arg3: memref<128x64xf32, #tpu.memory_space<vmem>>, %arg4: memref<1x128xf32, #tpu.memory_space<vmem>>, %arg5: memref<1x128xf32, #tpu.memory_space<vmem>>, %arg6: memref<1x128xf32, #tpu.memory_space<vmem>>, %arg7: memref<1x128xf32, #tpu.memory_space<vmem>>, %arg8: memref<1024x64xf32, #tpu.memory_space<vmem>>, %arg9: memref<1024x16xf32, #tpu.memory_space<vmem>>) attributes {dimension_semantics = [#tpu.dimension_semantics<arbitrary>], iteration_bounds = array<i64: 10>, scalar_prefetch = 0 : i64, scratch_operands = 0 : i64, tpu.core_type = #tpu.core_type<tc>, window_params = [{transform_indices = @transform_0, window_bounds = array<i64: 1024, 128>}, {transform_indices = @transform_1, window_bounds = array<i64: 2, 1024, 16>}, {pipeline_mode = #tpu.pipeline_mode<synchronous>, transform_indices = @transform_2, window_bounds = array<i64: 128, 64>}, {pipeline_mode = #tpu.pipeline_mode<synchronous>, transform_indices = @transform_3, window_bounds = array<i64: 1, 128>}, {pipeline_mode = #tpu.pipeline_mode<synchronous>, transform_indices = @transform_4, window_bounds = array<i64: 1, 128>}, {pipeline_mode = #tpu.pipeline_mode<synchronous>, transform_indices = @transform_5, window_bounds = array<i64: 1, 128>}, {pipeline_mode = #tpu.pipeline_mode<synchronous>, transform_indices = @transform_6, window_bounds = array<i64: 1, 128>}, {transform_indices = @transform_7, window_bounds = array<i64: 1024, 64>}, {transform_indices = @transform_8, window_bounds = array<i64: 1024, 16>}]} {
    %get3A = arith.constant 0 : index
    %get3A_0 = arith.constant 0 : index
    %get3A_1 = arith.constant 0 : index
    %get3A_2 = vector.load %arg2[%get3A, %get3A_0, %get3A_1] : memref<2x1024x16xf32, #tpu.memory_space<vmem>>, vector<1x1024x16xf32>
    %get3A_3 = vector.shape_cast %get3A_2 : vector<1x1024x16xf32> to vector<1024x16xf32>
    %get3A_4 = arith.constant 1 : index
    %get3A_5 = arith.constant 0 : index
    %get3A_6 = arith.constant 0 : index
    %get3A_7 = vector.load %arg2[%get3A_4, %get3A_5, %get3A_6] : memref<2x1024x16xf32, #tpu.memory_space<vmem>>, vector<1x1024x16xf32>
    %get3A_8 = vector.shape_cast %get3A_7 : vector<1x1024x16xf32> to vector<1024x16xf32>
    %add3A = arith.addf %get3A_3, %get3A_8 : vector<1024x16xf32>
    %add3A_9 = arith.constant 1.000000e+00 : f32
    %add3A_10 = vector.broadcast %add3A_9 : f32 to vector<1024x16xf32>
    %add3A_11 = arith.addf %add3A, %add3A_10 : vector<1024x16xf32>
    %rsqrt3A = math.rsqrt %add3A_11 : vector<1024x16xf32>
    %swap3A = arith.constant 0 : index
    %swap3A_12 = arith.constant 0 : index
    %swap3A_13 = vector.load %arg9[%swap3A, %swap3A_12] : memref<1024x16xf32, #tpu.memory_space<vmem>>, vector<1024x16xf32>
    tpu.vector_store %arg9[%swap3A, %swap3A_12], %rsqrt3A {strides = array<i32>} : memref<1024x16xf32, #tpu.memory_space<vmem>>, vector<1024x16xf32>,
    %get3A_14 = arith.constant 0 : index
    %get3A_15 = arith.constant 0 : index
    %get3A_16 = vector.load %arg1[%get3A_14, %get3A_15] : memref<1024x128xf32, #tpu.memory_space<vmem>>, vector<1024x128xf32>
    %get3A_17 = arith.constant 0 : index
    %get3A_18 = arith.constant 0 : index
    %get3A_19 = vector.load %arg4[%get3A_17, %get3A_18] : memref<1x128xf32, #tpu.memory_space<vmem>>, vector<1x128xf32>
    %get3A_20 = arith.constant 0 : index
    %get3A_21 = arith.constant 0 : index
    %get3A_22 = vector.load %arg5[%get3A_20, %get3A_21] : memref<1x128xf32, #tpu.memory_space<vmem>>, vector<1x128xf32>
    %get3A_23 = arith.constant 0 : index
    %get3A_24 = arith.constant 0 : index
    %get3A_25 = vector.load %arg6[%get3A_23, %get3A_24] : memref<1x128xf32, #tpu.memory_space<vmem>>, vector<1x128xf32>
    %get3A_26 = arith.constant 0 : index
    %get3A_27 = arith.constant 0 : index
    %get3A_28 = vector.load %arg7[%get3A_26, %get3A_27] : memref<1x128xf32, #tpu.memory_space<vmem>>, vector<1x128xf32>
    %sub3A = vector.broadcast %get3A_25 : vector<1x128xf32> to vector<1024x128xf32>
    %sub3A_29 = arith.subf %get3A_16, %sub3A : vector<1024x128xf32>
    %mul3A = vector.broadcast %get3A_19 : vector<1x128xf32> to vector<1024x128xf32>
    %mul3A_30 = arith.mulf %mul3A, %sub3A_29 : vector<1024x128xf32>
    %add3A_31 = arith.constant 1.000000e-03 : f32
    %add3A_32 = vector.broadcast %add3A_31 : f32 to vector<1x128xf32>
    %add3A_33 = arith.addf %get3A_28, %add3A_32 : vector<1x128xf32>
    %sqrt3A = math.sqrt %add3A_33 : vector<1x128xf32>
    %div3A = vector.broadcast %sqrt3A : vector<1x128xf32> to vector<1024x128xf32>
    %div3A_34 = arith.divf %mul3A_30, %div3A : vector<1024x128xf32>
    %add3A_35 = vector.broadcast %get3A_22 : vector<1x128xf32> to vector<1024x128xf32>
    %add3A_36 = arith.addf %div3A_34, %add3A_35 : vector<1024x128xf32>
    %slice3A = vector.extract_strided_slice %rsqrt3A {offsets = [0, 0], sizes = [1024, 1], strides = [1, 1]} : vector<1024x16xf32> to vector<1024x1xf32>
    %get3A_37 = arith.constant 0 : index
    %get3A_38 = arith.constant 0 : index
    %get3A_39 = vector.load %arg3[%get3A_37, %get3A_38] : memref<128x64xf32, #tpu.memory_space<vmem>>, vector<128x64xf32>
    %convert_element_type3A = arith.truncf %add3A_36 : vector<1024x128xf32> to vector<1024x128xbf16>
    %convert_element_type3A_40 = arith.truncf %get3A_39 : vector<128x64xf32> to vector<128x64xbf16>
    %dot_general3A = arith.constant dense<0.000000e+00> : vector<1024x64xf32>
    %dot_general3A_41 = tpu.matmul %convert_element_type3A, %convert_element_type3A_40, %dot_general3A {dimension_numbers = #tpu.dot_dimension_numbers<[1], [0], [0], [1], [0, 0, 1, 1], [], []>, transpose_lhs_hint = false} : vector<1024x128xbf16>, vector<128x64xbf16>, vector<1024x64xf32> -> vector<1024x64xf32>
    %mul3A_42 = vector.broadcast %slice3A : vector<1024x1xf32> to vector<1024x64xf32>
    %mul3A_43 = arith.mulf %mul3A_42, %dot_general3A_41 : vector<1024x64xf32>
    %swap3A_44 = arith.constant 0 : index
    %swap3A_45 = arith.constant 0 : index
    %swap3A_46 = vector.load %arg8[%swap3A_44, %swap3A_45] : memref<1024x64xf32, #tpu.memory_space<vmem>>, vector<1024x64xf32>
    tpu.vector_store %arg8[%swap3A_44, %swap3A_45], %mul3A_43 {strides = array<i32>} : memref<1024x64xf32, #tpu.memory_space<vmem>>, vector<1024x64xf32>,
    return
  }
  func.func @transform_0(%arg0: i32) -> (i32, i32) {
    %c0_i32 = arith.constant 0 : i32
    %c0_i32_0 = arith.constant 0 : i32
    return %arg0, %c0_i32 : i32, i32
  }
  func.func @transform_1(%arg0: i32) -> (i32, i32, i32) {
    %c0_i32 = arith.constant 0 : i32
    %c0_i32_0 = arith.constant 0 : i32
    %c0_i32_1 = arith.constant 0 : i32
    return %c0_i32, %arg0, %c0_i32_0 : i32, i32, i32
  }
  func.func @transform_2(%arg0: i32) -> (i32, i32) {
    %c0_i32 = arith.constant 0 : i32
    %c0_i32_0 = arith.constant 0 : i32
    %c0_i32_1 = arith.constant 0 : i32
    return %c0_i32, %c0_i32_0 : i32, i32
  }
  func.func @transform_3(%arg0: i32) -> (i32, i32) {
    %c0_i32 = arith.constant 0 : i32
    %c0_i32_0 = arith.constant 0 : i32
    %c0_i32_1 = arith.constant 0 : i32
    return %c0_i32, %c0_i32_0 : i32, i32
  }
  func.func @transform_4(%arg0: i32) -> (i32, i32) {
    %c0_i32 = arith.constant 0 : i32
    %c0_i32_0 = arith.constant 0 : i32
    %c0_i32_1 = arith.constant 0 : i32
    return %c0_i32, %c0_i32_0 : i32, i32
  }
  func.func @transform_5(%arg0: i32) -> (i32, i32) {
    %c0_i32 = arith.constant 0 : i32
    %c0_i32_0 = arith.constant 0 : i32
    %c0_i32_1 = arith.constant 0 : i32
    return %c0_i32, %c0_i32_0 : i32, i32
  }
  func.func @transform_6(%arg0: i32) -> (i32, i32) {
    %c0_i32 = arith.constant 0 : i32
    %c0_i32_0 = arith.constant 0 : i32
    %c0_i32_1 = arith.constant 0 : i32
    return %c0_i32, %c0_i32_0 : i32, i32
  }
  func.func @transform_7(%arg0: i32) -> (i32, i32) {
    %c0_i32 = arith.constant 0 : i32
    %c0_i32_0 = arith.constant 0 : i32
    return %arg0, %c0_i32 : i32, i32
  }
  func.func @transform_8(%arg0: i32) -> (i32, i32) {
    %c0_i32 = arith.constant 0 : i32
    %c0_i32_0 = arith.constant 0 : i32
    return %arg0, %c0_i32 : i32, i32
  }
}

module attributes {stable_mosaic.version = 14 : i64} {
  func.func @_tc2_body(%arg0: i32, %arg1: memref<1024x64xf32, #tpu.memory_space<vmem>>, %arg2: memref<2x1024x64xf32, #tpu.memory_space<vmem>>, %arg3: memref<1024x16xf32, #tpu.memory_space<vmem>>, %arg4: memref<64x64xf32, #tpu.memory_space<vmem>>, %arg5: memref<1x64xf32, #tpu.memory_space<vmem>>, %arg6: memref<1x64xf32, #tpu.memory_space<vmem>>, %arg7: memref<1x64xf32, #tpu.memory_space<vmem>>, %arg8: memref<1x64xf32, #tpu.memory_space<vmem>>, %arg9: memref<1x64xf32, #tpu.memory_space<vmem>>, %arg10: memref<1024x64xf32, #tpu.memory_space<vmem>>) attributes {dimension_semantics = [#tpu.dimension_semantics<arbitrary>], iteration_bounds = array<i64: 10>, scalar_prefetch = 0 : i64, scratch_operands = 0 : i64, tpu.core_type = #tpu.core_type<tc>, window_params = [{transform_indices = @transform_0, window_bounds = array<i64: 1024, 64>}, {transform_indices = @transform_1, window_bounds = array<i64: 2, 1024, 64>}, {transform_indices = @transform_2, window_bounds = array<i64: 1024, 16>}, {pipeline_mode = #tpu.pipeline_mode<synchronous>, transform_indices = @transform_3, window_bounds = array<i64: 64, 64>}, {pipeline_mode = #tpu.pipeline_mode<synchronous>, transform_indices = @transform_4, window_bounds = array<i64: 1, 64>}, {pipeline_mode = #tpu.pipeline_mode<synchronous>, transform_indices = @transform_5, window_bounds = array<i64: 1, 64>}, {pipeline_mode = #tpu.pipeline_mode<synchronous>, transform_indices = @transform_6, window_bounds = array<i64: 1, 64>}, {pipeline_mode = #tpu.pipeline_mode<synchronous>, transform_indices = @transform_7, window_bounds = array<i64: 1, 64>}, {pipeline_mode = #tpu.pipeline_mode<synchronous>, transform_indices = @transform_8, window_bounds = array<i64: 1, 64>}, {transform_indices = @transform_9, window_bounds = array<i64: 1024, 64>}]} {
    %get3A = arith.constant 0 : index
    %get3A_0 = arith.constant 0 : index
    %get3A_1 = vector.load %arg3[%get3A, %get3A_0] : memref<1024x16xf32, #tpu.memory_space<vmem>>, vector<1024x16xf32>
    %slice3A = vector.extract_strided_slice %get3A_1 {offsets = [0, 0], sizes = [1024, 1], strides = [1, 1]} : vector<1024x16xf32> to vector<1024x1xf32>
    %get3A_2 = arith.constant 0 : index
    %get3A_3 = arith.constant 0 : index
    %get3A_4 = vector.load %arg1[%get3A_2, %get3A_3] : memref<1024x64xf32, #tpu.memory_space<vmem>>, vector<1024x64xf32>
    %get3A_5 = arith.constant 0 : index
    %get3A_6 = arith.constant 0 : index
    %get3A_7 = arith.constant 0 : index
    %get3A_8 = vector.load %arg2[%get3A_5, %get3A_6, %get3A_7] : memref<2x1024x64xf32, #tpu.memory_space<vmem>>, vector<1x1024x64xf32>
    %get3A_9 = vector.shape_cast %get3A_8 : vector<1x1024x64xf32> to vector<1024x64xf32>
    %add3A = arith.addf %get3A_4, %get3A_9 : vector<1024x64xf32>
    %get3A_10 = arith.constant 1 : index
    %get3A_11 = arith.constant 0 : index
    %get3A_12 = arith.constant 0 : index
    %get3A_13 = vector.load %arg2[%get3A_10, %get3A_11, %get3A_12] : memref<2x1024x64xf32, #tpu.memory_space<vmem>>, vector<1x1024x64xf32>
    %get3A_14 = vector.shape_cast %get3A_13 : vector<1x1024x64xf32> to vector<1024x64xf32>
    %add3A_15 = arith.addf %add3A, %get3A_14 : vector<1024x64xf32>
    %mul3A = vector.broadcast %slice3A : vector<1024x1xf32> to vector<1024x64xf32>
    %mul3A_16 = arith.mulf %mul3A, %add3A_15 : vector<1024x64xf32>
    %get3A_17 = arith.constant 0 : index
    %get3A_18 = arith.constant 0 : index
    %get3A_19 = vector.load %arg5[%get3A_17, %get3A_18] : memref<1x64xf32, #tpu.memory_space<vmem>>, vector<1x64xf32>
    %add3A_20 = vector.broadcast %get3A_19 : vector<1x64xf32> to vector<1024x64xf32>
    %add3A_21 = arith.addf %mul3A_16, %add3A_20 : vector<1024x64xf32>
    %max3A = arith.constant 0.000000e+00 : f32
    %max3A_22 = vector.broadcast %max3A : f32 to vector<1024x64xf32>
    %max3A_23 = arith.maximumf %add3A_21, %max3A_22 : vector<1024x64xf32>
    %get3A_24 = arith.constant 0 : index
    %get3A_25 = arith.constant 0 : index
    %get3A_26 = vector.load %arg6[%get3A_24, %get3A_25] : memref<1x64xf32, #tpu.memory_space<vmem>>, vector<1x64xf32>
    %get3A_27 = arith.constant 0 : index
    %get3A_28 = arith.constant 0 : index
    %get3A_29 = vector.load %arg7[%get3A_27, %get3A_28] : memref<1x64xf32, #tpu.memory_space<vmem>>, vector<1x64xf32>
    %get3A_30 = arith.constant 0 : index
    %get3A_31 = arith.constant 0 : index
    %get3A_32 = vector.load %arg8[%get3A_30, %get3A_31] : memref<1x64xf32, #tpu.memory_space<vmem>>, vector<1x64xf32>
    %get3A_33 = arith.constant 0 : index
    %get3A_34 = arith.constant 0 : index
    %get3A_35 = vector.load %arg9[%get3A_33, %get3A_34] : memref<1x64xf32, #tpu.memory_space<vmem>>, vector<1x64xf32>
    %sub3A = vector.broadcast %get3A_32 : vector<1x64xf32> to vector<1024x64xf32>
    %sub3A_36 = arith.subf %max3A_23, %sub3A : vector<1024x64xf32>
    %mul3A_37 = vector.broadcast %get3A_26 : vector<1x64xf32> to vector<1024x64xf32>
    %mul3A_38 = arith.mulf %mul3A_37, %sub3A_36 : vector<1024x64xf32>
    %add3A_39 = arith.constant 1.000000e-03 : f32
    %add3A_40 = vector.broadcast %add3A_39 : f32 to vector<1x64xf32>
    %add3A_41 = arith.addf %get3A_35, %add3A_40 : vector<1x64xf32>
    %sqrt3A = math.sqrt %add3A_41 : vector<1x64xf32>
    %div3A = vector.broadcast %sqrt3A : vector<1x64xf32> to vector<1024x64xf32>
    %div3A_42 = arith.divf %mul3A_38, %div3A : vector<1024x64xf32>
    %add3A_43 = vector.broadcast %get3A_29 : vector<1x64xf32> to vector<1024x64xf32>
    %add3A_44 = arith.addf %div3A_42, %add3A_43 : vector<1024x64xf32>
    %get3A_45 = arith.constant 0 : index
    %get3A_46 = arith.constant 0 : index
    %get3A_47 = vector.load %arg4[%get3A_45, %get3A_46] : memref<64x64xf32, #tpu.memory_space<vmem>>, vector<64x64xf32>
    %convert_element_type3A = arith.truncf %add3A_44 : vector<1024x64xf32> to vector<1024x64xbf16>
    %convert_element_type3A_48 = arith.truncf %get3A_47 : vector<64x64xf32> to vector<64x64xbf16>
    %dot_general3A = arith.constant dense<0.000000e+00> : vector<1024x64xf32>
    %dot_general3A_49 = tpu.matmul %convert_element_type3A, %convert_element_type3A_48, %dot_general3A {dimension_numbers = #tpu.dot_dimension_numbers<[1], [0], [0], [1], [0, 0, 1, 1], [], []>, transpose_lhs_hint = false} : vector<1024x64xbf16>, vector<64x64xbf16>, vector<1024x64xf32> -> vector<1024x64xf32>
    %mul3A_50 = vector.broadcast %slice3A : vector<1024x1xf32> to vector<1024x64xf32>
    %mul3A_51 = arith.mulf %mul3A_50, %dot_general3A_49 : vector<1024x64xf32>
    %swap3A = arith.constant 0 : index
    %swap3A_52 = arith.constant 0 : index
    %swap3A_53 = vector.load %arg10[%swap3A, %swap3A_52] : memref<1024x64xf32, #tpu.memory_space<vmem>>, vector<1024x64xf32>
    tpu.vector_store %arg10[%swap3A, %swap3A_52], %mul3A_51 {strides = array<i32>} : memref<1024x64xf32, #tpu.memory_space<vmem>>, vector<1024x64xf32>,
    return
  }
  func.func @transform_0(%arg0: i32) -> (i32, i32) {
    %c0_i32 = arith.constant 0 : i32
    %c0_i32_0 = arith.constant 0 : i32
    return %arg0, %c0_i32 : i32, i32
  }
  func.func @transform_1(%arg0: i32) -> (i32, i32, i32) {
    %c0_i32 = arith.constant 0 : i32
    %c0_i32_0 = arith.constant 0 : i32
    %c0_i32_1 = arith.constant 0 : i32
    return %c0_i32, %arg0, %c0_i32_0 : i32, i32, i32
  }
  func.func @transform_2(%arg0: i32) -> (i32, i32) {
    %c0_i32 = arith.constant 0 : i32
    %c0_i32_0 = arith.constant 0 : i32
    return %arg0, %c0_i32 : i32, i32
  }
  func.func @transform_3(%arg0: i32) -> (i32, i32) {
    %c0_i32 = arith.constant 0 : i32
    %c0_i32_0 = arith.constant 0 : i32
    %c0_i32_1 = arith.constant 0 : i32
    return %c0_i32, %c0_i32_0 : i32, i32
  }
  func.func @transform_4(%arg0: i32) -> (i32, i32) {
    %c0_i32 = arith.constant 0 : i32
    %c0_i32_0 = arith.constant 0 : i32
    %c0_i32_1 = arith.constant 0 : i32
    return %c0_i32, %c0_i32_0 : i32, i32
  }
  func.func @transform_5(%arg0: i32) -> (i32, i32) {
    %c0_i32 = arith.constant 0 : i32
    %c0_i32_0 = arith.constant 0 : i32
    %c0_i32_1 = arith.constant 0 : i32
    return %c0_i32, %c0_i32_0 : i32, i32
  }
  func.func @transform_6(%arg0: i32) -> (i32, i32) {
    %c0_i32 = arith.constant 0 : i32
    %c0_i32_0 = arith.constant 0 : i32
    %c0_i32_1 = arith.constant 0 : i32
    return %c0_i32, %c0_i32_0 : i32, i32
  }
  func.func @transform_7(%arg0: i32) -> (i32, i32) {
    %c0_i32 = arith.constant 0 : i32
    %c0_i32_0 = arith.constant 0 : i32
    %c0_i32_1 = arith.constant 0 : i32
    return %c0_i32, %c0_i32_0 : i32, i32
  }
  func.func @transform_8(%arg0: i32) -> (i32, i32) {
    %c0_i32 = arith.constant 0 : i32
    %c0_i32_0 = arith.constant 0 : i32
    %c0_i32_1 = arith.constant 0 : i32
    return %c0_i32, %c0_i32_0 : i32, i32
  }
  func.func @transform_9(%arg0: i32) -> (i32, i32) {
    %c0_i32 = arith.constant 0 : i32
    %c0_i32_0 = arith.constant 0 : i32
    return %arg0, %c0_i32 : i32, i32
  }
}

module attributes {stable_mosaic.version = 14 : i64} {
  func.func @_tc3_body(%arg0: i32, %arg1: memref<1024x64xf32, #tpu.memory_space<vmem>>, %arg2: memref<2x1024x64xf32, #tpu.memory_space<vmem>>, %arg3: memref<1024x16xf32, #tpu.memory_space<vmem>>, %arg4: memref<64x64xf32, #tpu.memory_space<vmem>>, %arg5: memref<1x64xf32, #tpu.memory_space<vmem>>, %arg6: memref<1x64xf32, #tpu.memory_space<vmem>>, %arg7: memref<1x64xf32, #tpu.memory_space<vmem>>, %arg8: memref<1x64xf32, #tpu.memory_space<vmem>>, %arg9: memref<1x64xf32, #tpu.memory_space<vmem>>, %arg10: memref<1x64xf32, #tpu.memory_space<vmem>>, %arg11: memref<1x1024xi32, #tpu.memory_space<vmem>>, %arg12: memref<32x64xf32, #tpu.memory_space<vmem>>, %arg13: memref<1x64xf32, #tpu.memory_space<vmem>>, %arg14: memref<64x1xf32, #tpu.memory_space<vmem>>, %arg15: memref<1x1xf32, #tpu.memory_space<vmem>>, %arg16: memref<128x1xf32, #tpu.memory_space<vmem>>, %arg17: memref<128x32xf32, #tpu.memory_space<vmem>>) attributes {dimension_semantics = [#tpu.dimension_semantics<arbitrary>], iteration_bounds = array<i64: 10>, scalar_prefetch = 0 : i64, scratch_operands = 1 : i64, tpu.core_type = #tpu.core_type<tc>, window_params = [{transform_indices = @transform_0, window_bounds = array<i64: 1024, 64>}, {transform_indices = @transform_1, window_bounds = array<i64: 2, 1024, 64>}, {transform_indices = @transform_2, window_bounds = array<i64: 1024, 16>}, {pipeline_mode = #tpu.pipeline_mode<synchronous>, transform_indices = @transform_3, window_bounds = array<i64: 64, 64>}, {pipeline_mode = #tpu.pipeline_mode<synchronous>, transform_indices = @transform_4, window_bounds = array<i64: 1, 64>}, {pipeline_mode = #tpu.pipeline_mode<synchronous>, transform_indices = @transform_5, window_bounds = array<i64: 1, 64>}, {pipeline_mode = #tpu.pipeline_mode<synchronous>, transform_indices = @transform_6, window_bounds = array<i64: 1, 64>}, {pipeline_mode = #tpu.pipeline_mode<synchronous>, transform_indices = @transform_7, window_bounds = array<i64: 1, 64>}, {pipeline_mode = #tpu.pipeline_mode<synchronous>, transform_indices = @transform_8, window_bounds = array<i64: 1, 64>}, {pipeline_mode = #tpu.pipeline_mode<synchronous>, transform_indices = @transform_9, window_bounds = array<i64: 1, 64>}, {transform_indices = @transform_10, window_bounds = array<i64: 1, 1024>}, {pipeline_mode = #tpu.pipeline_mode<synchronous>, transform_indices = @transform_11, window_bounds = array<i64: 32, 64>}, {pipeline_mode = #tpu.pipeline_mode<synchronous>, transform_indices = @transform_12, window_bounds = array<i64: 1, 64>}, {pipeline_mode = #tpu.pipeline_mode<synchronous>, transform_indices = @transform_13, window_bounds = array<i64: 64, 1>}, {pipeline_mode = #tpu.pipeline_mode<synchronous>, transform_indices = @transform_14, window_bounds = array<i64: 1, 1>}, {pipeline_mode = #tpu.pipeline_mode<synchronous>, transform_indices = @transform_15, window_bounds = array<i64: 128, 1>}]} {
    %get3A = arith.constant 0 : index
    %get3A_0 = arith.constant 0 : index
    %get3A_1 = vector.load %arg3[%get3A, %get3A_0] : memref<1024x16xf32, #tpu.memory_space<vmem>>, vector<1024x16xf32>
    %slice3A = vector.extract_strided_slice %get3A_1 {offsets = [0, 0], sizes = [1024, 1], strides = [1, 1]} : vector<1024x16xf32> to vector<1024x1xf32>
    %get3A_2 = arith.constant 0 : index
    %get3A_3 = arith.constant 0 : index
    %get3A_4 = vector.load %arg1[%get3A_2, %get3A_3] : memref<1024x64xf32, #tpu.memory_space<vmem>>, vector<1024x64xf32>
    %get3A_5 = arith.constant 0 : index
    %get3A_6 = arith.constant 0 : index
    %get3A_7 = arith.constant 0 : index
    %get3A_8 = vector.load %arg2[%get3A_5, %get3A_6, %get3A_7] : memref<2x1024x64xf32, #tpu.memory_space<vmem>>, vector<1x1024x64xf32>
    %get3A_9 = vector.shape_cast %get3A_8 : vector<1x1024x64xf32> to vector<1024x64xf32>
    %add3A = arith.addf %get3A_4, %get3A_9 : vector<1024x64xf32>
    %get3A_10 = arith.constant 1 : index
    %get3A_11 = arith.constant 0 : index
    %get3A_12 = arith.constant 0 : index
    %get3A_13 = vector.load %arg2[%get3A_10, %get3A_11, %get3A_12] : memref<2x1024x64xf32, #tpu.memory_space<vmem>>, vector<1x1024x64xf32>
    %get3A_14 = vector.shape_cast %get3A_13 : vector<1x1024x64xf32> to vector<1024x64xf32>
    %add3A_15 = arith.addf %add3A, %get3A_14 : vector<1024x64xf32>
    %mul3A = vector.broadcast %slice3A : vector<1024x1xf32> to vector<1024x64xf32>
    %mul3A_16 = arith.mulf %mul3A, %add3A_15 : vector<1024x64xf32>
    %get3A_17 = arith.constant 0 : index
    %get3A_18 = arith.constant 0 : index
    %get3A_19 = vector.load %arg6[%get3A_17, %get3A_18] : memref<1x64xf32, #tpu.memory_space<vmem>>, vector<1x64xf32>
    %add3A_20 = vector.broadcast %get3A_19 : vector<1x64xf32> to vector<1024x64xf32>
    %add3A_21 = arith.addf %mul3A_16, %add3A_20 : vector<1024x64xf32>
    %max3A = arith.constant 0.000000e+00 : f32
    %max3A_22 = vector.broadcast %max3A : f32 to vector<1024x64xf32>
    %max3A_23 = arith.maximumf %add3A_21, %max3A_22 : vector<1024x64xf32>
    %get3A_24 = arith.constant 0 : index
    %get3A_25 = arith.constant 0 : index
    %get3A_26 = vector.load %arg7[%get3A_24, %get3A_25] : memref<1x64xf32, #tpu.memory_space<vmem>>, vector<1x64xf32>
    %get3A_27 = arith.constant 0 : index
    %get3A_28 = arith.constant 0 : index
    %get3A_29 = vector.load %arg8[%get3A_27, %get3A_28] : memref<1x64xf32, #tpu.memory_space<vmem>>, vector<1x64xf32>
    %get3A_30 = arith.constant 0 : index
    %get3A_31 = arith.constant 0 : index
    %get3A_32 = vector.load %arg9[%get3A_30, %get3A_31] : memref<1x64xf32, #tpu.memory_space<vmem>>, vector<1x64xf32>
    %get3A_33 = arith.constant 0 : index
    %get3A_34 = arith.constant 0 : index
    %get3A_35 = vector.load %arg10[%get3A_33, %get3A_34] : memref<1x64xf32, #tpu.memory_space<vmem>>, vector<1x64xf32>
    %sub3A = vector.broadcast %get3A_32 : vector<1x64xf32> to vector<1024x64xf32>
    %sub3A_36 = arith.subf %max3A_23, %sub3A : vector<1024x64xf32>
    %mul3A_37 = vector.broadcast %get3A_26 : vector<1x64xf32> to vector<1024x64xf32>
    %mul3A_38 = arith.mulf %mul3A_37, %sub3A_36 : vector<1024x64xf32>
    %add3A_39 = arith.constant 1.000000e-03 : f32
    %add3A_40 = vector.broadcast %add3A_39 : f32 to vector<1x64xf32>
    %add3A_41 = arith.addf %get3A_35, %add3A_40 : vector<1x64xf32>
    %sqrt3A = math.sqrt %add3A_41 : vector<1x64xf32>
    %div3A = vector.broadcast %sqrt3A : vector<1x64xf32> to vector<1024x64xf32>
    %div3A_42 = arith.divf %mul3A_38, %div3A : vector<1024x64xf32>
    %add3A_43 = vector.broadcast %get3A_29 : vector<1x64xf32> to vector<1024x64xf32>
    %add3A_44 = arith.addf %div3A_42, %add3A_43 : vector<1024x64xf32>
    %get3A_45 = arith.constant 0 : index
    %get3A_46 = arith.constant 0 : index
    %get3A_47 = vector.load %arg4[%get3A_45, %get3A_46] : memref<64x64xf32, #tpu.memory_space<vmem>>, vector<64x64xf32>
    %convert_element_type3A = arith.truncf %add3A_44 : vector<1024x64xf32> to vector<1024x64xbf16>
    %convert_element_type3A_48 = arith.truncf %get3A_47 : vector<64x64xf32> to vector<64x64xbf16>
    %dot_general3A = arith.constant dense<0.000000e+00> : vector<1024x64xf32>
    %dot_general3A_49 = tpu.matmul %convert_element_type3A, %convert_element_type3A_48, %dot_general3A {dimension_numbers = #tpu.dot_dimension_numbers<[1], [0], [0], [1], [0, 0, 1, 1], [], []>, transpose_lhs_hint = false} : vector<1024x64xbf16>, vector<64x64xbf16>, vector<1024x64xf32> -> vector<1024x64xf32>
    %get3A_50 = arith.constant 0 : index
    %get3A_51 = arith.constant 0 : index
    %get3A_52 = vector.load %arg5[%get3A_50, %get3A_51] : memref<1x64xf32, #tpu.memory_space<vmem>>, vector<1x64xf32>
    %add3A_53 = vector.broadcast %get3A_52 : vector<1x64xf32> to vector<1024x64xf32>
    %add3A_54 = arith.addf %dot_general3A_49, %add3A_53 : vector<1024x64xf32>
    %slice3A_55 = vector.extract_strided_slice %add3A_54 {offsets = [0, 0], sizes = [1024, 32], strides = [1, 1]} : vector<1024x64xf32> to vector<1024x32xf32>
    %slice3A_56 = vector.extract_strided_slice %add3A_54 {offsets = [0, 32], sizes = [1024, 32], strides = [1, 1]} : vector<1024x64xf32> to vector<1024x32xf32>
    %logistic3A = arith.negf %slice3A_56 : vector<1024x32xf32>
    %logistic3A_57 = math.exp %logistic3A : vector<1024x32xf32>
    %logistic3A_58 = arith.constant 1.000000e+00 : f32
    %logistic3A_59 = vector.broadcast %logistic3A_58 : f32 to vector<1024x32xf32>
    %logistic3A_60 = arith.addf %logistic3A_59, %logistic3A_57 : vector<1024x32xf32>
    %logistic3A_61 = arith.divf %logistic3A_59, %logistic3A_60 : vector<1024x32xf32>
    %mul3A_62 = arith.mulf %slice3A_55, %logistic3A_61 : vector<1024x32xf32>
    %get3A_63 = arith.constant 0 : index
    %get3A_64 = arith.constant 0 : index
    %get3A_65 = vector.load %arg11[%get3A_63, %get3A_64] : memref<1x1024xi32, #tpu.memory_space<vmem>>, vector<1x1024xi32>
    %iota3A = tpu.iota {dimensions = array<i32: 0>} : vector<128x1024xi32>
    %eq3A = vector.broadcast %get3A_65 : vector<1x1024xi32> to vector<128x1024xi32>
    %eq3A_66 = arith.cmpi eq, %eq3A, %iota3A : vector<128x1024xi32>
    %convert_element_type3A_67 = arith.extui %eq3A_66 : vector<128x1024xi1> to vector<128x1024xi32>
    %convert_element_type3A_68 = arith.sitofp %convert_element_type3A_67 : vector<128x1024xi32> to vector<128x1024xf32>
    %dot_general3A_69 = arith.constant dense<0.000000e+00> : vector<128x32xf32>
    %dot_general3A_70 = tpu.matmul %convert_element_type3A_68, %mul3A_62, %dot_general3A_69 {dimension_numbers = #tpu.dot_dimension_numbers<[1], [0], [0], [1], [0, 0, 1, 1], [], []>, precision = #tpu.contract_precision<fp32>, transpose_lhs_hint = false} : vector<128x1024xf32>, vector<1024x32xf32>, vector<128x32xf32> -> vector<128x32xf32>
    %eq3A_71 = arith.constant 0 : i32
    %eq3A_72 = arith.cmpi eq, %arg0, %eq3A_71 : i32
    %convert_element_type3A_73 = arith.extui %eq3A_72 : i1 to i32
    %cond3A = arith.constant 0 : i32
    %cond3A_74 = arith.cmpi ne, %convert_element_type3A_73, %cond3A : i32
    scf.if %cond3A_74 {
      %swap3A = arith.constant 0 : index
      %swap3A_84 = arith.constant 0 : index
      %swap3A_85 = vector.load %arg17[%swap3A, %swap3A_84] : memref<128x32xf32, #tpu.memory_space<vmem>>, vector<128x32xf32>
      tpu.vector_store %arg17[%swap3A, %swap3A_84], %dot_general3A_70 {strides = array<i32>} : memref<128x32xf32, #tpu.memory_space<vmem>>, vector<128x32xf32>,
    } else {
    }
    %gt3A = arith.constant 0 : i32
    %gt3A_75 = arith.cmpi sgt, %arg0, %gt3A : i32
    %convert_element_type3A_76 = arith.extui %gt3A_75 : i1 to i32
    %cond3A_77 = arith.constant 0 : i32
    %cond3A_78 = arith.cmpi ne, %convert_element_type3A_76, %cond3A_77 : i32
    scf.if %cond3A_78 {
      %get3A_84 = arith.constant 0 : index
      %get3A_85 = arith.constant 0 : index
      %get3A_86 = vector.load %arg17[%get3A_84, %get3A_85] : memref<128x32xf32, #tpu.memory_space<vmem>>, vector<128x32xf32>
      %add3A_87 = arith.addf %get3A_86, %dot_general3A_70 : vector<128x32xf32>
      %swap3A = arith.constant 0 : index
      %swap3A_88 = arith.constant 0 : index
      %swap3A_89 = vector.load %arg17[%swap3A, %swap3A_88] : memref<128x32xf32, #tpu.memory_space<vmem>>, vector<128x32xf32>
      tpu.vector_store %arg17[%swap3A, %swap3A_88], %add3A_87 {strides = array<i32>} : memref<128x32xf32, #tpu.memory_space<vmem>>, vector<128x32xf32>,
    } else {
    }
    %eq3A_79 = arith.constant 9 : i32
    %eq3A_80 = arith.cmpi eq, %arg0, %eq3A_79 : i32
    %convert_element_type3A_81 = arith.extui %eq3A_80 : i1 to i32
    %cond3A_82 = arith.constant 0 : i32
    %cond3A_83 = arith.cmpi ne, %convert_element_type3A_81, %cond3A_82 : i32
    scf.if %cond3A_83 {
      %get3A_84 = arith.constant 0 : index
      %get3A_85 = arith.constant 0 : index
      %get3A_86 = vector.load %arg17[%get3A_84, %get3A_85] : memref<128x32xf32, #tpu.memory_space<vmem>>, vector<128x32xf32>
      %get3A_87 = arith.constant 0 : index
      %get3A_88 = arith.constant 0 : index
      %get3A_89 = vector.load %arg12[%get3A_87, %get3A_88] : memref<32x64xf32, #tpu.memory_space<vmem>>, vector<32x64xf32>
      %convert_element_type3A_90 = arith.truncf %get3A_86 : vector<128x32xf32> to vector<128x32xbf16>
      %convert_element_type3A_91 = arith.truncf %get3A_89 : vector<32x64xf32> to vector<32x64xbf16>
      %dot_general3A_92 = arith.constant dense<0.000000e+00> : vector<128x64xf32>
      %dot_general3A_93 = tpu.matmul %convert_element_type3A_90, %convert_element_type3A_91, %dot_general3A_92 {dimension_numbers = #tpu.dot_dimension_numbers<[1], [0], [0], [1], [0, 0, 1, 1], [], []>, transpose_lhs_hint = false} : vector<128x32xbf16>, vector<32x64xbf16>, vector<128x64xf32> -> vector<128x64xf32>
      %get3A_94 = arith.constant 0 : index
      %get3A_95 = arith.constant 0 : index
      %get3A_96 = vector.load %arg13[%get3A_94, %get3A_95] : memref<1x64xf32, #tpu.memory_space<vmem>>, vector<1x64xf32>
      %add3A_97 = vector.broadcast %get3A_96 : vector<1x64xf32> to vector<128x64xf32>
      %add3A_98 = arith.addf %dot_general3A_93, %add3A_97 : vector<128x64xf32>
      %max3A_99 = arith.constant 0.000000e+00 : f32
      %max3A_100 = vector.broadcast %max3A_99 : f32 to vector<128x64xf32>
      %max3A_101 = arith.maximumf %add3A_98, %max3A_100 : vector<128x64xf32>
      %get3A_102 = arith.constant 0 : index
      %get3A_103 = arith.constant 0 : index
      %get3A_104 = vector.load %arg14[%get3A_102, %get3A_103] : memref<64x1xf32, #tpu.memory_space<vmem>>, vector<64x1xf32>
      %convert_element_type3A_105 = arith.truncf %max3A_101 : vector<128x64xf32> to vector<128x64xbf16>
      %convert_element_type3A_106 = arith.truncf %get3A_104 : vector<64x1xf32> to vector<64x1xbf16>
      %dot_general3A_107 = arith.constant dense<0.000000e+00> : vector<128x1xf32>
      %dot_general3A_108 = tpu.matmul %convert_element_type3A_105, %convert_element_type3A_106, %dot_general3A_107 {dimension_numbers = #tpu.dot_dimension_numbers<[1], [0], [0], [1], [0, 0, 1, 1], [], []>, transpose_lhs_hint = false} : vector<128x64xbf16>, vector<64x1xbf16>, vector<128x1xf32> -> vector<128x1xf32>
      %get3A_109 = arith.constant 0 : index
      %get3A_110 = arith.constant 0 : index
      %get3A_111 = vector.load %arg15[%get3A_109, %get3A_110] : memref<1x1xf32, #tpu.memory_space<vmem>>, vector<1x1xf32>
      %add3A_112 = vector.broadcast %get3A_111 : vector<1x1xf32> to vector<128x1xf32>
      %add3A_113 = arith.addf %dot_general3A_108, %add3A_112 : vector<128x1xf32>
      %swap3A = arith.constant 0 : index
      %swap3A_114 = arith.constant 0 : index
      %swap3A_115 = vector.load %arg16[%swap3A, %swap3A_114] : memref<128x1xf32, #tpu.memory_space<vmem>>, vector<128x1xf32>
      tpu.vector_store %arg16[%swap3A, %swap3A_114], %add3A_113 {strides = array<i32>} : memref<128x1xf32, #tpu.memory_space<vmem>>, vector<128x1xf32>,
    } else {
    }
    return
  }
  func.func @transform_0(%arg0: i32) -> (i32, i32) {
    %c0_i32 = arith.constant 0 : i32
    %c0_i32_0 = arith.constant 0 : i32
    return %arg0, %c0_i32 : i32, i32
  }
  func.func @transform_1(%arg0: i32) -> (i32, i32, i32) {
    %c0_i32 = arith.constant 0 : i32
    %c0_i32_0 = arith.constant 0 : i32
    %c0_i32_1 = arith.constant 0 : i32
    return %c0_i32, %arg0, %c0_i32_0 : i32, i32, i32
  }
  func.func @transform_2(%arg0: i32) -> (i32, i32) {
    %c0_i32 = arith.constant 0 : i32
    %c0_i32_0 = arith.constant 0 : i32
    return %arg0, %c0_i32 : i32, i32
  }
  func.func @transform_3(%arg0: i32) -> (i32, i32) {
    %c0_i32 = arith.constant 0 : i32
    %c0_i32_0 = arith.constant 0 : i32
    %c0_i32_1 = arith.constant 0 : i32
    return %c0_i32, %c0_i32_0 : i32, i32
  }
  func.func @transform_4(%arg0: i32) -> (i32, i32) {
    %c0_i32 = arith.constant 0 : i32
    %c0_i32_0 = arith.constant 0 : i32
    %c0_i32_1 = arith.constant 0 : i32
    return %c0_i32, %c0_i32_0 : i32, i32
  }
  func.func @transform_5(%arg0: i32) -> (i32, i32) {
    %c0_i32 = arith.constant 0 : i32
    %c0_i32_0 = arith.constant 0 : i32
    %c0_i32_1 = arith.constant 0 : i32
    return %c0_i32, %c0_i32_0 : i32, i32
  }
  func.func @transform_6(%arg0: i32) -> (i32, i32) {
    %c0_i32 = arith.constant 0 : i32
    %c0_i32_0 = arith.constant 0 : i32
    %c0_i32_1 = arith.constant 0 : i32
    return %c0_i32, %c0_i32_0 : i32, i32
  }
  func.func @transform_7(%arg0: i32) -> (i32, i32) {
    %c0_i32 = arith.constant 0 : i32
    %c0_i32_0 = arith.constant 0 : i32
    %c0_i32_1 = arith.constant 0 : i32
    return %c0_i32, %c0_i32_0 : i32, i32
  }
  func.func @transform_8(%arg0: i32) -> (i32, i32) {
    %c0_i32 = arith.constant 0 : i32
    %c0_i32_0 = arith.constant 0 : i32
    %c0_i32_1 = arith.constant 0 : i32
    return %c0_i32, %c0_i32_0 : i32, i32
  }
  func.func @transform_9(%arg0: i32) -> (i32, i32) {
    %c0_i32 = arith.constant 0 : i32
    %c0_i32_0 = arith.constant 0 : i32
    %c0_i32_1 = arith.constant 0 : i32
    return %c0_i32, %c0_i32_0 : i32, i32
  }
  func.func @transform_10(%arg0: i32) -> (i32, i32) {
    %c0_i32 = arith.constant 0 : i32
    %c0_i32_0 = arith.constant 0 : i32
    return %c0_i32, %arg0 : i32, i32
  }
  func.func @transform_11(%arg0: i32) -> (i32, i32) {
    %c0_i32 = arith.constant 0 : i32
    %c0_i32_0 = arith.constant 0 : i32
    %c0_i32_1 = arith.constant 0 : i32
    return %c0_i32, %c0_i32_0 : i32, i32
  }
  func.func @transform_12(%arg0: i32) -> (i32, i32) {
    %c0_i32 = arith.constant 0 : i32
    %c0_i32_0 = arith.constant 0 : i32
    %c0_i32_1 = arith.constant 0 : i32
    return %c0_i32, %c0_i32_0 : i32, i32
  }
  func.func @transform_13(%arg0: i32) -> (i32, i32) {
    %c0_i32 = arith.constant 0 : i32
    %c0_i32_0 = arith.constant 0 : i32
    %c0_i32_1 = arith.constant 0 : i32
    return %c0_i32, %c0_i32_0 : i32, i32
  }
  func.func @transform_14(%arg0: i32) -> (i32, i32) {
    %c0_i32 = arith.constant 0 : i32
    %c0_i32_0 = arith.constant 0 : i32
    %c0_i32_1 = arith.constant 0 : i32
    return %c0_i32, %c0_i32_0 : i32, i32
  }
  func.func @transform_15(%arg0: i32) -> (i32, i32) {
    %c0_i32 = arith.constant 0 : i32
    %c0_i32_0 = arith.constant 0 : i32
    %c0_i32_1 = arith.constant 0 : i32
    return %c0_i32, %c0_i32_0 : i32, i32
  }
}

</mosaic_0001>

<sc_bundles>
// kernel: sc_degree.3.cloned.1.call-start
scs
__scs_entry_jumppad:
0x0: {  	(pc) =	sbr.rel $0x88, $3  }
0x1: {  	(tag) =	ssettag $0x0;
	lr =	simm.s32 $0x1  }
0x2: {  	[smem:$0x3F86] =	sst lr;
	_ =	strace $0xD0000000  }
0x3: {  	_ = 	snop  }
0x4: {  	_ = 	snop  }
0x5: {  	_ = 	snop  }
0x6: {  	_ = 	snop  }
0x7: {  	_ = 	snop  }
__scs_overlays_trampoline_lowered:
0x8: {  	[smem:$0x3F95] =	sst s0  }
0x9: {  	[smem:$0x3F96] =	sst s1  }
0xa: {  	[smem:$0x3F97] =	sst s2  }
0xb: {  	[smem:$0x3F98] =	sst s3  }
0xc: {  	[smem:$0x3F99] =	sst s4  }
0xd: {  	[smem:$0x3F9A] =	sst s5  }
0xe: {  	[smem:$0x3F9B] =	sst s6  }
0xf: {  	[smem:$0x3F9C] =	sst s7  }
0x10: {  	[smem:$0x3F9D] =	sst s8  }
0x11: {  	[smem:$0x3F9E] =	sst s9;
	s0 =	simm.s32 @!p0 $0x0  }
0x12: {  	s1 =	sld [smem:$0x3F84];
	s0 =	simm.s32 @p0 $0x1  }
0x13: {  	[smem:$0x3F9F] =	sst s0;
	s0 =	simm.s32 @!p1 $0x0  }
0x14: {  	s2 =	sld [smem:$0x3F83];
	s0 =	simm.s32 @p1 $0x1  }
0x15: {  	[smem:$0x3FA0] =	sst s0;
	s0 =	simm.s32 @!p2 $0x0  }
0x16: {  	s3 =	sld [smem:$0x3FDB];
	s0 =	simm.s32 @p2 $0x1  }
0x17: {  	s4 =	simm.s32 $0x1BF5;
	[smem:$0x3FA2] =	sst s0  }
0x18: {  	s0 =	sld [smem:$0x3F85];
	_ =	swait.ge [sflag:s4], $0x0  }
0x19: {  	s7 =	sld [smem:$0x3F86]  }
0x1a: {  	s8 =	sadd.s32 $0xFFFFE003, lr  }
0x1b: {  	s9 =	sadd.s32 $0xFFFFFEF7, lr;
	s5 =	simm.s32 $0xFFFFFFFF;
	p2 =	slt.u32 s8, $0xFFFFF086  }
0x1c: {  	p1 =	slt.u32 s9, $0xF7A;
	s5 =	simm.s32 @!p2 $0x0  }
0x1d: {  	s5 =	simm.s32 @p1 $0x1;
	p0 =	seq.s32 s7, s2  }
0x1e: {  	s7 =	smul.u32 @!p0 $0xF7A, s2;
	p2 =	seq.s32 @!p0 s5, $0x0  }
0x1f: {  	s9 =	smul.u32 $0xF7A, s1;
	s8 =	simm.s32 @!p0 $0x1BF5;
	p2 =	por !p2, p0  }
0x20: {  	[sflag:s8] =	ssyncset.s32 @!p0 $0xFFFFF086;
	s6 =	sadd.s32 @!p0 s3, s7;
	s7 =	simm.s32 @!p0 $0x108  }
0x21: {  	s3 =	sadd.s32 s3, s9;
	s6 =	sadd.s32 @!p0 $0x88, s6;
	s7 =	simm.s32 @p2 $0x1082  }
0x22: {  	[simem:s7], [sflag:s8] =	dma.local @!p0 [hbm:s6], $0xF7A  }
0x23: {  	s9 =	sor.u32 $0xD0000000, s2;
	s6 =	simm.s32 $0x108;
	_ =	swait.ge @!p0 [sflag:s8], $0x0  }
0x24: {  	s3 =	sadd.s32 $0x88, s3;
	s6 =	simm.s32 @!p1 $0x1082;
	[sflag:s4] =	ssyncset.s32 $0xFFFFF086  }
0x25: {  	[simem:s6], [sflag:s4] =	dma.local [hbm:s3], $0xF7A  }
0x26: {  	[smem:$0x3F86] =	sst s1;
	(tag) =	ssettag s2;
	_ =	strace s9  }
0x27: {  	s1 =	sld [smem:$0x3F96]  }
0x28: {  	s2 =	sld [smem:$0x3F97]  }
0x29: {  	s4 =	sld [smem:$0x3F99]  }
0x2a: {  	p0 =	seq.s32 s5, $0x0;
	s5 =	sld [smem:$0x3F9A]  }
0x2b: {  	s6 =	sld [smem:$0x3F9B]  }
0x2c: {  	s7 =	sld [smem:$0x3F9C]  }
0x2d: {  	s3 =	simm.s32 $0x108;
	s8 =	sld [smem:$0x3F9D]  }
0x2e: {  	s3 =	simm.s32 @!p0 $0x1082;
	s9 =	sld [smem:$0x3F9E]  }
0x2f: {  	lr =	sadd.s32 s0, s3;
	s0 =	sld [smem:$0x3F95]  }
0x30: {  	s3 =	sld [smem:$0x3F98]  }
0x31: {  	[smem:$0x3FA1] =	sst s10  }
0x32: {  	s10 =	sld [smem:$0x3F9F];
	_ =	sdelay $0x3  }
0x33: {  	p0 =	seq.s32 s10, $0x1;
	s10 =	sld [smem:$0x3FA1];
	_ =	sdelay $0x3  }
0x34: {  	[smem:$0x3FA1] =	sst s10  }
0x35: {  	s10 =	sld [smem:$0x3FA0];
	_ =	sdelay $0x3  }
0x36: {  	p1 =	seq.s32 s10, $0x1;
	s10 =	sld [smem:$0x3FA1];
	_ =	sdelay $0x3  }
0x37: {  	[smem:$0x3FA1] =	sst s10  }
0x38: {  	s10 =	sld [smem:$0x3FA2]  }
0x39: {  	_ = 	snop;
	(pc) =	sbr.ind lr, $3  }
0x3a: {  	_ = 	snop  }
0x3b: {  	_ = 	snop  }
0x3c: {  	p2 =	seq.s32 s10, $0x1;
	s10 =	sld [smem:$0x3FA1]  }
0x3d: {  	_ =	shalt  }
0x3e: {  	_ =	shalt  }
0x3f: {  	_ =	shalt  }
0x40: {  	_ =	shalt  }
0x41: {  	_ =	shalt  }
0x42: {  	_ =	shalt  }
0x43: {  	_ =	shalt  }
0x44: {  	_ =	shalt  }
0x45: {  	_ =	shalt  }
0x46: {  	_ =	shalt  }
0x47: {  	_ =	shalt  }
0x48: {  	_ =	shalt  }
0x49: {  	_ =	shalt  }
0x4a: {  	_ =	shalt  }
0x4b: {  	_ =	shalt  }
0x4c: {  	_ =	shalt  }
0x4d: {  	_ =	shalt  }
0x4e: {  	_ =	shalt  }
0x4f: {  	_ =	shalt  }
0x50: {  	_ =	shalt  }
0x51: {  	_ =	shalt  }
0x52: {  	_ =	shalt  }
0x53: {  	_ =	shalt  }
0x54: {  	_ =	shalt  }
0x55: {  	_ =	shalt  }
0x56: {  	_ =	shalt  }
0x57: {  	_ =	shalt  }
0x58: {  	_ =	shalt  }
0x59: {  	_ =	shalt  }
0x5a: {  	_ =	shalt  }
0x5b: {  	_ =	shalt  }
0x5c: {  	_ =	shalt  }
0x5d: {  	_ =	shalt  }
0x5e: {  	_ =	shalt  }
0x5f: {  	_ =	shalt  }
0x60: {  	_ =	shalt  }
0x61: {  	_ =	shalt  }
0x62: {  	_ =	shalt  }
0x63: {  	_ =	shalt  }
0x64: {  	_ =	shalt  }
0x65: {  	_ =	shalt  }
0x66: {  	_ =	shalt  }
0x67: {  	_ =	shalt  }
0x68: {  	_ =	shalt  }
0x69: {  	_ =	shalt  }
0x6a: {  	_ =	shalt  }
0x6b: {  	_ =	shalt  }
0x6c: {  	_ =	shalt  }
0x6d: {  	_ =	shalt  }
0x6e: {  	_ =	shalt  }
0x6f: {  	_ =	shalt  }
0x70: {  	_ =	shalt  }
0x71: {  	_ =	shalt  }
0x72: {  	_ =	shalt  }
0x73: {  	_ =	shalt  }
0x74: {  	_ =	shalt  }
0x75: {  	_ =	shalt  }
0x76: {  	_ =	shalt  }
0x77: {  	_ =	shalt  }
0x78: {  	_ =	shalt  }
0x79: {  	_ =	shalt  }
0x7a: {  	_ =	shalt  }
0x7b: {  	_ =	shalt  }
0x7c: {  	_ =	shalt  }
0x7d: {  	_ =	shalt  }
0x7e: {  	_ =	shalt  }
0x7f: {  	_ =	shalt  }
0x80: {  	_ =	shalt  }
0x81: {  	_ =	shalt  }
0x82: {  	_ =	shalt  }
0x83: {  	_ =	shalt  }
0x84: {  	_ =	shalt  }
0x85: {  	_ =	shalt  }
0x86: {  	_ =	shalt  }
0x87: {  	_ =	shalt  }
.Lfunc_end0:
.L_simem_size_0:
called_computation_lowered:
.L_overlay_start_0:
0x88: {  	s2 =	sld [smem:$0x3FD9]  }
0x89: {  	s3 =	sld [smem:$0x3FFE];
	_ =	sdelay $0x1  }
0x8a: {  	s1 =	srdreg.scid  }
0x8b: {  	s0 =	sand.u32 $0x1, s1  }
0x8c: {  	s16 =	sshll.u32 s0, $0xA;
	s2 =	sadd.s32 s3, s2  }
0x8d: {  	s2 =	sadd.s32 s2, s16  }
0x8e: {  	[smem:$0x3FAD] =	sst s2  }
0x8f: {  	_ = 	snop  }
0x90: {  	(tm) =	ssettm $0x1  }
0x91: {  	s17 =	sld [smem:$0x3FFB];
	_ =	sdelay $0x3  }
0x92: {  	_ =	strace s17  }
0x93: {  	s2 =	sld [smem:$0x3FFC];
	_ =	sdelay $0x3  }
0x94: {  	_ =	strace s2  }
0x95: {  	s2 =	sld [smem:$0x3FFD];
	_ =	sdelay $0x3  }
0x96: {  	_ =	strace s2  }
0x97: {  	_ =	strace $0x8FFFFFFF  }
0x98: {  	s18 =	sld [smem:$0x3FDB];
	_ =	sdelay $0x1  }
0x99: {  	s19 =	simm.s32 $_scs_section_size  }
0x9a: {  	s4 =	simm.s32 $_size__tile_overlayer_lowered;
	s5 =	simm.s32 $_tile_overlayer_lowered  }
0x9b: {  	s22 =	simm.s32 $0x1BFF;
	s21 =	sshll.u32 s5, $0x1;
	s2 =	sadd.s32 s19, s18  }
0x9c: {  	s6 =	simm.s32 $0x0;
	s20 =	sshll.u32 s4, $0x1;
	s4 =	sadd.s32 s21, s2  }
0x9d: {  	[timem:s6], [sflag:s22] =	dma.local [hbm:s4], s20  }
0x9e: {  	_ =	swait.ge [sflag:s22], s20  }
0x9f: {  	s3 =	ssub.s32 $0x0, s20;
	[sflag:s22] =	ssyncset.done $0x0  }
0xa0: {  	[sflag:s22] =	ssyncadd.s32 s3;
	_ =	sdelay $0x1  }
0xa1: {  	s23 =	simm.s32 $0x1B8B  }
0xa2: {  	_ =	swait.ge [sflag:s23], $0x1  }
0xa3: {  	[sflag:s23] =	ssyncset.done $0x0  }
0xa4: {  	s25 =	simm.s32 $0x1B8E;
	s24 =	sld [smem:$0x3FFE];
	[sflag:s23] =	ssyncadd.s32 $0xFFFFFFFF  }
0xa5: {  	s26 =	simm.s32 $execute0_lowered;
	[smem:$0x3FD2] =	sst s25  }
0xa6: {  	s4 =	sshll.u32 s26, $0x1;
	_ =	strace $0x80000046;
	[dreg:$0x1] =	wrdreg $0xFFFFFFFF  }
0xa7: {  	s28 =	simm.s32 $_size_execute0_lowered;
	s2 =	sadd.s32 s2, s4;
	[dreg:$0x0] =	wrdreg $0x0  }
0xa8: {  	s4 =	sshll.u32 s28, $0x1;
	[dreg:$0x2] =	wrdreg s2  }
0xa9: {  	[dreg:$0x3] =	wrdreg s4  }
0xaa: {  	[dreg:$0x4] =	wrdreg $0xC0  }
0xab: {  	_ =	task [dreg:s6], $0x5FFFF  }
0xac: {  	[dreg:$0x1] =	wrdreg $0xFFFFFFFF  }
0xad: {  	[dreg:$0x0] =	wrdreg $0x60  }
0xae: {  	[dreg:$0x2] =	wrdreg s24  }
0xaf: {  	[dreg:$0x3] =	wrdreg $0x38000  }
0xb0: {  	[dreg:$0x4] =	wrdreg $0x9  }
0xb1: {  	_ =	task.clear_ibuf [dreg:s6], $0x5FFFF;
	_ =	strace $0x90000046  }
0xb2: {  	s29 =	simm.s32 $0x9;
	_ =	strace $0x80000048  }
0xb3: {  	_ =	swait.ge [sflag:s29], $0x1  }
0xb4: {  	[sflag:s29] =	ssyncadd.s32 $0xFFFFFFFF  }
0xb5: {  	_ =	strace $0x90000048  }
0xb6: {  	_ =	sfence  }
0xb7: {  	s30 =	sld [smem:$0x0];
	_ =	sdelay $0x2  }
0xb8: {  	s31 =	sshll.u32 s1, $0xD;
	s1 =	sshrl.u32 s1, $0x2  }
0xb9: {  	s3 =	sand.u32 $0x4000, s31;
	s1 =	sadd.s32 s1, s30  }
0xba: {  	s0 =	sor.u32 s3, s0;
	s1 =	sshll.u32 s1, $0x11  }
0xbb: {  	s0 =	sor.u32 s1, s0  }
0xbc: {  	s0 =	sadd.s32 $0x8F2B, s0  }
0xbd: {  	[sflag:s0] =	ssyncadd.remote.s32 $0x1  }
0xbe: {  	_ =	sfence.sel $0xFFFF  }
0xbf: {  	[dreg:$0x0] =	wrdreg $0xFFFFFFFF;
	(pc) =	sbr.abs _section_cstart, $3  }
0xc0: {  	[dreg:$0x1] =	wrdreg $0xFFFFFFFF  }
0xc1: {  	_ =	task.clear_ibuf [dreg:s6], $0x2FFFF;
	_ =	strace $0x9FFFFFFF  }
0xc2: {  	(tm) =	ssettm $0x7FFFFFFF  }
0xc3: {  	_ =	shalt  }
tec
execute0_lowered:
.L_overlay_start_1:
0x0: {  	(tag) =	ssettag $0x1  }
0x1: {  	s4 =	rddreg [dreg:$0x0]  }
0x2: {  	s2 =	rddreg [dreg:$0x1];
	s3 =	srdreg.scid  }
0x3: {  	s0 =	rddreg [dreg:$0x2];
	s1 =	stileid.u32  }
0x4: {  	s13 =	simm.s32 $0x2;
	s14 =	simm.s32 $0x1;
	s15 =	simm.s32 $0x80  }
0x5: {  	s16 =	simm.s32 $0x2800;
	s19 =	simm.s32 $0x0;
	s7 =	smul.u32 $0x2800, s1  }
0x6: {  	s5 =	sand.u32 $0x1, s3;
	s3 =	simm.s32 $0x0;
	s9 =	smul.u32 $0xA000, s1  }
0x7: {  	s17 =	sshll.u32 s1, $0x6;
	s6 =	sshll.u32 s5, $0x4;
	[smem:$0x7FF] =	sst s3  }
0x8: {  	s8 =	smul.u32 $0x28000, s5;
	s5 =	ssub.s32 $0x2, s5;
	s17 =	sor.u32 $0x1C02, s17  }
0x9: {  	s6 =	sor.u32 s1, s6;
	_ =	strace $0x80000047;
	s10 =	sshrl.u32 s5, $0x1  }
0xa: {  	s31 =	sshrl.u32 s9, $0x2;
	s6 =	smul.u32 $0x500, s6;
	s8 =	sadd.s32 s7, s8  }
0xb: {  	s12 =	ssub.s32 s5, s10;
	s5 =	sadd.s32 s7, s2;
	s9 =	sadd.s32 s31, s2  }
0xc: {  	s8 =	sshrl.u32 s8, $0x3;
	s7 =	sadd.s32 $0x1000, s9;
	s18 =	sshrl.u32 s5, $0x3  }
0xd: {  	s6 =	sadd.s32 s6, s4;
	s11 =	sadd.s32 s8, s4;
	s8 =	sadd.s32 $0x1800, s9  }
0xe: {  	s4 =	sadd.s32 $0x3E00, s6;
	s6 =	sadd.s32 $0x800, s9;
	s9 =	sadd.s32 $0x2000, s9  }
0xf: {  	v0 =	vimm.f32 $0.0e+00;
	v1 =	vimm.f32 $1.000000000e+00;
	s10 =	sadd.s32 $0xDE00, s11;
	s11 =	smax.u32 s12, $0x1;
	s12 =	simm.s32 $0x3000  }
.LBB2_1:
0x10: {  	[tilespmem:s3], [sflag:$0x1] =	stream.linear.gather [hbm4b:s4+s3], $0x2800, $0x38;
	[tilespmem:$0x6000] =	vst v63  }
0x11: {  	s20 =	simm.s32 $0x0  }
.LBB2_2:
0x12: {  	p0 =	sne.s32 s20, $0x1FC0  }
.Ltmp0:
0x13: {  	_ = 	snop;
	(pc) =	sbr.rel @p0 .LBB2_2-.Ltmp0, $3  }
0x14: {  	_ =	sdelay $0x1  }
0x15: {  	s21 =	sshra.s32 s20, $0x2  }
0x16: {  	s20 =	sadd.s32 $0x40, s20;
	[tilespmem:s21+$0x3000] =	vst v0  }
0x17: {  	s20 =	simm.s32 $0x40;
	s21 =	simm.s32 $0x0  }
.LBB2_4:
0x18: {  	p0 =	sne.s32 s20, $0x1FC0;
	[tilespmem:s21+$0x2800] =	vst v1;
	s21 =	smov.u32 s20;
	s20 =	sadd.s32 $0x40, s20  }
.Ltmp1:
0x19: {  	(pc) =	sbr.rel @p0 .LBB2_4-.Ltmp1, $2  }
0x1a: {  	_ =	sdelay $0x2  }
0x1b: {  	s21 =	sshra.s32 s21, $0x2  }
0x1c: {  	[tilespmem:s21+$0x2800] =	vst v1  }
0x1d: {  	[spmem:s5] =	stream.linear.scatter [tilespmem:s12], [sflag:$0x2], $0x800, $0x38;
	[tilespmem:$0x6000] =	vst v63  }
0x1e: {  	_ =	swait.ge [sflag:s13], $0x800  }
0x1f: {  	[sflag:s13] =	ssyncset.done $0x0  }
0x20: {  	[sflag:s13] =	ssyncadd.s32 $0xFFFFF800  }
0x21: {  	[spmem:s6] =	stream.linear.scatter [tilespmem:s12], [sflag:$0x2], $0x800, $0x38;
	[tilespmem:$0x6000] =	vst v63  }
0x22: {  	_ =	swait.ge [sflag:s13], $0x800  }
0x23: {  	[sflag:s13] =	ssyncset.done $0x0  }
0x24: {  	[sflag:s13] =	ssyncadd.s32 $0xFFFFF800  }
0x25: {  	[spmem:s7] =	stream.linear.scatter [tilespmem:s12], [sflag:$0x2], $0x800, $0x38;
	[tilespmem:$0x6000] =	vst v63  }
0x26: {  	_ =	swait.ge [sflag:s13], $0x800  }
0x27: {  	[sflag:s13] =	ssyncset.done $0x0  }
0x28: {  	[sflag:s13] =	ssyncadd.s32 $0xFFFFF800  }
0x29: {  	[spmem:s8] =	stream.linear.scatter [tilespmem:s12], [sflag:$0x2], $0x800, $0x38;
	[tilespmem:$0x6000] =	vst v63  }
0x2a: {  	_ =	swait.ge [sflag:s13], $0x800  }
0x2b: {  	[sflag:s13] =	ssyncset.done $0x0  }
0x2c: {  	[sflag:s13] =	ssyncadd.s32 $0xFFFFF800  }
0x2d: {  	[spmem:s9] =	stream.linear.scatter [tilespmem:s12], [sflag:$0x2], $0x800, $0x38;
	[tilespmem:$0x6000] =	vst v63  }
0x2e: {  	_ =	swait.ge [sflag:s13], $0x800  }
0x2f: {  	[sflag:s13] =	ssyncset.done $0x0  }
0x30: {  	[sflag:s13] =	ssyncadd.s32 $0xFFFFF800  }
0x31: {  	_ =	swait.ge [sflag:s14], $0x2800  }
0x32: {  	[sflag:s14] =	ssyncset.done $0x0  }
0x33: {  	[sflag:s14] =	ssyncadd.s32 $0xFFFFD800  }
0x34: {  	s20 =	simm.s32 $0x0;
	[bflag:$0x0] =	sbarrier.arrive $0xFFFF  }
0x35: {  	[spmem:s2] =	stream.indirect.scatter.add.f32 [tilespmem:s16], [sflag:$0x2], $0x10, s20, s15, $0xb8;
	[tilespmem:$0x6000] =	vst v63  }
0x36: {  	_ =	swait.ge [sflag:s13], $0x800  }
0x37: {  	s20 =	simm.s32 $0x200;
	[sflag:s13] =	ssyncset.done $0x0  }
.LBB2_6:
0x38: {  	s21 =	sshra.s32 s20, $0x2;
	[sflag:s13] =	ssyncadd.s32 $0xFFFFF800;
	p0 =	sne.s32 s20, $0x9E00  }
0x39: {  	[spmem:s2] =	stream.indirect.scatter.add.f32 [tilespmem:s16], [sflag:$0x2], $0x10, s21, s15, $0xb8;
	[tilespmem:$0x6000] =	vst v63  }
.Ltmp2:
0x3a: {  	_ = 	snop;
	(pc) =	sbr.rel @p0 .LBB2_6-.Ltmp2, $4  }
0x3b: {  	_ = 	snop  }
0x3c: {  	s20 =	sadd.s32 $0x200, s20  }
0x3d: {  	_ =	swait.ge [sflag:s13], $0x800  }
0x3e: {  	[sflag:s13] =	ssyncset.done $0x0  }
0x3f: {  	s19 =	sadd.s32 $0x1, s19  }
0x40: {  	[sflag:s13] =	ssyncadd.s32 $0xFFFFF800;
	p0 =	sne.s32 s19, s11  }
.Ltmp3:
0x41: {  	[bflag:$0x0] =	sbarrier.arrive $0xFFFF;
	(pc) =	sbr.rel @p0 .LBB2_1-.Ltmp3, $4  }
0x42: {  	[hbm:s10], [sflag:s17] =	dma.local [spmem:s18], $0x500  }
0x43: {  	_ =	swait.ge [sflag:s13], $0x500  }
0x44: {  	[sflag:s13] =	ssyncset.done $0x0  }
0x45: {  	[sflag:s13] =	ssyncadd.s32 $0xFFFFFB00  }
0x46: {  	_ =	sfence.sel $0x180000  }
0x47: {  	[bflag:$0x0] =	sbarrier.arrive $0xFFFF  }
0x48: {  	p0 =	sne.s32 s1, $0x0;
	_ =	strace $0x90000047  }
0x49: {  	s0 =	sadd.s32 @!p0 $0x100000, s0;
	[bflag:$0x2] =	sbarrier.arrive $0xFFFF  }
0x4a: {  	[sflag:s0] =	ssyncadd.tile.s32 @!p0 $0x1;
	_ =	shalt  }
.Lfunc_end2:
_tile_overlayer_lowered:
.L_overlay_start_2:
0x4b: {  	(tag) =	ssettag $0x2  }
0x4c: {  	s0 =	rddreg [dreg:$0x0];
	s2 =	stileid.u32  }
0x4d: {  	s1 =	rddreg [dreg:$0x1];
	p0 =	sne.s32 s2, $0x0  }
0x4e: {  	s3 =	rddreg [dreg:$0x2];
	[bflag:$0x3] =	sbarrier.arrive $0xFFFF;
	s2 =	simm.s32 @!p0 $0x1C02  }
0x4f: {  	[timem:s3], [sflag:s2] =	dma.local @!p0 [hbm:s0], s1  }
0x50: {  	s0 =	simm.s32 @!p0 $0x2  }
0x51: {  	_ =	swait.ge @!p0 [sflag:s0], s1  }
0x52: {  	s1 =	ssub.s32 @!p0 $0x0, s1;
	[sflag:s0] =	ssyncset.done @!p0 $0x0  }
0x53: {  	[sflag:s0] =	ssyncadd.s32 @!p0 s1  }
0x54: {  	[bflag:$0x3] =	sbarrier.arrive $0xFFFF  }
0x55: {  	_ =	shalt  }

// kernel: sc_edge_scatter_64.4.cloned.1.call-start
scs
__scs_entry_jumppad:
0x0: {  	(pc) =	sbr.rel $0x88, $3  }
0x1: {  	(tag) =	ssettag $0x0;
	lr =	simm.s32 $0x1  }
0x2: {  	[smem:$0x3F86] =	sst lr;
	_ =	strace $0xD0000000  }
0x3: {  	_ = 	snop  }
0x4: {  	_ = 	snop  }
0x5: {  	_ = 	snop  }
0x6: {  	_ = 	snop  }
0x7: {  	_ = 	snop  }
__scs_overlays_trampoline_lowered:
0x8: {  	[smem:$0x3F95] =	sst s0  }
0x9: {  	[smem:$0x3F96] =	sst s1  }
0xa: {  	[smem:$0x3F97] =	sst s2  }
0xb: {  	[smem:$0x3F98] =	sst s3  }
0xc: {  	[smem:$0x3F99] =	sst s4  }
0xd: {  	[smem:$0x3F9A] =	sst s5  }
0xe: {  	[smem:$0x3F9B] =	sst s6  }
0xf: {  	[smem:$0x3F9C] =	sst s7  }
0x10: {  	[smem:$0x3F9D] =	sst s8  }
0x11: {  	[smem:$0x3F9E] =	sst s9;
	s0 =	simm.s32 @!p0 $0x0  }
0x12: {  	s1 =	sld [smem:$0x3F84];
	s0 =	simm.s32 @p0 $0x1  }
0x13: {  	[smem:$0x3F9F] =	sst s0;
	s0 =	simm.s32 @!p1 $0x0  }
0x14: {  	s2 =	sld [smem:$0x3F83];
	s0 =	simm.s32 @p1 $0x1  }
0x15: {  	[smem:$0x3FA0] =	sst s0;
	s0 =	simm.s32 @!p2 $0x0  }
0x16: {  	s3 =	sld [smem:$0x3FDB];
	s0 =	simm.s32 @p2 $0x1  }
0x17: {  	s4 =	simm.s32 $0x1BF5;
	[smem:$0x3FA2] =	sst s0  }
0x18: {  	s0 =	sld [smem:$0x3F85];
	_ =	swait.ge [sflag:s4], $0x0  }
0x19: {  	s7 =	sld [smem:$0x3F86]  }
0x1a: {  	s8 =	sadd.s32 $0xFFFFE003, lr  }
0x1b: {  	s9 =	sadd.s32 $0xFFFFFEF7, lr;
	s5 =	simm.s32 $0xFFFFFFFF;
	p2 =	slt.u32 s8, $0xFFFFF086  }
0x1c: {  	p1 =	slt.u32 s9, $0xF7A;
	s5 =	simm.s32 @!p2 $0x0  }
0x1d: {  	s5 =	simm.s32 @p1 $0x1;
	p0 =	seq.s32 s7, s2  }
0x1e: {  	s7 =	smul.u32 @!p0 $0xF7A, s2;
	p2 =	seq.s32 @!p0 s5, $0x0  }
0x1f: {  	s9 =	smul.u32 $0xF7A, s1;
	s8 =	simm.s32 @!p0 $0x1BF5;
	p2 =	por !p2, p0  }
0x20: {  	[sflag:s8] =	ssyncset.s32 @!p0 $0xFFFFF086;
	s6 =	sadd.s32 @!p0 s3, s7;
	s7 =	simm.s32 @!p0 $0x108  }
0x21: {  	s3 =	sadd.s32 s3, s9;
	s6 =	sadd.s32 @!p0 $0x88, s6;
	s7 =	simm.s32 @p2 $0x1082  }
0x22: {  	[simem:s7], [sflag:s8] =	dma.local @!p0 [hbm:s6], $0xF7A  }
0x23: {  	s9 =	sor.u32 $0xD0000000, s2;
	s6 =	simm.s32 $0x108;
	_ =	swait.ge @!p0 [sflag:s8], $0x0  }
0x24: {  	s3 =	sadd.s32 $0x88, s3;
	s6 =	simm.s32 @!p1 $0x1082;
	[sflag:s4] =	ssyncset.s32 $0xFFFFF086  }
0x25: {  	[simem:s6], [sflag:s4] =	dma.local [hbm:s3], $0xF7A  }
0x26: {  	[smem:$0x3F86] =	sst s1;
	(tag) =	ssettag s2;
	_ =	strace s9  }
0x27: {  	s1 =	sld [smem:$0x3F96]  }
0x28: {  	s2 =	sld [smem:$0x3F97]  }
0x29: {  	s4 =	sld [smem:$0x3F99]  }
0x2a: {  	p0 =	seq.s32 s5, $0x0;
	s5 =	sld [smem:$0x3F9A]  }
0x2b: {  	s6 =	sld [smem:$0x3F9B]  }
0x2c: {  	s7 =	sld [smem:$0x3F9C]  }
0x2d: {  	s3 =	simm.s32 $0x108;
	s8 =	sld [smem:$0x3F9D]  }
0x2e: {  	s3 =	simm.s32 @!p0 $0x1082;
	s9 =	sld [smem:$0x3F9E]  }
0x2f: {  	lr =	sadd.s32 s0, s3;
	s0 =	sld [smem:$0x3F95]  }
0x30: {  	s3 =	sld [smem:$0x3F98]  }
0x31: {  	[smem:$0x3FA1] =	sst s10  }
0x32: {  	s10 =	sld [smem:$0x3F9F];
	_ =	sdelay $0x3  }
0x33: {  	p0 =	seq.s32 s10, $0x1;
	s10 =	sld [smem:$0x3FA1];
	_ =	sdelay $0x3  }
0x34: {  	[smem:$0x3FA1] =	sst s10  }
0x35: {  	s10 =	sld [smem:$0x3FA0];
	_ =	sdelay $0x3  }
0x36: {  	p1 =	seq.s32 s10, $0x1;
	s10 =	sld [smem:$0x3FA1];
	_ =	sdelay $0x3  }
0x37: {  	[smem:$0x3FA1] =	sst s10  }
0x38: {  	s10 =	sld [smem:$0x3FA2]  }
0x39: {  	_ = 	snop;
	(pc) =	sbr.ind lr, $3  }
0x3a: {  	_ = 	snop  }
0x3b: {  	_ = 	snop  }
0x3c: {  	p2 =	seq.s32 s10, $0x1;
	s10 =	sld [smem:$0x3FA1]  }
0x3d: {  	_ =	shalt  }
0x3e: {  	_ =	shalt  }
0x3f: {  	_ =	shalt  }
0x40: {  	_ =	shalt  }
0x41: {  	_ =	shalt  }
0x42: {  	_ =	shalt  }
0x43: {  	_ =	shalt  }
0x44: {  	_ =	shalt  }
0x45: {  	_ =	shalt  }
0x46: {  	_ =	shalt  }
0x47: {  	_ =	shalt  }
0x48: {  	_ =	shalt  }
0x49: {  	_ =	shalt  }
0x4a: {  	_ =	shalt  }
0x4b: {  	_ =	shalt  }
0x4c: {  	_ =	shalt  }
0x4d: {  	_ =	shalt  }
0x4e: {  	_ =	shalt  }
0x4f: {  	_ =	shalt  }
0x50: {  	_ =	shalt  }
0x51: {  	_ =	shalt  }
0x52: {  	_ =	shalt  }
0x53: {  	_ =	shalt  }
0x54: {  	_ =	shalt  }
0x55: {  	_ =	shalt  }
0x56: {  	_ =	shalt  }
0x57: {  	_ =	shalt  }
0x58: {  	_ =	shalt  }
0x59: {  	_ =	shalt  }
0x5a: {  	_ =	shalt  }
0x5b: {  	_ =	shalt  }
0x5c: {  	_ =	shalt  }
0x5d: {  	_ =	shalt  }
0x5e: {  	_ =	shalt  }
0x5f: {  	_ =	shalt  }
0x60: {  	_ =	shalt  }
0x61: {  	_ =	shalt  }
0x62: {  	_ =	shalt  }
0x63: {  	_ =	shalt  }
0x64: {  	_ =	shalt  }
0x65: {  	_ =	shalt  }
0x66: {  	_ =	shalt  }
0x67: {  	_ =	shalt  }
0x68: {  	_ =	shalt  }
0x69: {  	_ =	shalt  }
0x6a: {  	_ =	shalt  }
0x6b: {  	_ =	shalt  }
0x6c: {  	_ =	shalt  }
0x6d: {  	_ =	shalt  }
0x6e: {  	_ =	shalt  }
0x6f: {  	_ =	shalt  }
0x70: {  	_ =	shalt  }
0x71: {  	_ =	shalt  }
0x72: {  	_ =	shalt  }
0x73: {  	_ =	shalt  }
0x74: {  	_ =	shalt  }
0x75: {  	_ =	shalt  }
0x76: {  	_ =	shalt  }
0x77: {  	_ =	shalt  }
0x78: {  	_ =	shalt  }
0x79: {  	_ =	shalt  }
0x7a: {  	_ =	shalt  }
0x7b: {  	_ =	shalt  }
0x7c: {  	_ =	shalt  }
0x7d: {  	_ =	shalt  }
0x7e: {  	_ =	shalt  }
0x7f: {  	_ =	shalt  }
0x80: {  	_ =	shalt  }
0x81: {  	_ =	shalt  }
0x82: {  	_ =	shalt  }
0x83: {  	_ =	shalt  }
0x84: {  	_ =	shalt  }
0x85: {  	_ =	shalt  }
0x86: {  	_ =	shalt  }
0x87: {  	_ =	shalt  }
.Lfunc_end0:
.L_simem_size_0:
called_computation.1_lowered:
.L_overlay_start_0:
0x88: {  	s2 =	sld [smem:$0x3FD9]  }
0x89: {  	s3 =	sld [smem:$0x3FFE];
	_ =	sdelay $0x1  }
0x8a: {  	s1 =	srdreg.scid  }
0x8b: {  	s0 =	sand.u32 $0x1, s1  }
0x8c: {  	s16 =	sshll.u32 s0, $0xA;
	s2 =	sadd.s32 s3, s2  }
0x8d: {  	s2 =	sadd.s32 s2, s16  }
0x8e: {  	[smem:$0x3FAD] =	sst s2  }
0x8f: {  	_ = 	snop  }
0x90: {  	(tm) =	ssettm $0x1  }
0x91: {  	s17 =	sld [smem:$0x3FFB];
	_ =	sdelay $0x3  }
0x92: {  	_ =	strace s17  }
0x93: {  	s2 =	sld [smem:$0x3FFC];
	_ =	sdelay $0x3  }
0x94: {  	_ =	strace s2  }
0x95: {  	s2 =	sld [smem:$0x3FFD];
	_ =	sdelay $0x3  }
0x96: {  	_ =	strace s2  }
0x97: {  	_ =	strace $0x8FFFFFFF  }
0x98: {  	s18 =	sld [smem:$0x3FDB];
	_ =	sdelay $0x1  }
0x99: {  	s19 =	simm.s32 $_scs_section_size  }
0x9a: {  	s4 =	simm.s32 $_size__tile_overlayer_lowered;
	s5 =	simm.s32 $_tile_overlayer_lowered  }
0x9b: {  	s22 =	simm.s32 $0x1BFF;
	s21 =	sshll.u32 s5, $0x1;
	s2 =	sadd.s32 s19, s18  }
0x9c: {  	s6 =	simm.s32 $0x0;
	s20 =	sshll.u32 s4, $0x1;
	s4 =	sadd.s32 s21, s2  }
0x9d: {  	[timem:s6], [sflag:s22] =	dma.local [hbm:s4], s20  }
0x9e: {  	_ =	swait.ge [sflag:s22], s20  }
0x9f: {  	s3 =	ssub.s32 $0x0, s20;
	[sflag:s22] =	ssyncset.done $0x0  }
0xa0: {  	[sflag:s22] =	ssyncadd.s32 s3;
	_ =	sdelay $0x1  }
0xa1: {  	s23 =	simm.s32 $0x1B8B  }
0xa2: {  	_ =	swait.ge [sflag:s23], $0x1  }
0xa3: {  	[sflag:s23] =	ssyncset.done $0x0  }
0xa4: {  	s25 =	simm.s32 $0x1B8E;
	s24 =	sld [smem:$0x3FFE];
	[sflag:s23] =	ssyncadd.s32 $0xFFFFFFFF  }
0xa5: {  	s26 =	simm.s32 $execute0_lowered;
	[smem:$0x3FD2] =	sst s25  }
0xa6: {  	s4 =	sshll.u32 s26, $0x1;
	_ =	strace $0x80000049;
	[dreg:$0x1] =	wrdreg $0xFFFFFFFF  }
0xa7: {  	s28 =	simm.s32 $_size_execute0_lowered;
	s2 =	sadd.s32 s2, s4;
	[dreg:$0x0] =	wrdreg $0x0  }
0xa8: {  	s4 =	sshll.u32 s28, $0x1;
	[dreg:$0x2] =	wrdreg s2  }
0xa9: {  	[dreg:$0x3] =	wrdreg s4  }
0xaa: {  	[dreg:$0x4] =	wrdreg $0xC0  }
0xab: {  	_ =	task [dreg:s6], $0x5FFFF  }
0xac: {  	[dreg:$0x1] =	wrdreg $0xFFFFFFFF  }
0xad: {  	[dreg:$0x0] =	wrdreg $0x60  }
0xae: {  	[dreg:$0x2] =	wrdreg s24  }
0xaf: {  	[dreg:$0x3] =	wrdreg $0x90000  }
0xb0: {  	[dreg:$0x4] =	wrdreg $0x130000  }
0xb1: {  	[dreg:$0x5] =	wrdreg $0x9  }
0xb2: {  	_ =	task.clear_ibuf [dreg:s6], $0x6FFFF;
	_ =	strace $0x90000049  }
0xb3: {  	s29 =	simm.s32 $0x9;
	_ =	strace $0x8000004B  }
0xb4: {  	_ =	swait.ge [sflag:s29], $0x1  }
0xb5: {  	[sflag:s29] =	ssyncadd.s32 $0xFFFFFFFF  }
0xb6: {  	_ =	strace $0x9000004B  }
0xb7: {  	_ =	sfence  }
0xb8: {  	s30 =	sld [smem:$0x0];
	_ =	sdelay $0x2  }
0xb9: {  	s31 =	sshll.u32 s1, $0xD;
	s1 =	sshrl.u32 s1, $0x2  }
0xba: {  	s3 =	sand.u32 $0x4000, s31;
	s1 =	sadd.s32 s1, s30  }
0xbb: {  	s0 =	sor.u32 s3, s0;
	s1 =	sshll.u32 s1, $0x11  }
0xbc: {  	s0 =	sor.u32 s1, s0  }
0xbd: {  	s0 =	sadd.s32 $0x8F2B, s0  }
0xbe: {  	[sflag:s0] =	ssyncadd.remote.s32 $0x1  }
0xbf: {  	_ =	sfence.sel $0xFFFF  }
0xc0: {  	[dreg:$0x0] =	wrdreg $0xFFFFFFFF;
	(pc) =	sbr.abs _section_cstart, $3  }
0xc1: {  	[dreg:$0x1] =	wrdreg $0xFFFFFFFF  }
0xc2: {  	_ =	task.clear_ibuf [dreg:s6], $0x2FFFF;
	_ =	strace $0x9FFFFFFF  }
0xc3: {  	(tm) =	ssettm $0x7FFFFFFF  }
tec
execute0_lowered:
.L_overlay_start_1:
0x0: {  	(tag) =	ssettag $0x1  }
0x1: {  	s1 =	rddreg [dreg:$0x0]  }
0x2: {  	s0 =	srdreg.scid;
	s2 =	rddreg [dreg:$0x1]  }
0x3: {  	s11 =	stileid.u32;
	s3 =	rddreg [dreg:$0x2];
	s28 =	simm.s32 $0x2  }
0x4: {  	s29 =	simm.s32 $0x3;
	s30 =	simm.s32 $0x40;
	s5 =	smul.u32 $0xA000, s11  }
0x5: {  	s31 =	simm.s32 $0x6000;
	s0 =	sand.u32 $0x1, s0;
	s10 =	smul.u32 $0x28000, s11  }
0x6: {  	s4 =	sshll.u32 s0, $0x4;
	s8 =	smul.u32 $0xA0000, s0;
	s0 =	ssub.s32 $0x2, s0  }
0x7: {  	s6 =	sor.u32 s11, s4;
	s4 =	simm.s32 $0x0;
	s7 =	sshrl.u32 s5, $0x3  }
0x8: {  	s9 =	sshrl.u32 s0, $0x1;
	s15 =	sadd.s32 s5, s2;
	s19 =	sshrl.u32 s10, $0x2  }
0x9: {  	s10 =	sadd.s32 s5, s3;
	s6 =	smul.u32 $0x500, s6;
	[smem:$0x7FF] =	sst s4  }
0xa: {  	s7 =	sadd.s32 s7, s1;
	s8 =	sadd.s32 s5, s8;
	s0 =	ssub.s32 s0, s9  }
0xb: {  	s20 =	sadd.s32 s19, s3;
	s5 =	simm.s32 $0x6;
	s9 =	simm.s32 $0x8  }
0xc: {  	_ =	strace $0x8000004A;
	s8 =	sshrl.u32 s8, $0x3;
	s7 =	sadd.s32 $0x21E00, s7  }
0xd: {  	s22 =	sadd.s32 $0x1000, s20;
	s23 =	sadd.s32 $0x2000, s20;
	[dreg:$0x6] =	wrdreg s7  }
0xe: {  	s24 =	sadd.s32 $0x3000, s20;
	s25 =	sadd.s32 $0x4000, s20;
	[dreg:$0x8] =	wrdreg s22  }
0xf: {  	s26 =	sadd.s32 $0x5000, s20;
	s16 =	sadd.s32 $0x6000, s20;
	[dreg:$0x9] =	wrdreg s23  }
0x10: {  	s17 =	sadd.s32 $0x7000, s20;
	s18 =	sadd.s32 $0x8000, s20;
	[dreg:$0xa] =	wrdreg s24  }
0x11: {  	s19 =	sadd.s32 $0x9000, s20;
	s6 =	sadd.s32 s6, s1;
	[dreg:$0xb] =	wrdreg s25  }
0x12: {  	s1 =	sadd.s32 s8, s1;
	s8 =	sshll.u32 s11, $0x6;
	[dreg:$0xc] =	wrdreg s26  }
0x13: {  	s23 =	sshrl.u32 s15, $0x3;
	s24 =	simm.s32 $0x5000;
	s25 =	simm.s32 $0x9  }
0x14: {  	s26 =	simm.s32 $0x1;
	s22 =	simm.s32 $0x5;
	s14 =	sadd.s32 $0x17E00, s6  }
0x15: {  	s7 =	simm.s32 $0x7;
	s6 =	sadd.s32 $0x3E00, s6;
	[dreg:$0x4] =	wrdreg s14  }
0x16: {  	s11 =	simm.s32 $0x0;
	s21 =	sor.u32 $0x1C03, s8;
	[dreg:$0x5] =	wrdreg s6  }
0x17: {  	s20 =	sadd.s32 $0x35E00, s1;
	s1 =	simm.s32 $0x8000;
	[dreg:$0x7] =	wrdreg s21  }
0x18: {  	v0 =	vimm.f32 $0.0e+00;
	s21 =	smax.u32 s0, $0x1;
	s0 =	simm.s32 $0x7000;
	s6 =	simm.s32 $0x4  }
.LBB2_1:
0x19: {  	s12 =	rddreg [dreg:$0x4]  }
0x1a: {  	s15 =	rddreg [dreg:$0x5]  }
0x1b: {  	[tilespmem:s4], [sflag:$0x1] =	stream.linear.gather [hbm4b:s12+s4], $0x2800, $0x38;
	[tilespmem:$0x1D000] =	vst v63  }
0x1c: {  	s13 =	simm.s32 $0x2800;
	s14 =	rddreg [dreg:$0x6]  }
0x1d: {  	[tilespmem:s13], [sflag:$0x2] =	stream.linear.gather [hbm4b:s15+s4], $0x2800, $0x38;
	[tilespmem:$0x1D000] =	vst v63  }
0x1e: {  	s15 =	rddreg [dreg:$0x7]  }
0x1f: {  	[spmem:s23], [sflag:s15] =	dma.local [hbm:s14], $0x1400  }
0x20: {  	s14 =	sand.u32 $0x3F00, s4  }
0x21: {  	s15 =	sand.u32 $0x30, s4;
	s14 =	sshrl.u32 s14, $0x2  }
0x22: {  	s12 =	simm.s32 $0x40;
	s13 =	simm.s32 $0x0;
	s14 =	sor.u32 s15, s14  }
.LBB2_2:
0x23: {  	p0 =	sne.s32 s12, $0x3FC0  }
0x24: {  	[tilespmem:s14+$0x5000] =	vst v0;
	s13 =	sadd.s32 $0x10, s13;
	s14 =	smov.u32 s12;
	s12 =	sadd.s32 $0x40, s12  }
.Ltmp0:
0x25: {  	(pc) =	sbr.rel @p0 .LBB2_2-.Ltmp0, $4  }
0x26: {  	_ = 	snop  }
0x27: {  	s14 =	sand.u32 $0x3F00, s14  }
0x28: {  	s15 =	sand.u32 $0x30, s13;
	s14 =	sshrl.u32 s14, $0x2  }
0x29: {  	s14 =	sor.u32 s15, s14  }
0x2a: {  	[tilespmem:s14+$0x5000] =	vst v0  }
0x2b: {  	[spmem:s10] =	stream.linear.scatter [tilespmem:s24], [sflag:$0x9], $0x1000, $0x38;
	[tilespmem:$0x1D000] =	vst v63  }
0x2c: {  	_ =	swait.ge [sflag:s25], $0x1000  }
0x2d: {  	[sflag:s25] =	ssyncset.done $0x0  }
0x2e: {  	s12 =	rddreg [dreg:$0x8];
	[sflag:s25] =	ssyncadd.s32 $0xFFFFF000  }
0x2f: {  	[spmem:s12] =	stream.linear.scatter [tilespmem:s24], [sflag:$0x9], $0x1000, $0x38;
	[tilespmem:$0x1D000] =	vst v63  }
0x30: {  	_ =	swait.ge [sflag:s25], $0x1000  }
0x31: {  	[sflag:s25] =	ssyncset.done $0x0  }
0x32: {  	s14 =	rddreg [dreg:$0x9];
	[sflag:s25] =	ssyncadd.s32 $0xFFFFF000  }
0x33: {  	[spmem:s14] =	stream.linear.scatter [tilespmem:s24], [sflag:$0x9], $0x1000, $0x38;
	[tilespmem:$0x1D000] =	vst v63  }
0x34: {  	_ =	swait.ge [sflag:s25], $0x1000  }
0x35: {  	[sflag:s25] =	ssyncset.done $0x0  }
0x36: {  	s15 =	rddreg [dreg:$0xa];
	[sflag:s25] =	ssyncadd.s32 $0xFFFFF000  }
0x37: {  	[spmem:s15] =	stream.linear.scatter [tilespmem:s24], [sflag:$0x9], $0x1000, $0x38;
	[tilespmem:$0x1D000] =	vst v63  }
0x38: {  	_ =	swait.ge [sflag:s25], $0x1000  }
0x39: {  	[sflag:s25] =	ssyncset.done $0x0  }
0x3a: {  	s13 =	rddreg [dreg:$0xb];
	[sflag:s25] =	ssyncadd.s32 $0xFFFFF000  }
0x3b: {  	[spmem:s13] =	stream.linear.scatter [tilespmem:s24], [sflag:$0x9], $0x1000, $0x38;
	[tilespmem:$0x1D000] =	vst v63  }
0x3c: {  	_ =	swait.ge [sflag:s25], $0x1000  }
0x3d: {  	[sflag:s25] =	ssyncset.done $0x0  }
0x3e: {  	s14 =	rddreg [dreg:$0xc];
	[sflag:s25] =	ssyncadd.s32 $0xFFFFF000  }
0x3f: {  	[spmem:s14] =	stream.linear.scatter [tilespmem:s24], [sflag:$0x9], $0x1000, $0x38;
	[tilespmem:$0x1D000] =	vst v63  }
0x40: {  	_ =	swait.ge [sflag:s25], $0x1000  }
0x41: {  	[sflag:s25] =	ssyncset.done $0x0  }
0x42: {  	[sflag:s25] =	ssyncadd.s32 $0xFFFFF000  }
0x43: {  	[spmem:s16] =	stream.linear.scatter [tilespmem:s24], [sflag:$0x9], $0x1000, $0x38;
	[tilespmem:$0x1D000] =	vst v63  }
0x44: {  	_ =	swait.ge [sflag:s25], $0x1000  }
0x45: {  	[sflag:s25] =	ssyncset.done $0x0  }
0x46: {  	[sflag:s25] =	ssyncadd.s32 $0xFFFFF000  }
0x47: {  	[spmem:s17] =	stream.linear.scatter [tilespmem:s24], [sflag:$0x9], $0x1000, $0x38;
	[tilespmem:$0x1D000] =	vst v63  }
0x48: {  	_ =	swait.ge [sflag:s25], $0x1000  }
0x49: {  	[sflag:s25] =	ssyncset.done $0x0  }
0x4a: {  	[sflag:s25] =	ssyncadd.s32 $0xFFFFF000  }
0x4b: {  	[spmem:s18] =	stream.linear.scatter [tilespmem:s24], [sflag:$0x9], $0x1000, $0x38;
	[tilespmem:$0x1D000] =	vst v63  }
0x4c: {  	_ =	swait.ge [sflag:s25], $0x1000  }
0x4d: {  	[sflag:s25] =	ssyncset.done $0x0  }
0x4e: {  	[sflag:s25] =	ssyncadd.s32 $0xFFFFF000  }
0x4f: {  	[spmem:s19] =	stream.linear.scatter [tilespmem:s24], [sflag:$0x9], $0x1000, $0x38;
	[tilespmem:$0x1D000] =	vst v63  }
0x50: {  	_ =	swait.ge [sflag:s25], $0x1000  }
0x51: {  	[sflag:s25] =	ssyncset.done $0x0  }
0x52: {  	[sflag:s25] =	ssyncadd.s32 $0xFFFFF000  }
0x53: {  	_ =	swait.ge [sflag:s26], $0x2800  }
0x54: {  	[sflag:s26] =	ssyncset.done $0x0  }
0x55: {  	[sflag:s26] =	ssyncadd.s32 $0xFFFFD800  }
0x56: {  	_ =	swait.ge [sflag:s28], $0x2800  }
0x57: {  	[sflag:s28] =	ssyncset.done $0x0  }
0x58: {  	[sflag:s28] =	ssyncadd.s32 $0xFFFFD800  }
0x59: {  	_ =	swait.ge [sflag:s29], $0x1400  }
0x5a: {  	[sflag:s29] =	ssyncset.done $0x0  }
0x5b: {  	[sflag:s29] =	ssyncadd.s32 $0xFFFFEC00  }
0x5c: {  	s15 =	simm.s32 $0x0;
	[bflag:$0x0] =	sbarrier.arrive $0xFFFF  }
0x5d: {  	[tilespmem:s24], [sflag:$0x1] =	stream.indirect.gather [spmem:s2], $0x40, s15, s30, $0xb8;
	[tilespmem:$0x1D000] =	vst v63  }
0x5e: {  	_ = 	snop  }
0x5f: {  	[tilespmem:s31], [sflag:$0x2] =	stream.indirect.gather [spmem:s2], $0x40, s30, s30, $0xb8;
	[tilespmem:$0x1D000] =	vst v63  }
0x60: {  	s13 =	simm.s32 $0x80  }
0x61: {  	[tilespmem:s0], [sflag:$0x3] =	stream.indirect.gather [spmem:s2], $0x40, s13, s30, $0xb8;
	[tilespmem:$0x1D000] =	vst v63  }
0x62: {  	s14 =	simm.s32 $0xC0  }
0x63: {  	[tilespmem:s1], [sflag:$0x4] =	stream.indirect.gather [spmem:s2], $0x40, s14, s30, $0xb8;
	[tilespmem:$0x1D000] =	vst v63  }
0x64: {  	_ =	swait.ge [sflag:s26], $0x1000  }
0x65: {  	[sflag:s26] =	ssyncset.done $0x0  }
0x66: {  	s15 =	simm.s32 $0x2800;
	[sflag:s26] =	ssyncadd.s32 $0xFFFFF000  }
0x67: {  	[spmem:s3] =	stream.indirect.scatter.add.f32 [tilespmem:s24], [sflag:$0x5], $0x40, s15, s30, $0xb8;
	[tilespmem:$0x1D000] =	vst v63  }
0x68: {  	_ =	swait.ge [sflag:s28], $0x1000  }
0x69: {  	[sflag:s28] =	ssyncset.done $0x0  }
0x6a: {  	s13 =	simm.s32 $0x2840;
	[sflag:s28] =	ssyncadd.s32 $0xFFFFF000  }
0x6b: {  	[spmem:s3] =	stream.indirect.scatter.add.f32 [tilespmem:s31], [sflag:$0x6], $0x40, s13, s30, $0xb8;
	[tilespmem:$0x1D000] =	vst v63  }
0x6c: {  	_ =	swait.ge [sflag:s22], $0x1000  }
0x6d: {  	[sflag:s22] =	ssyncset.done $0x0  }
0x6e: {  	s14 =	simm.s32 $0x100;
	[sflag:s22] =	ssyncadd.s32 $0xFFFFF000  }
0x6f: {  	[tilespmem:s24], [sflag:$0x1] =	stream.indirect.gather [spmem:s2], $0x40, s14, s30, $0xb8;
	[tilespmem:$0x1D000] =	vst v63  }
0x70: {  	_ =	swait.ge [sflag:s5], $0x1000  }
0x71: {  	[sflag:s5] =	ssyncset.done $0x0  }
0x72: {  	s15 =	simm.s32 $0x140;
	[sflag:s5] =	ssyncadd.s32 $0xFFFFF000  }
0x73: {  	[tilespmem:s31], [sflag:$0x2] =	stream.indirect.gather [spmem:s2], $0x40, s15, s30, $0xb8;
	[tilespmem:$0x1D000] =	vst v63  }
0x74: {  	_ =	swait.ge [sflag:s29], $0x1000  }
0x75: {  	[sflag:s29] =	ssyncset.done $0x0  }
0x76: {  	s13 =	simm.s32 $0x2880;
	[sflag:s29] =	ssyncadd.s32 $0xFFFFF000  }
0x77: {  	[spmem:s3] =	stream.indirect.scatter.add.f32 [tilespmem:s0], [sflag:$0x7], $0x40, s13, s30, $0xb8;
	[tilespmem:$0x1D000] =	vst v63  }
0x78: {  	_ =	swait.ge [sflag:s6], $0x1000  }
0x79: {  	[sflag:s6] =	ssyncset.done $0x0  }
0x7a: {  	s14 =	simm.s32 $0x28C0;
	[sflag:s6] =	ssyncadd.s32 $0xFFFFF000  }
0x7b: {  	[spmem:s3] =	stream.indirect.scatter.add.f32 [tilespmem:s1], [sflag:$0x8], $0x40, s14, s30, $0xb8;
	[tilespmem:$0x1D000] =	vst v63  }
0x7c: {  	_ =	swait.ge [sflag:s7], $0x1000  }
0x7d: {  	[sflag:s7] =	ssyncset.done $0x0  }
0x7e: {  	s15 =	simm.s32 $0x180;
	[sflag:s7] =	ssyncadd.s32 $0xFFFFF000  }
0x7f: {  	[tilespmem:s0], [sflag:$0x3] =	stream.indirect.gather [spmem:s2], $0x40, s15, s30, $0xb8;
	[tilespmem:$0x1D000] =	vst v63  }
0x80: {  	_ =	swait.ge [sflag:s9], $0x1000  }
0x81: {  	[sflag:s9] =	ssyncset.done $0x0  }
0x82: {  	s12 =	simm.s32 $0x400;
	s13 =	simm.s32 $0x1C0;
	[sflag:s9] =	ssyncadd.s32 $0xFFFFF000  }
.LBB2_4:
0x83: {  	[tilespmem:s1], [sflag:$0x4] =	stream.indirect.gather [spmem:s2], $0x40, s13, s30, $0xb8;
	[tilespmem:$0x1D000] =	vst v63  }
0x84: {  	s13 =	smov.u32 s12  }
0x85: {  	p0 =	sne.s32 s12, $0x9800;
	s12 =	sadd.s32 $0x400, s12;
	_ =	swait.ge [sflag:s26], $0x1000  }
0x86: {  	s13 =	sshra.s32 s13, $0x2;
	[sflag:s26] =	ssyncset.done $0x0  }
0x87: {  	s14 =	sadd.s32 $0x2800, s13;
	[sflag:s26] =	ssyncadd.s32 $0xFFFFF000  }
0x88: {  	[spmem:s3] =	stream.indirect.scatter.add.f32 [tilespmem:s24], [sflag:$0x5], $0x40, s14, s30, $0xb8;
	[tilespmem:$0x1D000] =	vst v63  }
0x89: {  	_ =	swait.ge [sflag:s28], $0x1000  }
0x8a: {  	[sflag:s28] =	ssyncset.done $0x0  }
0x8b: {  	s14 =	sadd.s32 $0x2840, s13;
	[sflag:s28] =	ssyncadd.s32 $0xFFFFF000  }
0x8c: {  	[spmem:s3] =	stream.indirect.scatter.add.f32 [tilespmem:s31], [sflag:$0x6], $0x40, s14, s30, $0xb8;
	[tilespmem:$0x1D000] =	vst v63  }
0x8d: {  	_ =	swait.ge [sflag:s22], $0x1000  }
0x8e: {  	[sflag:s22] =	ssyncset.done $0x0  }
0x8f: {  	s14 =	sadd.s32 $0x100, s13;
	[sflag:s22] =	ssyncadd.s32 $0xFFFFF000  }
0x90: {  	[tilespmem:s24], [sflag:$0x1] =	stream.indirect.gather [spmem:s2], $0x40, s14, s30, $0xb8;
	[tilespmem:$0x1D000] =	vst v63  }
0x91: {  	_ =	swait.ge [sflag:s5], $0x1000  }
0x92: {  	[sflag:s5] =	ssyncset.done $0x0  }
0x93: {  	s14 =	sadd.s32 $0x140, s13;
	[sflag:s5] =	ssyncadd.s32 $0xFFFFF000  }
0x94: {  	[tilespmem:s31], [sflag:$0x2] =	stream.indirect.gather [spmem:s2], $0x40, s14, s30, $0xb8;
	[tilespmem:$0x1D000] =	vst v63  }
0x95: {  	_ =	swait.ge [sflag:s29], $0x1000  }
0x96: {  	[sflag:s29] =	ssyncset.done $0x0  }
0x97: {  	s14 =	sadd.s32 $0x2880, s13;
	[sflag:s29] =	ssyncadd.s32 $0xFFFFF000  }
0x98: {  	[spmem:s3] =	stream.indirect.scatter.add.f32 [tilespmem:s0], [sflag:$0x7], $0x40, s14, s30, $0xb8;
	[tilespmem:$0x1D000] =	vst v63  }
0x99: {  	_ =	swait.ge [sflag:s6], $0x1000  }
0x9a: {  	[sflag:s6] =	ssyncset.done $0x0  }
0x9b: {  	s14 =	sadd.s32 $0x28C0, s13;
	[sflag:s6] =	ssyncadd.s32 $0xFFFFF000  }
0x9c: {  	[spmem:s3] =	stream.indirect.scatter.add.f32 [tilespmem:s1], [sflag:$0x8], $0x40, s14, s30, $0xb8;
	[tilespmem:$0x1D000] =	vst v63  }
0x9d: {  	_ =	swait.ge [sflag:s7], $0x1000  }
0x9e: {  	[sflag:s7] =	ssyncset.done $0x0  }
.Ltmp1:
0x9f: {  	s14 =	sadd.s32 $0x180, s13;
	[sflag:s7] =	ssyncadd.s32 $0xFFFFF000;
	(pc) =	sbr.rel @p0 .LBB2_4-.Ltmp1, $4  }
0xa0: {  	[tilespmem:s0], [sflag:$0x3] =	stream.indirect.gather [spmem:s2], $0x40, s14, s30, $0xb8;
	[tilespmem:$0x1D000] =	vst v63  }
0xa1: {  	_ =	swait.ge [sflag:s9], $0x1000  }
0xa2: {  	[sflag:s9] =	ssyncset.done $0x0  }
0xa3: {  	s13 =	sadd.s32 $0x1C0, s13;
	[sflag:s9] =	ssyncadd.s32 $0xFFFFF000  }
0xa4: {  	[tilespmem:s1], [sflag:$0x4] =	stream.indirect.gather [spmem:s2], $0x40, s13, s30, $0xb8;
	[tilespmem:$0x1D000] =	vst v63  }
0xa5: {  	_ =	swait.ge [sflag:s26], $0x1000  }
0xa6: {  	[sflag:s26] =	ssyncset.done $0x0  }
0xa7: {  	s12 =	simm.s32 $0x4F00;
	[sflag:s26] =	ssyncadd.s32 $0xFFFFF000  }
0xa8: {  	[spmem:s3] =	stream.indirect.scatter.add.f32 [tilespmem:s24], [sflag:$0x5], $0x40, s12, s30, $0xb8;
	[tilespmem:$0x1D000] =	vst v63  }
0xa9: {  	_ =	swait.ge [sflag:s28], $0x1000  }
0xaa: {  	[sflag:s28] =	ssyncset.done $0x0  }
0xab: {  	s14 =	simm.s32 $0x4F40;
	[sflag:s28] =	ssyncadd.s32 $0xFFFFF000  }
0xac: {  	[spmem:s3] =	stream.indirect.scatter.add.f32 [tilespmem:s31], [sflag:$0x6], $0x40, s14, s30, $0xb8;
	[tilespmem:$0x1D000] =	vst v63  }
0xad: {  	_ =	swait.ge [sflag:s29], $0x1000  }
0xae: {  	[sflag:s29] =	ssyncset.done $0x0  }
0xaf: {  	s15 =	simm.s32 $0x4F80;
	[sflag:s29] =	ssyncadd.s32 $0xFFFFF000  }
0xb0: {  	[spmem:s3] =	stream.indirect.scatter.add.f32 [tilespmem:s0], [sflag:$0x7], $0x40, s15, s30, $0xb8;
	[tilespmem:$0x1D000] =	vst v63  }
0xb1: {  	_ =	swait.ge [sflag:s6], $0x1000  }
0xb2: {  	[sflag:s6] =	ssyncset.done $0x0  }
0xb3: {  	s13 =	simm.s32 $0x4FC0;
	[sflag:s6] =	ssyncadd.s32 $0xFFFFF000  }
0xb4: {  	[spmem:s3] =	stream.indirect.scatter.add.f32 [tilespmem:s1], [sflag:$0x8], $0x40, s13, s30, $0xb8;
	[tilespmem:$0x1D000] =	vst v63  }
0xb5: {  	_ =	swait.ge [sflag:s22], $0x1000  }
0xb6: {  	[sflag:s22] =	ssyncset.done $0x0  }
0xb7: {  	[sflag:s22] =	ssyncadd.s32 $0xFFFFF000  }
0xb8: {  	_ =	swait.ge [sflag:s5], $0x1000  }
0xb9: {  	[sflag:s5] =	ssyncset.done $0x0  }
0xba: {  	[sflag:s5] =	ssyncadd.s32 $0xFFFFF000  }
0xbb: {  	_ =	swait.ge [sflag:s7], $0x1000  }
0xbc: {  	[sflag:s7] =	ssyncset.done $0x0  }
0xbd: {  	[sflag:s7] =	ssyncadd.s32 $0xFFFFF000  }
0xbe: {  	_ =	swait.ge [sflag:s9], $0x1000  }
0xbf: {  	s11 =	sadd.s32 $0x1, s11;
	[sflag:s9] =	ssyncset.done $0x0  }
0xc0: {  	p0 =	sne.s32 s11, s21;
	s14 =	sor.u32 $0x1C09, s8;
	[sflag:s9] =	ssyncadd.s32 $0xFFFFF000  }
.Ltmp2:
0xc1: {  	s15 =	sshrl.u32 s10, $0x3;
	[bflag:$0x0] =	sbarrier.arrive $0xFFFF;
	(pc) =	sbr.rel @p0 .LBB2_1-.Ltmp2, $4  }
0xc2: {  	[hbm:s20], [sflag:s14] =	dma.local [spmem:s15], $0x1400  }
0xc3: {  	_ =	swait.ge [sflag:s25], $0x1400  }
0xc4: {  	[sflag:s25] =	ssyncset.done $0x0  }
0xc5: {  	[sflag:s25] =	ssyncadd.s32 $0xFFFFEC00  }
0xc6: {  	_ =	sfence.sel $0x180000  }
0xc7: {  	[bflag:$0x0] =	sbarrier.arrive $0xFFFF  }
0xc8: {  	_ =	strace $0x9000004A  }
0xc9: {  	s0 =	stileid.u32;
	[bflag:$0x2] =	sbarrier.arrive $0xFFFF  }
0xca: {  	p0 =	sne.s32 s0, $0x0;
	s0 =	rddreg [dreg:$0x3]  }
0xcb: {  	s0 =	sadd.s32 @!p0 $0x100000, s0  }
0xcc: {  	[sflag:s0] =	ssyncadd.tile.s32 @!p0 $0x1;
	_ =	shalt  }
.Lfunc_end2:
_tile_overlayer_lowered:
.L_overlay_start_2:
0xcd: {  	(tag) =	ssettag $0x2  }
0xce: {  	s0 =	rddreg [dreg:$0x0];
	s2 =	stileid.u32  }
0xcf: {  	s1 =	rddreg [dreg:$0x1];
	p0 =	sne.s32 s2, $0x0  }
0xd0: {  	s3 =	rddreg [dreg:$0x2];
	[bflag:$0x3] =	sbarrier.arrive $0xFFFF;
	s2 =	simm.s32 @!p0 $0x1C09  }
0xd1: {  	[timem:s3], [sflag:s2] =	dma.local @!p0 [hbm:s0], s1  }
0xd2: {  	s0 =	simm.s32 @!p0 $0x9  }
0xd3: {  	_ =	swait.ge @!p0 [sflag:s0], s1  }
0xd4: {  	s1 =	ssub.s32 @!p0 $0x0, s1;
	[sflag:s0] =	ssyncset.done @!p0 $0x0  }
0xd5: {  	[sflag:s0] =	ssyncadd.s32 @!p0 s1  }
0xd6: {  	[bflag:$0x3] =	sbarrier.arrive $0xFFFF  }
0xd7: {  	_ =	shalt  }

// kernel: sc_edge_scatter_64.7.cloned.1.call-start
scs
__scs_entry_jumppad:
0x0: {  	(pc) =	sbr.rel $0x88, $3  }
0x1: {  	(tag) =	ssettag $0x0;
	lr =	simm.s32 $0x1  }
0x2: {  	[smem:$0x3F86] =	sst lr;
	_ =	strace $0xD0000000  }
0x3: {  	_ = 	snop  }
0x4: {  	_ = 	snop  }
0x5: {  	_ = 	snop  }
0x6: {  	_ = 	snop  }
0x7: {  	_ = 	snop  }
__scs_overlays_trampoline_lowered:
0x8: {  	[smem:$0x3F95] =	sst s0  }
0x9: {  	[smem:$0x3F96] =	sst s1  }
0xa: {  	[smem:$0x3F97] =	sst s2  }
0xb: {  	[smem:$0x3F98] =	sst s3  }
0xc: {  	[smem:$0x3F99] =	sst s4  }
0xd: {  	[smem:$0x3F9A] =	sst s5  }
0xe: {  	[smem:$0x3F9B] =	sst s6  }
0xf: {  	[smem:$0x3F9C] =	sst s7  }
0x10: {  	[smem:$0x3F9D] =	sst s8  }
0x11: {  	[smem:$0x3F9E] =	sst s9;
	s0 =	simm.s32 @!p0 $0x0  }
0x12: {  	s1 =	sld [smem:$0x3F84];
	s0 =	simm.s32 @p0 $0x1  }
0x13: {  	[smem:$0x3F9F] =	sst s0;
	s0 =	simm.s32 @!p1 $0x0  }
0x14: {  	s2 =	sld [smem:$0x3F83];
	s0 =	simm.s32 @p1 $0x1  }
0x15: {  	[smem:$0x3FA0] =	sst s0;
	s0 =	simm.s32 @!p2 $0x0  }
0x16: {  	s3 =	sld [smem:$0x3FDB];
	s0 =	simm.s32 @p2 $0x1  }
0x17: {  	s4 =	simm.s32 $0x1BF5;
	[smem:$0x3FA2] =	sst s0  }
0x18: {  	s0 =	sld [smem:$0x3F85];
	_ =	swait.ge [sflag:s4], $0x0  }
0x19: {  	s7 =	sld [smem:$0x3F86]  }
0x1a: {  	s8 =	sadd.s32 $0xFFFFE003, lr  }
0x1b: {  	s9 =	sadd.s32 $0xFFFFFEF7, lr;
	s5 =	simm.s32 $0xFFFFFFFF;
	p2 =	slt.u32 s8, $0xFFFFF086  }
0x1c: {  	p1 =	slt.u32 s9, $0xF7A;
	s5 =	simm.s32 @!p2 $0x0  }
0x1d: {  	s5 =	simm.s32 @p1 $0x1;
	p0 =	seq.s32 s7, s2  }
0x1e: {  	s7 =	smul.u32 @!p0 $0xF7A, s2;
	p2 =	seq.s32 @!p0 s5, $0x0  }
0x1f: {  	s9 =	smul.u32 $0xF7A, s1;
	s8 =	simm.s32 @!p0 $0x1BF5;
	p2 =	por !p2, p0  }
0x20: {  	[sflag:s8] =	ssyncset.s32 @!p0 $0xFFFFF086;
	s6 =	sadd.s32 @!p0 s3, s7;
	s7 =	simm.s32 @!p0 $0x108  }
0x21: {  	s3 =	sadd.s32 s3, s9;
	s6 =	sadd.s32 @!p0 $0x88, s6;
	s7 =	simm.s32 @p2 $0x1082  }
0x22: {  	[simem:s7], [sflag:s8] =	dma.local @!p0 [hbm:s6], $0xF7A  }
0x23: {  	s9 =	sor.u32 $0xD0000000, s2;
	s6 =	simm.s32 $0x108;
	_ =	swait.ge @!p0 [sflag:s8], $0x0  }
0x24: {  	s3 =	sadd.s32 $0x88, s3;
	s6 =	simm.s32 @!p1 $0x1082;
	[sflag:s4] =	ssyncset.s32 $0xFFFFF086  }
0x25: {  	[simem:s6], [sflag:s4] =	dma.local [hbm:s3], $0xF7A  }
0x26: {  	[smem:$0x3F86] =	sst s1;
	(tag) =	ssettag s2;
	_ =	strace s9  }
0x27: {  	s1 =	sld [smem:$0x3F96]  }
0x28: {  	s2 =	sld [smem:$0x3F97]  }
0x29: {  	s4 =	sld [smem:$0x3F99]  }
0x2a: {  	p0 =	seq.s32 s5, $0x0;
	s5 =	sld [smem:$0x3F9A]  }
0x2b: {  	s6 =	sld [smem:$0x3F9B]  }
0x2c: {  	s7 =	sld [smem:$0x3F9C]  }
0x2d: {  	s3 =	simm.s32 $0x108;
	s8 =	sld [smem:$0x3F9D]  }
0x2e: {  	s3 =	simm.s32 @!p0 $0x1082;
	s9 =	sld [smem:$0x3F9E]  }
0x2f: {  	lr =	sadd.s32 s0, s3;
	s0 =	sld [smem:$0x3F95]  }
0x30: {  	s3 =	sld [smem:$0x3F98]  }
0x31: {  	[smem:$0x3FA1] =	sst s10  }
0x32: {  	s10 =	sld [smem:$0x3F9F];
	_ =	sdelay $0x3  }
0x33: {  	p0 =	seq.s32 s10, $0x1;
	s10 =	sld [smem:$0x3FA1];
	_ =	sdelay $0x3  }
0x34: {  	[smem:$0x3FA1] =	sst s10  }
0x35: {  	s10 =	sld [smem:$0x3FA0];
	_ =	sdelay $0x3  }
0x36: {  	p1 =	seq.s32 s10, $0x1;
	s10 =	sld [smem:$0x3FA1];
	_ =	sdelay $0x3  }
0x37: {  	[smem:$0x3FA1] =	sst s10  }
0x38: {  	s10 =	sld [smem:$0x3FA2]  }
0x39: {  	_ = 	snop;
	(pc) =	sbr.ind lr, $3  }
0x3a: {  	_ = 	snop  }
0x3b: {  	_ = 	snop  }
0x3c: {  	p2 =	seq.s32 s10, $0x1;
	s10 =	sld [smem:$0x3FA1]  }
0x3d: {  	_ =	shalt  }
0x3e: {  	_ =	shalt  }
0x3f: {  	_ =	shalt  }
0x40: {  	_ =	shalt  }
0x41: {  	_ =	shalt  }
0x42: {  	_ =	shalt  }
0x43: {  	_ =	shalt  }
0x44: {  	_ =	shalt  }
0x45: {  	_ =	shalt  }
0x46: {  	_ =	shalt  }
0x47: {  	_ =	shalt  }
0x48: {  	_ =	shalt  }
0x49: {  	_ =	shalt  }
0x4a: {  	_ =	shalt  }
0x4b: {  	_ =	shalt  }
0x4c: {  	_ =	shalt  }
0x4d: {  	_ =	shalt  }
0x4e: {  	_ =	shalt  }
0x4f: {  	_ =	shalt  }
0x50: {  	_ =	shalt  }
0x51: {  	_ =	shalt  }
0x52: {  	_ =	shalt  }
0x53: {  	_ =	shalt  }
0x54: {  	_ =	shalt  }
0x55: {  	_ =	shalt  }
0x56: {  	_ =	shalt  }
0x57: {  	_ =	shalt  }
0x58: {  	_ =	shalt  }
0x59: {  	_ =	shalt  }
0x5a: {  	_ =	shalt  }
0x5b: {  	_ =	shalt  }
0x5c: {  	_ =	shalt  }
0x5d: {  	_ =	shalt  }
0x5e: {  	_ =	shalt  }
0x5f: {  	_ =	shalt  }
0x60: {  	_ =	shalt  }
0x61: {  	_ =	shalt  }
0x62: {  	_ =	shalt  }
0x63: {  	_ =	shalt  }
0x64: {  	_ =	shalt  }
0x65: {  	_ =	shalt  }
0x66: {  	_ =	shalt  }
0x67: {  	_ =	shalt  }
0x68: {  	_ =	shalt  }
0x69: {  	_ =	shalt  }
0x6a: {  	_ =	shalt  }
0x6b: {  	_ =	shalt  }
0x6c: {  	_ =	shalt  }
0x6d: {  	_ =	shalt  }
0x6e: {  	_ =	shalt  }
0x6f: {  	_ =	shalt  }
0x70: {  	_ =	shalt  }
0x71: {  	_ =	shalt  }
0x72: {  	_ =	shalt  }
0x73: {  	_ =	shalt  }
0x74: {  	_ =	shalt  }
0x75: {  	_ =	shalt  }
0x76: {  	_ =	shalt  }
0x77: {  	_ =	shalt  }
0x78: {  	_ =	shalt  }
0x79: {  	_ =	shalt  }
0x7a: {  	_ =	shalt  }
0x7b: {  	_ =	shalt  }
0x7c: {  	_ =	shalt  }
0x7d: {  	_ =	shalt  }
0x7e: {  	_ =	shalt  }
0x7f: {  	_ =	shalt  }
0x80: {  	_ =	shalt  }
0x81: {  	_ =	shalt  }
0x82: {  	_ =	shalt  }
0x83: {  	_ =	shalt  }
0x84: {  	_ =	shalt  }
0x85: {  	_ =	shalt  }
0x86: {  	_ =	shalt  }
0x87: {  	_ =	shalt  }
.Lfunc_end0:
.L_simem_size_0:
called_computation.2_lowered:
.L_overlay_start_0:
0x88: {  	s2 =	sld [smem:$0x3FD9]  }
0x89: {  	s3 =	sld [smem:$0x3FFE];
	_ =	sdelay $0x1  }
0x8a: {  	s1 =	srdreg.scid  }
0x8b: {  	s0 =	sand.u32 $0x1, s1  }
0x8c: {  	s16 =	sshll.u32 s0, $0xA;
	s2 =	sadd.s32 s3, s2  }
0x8d: {  	s2 =	sadd.s32 s2, s16  }
0x8e: {  	[smem:$0x3FAD] =	sst s2  }
0x8f: {  	_ = 	snop  }
0x90: {  	(tm) =	ssettm $0x1  }
0x91: {  	s17 =	sld [smem:$0x3FFB];
	_ =	sdelay $0x3  }
0x92: {  	_ =	strace s17  }
0x93: {  	s2 =	sld [smem:$0x3FFC];
	_ =	sdelay $0x3  }
0x94: {  	_ =	strace s2  }
0x95: {  	s2 =	sld [smem:$0x3FFD];
	_ =	sdelay $0x3  }
0x96: {  	_ =	strace s2  }
0x97: {  	_ =	strace $0x8FFFFFFF  }
0x98: {  	s18 =	sld [smem:$0x3FDB];
	_ =	sdelay $0x1  }
0x99: {  	s19 =	simm.s32 $_scs_section_size  }
0x9a: {  	s4 =	simm.s32 $_size__tile_overlayer_lowered;
	s5 =	simm.s32 $_tile_overlayer_lowered  }
0x9b: {  	s22 =	simm.s32 $0x1BFF;
	s21 =	sshll.u32 s5, $0x1;
	s2 =	sadd.s32 s19, s18  }
0x9c: {  	s6 =	simm.s32 $0x0;
	s20 =	sshll.u32 s4, $0x1;
	s4 =	sadd.s32 s21, s2  }
0x9d: {  	[timem:s6], [sflag:s22] =	dma.local [hbm:s4], s20  }
0x9e: {  	_ =	swait.ge [sflag:s22], s20  }
0x9f: {  	s3 =	ssub.s32 $0x0, s20;
	[sflag:s22] =	ssyncset.done $0x0  }
0xa0: {  	[sflag:s22] =	ssyncadd.s32 s3;
	_ =	sdelay $0x1  }
0xa1: {  	s23 =	simm.s32 $0x1B8B  }
0xa2: {  	_ =	swait.ge [sflag:s23], $0x1  }
0xa3: {  	[sflag:s23] =	ssyncset.done $0x0  }
0xa4: {  	s25 =	simm.s32 $0x1B8E;
	s24 =	sld [smem:$0x3FFE];
	[sflag:s23] =	ssyncadd.s32 $0xFFFFFFFF  }
0xa5: {  	s26 =	simm.s32 $execute0_lowered;
	[smem:$0x3FD2] =	sst s25  }
0xa6: {  	s4 =	sshll.u32 s26, $0x1;
	_ =	strace $0x8000004C;
	[dreg:$0x1] =	wrdreg $0xFFFFFFFF  }
0xa7: {  	s28 =	simm.s32 $_size_execute0_lowered;
	s2 =	sadd.s32 s2, s4;
	[dreg:$0x0] =	wrdreg $0x0  }
0xa8: {  	s4 =	sshll.u32 s28, $0x1;
	[dreg:$0x2] =	wrdreg s2  }
0xa9: {  	[dreg:$0x3] =	wrdreg s4  }
0xaa: {  	[dreg:$0x4] =	wrdreg $0xC0  }
0xab: {  	_ =	task [dreg:s6], $0x5FFFF  }
0xac: {  	[dreg:$0x1] =	wrdreg $0xFFFFFFFF  }
0xad: {  	[dreg:$0x0] =	wrdreg $0x60  }
0xae: {  	[dreg:$0x2] =	wrdreg s24  }
0xaf: {  	[dreg:$0x3] =	wrdreg $0x90000  }
0xb0: {  	[dreg:$0x4] =	wrdreg $0x130000  }
0xb1: {  	[dreg:$0x5] =	wrdreg $0x9  }
0xb2: {  	_ =	task.clear_ibuf [dreg:s6], $0x6FFFF;
	_ =	strace $0x9000004C  }
0xb3: {  	s29 =	simm.s32 $0x9;
	_ =	strace $0x8000004E  }
0xb4: {  	_ =	swait.ge [sflag:s29], $0x1  }
0xb5: {  	[sflag:s29] =	ssyncadd.s32 $0xFFFFFFFF  }
0xb6: {  	_ =	strace $0x9000004E  }
0xb7: {  	_ =	sfence  }
0xb8: {  	s30 =	sld [smem:$0x0];
	_ =	sdelay $0x2  }
0xb9: {  	s31 =	sshll.u32 s1, $0xD;
	s1 =	sshrl.u32 s1, $0x2  }
0xba: {  	s3 =	sand.u32 $0x4000, s31;
	s1 =	sadd.s32 s1, s30  }
0xbb: {  	s0 =	sor.u32 s3, s0;
	s1 =	sshll.u32 s1, $0x11  }
0xbc: {  	s0 =	sor.u32 s1, s0  }
0xbd: {  	s0 =	sadd.s32 $0x8F2B, s0  }
0xbe: {  	[sflag:s0] =	ssyncadd.remote.s32 $0x1  }
0xbf: {  	_ =	sfence.sel $0xFFFF  }
0xc0: {  	[dreg:$0x0] =	wrdreg $0xFFFFFFFF;
	(pc) =	sbr.abs _section_cstart, $3  }
0xc1: {  	[dreg:$0x1] =	wrdreg $0xFFFFFFFF  }
0xc2: {  	_ =	task.clear_ibuf [dreg:s6], $0x2FFFF;
	_ =	strace $0x9FFFFFFF  }
0xc3: {  	(tm) =	ssettm $0x7FFFFFFF  }
tec
execute0_lowered:
.L_overlay_start_1:
0x0: {  	(tag) =	ssettag $0x1  }
0x1: {  	s1 =	rddreg [dreg:$0x0]  }
0x2: {  	s0 =	srdreg.scid;
	s2 =	rddreg [dreg:$0x1]  }
0x3: {  	s11 =	stileid.u32;
	s3 =	rddreg [dreg:$0x2];
	s28 =	simm.s32 $0x2  }
0x4: {  	s29 =	simm.s32 $0x3;
	s30 =	simm.s32 $0x40;
	s5 =	smul.u32 $0xA000, s11  }
0x5: {  	s31 =	simm.s32 $0x6000;
	s0 =	sand.u32 $0x1, s0;
	s10 =	smul.u32 $0x28000, s11  }
0x6: {  	s4 =	sshll.u32 s0, $0x4;
	s8 =	smul.u32 $0xA0000, s0;
	s0 =	ssub.s32 $0x2, s0  }
0x7: {  	s6 =	sor.u32 s11, s4;
	s4 =	simm.s32 $0x0;
	s7 =	sshrl.u32 s5, $0x3  }
0x8: {  	s9 =	sshrl.u32 s0, $0x1;
	s15 =	sadd.s32 s5, s2;
	s19 =	sshrl.u32 s10, $0x2  }
0x9: {  	s10 =	sadd.s32 s5, s3;
	s6 =	smul.u32 $0x500, s6;
	[smem:$0x7FF] =	sst s4  }
0xa: {  	s7 =	sadd.s32 s7, s1;
	s8 =	sadd.s32 s5, s8;
	s0 =	ssub.s32 s0, s9  }
0xb: {  	s20 =	sadd.s32 s19, s3;
	s5 =	simm.s32 $0x6;
	s9 =	simm.s32 $0x8  }
0xc: {  	_ =	strace $0x8000004D;
	s8 =	sshrl.u32 s8, $0x3;
	s7 =	sadd.s32 $0x21E00, s7  }
0xd: {  	s22 =	sadd.s32 $0x1000, s20;
	s23 =	sadd.s32 $0x2000, s20;
	[dreg:$0x6] =	wrdreg s7  }
0xe: {  	s24 =	sadd.s32 $0x3000, s20;
	s25 =	sadd.s32 $0x4000, s20;
	[dreg:$0x8] =	wrdreg s22  }
0xf: {  	s26 =	sadd.s32 $0x5000, s20;
	s16 =	sadd.s32 $0x6000, s20;
	[dreg:$0x9] =	wrdreg s23  }
0x10: {  	s17 =	sadd.s32 $0x7000, s20;
	s18 =	sadd.s32 $0x8000, s20;
	[dreg:$0xa] =	wrdreg s24  }
0x11: {  	s19 =	sadd.s32 $0x9000, s20;
	s6 =	sadd.s32 s6, s1;
	[dreg:$0xb] =	wrdreg s25  }
0x12: {  	s1 =	sadd.s32 s8, s1;
	s8 =	sshll.u32 s11, $0x6;
	[dreg:$0xc] =	wrdreg s26  }
0x13: {  	s23 =	sshrl.u32 s15, $0x3;
	s24 =	simm.s32 $0x5000;
	s25 =	simm.s32 $0x9  }
0x14: {  	s26 =	simm.s32 $0x1;
	s22 =	simm.s32 $0x5;
	s14 =	sadd.s32 $0x17E00, s6  }
0x15: {  	s7 =	simm.s32 $0x7;
	s6 =	sadd.s32 $0x3E00, s6;
	[dreg:$0x4] =	wrdreg s14  }
0x16: {  	s11 =	simm.s32 $0x0;
	s21 =	sor.u32 $0x1C03, s8;
	[dreg:$0x5] =	wrdreg s6  }
0x17: {  	s20 =	sadd.s32 $0x35E00, s1;
	s1 =	simm.s32 $0x8000;
	[dreg:$0x7] =	wrdreg s21  }
0x18: {  	v0 =	vimm.f32 $0.0e+00;
	s21 =	smax.u32 s0, $0x1;
	s0 =	simm.s32 $0x7000;
	s6 =	simm.s32 $0x4  }
.LBB2_1:
0x19: {  	s12 =	rddreg [dreg:$0x4]  }
0x1a: {  	s15 =	rddreg [dreg:$0x5]  }
0x1b: {  	[tilespmem:s4], [sflag:$0x1] =	stream.linear.gather [hbm4b:s12+s4], $0x2800, $0x38;
	[tilespmem:$0x1D000] =	vst v63  }
0x1c: {  	s13 =	simm.s32 $0x2800;
	s14 =	rddreg [dreg:$0x6]  }
0x1d: {  	[tilespmem:s13], [sflag:$0x2] =	stream.linear.gather [hbm4b:s15+s4], $0x2800, $0x38;
	[tilespmem:$0x1D000] =	vst v63  }
0x1e: {  	s15 =	rddreg [dreg:$0x7]  }
0x1f: {  	[spmem:s23], [sflag:s15] =	dma.local [hbm:s14], $0x1400  }
0x20: {  	s14 =	sand.u32 $0x3F00, s4  }
0x21: {  	s15 =	sand.u32 $0x30, s4;
	s14 =	sshrl.u32 s14, $0x2  }
0x22: {  	s12 =	simm.s32 $0x40;
	s13 =	simm.s32 $0x0;
	s14 =	sor.u32 s15, s14  }
.LBB2_2:
0x23: {  	p0 =	sne.s32 s12, $0x3FC0  }
0x24: {  	[tilespmem:s14+$0x5000] =	vst v0;
	s13 =	sadd.s32 $0x10, s13;
	s14 =	smov.u32 s12;
	s12 =	sadd.s32 $0x40, s12  }
.Ltmp0:
0x25: {  	(pc) =	sbr.rel @p0 .LBB2_2-.Ltmp0, $4  }
0x26: {  	_ = 	snop  }
0x27: {  	s14 =	sand.u32 $0x3F00, s14  }
0x28: {  	s15 =	sand.u32 $0x30, s13;
	s14 =	sshrl.u32 s14, $0x2  }
0x29: {  	s14 =	sor.u32 s15, s14  }
0x2a: {  	[tilespmem:s14+$0x5000] =	vst v0  }
0x2b: {  	[spmem:s10] =	stream.linear.scatter [tilespmem:s24], [sflag:$0x9], $0x1000, $0x38;
	[tilespmem:$0x1D000] =	vst v63  }
0x2c: {  	_ =	swait.ge [sflag:s25], $0x1000  }
0x2d: {  	[sflag:s25] =	ssyncset.done $0x0  }
0x2e: {  	s12 =	rddreg [dreg:$0x8];
	[sflag:s25] =	ssyncadd.s32 $0xFFFFF000  }
0x2f: {  	[spmem:s12] =	stream.linear.scatter [tilespmem:s24], [sflag:$0x9], $0x1000, $0x38;
	[tilespmem:$0x1D000] =	vst v63  }
0x30: {  	_ =	swait.ge [sflag:s25], $0x1000  }
0x31: {  	[sflag:s25] =	ssyncset.done $0x0  }
0x32: {  	s14 =	rddreg [dreg:$0x9];
	[sflag:s25] =	ssyncadd.s32 $0xFFFFF000  }
0x33: {  	[spmem:s14] =	stream.linear.scatter [tilespmem:s24], [sflag:$0x9], $0x1000, $0x38;
	[tilespmem:$0x1D000] =	vst v63  }
0x34: {  	_ =	swait.ge [sflag:s25], $0x1000  }
0x35: {  	[sflag:s25] =	ssyncset.done $0x0  }
0x36: {  	s15 =	rddreg [dreg:$0xa];
	[sflag:s25] =	ssyncadd.s32 $0xFFFFF000  }
0x37: {  	[spmem:s15] =	stream.linear.scatter [tilespmem:s24], [sflag:$0x9], $0x1000, $0x38;
	[tilespmem:$0x1D000] =	vst v63  }
0x38: {  	_ =	swait.ge [sflag:s25], $0x1000  }
0x39: {  	[sflag:s25] =	ssyncset.done $0x0  }
0x3a: {  	s13 =	rddreg [dreg:$0xb];
	[sflag:s25] =	ssyncadd.s32 $0xFFFFF000  }
0x3b: {  	[spmem:s13] =	stream.linear.scatter [tilespmem:s24], [sflag:$0x9], $0x1000, $0x38;
	[tilespmem:$0x1D000] =	vst v63  }
0x3c: {  	_ =	swait.ge [sflag:s25], $0x1000  }
0x3d: {  	[sflag:s25] =	ssyncset.done $0x0  }
0x3e: {  	s14 =	rddreg [dreg:$0xc];
	[sflag:s25] =	ssyncadd.s32 $0xFFFFF000  }
0x3f: {  	[spmem:s14] =	stream.linear.scatter [tilespmem:s24], [sflag:$0x9], $0x1000, $0x38;
	[tilespmem:$0x1D000] =	vst v63  }
0x40: {  	_ =	swait.ge [sflag:s25], $0x1000  }
0x41: {  	[sflag:s25] =	ssyncset.done $0x0  }
0x42: {  	[sflag:s25] =	ssyncadd.s32 $0xFFFFF000  }
0x43: {  	[spmem:s16] =	stream.linear.scatter [tilespmem:s24], [sflag:$0x9], $0x1000, $0x38;
	[tilespmem:$0x1D000] =	vst v63  }
0x44: {  	_ =	swait.ge [sflag:s25], $0x1000  }
0x45: {  	[sflag:s25] =	ssyncset.done $0x0  }
0x46: {  	[sflag:s25] =	ssyncadd.s32 $0xFFFFF000  }
0x47: {  	[spmem:s17] =	stream.linear.scatter [tilespmem:s24], [sflag:$0x9], $0x1000, $0x38;
	[tilespmem:$0x1D000] =	vst v63  }
0x48: {  	_ =	swait.ge [sflag:s25], $0x1000  }
0x49: {  	[sflag:s25] =	ssyncset.done $0x0  }
0x4a: {  	[sflag:s25] =	ssyncadd.s32 $0xFFFFF000  }
0x4b: {  	[spmem:s18] =	stream.linear.scatter [tilespmem:s24], [sflag:$0x9], $0x1000, $0x38;
	[tilespmem:$0x1D000] =	vst v63  }
0x4c: {  	_ =	swait.ge [sflag:s25], $0x1000  }
0x4d: {  	[sflag:s25] =	ssyncset.done $0x0  }
0x4e: {  	[sflag:s25] =	ssyncadd.s32 $0xFFFFF000  }
0x4f: {  	[spmem:s19] =	stream.linear.scatter [tilespmem:s24], [sflag:$0x9], $0x1000, $0x38;
	[tilespmem:$0x1D000] =	vst v63  }
0x50: {  	_ =	swait.ge [sflag:s25], $0x1000  }
0x51: {  	[sflag:s25] =	ssyncset.done $0x0  }
0x52: {  	[sflag:s25] =	ssyncadd.s32 $0xFFFFF000  }
0x53: {  	_ =	swait.ge [sflag:s26], $0x2800  }
0x54: {  	[sflag:s26] =	ssyncset.done $0x0  }
0x55: {  	[sflag:s26] =	ssyncadd.s32 $0xFFFFD800  }
0x56: {  	_ =	swait.ge [sflag:s28], $0x2800  }
0x57: {  	[sflag:s28] =	ssyncset.done $0x0  }
0x58: {  	[sflag:s28] =	ssyncadd.s32 $0xFFFFD800  }
0x59: {  	_ =	swait.ge [sflag:s29], $0x1400  }
0x5a: {  	[sflag:s29] =	ssyncset.done $0x0  }
0x5b: {  	[sflag:s29] =	ssyncadd.s32 $0xFFFFEC00  }
0x5c: {  	s15 =	simm.s32 $0x0;
	[bflag:$0x0] =	sbarrier.arrive $0xFFFF  }
0x5d: {  	[tilespmem:s24], [sflag:$0x1] =	stream.indirect.gather [spmem:s2], $0x40, s15, s30, $0xb8;
	[tilespmem:$0x1D000] =	vst v63  }
0x5e: {  	_ = 	snop  }
0x5f: {  	[tilespmem:s31], [sflag:$0x2] =	stream.indirect.gather [spmem:s2], $0x40, s30, s30, $0xb8;
	[tilespmem:$0x1D000] =	vst v63  }
0x60: {  	s13 =	simm.s32 $0x80  }
0x61: {  	[tilespmem:s0], [sflag:$0x3] =	stream.indirect.gather [spmem:s2], $0x40, s13, s30, $0xb8;
	[tilespmem:$0x1D000] =	vst v63  }
0x62: {  	s14 =	simm.s32 $0xC0  }
0x63: {  	[tilespmem:s1], [sflag:$0x4] =	stream.indirect.gather [spmem:s2], $0x40, s14, s30, $0xb8;
	[tilespmem:$0x1D000] =	vst v63  }
0x64: {  	_ =	swait.ge [sflag:s26], $0x1000  }
0x65: {  	[sflag:s26] =	ssyncset.done $0x0  }
0x66: {  	s15 =	simm.s32 $0x2800;
	[sflag:s26] =	ssyncadd.s32 $0xFFFFF000  }
0x67: {  	[spmem:s3] =	stream.indirect.scatter.add.f32 [tilespmem:s24], [sflag:$0x5], $0x40, s15, s30, $0xb8;
	[tilespmem:$0x1D000] =	vst v63  }
0x68: {  	_ =	swait.ge [sflag:s28], $0x1000  }
0x69: {  	[sflag:s28] =	ssyncset.done $0x0  }
0x6a: {  	s13 =	simm.s32 $0x2840;
	[sflag:s28] =	ssyncadd.s32 $0xFFFFF000  }
0x6b: {  	[spmem:s3] =	stream.indirect.scatter.add.f32 [tilespmem:s31], [sflag:$0x6], $0x40, s13, s30, $0xb8;
	[tilespmem:$0x1D000] =	vst v63  }
0x6c: {  	_ =	swait.ge [sflag:s22], $0x1000  }
0x6d: {  	[sflag:s22] =	ssyncset.done $0x0  }
0x6e: {  	s14 =	simm.s32 $0x100;
	[sflag:s22] =	ssyncadd.s32 $0xFFFFF000  }
0x6f: {  	[tilespmem:s24], [sflag:$0x1] =	stream.indirect.gather [spmem:s2], $0x40, s14, s30, $0xb8;
	[tilespmem:$0x1D000] =	vst v63  }
0x70: {  	_ =	swait.ge [sflag:s5], $0x1000  }
0x71: {  	[sflag:s5] =	ssyncset.done $0x0  }
0x72: {  	s15 =	simm.s32 $0x140;
	[sflag:s5] =	ssyncadd.s32 $0xFFFFF000  }
0x73: {  	[tilespmem:s31], [sflag:$0x2] =	stream.indirect.gather [spmem:s2], $0x40, s15, s30, $0xb8;
	[tilespmem:$0x1D000] =	vst v63  }
0x74: {  	_ =	swait.ge [sflag:s29], $0x1000  }
0x75: {  	[sflag:s29] =	ssyncset.done $0x0  }
0x76: {  	s13 =	simm.s32 $0x2880;
	[sflag:s29] =	ssyncadd.s32 $0xFFFFF000  }
0x77: {  	[spmem:s3] =	stream.indirect.scatter.add.f32 [tilespmem:s0], [sflag:$0x7], $0x40, s13, s30, $0xb8;
	[tilespmem:$0x1D000] =	vst v63  }
0x78: {  	_ =	swait.ge [sflag:s6], $0x1000  }
0x79: {  	[sflag:s6] =	ssyncset.done $0x0  }
0x7a: {  	s14 =	simm.s32 $0x28C0;
	[sflag:s6] =	ssyncadd.s32 $0xFFFFF000  }
0x7b: {  	[spmem:s3] =	stream.indirect.scatter.add.f32 [tilespmem:s1], [sflag:$0x8], $0x40, s14, s30, $0xb8;
	[tilespmem:$0x1D000] =	vst v63  }
0x7c: {  	_ =	swait.ge [sflag:s7], $0x1000  }
0x7d: {  	[sflag:s7] =	ssyncset.done $0x0  }
0x7e: {  	s15 =	simm.s32 $0x180;
	[sflag:s7] =	ssyncadd.s32 $0xFFFFF000  }
0x7f: {  	[tilespmem:s0], [sflag:$0x3] =	stream.indirect.gather [spmem:s2], $0x40, s15, s30, $0xb8;
	[tilespmem:$0x1D000] =	vst v63  }
0x80: {  	_ =	swait.ge [sflag:s9], $0x1000  }
0x81: {  	[sflag:s9] =	ssyncset.done $0x0  }
0x82: {  	s12 =	simm.s32 $0x400;
	s13 =	simm.s32 $0x1C0;
	[sflag:s9] =	ssyncadd.s32 $0xFFFFF000  }
.LBB2_4:
0x83: {  	[tilespmem:s1], [sflag:$0x4] =	stream.indirect.gather [spmem:s2], $0x40, s13, s30, $0xb8;
	[tilespmem:$0x1D000] =	vst v63  }
0x84: {  	s13 =	smov.u32 s12  }
0x85: {  	p0 =	sne.s32 s12, $0x9800;
	s12 =	sadd.s32 $0x400, s12;
	_ =	swait.ge [sflag:s26], $0x1000  }
0x86: {  	s13 =	sshra.s32 s13, $0x2;
	[sflag:s26] =	ssyncset.done $0x0  }
0x87: {  	s14 =	sadd.s32 $0x2800, s13;
	[sflag:s26] =	ssyncadd.s32 $0xFFFFF000  }
0x88: {  	[spmem:s3] =	stream.indirect.scatter.add.f32 [tilespmem:s24], [sflag:$0x5], $0x40, s14, s30, $0xb8;
	[tilespmem:$0x1D000] =	vst v63  }
0x89: {  	_ =	swait.ge [sflag:s28], $0x1000  }
0x8a: {  	[sflag:s28] =	ssyncset.done $0x0  }
0x8b: {  	s14 =	sadd.s32 $0x2840, s13;
	[sflag:s28] =	ssyncadd.s32 $0xFFFFF000  }
0x8c: {  	[spmem:s3] =	stream.indirect.scatter.add.f32 [tilespmem:s31], [sflag:$0x6], $0x40, s14, s30, $0xb8;
	[tilespmem:$0x1D000] =	vst v63  }
0x8d: {  	_ =	swait.ge [sflag:s22], $0x1000  }
0x8e: {  	[sflag:s22] =	ssyncset.done $0x0  }
0x8f: {  	s14 =	sadd.s32 $0x100, s13;
	[sflag:s22] =	ssyncadd.s32 $0xFFFFF000  }
0x90: {  	[tilespmem:s24], [sflag:$0x1] =	stream.indirect.gather [spmem:s2], $0x40, s14, s30, $0xb8;
	[tilespmem:$0x1D000] =	vst v63  }
0x91: {  	_ =	swait.ge [sflag:s5], $0x1000  }
0x92: {  	[sflag:s5] =	ssyncset.done $0x0  }
0x93: {  	s14 =	sadd.s32 $0x140, s13;
	[sflag:s5] =	ssyncadd.s32 $0xFFFFF000  }
0x94: {  	[tilespmem:s31], [sflag:$0x2] =	stream.indirect.gather [spmem:s2], $0x40, s14, s30, $0xb8;
	[tilespmem:$0x1D000] =	vst v63  }
0x95: {  	_ =	swait.ge [sflag:s29], $0x1000  }
0x96: {  	[sflag:s29] =	ssyncset.done $0x0  }
0x97: {  	s14 =	sadd.s32 $0x2880, s13;
	[sflag:s29] =	ssyncadd.s32 $0xFFFFF000  }
0x98: {  	[spmem:s3] =	stream.indirect.scatter.add.f32 [tilespmem:s0], [sflag:$0x7], $0x40, s14, s30, $0xb8;
	[tilespmem:$0x1D000] =	vst v63  }
0x99: {  	_ =	swait.ge [sflag:s6], $0x1000  }
0x9a: {  	[sflag:s6] =	ssyncset.done $0x0  }
0x9b: {  	s14 =	sadd.s32 $0x28C0, s13;
	[sflag:s6] =	ssyncadd.s32 $0xFFFFF000  }
0x9c: {  	[spmem:s3] =	stream.indirect.scatter.add.f32 [tilespmem:s1], [sflag:$0x8], $0x40, s14, s30, $0xb8;
	[tilespmem:$0x1D000] =	vst v63  }
0x9d: {  	_ =	swait.ge [sflag:s7], $0x1000  }
0x9e: {  	[sflag:s7] =	ssyncset.done $0x0  }
.Ltmp1:
0x9f: {  	s14 =	sadd.s32 $0x180, s13;
	[sflag:s7] =	ssyncadd.s32 $0xFFFFF000;
	(pc) =	sbr.rel @p0 .LBB2_4-.Ltmp1, $4  }
0xa0: {  	[tilespmem:s0], [sflag:$0x3] =	stream.indirect.gather [spmem:s2], $0x40, s14, s30, $0xb8;
	[tilespmem:$0x1D000] =	vst v63  }
0xa1: {  	_ =	swait.ge [sflag:s9], $0x1000  }
0xa2: {  	[sflag:s9] =	ssyncset.done $0x0  }
0xa3: {  	s13 =	sadd.s32 $0x1C0, s13;
	[sflag:s9] =	ssyncadd.s32 $0xFFFFF000  }
0xa4: {  	[tilespmem:s1], [sflag:$0x4] =	stream.indirect.gather [spmem:s2], $0x40, s13, s30, $0xb8;
	[tilespmem:$0x1D000] =	vst v63  }
0xa5: {  	_ =	swait.ge [sflag:s26], $0x1000  }
0xa6: {  	[sflag:s26] =	ssyncset.done $0x0  }
0xa7: {  	s12 =	simm.s32 $0x4F00;
	[sflag:s26] =	ssyncadd.s32 $0xFFFFF000  }
0xa8: {  	[spmem:s3] =	stream.indirect.scatter.add.f32 [tilespmem:s24], [sflag:$0x5], $0x40, s12, s30, $0xb8;
	[tilespmem:$0x1D000] =	vst v63  }
0xa9: {  	_ =	swait.ge [sflag:s28], $0x1000  }
0xaa: {  	[sflag:s28] =	ssyncset.done $0x0  }
0xab: {  	s14 =	simm.s32 $0x4F40;
	[sflag:s28] =	ssyncadd.s32 $0xFFFFF000  }
0xac: {  	[spmem:s3] =	stream.indirect.scatter.add.f32 [tilespmem:s31], [sflag:$0x6], $0x40, s14, s30, $0xb8;
	[tilespmem:$0x1D000] =	vst v63  }
0xad: {  	_ =	swait.ge [sflag:s29], $0x1000  }
0xae: {  	[sflag:s29] =	ssyncset.done $0x0  }
0xaf: {  	s15 =	simm.s32 $0x4F80;
	[sflag:s29] =	ssyncadd.s32 $0xFFFFF000  }
0xb0: {  	[spmem:s3] =	stream.indirect.scatter.add.f32 [tilespmem:s0], [sflag:$0x7], $0x40, s15, s30, $0xb8;
	[tilespmem:$0x1D000] =	vst v63  }
0xb1: {  	_ =	swait.ge [sflag:s6], $0x1000  }
0xb2: {  	[sflag:s6] =	ssyncset.done $0x0  }
0xb3: {  	s13 =	simm.s32 $0x4FC0;
	[sflag:s6] =	ssyncadd.s32 $0xFFFFF000  }
0xb4: {  	[spmem:s3] =	stream.indirect.scatter.add.f32 [tilespmem:s1], [sflag:$0x8], $0x40, s13, s30, $0xb8;
	[tilespmem:$0x1D000] =	vst v63  }
0xb5: {  	_ =	swait.ge [sflag:s22], $0x1000  }
0xb6: {  	[sflag:s22] =	ssyncset.done $0x0  }
0xb7: {  	[sflag:s22] =	ssyncadd.s32 $0xFFFFF000  }
0xb8: {  	_ =	swait.ge [sflag:s5], $0x1000  }
0xb9: {  	[sflag:s5] =	ssyncset.done $0x0  }
0xba: {  	[sflag:s5] =	ssyncadd.s32 $0xFFFFF000  }
0xbb: {  	_ =	swait.ge [sflag:s7], $0x1000  }
0xbc: {  	[sflag:s7] =	ssyncset.done $0x0  }
0xbd: {  	[sflag:s7] =	ssyncadd.s32 $0xFFFFF000  }
0xbe: {  	_ =	swait.ge [sflag:s9], $0x1000  }
0xbf: {  	s11 =	sadd.s32 $0x1, s11;
	[sflag:s9] =	ssyncset.done $0x0  }
0xc0: {  	p0 =	sne.s32 s11, s21;
	s14 =	sor.u32 $0x1C09, s8;
	[sflag:s9] =	ssyncadd.s32 $0xFFFFF000  }
.Ltmp2:
0xc1: {  	s15 =	sshrl.u32 s10, $0x3;
	[bflag:$0x0] =	sbarrier.arrive $0xFFFF;
	(pc) =	sbr.rel @p0 .LBB2_1-.Ltmp2, $4  }
0xc2: {  	[hbm:s20], [sflag:s14] =	dma.local [spmem:s15], $0x1400  }
0xc3: {  	_ =	swait.ge [sflag:s25], $0x1400  }
0xc4: {  	[sflag:s25] =	ssyncset.done $0x0  }
0xc5: {  	[sflag:s25] =	ssyncadd.s32 $0xFFFFEC00  }
0xc6: {  	_ =	sfence.sel $0x180000  }
0xc7: {  	[bflag:$0x0] =	sbarrier.arrive $0xFFFF  }
0xc8: {  	_ =	strace $0x9000004D  }
0xc9: {  	s0 =	stileid.u32;
	[bflag:$0x2] =	sbarrier.arrive $0xFFFF  }
0xca: {  	p0 =	sne.s32 s0, $0x0;
	s0 =	rddreg [dreg:$0x3]  }
0xcb: {  	s0 =	sadd.s32 @!p0 $0x100000, s0  }
0xcc: {  	[sflag:s0] =	ssyncadd.tile.s32 @!p0 $0x1;
	_ =	shalt  }
.Lfunc_end2:
_tile_overlayer_lowered:
.L_overlay_start_2:
0xcd: {  	(tag) =	ssettag $0x2  }
0xce: {  	s0 =	rddreg [dreg:$0x0];
	s2 =	stileid.u32  }
0xcf: {  	s1 =	rddreg [dreg:$0x1];
	p0 =	sne.s32 s2, $0x0  }
0xd0: {  	s3 =	rddreg [dreg:$0x2];
	[bflag:$0x3] =	sbarrier.arrive $0xFFFF;
	s2 =	simm.s32 @!p0 $0x1C09  }
0xd1: {  	[timem:s3], [sflag:s2] =	dma.local @!p0 [hbm:s0], s1  }
0xd2: {  	s0 =	simm.s32 @!p0 $0x9  }
0xd3: {  	_ =	swait.ge @!p0 [sflag:s0], s1  }
0xd4: {  	s1 =	ssub.s32 @!p0 $0x0, s1;
	[sflag:s0] =	ssyncset.done @!p0 $0x0  }
0xd5: {  	[sflag:s0] =	ssyncadd.s32 @!p0 s1  }
0xd6: {  	[bflag:$0x3] =	sbarrier.arrive $0xFFFF  }
0xd7: {  	_ =	shalt  }

</sc_bundles>
